<compile_context>
chip_gen: v7x
topology: tpu7x:2x2x1
jax: 0.10.2.dev20260603
libtpu: 0.0.44.dev20260713+nightly
codegen_flags: <defaults>
</compile_context>

<pallas_src>
import functools

import jax
import jax.numpy as jnp
from jax import lax
from jax.experimental import pallas as pl
from jax.experimental.pallas import tpu as pltpu
from jax.experimental.pallas import tpu_sc as plsc

NC = 2
NS = 16
NW = NC * NS
L = 16


def _slot_kernel_factory(vocab, num_trainable):
    s_sz = ((vocab + NW - 1) // NW + L - 1) // L * L
    lookup_sz = NW * s_sz
    idx_chunk = 4096
    n_idx_chunks = num_trainable // idx_chunk

    mesh = plsc.VectorSubcoreMesh(
        core_axis_name="c", subcore_axis_name="s", num_cores=NC,
        num_subcores=NS)

    @functools.partial(
        pl.kernel,
        mesh=mesh,
        out_type=jax.ShapeDtypeStruct((lookup_sz,), jnp.int32),
        compiler_params=pltpu.CompilerParams(
            needs_layout_passes=False, use_tc_tiling_on_sc=False),
        scratch_types=[
            pltpu.VMEM((s_sz,), jnp.int32),
            pltpu.VMEM((idx_chunk,), jnp.int32),
        ],
    )
    def build(idx_hbm, lookup_hbm, slice_v, idx_v):
        wid = lax.axis_index("c") * NS + lax.axis_index("s")
        base = wid * s_sz
        minus1 = jnp.full((L,), -1, jnp.int32)

        def memset_body(i, _):
            slice_v[pl.ds(i * L, L)] = minus1
            return ()
        lax.fori_loop(0, s_sz // L, memset_body, (), unroll=4)

        lane = lax.iota(jnp.int32, L)

        def scan_vreg(k, c_base):
            v = idx_v[pl.ds(k * L, L)]
            j_vec = c_base + k * L + lane
            local = v - base
            m = (local >= 0) & (local < s_sz)
            plsc.store_scatter(slice_v, [local], j_vec, mask=m)
            got = plsc.load_gather(slice_v, [local], mask=m)
            need = m & (got < j_vec)

            def cond(need):
                return plsc.all_reduce_population_count(need)[0] > 0

            def body(need):
                plsc.store_scatter(slice_v, [local], j_vec, mask=need)
                got = plsc.load_gather(slice_v, [local], mask=need)
                return need & (got < j_vec)

            lax.while_loop(cond, body, need)
            return c_base

        for c in range(n_idx_chunks):
            pltpu.sync_copy(idx_hbm.at[pl.ds(c * idx_chunk, idx_chunk)],
                            idx_v)
            lax.fori_loop(0, idx_chunk // L, scan_vreg, c * idx_chunk)

        pltpu.sync_copy(slice_v, lookup_hbm.at[pl.ds(base, s_sz)])

    return build


def _gather_kernel_factory(n_elems, vocab, embed_dim):
    C = 256
    H = 128
    per_tile = n_elems // NW
    n_chunks = per_tile // C

    mesh = plsc.VectorSubcoreMesh(
        core_axis_name="c", subcore_axis_name="s", num_cores=NC,
        num_subcores=NS)

    @functools.partial(
        pl.kernel,
        mesh=mesh,
        out_type=jax.ShapeDtypeStruct((n_elems, embed_dim), jnp.float32),
        compiler_params=pltpu.CompilerParams(
            needs_layout_passes=False, use_tc_tiling_on_sc=False),
        scratch_types=[
            pltpu.VMEM((2, C), jnp.int32),
            pltpu.VMEM((2, C), jnp.int32),
            pltpu.VMEM((2, C, 64), jnp.float32),
            pltpu.VMEM((H, 64), jnp.float32),
            pltpu.VMEM((per_tile + C,), jnp.int32),
            pltpu.VMEM((per_tile + C,), jnp.int32),
            pltpu.VMEM((H,), jnp.int32),
            pltpu.VMEM((H,), jnp.int32),
            pltpu.SemaphoreType.DMA,
            pltpu.SemaphoreType.DMA,
            pltpu.SemaphoreType.DMA,
            pltpu.SemaphoreType.DMA,
            pltpu.SemaphoreType.DMA,
            pltpu.SemaphoreType.DMA,
            pltpu.SemaphoreType.DMA,
        ],
    )
    def gather(inp_hbm, weight_hbm, lookup_hbm, train_hbm, out_hbm,
               v_v, s_v, buf, buft, slist, elist, s128, e128,
               sem_r0, sem_r1, sem_s0, sem_s1, sem_w0, sem_w1, sem_t):
        wid = lax.axis_index("c") * NS + lax.axis_index("s")
        base_e = wid * per_tile
        lane = lax.iota(jnp.int32, L)
        sems_r = (sem_r0, sem_r1)
        sems_s = (sem_s0, sem_s1)
        sems_w = (sem_w0, sem_w1)

        def issue(t, b):
            eb = base_e + t * C
            pltpu.sync_copy(inp_hbm.at[pl.ds(eb, C)], v_v.at[b])
            for h in range(C // H):
                hv = v_v.at[b, pl.ds(h * H, H)]
                pltpu.async_copy(weight_hbm.at[hv],
                                 buf.at[b, pl.ds(h * H, H)], sems_r[b])
                pltpu.async_copy(lookup_hbm.at[hv],
                                 s_v.at[b, pl.ds(h * H, H)], sems_s[b])

        issue(0, 0)

        def process(t, b, off):
            for h in range(C // H):
                pltpu.make_async_copy(
                    lookup_hbm.at[v_v.at[b, pl.ds(h * H, H)]],
                    s_v.at[b, pl.ds(h * H, H)], sems_s[b]).wait()

            for k in range(C // L):
                s16 = s_v[b, pl.ds(k * L, L)]
                m = s16 >= 0
                plsc.store_compressed(slist.at[pl.ds(off, L)], s16, mask=m)
                plsc.store_compressed(
                    elist.at[pl.ds(off, L)],
                    base_e + t * C + k * L + lane, mask=m)
                off = off + plsc.all_reduce_population_count(m)[0]

            nb = 1 - b
            @pl.when(t + 1 < n_chunks)
            def _():
                @pl.when(t >= 1)
                def _():
                    pltpu.make_async_copy(
                        buf.at[nb],
                        out_hbm.at[pl.ds(base_e + (t - 1) * C, C)],
                        sems_w[nb]).wait()
                issue(t + 1, nb)

            for h in range(C // H):
                pltpu.make_async_copy(
                    weight_hbm.at[v_v.at[b, pl.ds(h * H, H)]],
                    buf.at[b, pl.ds(h * H, H)], sems_r[b]).wait()
            pltpu.async_copy(buf.at[b], out_hbm.at[pl.ds(base_e + t * C, C)],
                             sems_w[b])
            return off

        def pair_body(p, off):
            for b in range(2):
                off = process(p * 2 + b, b, off)
            return off

        total = lax.fori_loop(0, n_chunks // 2, pair_body, jnp.int32(0))

        last = n_chunks - 1
        pltpu.make_async_copy(buf.at[last % 2],
                              out_hbm.at[pl.ds(base_e + last * C, C)],
                              sems_w[last % 2]).wait()
        pltpu.make_async_copy(buf.at[(last - 1) % 2],
                              out_hbm.at[pl.ds(base_e + (last - 1) * C, C)],
                              sems_w[(last - 1) % 2]).wait()

        @pl.when(total > 0)
        def _():
            s0 = jnp.broadcast_to(slist[pl.ds(0, L)][0], (L,))
            e0 = jnp.broadcast_to(elist[pl.ds(0, L)][0], (L,))
            for k in range(H // L):
                slist[pl.ds(total + k * L, L)] = s0
                elist[pl.ds(total + k * L, L)] = e0

            def fix_batch(q, _):
                for k in range(H // L):
                    s128[pl.ds(k * L, L)] = slist[pl.ds(q * H + k * L, L)]
                    e128[pl.ds(k * L, L)] = elist[pl.ds(q * H + k * L, L)]
                pltpu.async_copy(train_hbm.at[s128], buft, sem_t).wait()
                pltpu.async_copy(buft, out_hbm.at[e128], sem_t).wait()
                return ()
            lax.fori_loop(0, (total + H - 1) // H, fix_batch, ())

    return gather


def kernel(inp, weight, trainable_weight_idx, trainable_weight):
    vocab, embed_dim = weight.shape
    num_trainable = trainable_weight_idx.shape[0]
    batch, hist = inp.shape
    n_elems = batch * hist

    build = _slot_kernel_factory(vocab, num_trainable)
    gather = _gather_kernel_factory(n_elems, vocab, embed_dim)

    lookup = build(trainable_weight_idx.astype(jnp.int32))
    inp_flat = inp.astype(jnp.int32).reshape(n_elems)
    out = gather(inp_flat, weight, lookup, trainable_weight)
    return out.reshape(batch, hist, embed_dim)

# --- scband reference (transcript-rebuilt; emitter-appended) ---
"""Pipeline reference for scband-partially-train-embedding-68796786147810 (READ-ONLY COPY).

The authoritative reference and input builder live on the scoring server;
editing this copy changes nothing except your own understanding.
"""

import jax, jax.numpy as jnp
import numpy as np

VOCAB = 1000000
EMBED_DIM = 64
NUM_TRAINABLE = 65536
BATCH = 16384
HIST_LEN = 50


def setup_inputs(seed: int = 0) -> dict:
    key = jax.random.key(seed)
    k_inp, k_w, k_idx, k_tw = jax.random.split(key, 4)
    inp = jax.random.randint(k_inp, (BATCH, HIST_LEN), 0, VOCAB, dtype=jnp.int64 if jax.config.read('jax_enable_x64') else jnp.int32)
    weight = jax.random.normal(k_w, (VOCAB, EMBED_DIM), dtype=jnp.float32)
    trainable_weight_idx = jax.random.randint(k_idx, (NUM_TRAINABLE,), 0, VOCAB, dtype=jnp.int32)
    # kaiming_uniform_ on (NUM_TRAINABLE, EMBED_DIM): bound = sqrt(6 / fan_in), fan_in = EMBED_DIM
    bound = float(np.sqrt(6.0 / EMBED_DIM))
    trainable_weight = jax.random.uniform(k_tw, (NUM_TRAINABLE, EMBED_DIM), dtype=jnp.float32, minval=-bound, maxval=bound)
    return {
        'inp': inp,
        'weight': weight,
        'trainable_weight_idx': trainable_weight_idx,
        'trainable_weight': trainable_weight,
    }


def reference(inp, weight, trainable_weight_idx, trainable_weight):
    # forward: overwrite the trainable rows into the frozen table, then gather
    w = weight.at[trainable_weight_idx].set(trainable_weight)
    out = jnp.take(w, inp, axis=0)
    return out

if __name__ == "__main__":
    import jax
    _d = setup_inputs()
    print(jax.jit(kernel)(*tuple(_d.values())))

</pallas_src>

<mosaic_0001>
#map = affine_map<(d0, d1) -> (0)>
#map1 = affine_map<(d0, d1) -> (0, 0)>
module attributes {stable_mosaic.version = 14 : i64} {
  func.func @gather(%arg0: i32, %arg1: i32, %arg2: memref<819200xi32, #tpu.memory_space<hbm>>, %arg3: memref<1000000x64xf32, #tpu.memory_space<hbm>>, %arg4: memref<1000448xi32, #tpu.memory_space<hbm>>, %arg5: memref<65536x64xf32, #tpu.memory_space<hbm>>, %arg6: memref<819200x64xf32, #tpu.memory_space<hbm>>, %arg7: memref<2x256xi32, #tpu.memory_space<vmem>>, %arg8: memref<2x256xi32, #tpu.memory_space<vmem>>, %arg9: memref<2x256x64xf32, #tpu.memory_space<vmem>>, %arg10: memref<128x64xf32, #tpu.memory_space<vmem>>, %arg11: memref<25856xi32, #tpu.memory_space<vmem>>, %arg12: memref<25856xi32, #tpu.memory_space<vmem>>, %arg13: memref<128xi32, #tpu.memory_space<vmem>>, %arg14: memref<128xi32, #tpu.memory_space<vmem>>, %arg15: memref<!tpu.dma_semaphore, #tpu.memory_space<semaphore_mem>>, %arg16: memref<!tpu.dma_semaphore, #tpu.memory_space<semaphore_mem>>, %arg17: memref<!tpu.dma_semaphore, #tpu.memory_space<semaphore_mem>>, %arg18: memref<!tpu.dma_semaphore, #tpu.memory_space<semaphore_mem>>, %arg19: memref<!tpu.dma_semaphore, #tpu.memory_space<semaphore_mem>>, %arg20: memref<!tpu.dma_semaphore, #tpu.memory_space<semaphore_mem>>, %arg21: memref<!tpu.dma_semaphore, #tpu.memory_space<semaphore_mem>>) attributes {dimension_semantics = [#tpu.dimension_semantics<core_parallel>, #tpu.dimension_semantics<subcore_parallel>], iteration_bounds = array<i64: 2, 16>, scalar_prefetch = 0 : i64, scratch_operands = 15 : i64, tpu.core_type = #tpu.core_type<sc_vector_subcore>, window_params = [{transform_indices = #map}, {transform_indices = #map1}, {transform_indices = #map}, {transform_indices = #map1}, {transform_indices = #map1}]} {
    %mul3A = arith.constant 16 : i32
    %mul3A_0 = arith.muli %arg0, %mul3A : i32
    %add3A = arith.addi %mul3A_0, %arg1 : i32
    %mul3A_1 = arith.constant 25600 : i32
    %mul3A_2 = arith.muli %add3A, %mul3A_1 : i32
    %iota3A = tpu.iota {dimensions = array<i32: 0>} : vector<16xi32>
    %add3A_3 = arith.constant 0 : i32
    %add3A_4 = arith.addi %mul3A_2, %add3A_3 : i32
    %run_scoped3A = arith.constant 0 : i32
    "tpu.region"() ({
      %run_scoped3A_85 = tpu.sem_alloc : memref<!tpu.dma_semaphore, #tpu.memory_space<semaphore_mem>>
      %dma_start3A_86 = arith.constant 0 : i32
      %dma_start3A_87 = tpu.memref_slice %arg7[%run_scoped3A, %dma_start3A_86] : memref<2x256xi32, #tpu.memory_space<vmem>> -> memref<1x256xi32, #tpu.memory_space<vmem>>
      %dma_start3A_88 = tpu.memref_squeeze %dma_start3A_87 : memref<1x256xi32, #tpu.memory_space<vmem>> -> memref<256xi32, #tpu.memory_space<vmem>>
      %dma_start3A_89 = tpu.memref_slice %arg2[%add3A_4] : memref<819200xi32, #tpu.memory_space<hbm>> -> memref<256xi32, #tpu.memory_space<hbm>>
      %dma_start3A_90 = arith.constant 0 : i32
      %dma_start3A_91 = tpu.memref_slice %arg7[%run_scoped3A, %dma_start3A_90] : memref<2x256xi32, #tpu.memory_space<vmem>> -> memref<1x256xi32, #tpu.memory_space<vmem>>
      %dma_start3A_92 = tpu.memref_squeeze %dma_start3A_91 : memref<1x256xi32, #tpu.memory_space<vmem>> -> memref<256xi32, #tpu.memory_space<vmem>>
      %dma_start3A_93 = tpu.memref_slice %arg2[%add3A_4] : memref<819200xi32, #tpu.memory_space<hbm>> -> memref<256xi32, #tpu.memory_space<hbm>>
      tpu.enqueue_dma source(%dma_start3A_93 : memref<256xi32, #tpu.memory_space<hbm>>) target(%dma_start3A_92 : memref<256xi32, #tpu.memory_space<vmem>>) target_semaphore(%run_scoped3A_85 : memref<!tpu.dma_semaphore, #tpu.memory_space<semaphore_mem>>)
      %dma_wait3A_94 = arith.constant 0 : i32
      %dma_wait3A_95 = tpu.memref_slice %arg7[%run_scoped3A, %dma_wait3A_94] : memref<2x256xi32, #tpu.memory_space<vmem>> -> memref<1x256xi32, #tpu.memory_space<vmem>>
      %dma_wait3A_96 = tpu.memref_squeeze %dma_wait3A_95 : memref<1x256xi32, #tpu.memory_space<vmem>> -> memref<256xi32, #tpu.memory_space<vmem>>
      %dma_wait3A_97 = tpu.memref_slice %arg2[%add3A_4] : memref<819200xi32, #tpu.memory_space<hbm>> -> memref<256xi32, #tpu.memory_space<hbm>>
      %dma_wait3A_98 = arith.constant 0 : i32
      %dma_wait3A_99 = tpu.memref_slice %arg7[%run_scoped3A, %dma_wait3A_98] : memref<2x256xi32, #tpu.memory_space<vmem>> -> memref<1x256xi32, #tpu.memory_space<vmem>>
      %dma_wait3A_100 = tpu.memref_squeeze %dma_wait3A_99 : memref<1x256xi32, #tpu.memory_space<vmem>> -> memref<256xi32, #tpu.memory_space<vmem>>
      %dma_wait3A_101 = tpu.memref_slice %arg2[%add3A_4] : memref<819200xi32, #tpu.memory_space<hbm>> -> memref<256xi32, #tpu.memory_space<hbm>>
      tpu.wait_dma2 semaphore(%run_scoped3A_85 : memref<!tpu.dma_semaphore, #tpu.memory_space<semaphore_mem>>) src(%dma_wait3A_101 : memref<256xi32, #tpu.memory_space<hbm>>) dst(%dma_wait3A_100 : memref<256xi32, #tpu.memory_space<vmem>>)
      tpu.yield
    }) : () -> ()
    %dma_start3A = arith.constant 0 : i32
    %dma_start3A_5 = arith.constant 0 : i32
    %dma_start3A_6 = arith.constant 0 : i32
    %dma_start3A_7 = arith.constant 0 : i32
    %dma_start3A_8 = tpu.memref_slice %arg9[%dma_start3A_5, %dma_start3A_6, %dma_start3A_7] : memref<2x256x64xf32, #tpu.memory_space<vmem>> -> memref<1x128x64xf32, #tpu.memory_space<vmem>>
    %dma_start3A_9 = tpu.memref_squeeze %dma_start3A_8 : memref<1x128x64xf32, #tpu.memory_space<vmem>> -> memref<128x64xf32, #tpu.memory_space<vmem>>
    %dma_start3A_10 = arith.constant 0 : i32
    %dma_start3A_11 = tpu.memref_slice %arg7[%dma_start3A, %dma_start3A_10] : memref<2x256xi32, #tpu.memory_space<vmem>> -> memref<1x128xi32, #tpu.memory_space<vmem>>
    %dma_start3A_12 = tpu.memref_squeeze %dma_start3A_11 : memref<1x128xi32, #tpu.memory_space<vmem>> -> memref<128xi32, #tpu.memory_space<vmem>>
    %dma_start3A_13 = arith.constant 0 : i32
    %dma_start3A_14 = arith.constant 0 : i32
    %dma_start3A_15 = tpu.memref_slice %arg3[%dma_start3A_13, %dma_start3A_14] : memref<1000000x64xf32, #tpu.memory_space<hbm>> -> memref<1000000x64xf32, #tpu.memory_space<hbm>>
    tpu.enqueue_indirect_dma source(%dma_start3A_15 : memref<1000000x64xf32, #tpu.memory_space<hbm>>) target(%dma_start3A_9 : memref<128x64xf32, #tpu.memory_space<vmem>>) offsets(%dma_start3A_12 : memref<128xi32, #tpu.memory_space<vmem>>) semaphore(%arg15 : memref<!tpu.dma_semaphore, #tpu.memory_space<semaphore_mem>>)
    %dma_start3A_16 = arith.constant 0 : i32
    %dma_start3A_17 = arith.constant 0 : i32
    %dma_start3A_18 = arith.constant 0 : i32
    %dma_start3A_19 = tpu.memref_slice %arg8[%dma_start3A_17, %dma_start3A_18] : memref<2x256xi32, #tpu.memory_space<vmem>> -> memref<1x128xi32, #tpu.memory_space<vmem>>
    %dma_start3A_20 = tpu.memref_squeeze %dma_start3A_19 : memref<1x128xi32, #tpu.memory_space<vmem>> -> memref<128xi32, #tpu.memory_space<vmem>>
    %dma_start3A_21 = arith.constant 0 : i32
    %dma_start3A_22 = tpu.memref_slice %arg7[%dma_start3A_16, %dma_start3A_21] : memref<2x256xi32, #tpu.memory_space<vmem>> -> memref<1x128xi32, #tpu.memory_space<vmem>>
    %dma_start3A_23 = tpu.memref_squeeze %dma_start3A_22 : memref<1x128xi32, #tpu.memory_space<vmem>> -> memref<128xi32, #tpu.memory_space<vmem>>
    %dma_start3A_24 = arith.constant 0 : i32
    %dma_start3A_25 = tpu.memref_slice %arg4[%dma_start3A_24] : memref<1000448xi32, #tpu.memory_space<hbm>> -> memref<1000448xi32, #tpu.memory_space<hbm>>
    tpu.enqueue_indirect_dma source(%dma_start3A_25 : memref<1000448xi32, #tpu.memory_space<hbm>>) target(%dma_start3A_20 : memref<128xi32, #tpu.memory_space<vmem>>) offsets(%dma_start3A_23 : memref<128xi32, #tpu.memory_space<vmem>>) semaphore(%arg17 : memref<!tpu.dma_semaphore, #tpu.memory_space<semaphore_mem>>)
    %dma_start3A_26 = arith.constant 0 : i32
    %dma_start3A_27 = arith.constant 0 : i32
    %dma_start3A_28 = arith.constant 128 : i32
    %dma_start3A_29 = arith.constant 0 : i32
    %dma_start3A_30 = tpu.memref_slice %arg9[%dma_start3A_27, %dma_start3A_28, %dma_start3A_29] : memref<2x256x64xf32, #tpu.memory_space<vmem>> -> memref<1x128x64xf32, #tpu.memory_space<vmem>>
    %dma_start3A_31 = tpu.memref_squeeze %dma_start3A_30 : memref<1x128x64xf32, #tpu.memory_space<vmem>> -> memref<128x64xf32, #tpu.memory_space<vmem>>
    %dma_start3A_32 = arith.constant 128 : i32
    %dma_start3A_33 = tpu.memref_slice %arg7[%dma_start3A_26, %dma_start3A_32] : memref<2x256xi32, #tpu.memory_space<vmem>> -> memref<1x128xi32, #tpu.memory_space<vmem>>
    %dma_start3A_34 = tpu.memref_squeeze %dma_start3A_33 : memref<1x128xi32, #tpu.memory_space<vmem>> -> memref<128xi32, #tpu.memory_space<vmem>>
    %dma_start3A_35 = arith.constant 0 : i32
    %dma_start3A_36 = arith.constant 0 : i32
    %dma_start3A_37 = tpu.memref_slice %arg3[%dma_start3A_35, %dma_start3A_36] : memref<1000000x64xf32, #tpu.memory_space<hbm>> -> memref<1000000x64xf32, #tpu.memory_space<hbm>>
    tpu.enqueue_indirect_dma source(%dma_start3A_37 : memref<1000000x64xf32, #tpu.memory_space<hbm>>) target(%dma_start3A_31 : memref<128x64xf32, #tpu.memory_space<vmem>>) offsets(%dma_start3A_34 : memref<128xi32, #tpu.memory_space<vmem>>) semaphore(%arg15 : memref<!tpu.dma_semaphore, #tpu.memory_space<semaphore_mem>>)
    %dma_start3A_38 = arith.constant 0 : i32
    %dma_start3A_39 = arith.constant 0 : i32
    %dma_start3A_40 = arith.constant 128 : i32
    %dma_start3A_41 = tpu.memref_slice %arg8[%dma_start3A_39, %dma_start3A_40] : memref<2x256xi32, #tpu.memory_space<vmem>> -> memref<1x128xi32, #tpu.memory_space<vmem>>
    %dma_start3A_42 = tpu.memref_squeeze %dma_start3A_41 : memref<1x128xi32, #tpu.memory_space<vmem>> -> memref<128xi32, #tpu.memory_space<vmem>>
    %dma_start3A_43 = arith.constant 128 : i32
    %dma_start3A_44 = tpu.memref_slice %arg7[%dma_start3A_38, %dma_start3A_43] : memref<2x256xi32, #tpu.memory_space<vmem>> -> memref<1x128xi32, #tpu.memory_space<vmem>>
    %dma_start3A_45 = tpu.memref_squeeze %dma_start3A_44 : memref<1x128xi32, #tpu.memory_space<vmem>> -> memref<128xi32, #tpu.memory_space<vmem>>
    %dma_start3A_46 = arith.constant 0 : i32
    %dma_start3A_47 = tpu.memref_slice %arg4[%dma_start3A_46] : memref<1000448xi32, #tpu.memory_space<hbm>> -> memref<1000448xi32, #tpu.memory_space<hbm>>
    tpu.enqueue_indirect_dma source(%dma_start3A_47 : memref<1000448xi32, #tpu.memory_space<hbm>>) target(%dma_start3A_42 : memref<128xi32, #tpu.memory_space<vmem>>) offsets(%dma_start3A_45 : memref<128xi32, #tpu.memory_space<vmem>>) semaphore(%arg17 : memref<!tpu.dma_semaphore, #tpu.memory_space<semaphore_mem>>)
    %scan3A = arith.constant 0 : i32
    %scan3A_48 = arith.constant 0 : i32
    %scan3A_49 = arith.constant 50 : i32
    %scan3A_50 = arith.addi %scan3A_48, %scan3A_49 : i32
    %scan3A_51 = arith.constant 1 : i32
    %scan3A_52 = scf.for %scan3A_85 = %scan3A_48 to %scan3A_50 step %scan3A_51 iter_args(%scan3A_86 = %scan3A) -> (i32)  : i32 {
      %mul3A_87 = arith.constant 2 : i32
      %mul3A_88 = arith.muli %scan3A_85, %mul3A_87 : i32
      %add3A_89 = arith.constant 0 : i32
      %add3A_90 = arith.addi %mul3A_88, %add3A_89 : i32
      %dma_wait3A_91 = arith.constant 0 : i32
      %dma_wait3A_92 = arith.constant 0 : i32
      %dma_wait3A_93 = arith.constant 0 : i32
      %dma_wait3A_94 = tpu.memref_slice %arg8[%dma_wait3A_92, %dma_wait3A_93] : memref<2x256xi32, #tpu.memory_space<vmem>> -> memref<1x128xi32, #tpu.memory_space<vmem>>
      %dma_wait3A_95 = tpu.memref_squeeze %dma_wait3A_94 : memref<1x128xi32, #tpu.memory_space<vmem>> -> memref<128xi32, #tpu.memory_space<vmem>>
      %dma_wait3A_96 = arith.constant 0 : i32
      %dma_wait3A_97 = tpu.memref_slice %arg7[%dma_wait3A_91, %dma_wait3A_96] : memref<2x256xi32, #tpu.memory_space<vmem>> -> memref<1x128xi32, #tpu.memory_space<vmem>>
      %dma_wait3A_98 = tpu.memref_squeeze %dma_wait3A_97 : memref<1x128xi32, #tpu.memory_space<vmem>> -> memref<128xi32, #tpu.memory_space<vmem>>
      %dma_wait3A_99 = arith.constant 0 : i32
      %dma_wait3A_100 = tpu.memref_slice %arg4[%dma_wait3A_99] : memref<1000448xi32, #tpu.memory_space<hbm>> -> memref<1000448xi32, #tpu.memory_space<hbm>>
      tpu.wait_indirect_dma semaphore(%arg17 : memref<!tpu.dma_semaphore, #tpu.memory_space<semaphore_mem>>) src(%dma_wait3A_100 : memref<1000448xi32, #tpu.memory_space<hbm>>) dst(%dma_wait3A_95 : memref<128xi32, #tpu.memory_space<vmem>>)
      %dma_wait3A_101 = arith.constant 0 : i32
      %dma_wait3A_102 = arith.constant 0 : i32
      %dma_wait3A_103 = arith.constant 128 : i32
      %dma_wait3A_104 = tpu.memref_slice %arg8[%dma_wait3A_102, %dma_wait3A_103] : memref<2x256xi32, #tpu.memory_space<vmem>> -> memref<1x128xi32, #tpu.memory_space<vmem>>
      %dma_wait3A_105 = tpu.memref_squeeze %dma_wait3A_104 : memref<1x128xi32, #tpu.memory_space<vmem>> -> memref<128xi32, #tpu.memory_space<vmem>>
      %dma_wait3A_106 = arith.constant 128 : i32
      %dma_wait3A_107 = tpu.memref_slice %arg7[%dma_wait3A_101, %dma_wait3A_106] : memref<2x256xi32, #tpu.memory_space<vmem>> -> memref<1x128xi32, #tpu.memory_space<vmem>>
      %dma_wait3A_108 = tpu.memref_squeeze %dma_wait3A_107 : memref<1x128xi32, #tpu.memory_space<vmem>> -> memref<128xi32, #tpu.memory_space<vmem>>
      %dma_wait3A_109 = arith.constant 0 : i32
      %dma_wait3A_110 = tpu.memref_slice %arg4[%dma_wait3A_109] : memref<1000448xi32, #tpu.memory_space<hbm>> -> memref<1000448xi32, #tpu.memory_space<hbm>>
      tpu.wait_indirect_dma semaphore(%arg17 : memref<!tpu.dma_semaphore, #tpu.memory_space<semaphore_mem>>) src(%dma_wait3A_110 : memref<1000448xi32, #tpu.memory_space<hbm>>) dst(%dma_wait3A_105 : memref<128xi32, #tpu.memory_space<vmem>>)
      %get3A = arith.constant 0 : i32
      %get3A_111 = arith.index_cast %get3A : i32 to index
      %get3A_112 = arith.constant 0 : index
      %get3A_113 = tpu.vector_load %arg8[%get3A_111, %get3A_112] {strides = array<i32>} : memref<2x256xi32, #tpu.memory_space<vmem>>, vector<16xi32>,
      %ge3A = arith.constant 0 : i32
      %ge3A_114 = vector.broadcast %ge3A : i32 to vector<16xi32>
      %ge3A_115 = arith.cmpi sge, %get3A_113, %ge3A_114 : vector<16xi32>
      %swap3A = arith.index_cast %scan3A_86 : i32 to index
      %swap3A_116 = tpu.vector_load %arg11[%swap3A] masked %ge3A_115 {strides = array<i32>} : memref<25856xi32, #tpu.memory_space<vmem>>, vector<16xi32>, vector<16xi1>
      tpu.vector_store %arg11[%swap3A], %get3A_113 masked %ge3A_115 {strides = array<i32>} : memref<25856xi32, #tpu.memory_space<vmem>>, vector<16xi32>, vector<16xi1>
      %mul3A_117 = arith.constant 256 : i32
      %mul3A_118 = arith.muli %add3A_90, %mul3A_117 : i32
      %add3A_119 = arith.addi %mul3A_2, %mul3A_118 : i32
      %add3A_120 = arith.constant 0 : i32
      %add3A_121 = arith.addi %add3A_119, %add3A_120 : i32
      %add3A_122 = vector.broadcast %add3A_121 : i32 to vector<16xi32>
      %add3A_123 = arith.addi %add3A_122, %iota3A : vector<16xi32>
      %swap3A_124 = arith.index_cast %scan3A_86 : i32 to index
      %swap3A_125 = tpu.vector_load %arg12[%swap3A_124] masked %ge3A_115 {strides = array<i32>} : memref<25856xi32, #tpu.memory_space<vmem>>, vector<16xi32>, vector<16xi1>
      tpu.vector_store %arg12[%swap3A_124], %add3A_123 masked %ge3A_115 {strides = array<i32>} : memref<25856xi32, #tpu.memory_space<vmem>>, vector<16xi32>, vector<16xi1>
      %all_reduce_population_count3A = tpu.all_reduce %ge3A_115 {dim = 0 : i64, kind = #tpu.reduction_kind<sum>} : vector<16xi1> -> vector<16xi32>
      %slice3A = vector.extract_strided_slice %all_reduce_population_count3A {offsets = [0], sizes = [1], strides = [1]} : vector<16xi32> to vector<1xi32>
      %squeeze3A = vector.extract %slice3A[0] : i32 from vector<1xi32>
      %add3A_126 = arith.addi %scan3A_86, %squeeze3A : i32
      %get3A_127 = arith.constant 0 : i32
      %get3A_128 = arith.index_cast %get3A_127 : i32 to index
      %get3A_129 = arith.constant 16 : index
      %get3A_130 = tpu.vector_load %arg8[%get3A_128, %get3A_129] {strides = array<i32>} : memref<2x256xi32, #tpu.memory_space<vmem>>, vector<16xi32>,
      %ge3A_131 = arith.constant 0 : i32
      %ge3A_132 = vector.broadcast %ge3A_131 : i32 to vector<16xi32>
      %ge3A_133 = arith.cmpi sge, %get3A_130, %ge3A_132 : vector<16xi32>
      %swap3A_134 = arith.index_cast %add3A_126 : i32 to index
      %swap3A_135 = tpu.vector_load %arg11[%swap3A_134] masked %ge3A_133 {strides = array<i32>} : memref<25856xi32, #tpu.memory_space<vmem>>, vector<16xi32>, vector<16xi1>
      tpu.vector_store %arg11[%swap3A_134], %get3A_130 masked %ge3A_133 {strides = array<i32>} : memref<25856xi32, #tpu.memory_space<vmem>>, vector<16xi32>, vector<16xi1>
      %mul3A_136 = arith.constant 256 : i32
      %mul3A_137 = arith.muli %add3A_90, %mul3A_136 : i32
      %add3A_138 = arith.addi %mul3A_2, %mul3A_137 : i32
      %add3A_139 = arith.constant 16 : i32
      %add3A_140 = arith.addi %add3A_138, %add3A_139 : i32
      %add3A_141 = vector.broadcast %add3A_140 : i32 to vector<16xi32>
      %add3A_142 = arith.addi %add3A_141, %iota3A : vector<16xi32>
      %swap3A_143 = arith.index_cast %add3A_126 : i32 to index
      %swap3A_144 = tpu.vector_load %arg12[%swap3A_143] masked %ge3A_133 {strides = array<i32>} : memref<25856xi32, #tpu.memory_space<vmem>>, vector<16xi32>, vector<16xi1>
      tpu.vector_store %arg12[%swap3A_143], %add3A_142 masked %ge3A_133 {strides = array<i32>} : memref<25856xi32, #tpu.memory_space<vmem>>, vector<16xi32>, vector<16xi1>
      %all_reduce_population_count3A_145 = tpu.all_reduce %ge3A_133 {dim = 0 : i64, kind = #tpu.reduction_kind<sum>} : vector<16xi1> -> vector<16xi32>
      %slice3A_146 = vector.extract_strided_slice %all_reduce_population_count3A_145 {offsets = [0], sizes = [1], strides = [1]} : vector<16xi32> to vector<1xi32>
      %squeeze3A_147 = vector.extract %slice3A_146[0] : i32 from vector<1xi32>
      %add3A_148 = arith.addi %add3A_126, %squeeze3A_147 : i32
      %get3A_149 = arith.constant 0 : i32
      %get3A_150 = arith.index_cast %get3A_149 : i32 to index
      %get3A_151 = arith.constant 32 : index
      %get3A_152 = tpu.vector_load %arg8[%get3A_150, %get3A_151] {strides = array<i32>} : memref<2x256xi32, #tpu.memory_space<vmem>>, vector<16xi32>,
      %ge3A_153 = arith.constant 0 : i32
      %ge3A_154 = vector.broadcast %ge3A_153 : i32 to vector<16xi32>
      %ge3A_155 = arith.cmpi sge, %get3A_152, %ge3A_154 : vector<16xi32>
      %swap3A_156 = arith.index_cast %add3A_148 : i32 to index
      %swap3A_157 = tpu.vector_load %arg11[%swap3A_156] masked %ge3A_155 {strides = array<i32>} : memref<25856xi32, #tpu.memory_space<vmem>>, vector<16xi32>, vector<16xi1>
      tpu.vector_store %arg11[%swap3A_156], %get3A_152 masked %ge3A_155 {strides = array<i32>} : memref<25856xi32, #tpu.memory_space<vmem>>, vector<16xi32>, vector<16xi1>
      %mul3A_158 = arith.constant 256 : i32
      %mul3A_159 = arith.muli %add3A_90, %mul3A_158 : i32
      %add3A_160 = arith.addi %mul3A_2, %mul3A_159 : i32
      %add3A_161 = arith.constant 32 : i32
      %add3A_162 = arith.addi %add3A_160, %add3A_161 : i32
      %add3A_163 = vector.broadcast %add3A_162 : i32 to vector<16xi32>
      %add3A_164 = arith.addi %add3A_163, %iota3A : vector<16xi32>
      %swap3A_165 = arith.index_cast %add3A_148 : i32 to index
      %swap3A_166 = tpu.vector_load %arg12[%swap3A_165] masked %ge3A_155 {strides = array<i32>} : memref<25856xi32, #tpu.memory_space<vmem>>, vector<16xi32>, vector<16xi1>
      tpu.vector_store %arg12[%swap3A_165], %add3A_164 masked %ge3A_155 {strides = array<i32>} : memref<25856xi32, #tpu.memory_space<vmem>>, vector<16xi32>, vector<16xi1>
      %all_reduce_population_count3A_167 = tpu.all_reduce %ge3A_155 {dim = 0 : i64, kind = #tpu.reduction_kind<sum>} : vector<16xi1> -> vector<16xi32>
      %slice3A_168 = vector.extract_strided_slice %all_reduce_population_count3A_167 {offsets = [0], sizes = [1], strides = [1]} : vector<16xi32> to vector<1xi32>
      %squeeze3A_169 = vector.extract %slice3A_168[0] : i32 from vector<1xi32>
      %add3A_170 = arith.addi %add3A_148, %squeeze3A_169 : i32
      %get3A_171 = arith.constant 0 : i32
      %get3A_172 = arith.index_cast %get3A_171 : i32 to index
      %get3A_173 = arith.constant 48 : index
      %get3A_174 = tpu.vector_load %arg8[%get3A_172, %get3A_173] {strides = array<i32>} : memref<2x256xi32, #tpu.memory_space<vmem>>, vector<16xi32>,
      %ge3A_175 = arith.constant 0 : i32
      %ge3A_176 = vector.broadcast %ge3A_175 : i32 to vector<16xi32>
      %ge3A_177 = arith.cmpi sge, %get3A_174, %ge3A_176 : vector<16xi32>
      %swap3A_178 = arith.index_cast %add3A_170 : i32 to index
      %swap3A_179 = tpu.vector_load %arg11[%swap3A_178] masked %ge3A_177 {strides = array<i32>} : memref<25856xi32, #tpu.memory_space<vmem>>, vector<16xi32>, vector<16xi1>
      tpu.vector_store %arg11[%swap3A_178], %get3A_174 masked %ge3A_177 {strides = array<i32>} : memref<25856xi32, #tpu.memory_space<vmem>>, vector<16xi32>, vector<16xi1>
      %mul3A_180 = arith.constant 256 : i32
      %mul3A_181 = arith.muli %add3A_90, %mul3A_180 : i32
      %add3A_182 = arith.addi %mul3A_2, %mul3A_181 : i32
      %add3A_183 = arith.constant 48 : i32
      %add3A_184 = arith.addi %add3A_182, %add3A_183 : i32
      %add3A_185 = vector.broadcast %add3A_184 : i32 to vector<16xi32>
      %add3A_186 = arith.addi %add3A_185, %iota3A : vector<16xi32>
      %swap3A_187 = arith.index_cast %add3A_170 : i32 to index
      %swap3A_188 = tpu.vector_load %arg12[%swap3A_187] masked %ge3A_177 {strides = array<i32>} : memref<25856xi32, #tpu.memory_space<vmem>>, vector<16xi32>, vector<16xi1>
      tpu.vector_store %arg12[%swap3A_187], %add3A_186 masked %ge3A_177 {strides = array<i32>} : memref<25856xi32, #tpu.memory_space<vmem>>, vector<16xi32>, vector<16xi1>
      %all_reduce_population_count3A_189 = tpu.all_reduce %ge3A_177 {dim = 0 : i64, kind = #tpu.reduction_kind<sum>} : vector<16xi1> -> vector<16xi32>
      %slice3A_190 = vector.extract_strided_slice %all_reduce_population_count3A_189 {offsets = [0], sizes = [1], strides = [1]} : vector<16xi32> to vector<1xi32>
      %squeeze3A_191 = vector.extract %slice3A_190[0] : i32 from vector<1xi32>
      %add3A_192 = arith.addi %add3A_170, %squeeze3A_191 : i32
      %get3A_193 = arith.constant 0 : i32
      %get3A_194 = arith.index_cast %get3A_193 : i32 to index
      %get3A_195 = arith.constant 64 : index
      %get3A_196 = tpu.vector_load %arg8[%get3A_194, %get3A_195] {strides = array<i32>} : memref<2x256xi32, #tpu.memory_space<vmem>>, vector<16xi32>,
      %ge3A_197 = arith.constant 0 : i32
      %ge3A_198 = vector.broadcast %ge3A_197 : i32 to vector<16xi32>
      %ge3A_199 = arith.cmpi sge, %get3A_196, %ge3A_198 : vector<16xi32>
      %swap3A_200 = arith.index_cast %add3A_192 : i32 to index
      %swap3A_201 = tpu.vector_load %arg11[%swap3A_200] masked %ge3A_199 {strides = array<i32>} : memref<25856xi32, #tpu.memory_space<vmem>>, vector<16xi32>, vector<16xi1>
      tpu.vector_store %arg11[%swap3A_200], %get3A_196 masked %ge3A_199 {strides = array<i32>} : memref<25856xi32, #tpu.memory_space<vmem>>, vector<16xi32>, vector<16xi1>
      %mul3A_202 = arith.constant 256 : i32
      %mul3A_203 = arith.muli %add3A_90, %mul3A_202 : i32
      %add3A_204 = arith.addi %mul3A_2, %mul3A_203 : i32
      %add3A_205 = arith.constant 64 : i32
      %add3A_206 = arith.addi %add3A_204, %add3A_205 : i32
      %add3A_207 = vector.broadcast %add3A_206 : i32 to vector<16xi32>
      %add3A_208 = arith.addi %add3A_207, %iota3A : vector<16xi32>
      %swap3A_209 = arith.index_cast %add3A_192 : i32 to index
      %swap3A_210 = tpu.vector_load %arg12[%swap3A_209] masked %ge3A_199 {strides = array<i32>} : memref<25856xi32, #tpu.memory_space<vmem>>, vector<16xi32>, vector<16xi1>
      tpu.vector_store %arg12[%swap3A_209], %add3A_208 masked %ge3A_199 {strides = array<i32>} : memref<25856xi32, #tpu.memory_space<vmem>>, vector<16xi32>, vector<16xi1>
      %all_reduce_population_count3A_211 = tpu.all_reduce %ge3A_199 {dim = 0 : i64, kind = #tpu.reduction_kind<sum>} : vector<16xi1> -> vector<16xi32>
      %slice3A_212 = vector.extract_strided_slice %all_reduce_population_count3A_211 {offsets = [0], sizes = [1], strides = [1]} : vector<16xi32> to vector<1xi32>
      %squeeze3A_213 = vector.extract %slice3A_212[0] : i32 from vector<1xi32>
      %add3A_214 = arith.addi %add3A_192, %squeeze3A_213 : i32
      %get3A_215 = arith.constant 0 : i32
      %get3A_216 = arith.index_cast %get3A_215 : i32 to index
      %get3A_217 = arith.constant 80 : index
      %get3A_218 = tpu.vector_load %arg8[%get3A_216, %get3A_217] {strides = array<i32>} : memref<2x256xi32, #tpu.memory_space<vmem>>, vector<16xi32>,
      %ge3A_219 = arith.constant 0 : i32
      %ge3A_220 = vector.broadcast %ge3A_219 : i32 to vector<16xi32>
      %ge3A_221 = arith.cmpi sge, %get3A_218, %ge3A_220 : vector<16xi32>
      %swap3A_222 = arith.index_cast %add3A_214 : i32 to index
      %swap3A_223 = tpu.vector_load %arg11[%swap3A_222] masked %ge3A_221 {strides = array<i32>} : memref<25856xi32, #tpu.memory_space<vmem>>, vector<16xi32>, vector<16xi1>
      tpu.vector_store %arg11[%swap3A_222], %get3A_218 masked %ge3A_221 {strides = array<i32>} : memref<25856xi32, #tpu.memory_space<vmem>>, vector<16xi32>, vector<16xi1>
      %mul3A_224 = arith.constant 256 : i32
      %mul3A_225 = arith.muli %add3A_90, %mul3A_224 : i32
      %add3A_226 = arith.addi %mul3A_2, %mul3A_225 : i32
      %add3A_227 = arith.constant 80 : i32
      %add3A_228 = arith.addi %add3A_226, %add3A_227 : i32
      %add3A_229 = vector.broadcast %add3A_228 : i32 to vector<16xi32>
      %add3A_230 = arith.addi %add3A_229, %iota3A : vector<16xi32>
      %swap3A_231 = arith.index_cast %add3A_214 : i32 to index
      %swap3A_232 = tpu.vector_load %arg12[%swap3A_231] masked %ge3A_221 {strides = array<i32>} : memref<25856xi32, #tpu.memory_space<vmem>>, vector<16xi32>, vector<16xi1>
      tpu.vector_store %arg12[%swap3A_231], %add3A_230 masked %ge3A_221 {strides = array<i32>} : memref<25856xi32, #tpu.memory_space<vmem>>, vector<16xi32>, vector<16xi1>
      %all_reduce_population_count3A_233 = tpu.all_reduce %ge3A_221 {dim = 0 : i64, kind = #tpu.reduction_kind<sum>} : vector<16xi1> -> vector<16xi32>
      %slice3A_234 = vector.extract_strided_slice %all_reduce_population_count3A_233 {offsets = [0], sizes = [1], strides = [1]} : vector<16xi32> to vector<1xi32>
      %squeeze3A_235 = vector.extract %slice3A_234[0] : i32 from vector<1xi32>
      %add3A_236 = arith.addi %add3A_214, %squeeze3A_235 : i32
      %get3A_237 = arith.constant 0 : i32
      %get3A_238 = arith.index_cast %get3A_237 : i32 to index
      %get3A_239 = arith.constant 96 : index
      %get3A_240 = tpu.vector_load %arg8[%get3A_238, %get3A_239] {strides = array<i32>} : memref<2x256xi32, #tpu.memory_space<vmem>>, vector<16xi32>,
      %ge3A_241 = arith.constant 0 : i32
      %ge3A_242 = vector.broadcast %ge3A_241 : i32 to vector<16xi32>
      %ge3A_243 = arith.cmpi sge, %get3A_240, %ge3A_242 : vector<16xi32>
      %swap3A_244 = arith.index_cast %add3A_236 : i32 to index
      %swap3A_245 = tpu.vector_load %arg11[%swap3A_244] masked %ge3A_243 {strides = array<i32>} : memref<25856xi32, #tpu.memory_space<vmem>>, vector<16xi32>, vector<16xi1>
      tpu.vector_store %arg11[%swap3A_244], %get3A_240 masked %ge3A_243 {strides = array<i32>} : memref<25856xi32, #tpu.memory_space<vmem>>, vector<16xi32>, vector<16xi1>
      %mul3A_246 = arith.constant 256 : i32
      %mul3A_247 = arith.muli %add3A_90, %mul3A_246 : i32
      %add3A_248 = arith.addi %mul3A_2, %mul3A_247 : i32
      %add3A_249 = arith.constant 96 : i32
      %add3A_250 = arith.addi %add3A_248, %add3A_249 : i32
      %add3A_251 = vector.broadcast %add3A_250 : i32 to vector<16xi32>
      %add3A_252 = arith.addi %add3A_251, %iota3A : vector<16xi32>
      %swap3A_253 = arith.index_cast %add3A_236 : i32 to index
      %swap3A_254 = tpu.vector_load %arg12[%swap3A_253] masked %ge3A_243 {strides = array<i32>} : memref<25856xi32, #tpu.memory_space<vmem>>, vector<16xi32>, vector<16xi1>
      tpu.vector_store %arg12[%swap3A_253], %add3A_252 masked %ge3A_243 {strides = array<i32>} : memref<25856xi32, #tpu.memory_space<vmem>>, vector<16xi32>, vector<16xi1>
      %all_reduce_population_count3A_255 = tpu.all_reduce %ge3A_243 {dim = 0 : i64, kind = #tpu.reduction_kind<sum>} : vector<16xi1> -> vector<16xi32>
      %slice3A_256 = vector.extract_strided_slice %all_reduce_population_count3A_255 {offsets = [0], sizes = [1], strides = [1]} : vector<16xi32> to vector<1xi32>
      %squeeze3A_257 = vector.extract %slice3A_256[0] : i32 from vector<1xi32>
      %add3A_258 = arith.addi %add3A_236, %squeeze3A_257 : i32
      %get3A_259 = arith.constant 0 : i32
      %get3A_260 = arith.index_cast %get3A_259 : i32 to index
      %get3A_261 = arith.constant 112 : index
      %get3A_262 = tpu.vector_load %arg8[%get3A_260, %get3A_261] {strides = array<i32>} : memref<2x256xi32, #tpu.memory_space<vmem>>, vector<16xi32>,
      %ge3A_263 = arith.constant 0 : i32
      %ge3A_264 = vector.broadcast %ge3A_263 : i32 to vector<16xi32>
      %ge3A_265 = arith.cmpi sge, %get3A_262, %ge3A_264 : vector<16xi32>
      %swap3A_266 = arith.index_cast %add3A_258 : i32 to index
      %swap3A_267 = tpu.vector_load %arg11[%swap3A_266] masked %ge3A_265 {strides = array<i32>} : memref<25856xi32, #tpu.memory_space<vmem>>, vector<16xi32>, vector<16xi1>
      tpu.vector_store %arg11[%swap3A_266], %get3A_262 masked %ge3A_265 {strides = array<i32>} : memref<25856xi32, #tpu.memory_space<vmem>>, vector<16xi32>, vector<16xi1>
      %mul3A_268 = arith.constant 256 : i32
      %mul3A_269 = arith.muli %add3A_90, %mul3A_268 : i32
      %add3A_270 = arith.addi %mul3A_2, %mul3A_269 : i32
      %add3A_271 = arith.constant 112 : i32
      %add3A_272 = arith.addi %add3A_270, %add3A_271 : i32
      %add3A_273 = vector.broadcast %add3A_272 : i32 to vector<16xi32>
      %add3A_274 = arith.addi %add3A_273, %iota3A : vector<16xi32>
      %swap3A_275 = arith.index_cast %add3A_258 : i32 to index
      %swap3A_276 = tpu.vector_load %arg12[%swap3A_275] masked %ge3A_265 {strides = array<i32>} : memref<25856xi32, #tpu.memory_space<vmem>>, vector<16xi32>, vector<16xi1>
      tpu.vector_store %arg12[%swap3A_275], %add3A_274 masked %ge3A_265 {strides = array<i32>} : memref<25856xi32, #tpu.memory_space<vmem>>, vector<16xi32>, vector<16xi1>
      %all_reduce_population_count3A_277 = tpu.all_reduce %ge3A_265 {dim = 0 : i64, kind = #tpu.reduction_kind<sum>} : vector<16xi1> -> vector<16xi32>
      %slice3A_278 = vector.extract_strided_slice %all_reduce_population_count3A_277 {offsets = [0], sizes = [1], strides = [1]} : vector<16xi32> to vector<1xi32>
      %squeeze3A_279 = vector.extract %slice3A_278[0] : i32 from vector<1xi32>
      %add3A_280 = arith.addi %add3A_258, %squeeze3A_279 : i32
      %get3A_281 = arith.constant 0 : i32
      %get3A_282 = arith.index_cast %get3A_281 : i32 to index
      %get3A_283 = arith.constant 128 : index
      %get3A_284 = tpu.vector_load %arg8[%get3A_282, %get3A_283] {strides = array<i32>} : memref<2x256xi32, #tpu.memory_space<vmem>>, vector<16xi32>,
      %ge3A_285 = arith.constant 0 : i32
      %ge3A_286 = vector.broadcast %ge3A_285 : i32 to vector<16xi32>
      %ge3A_287 = arith.cmpi sge, %get3A_284, %ge3A_286 : vector<16xi32>
      %swap3A_288 = arith.index_cast %add3A_280 : i32 to index
      %swap3A_289 = tpu.vector_load %arg11[%swap3A_288] masked %ge3A_287 {strides = array<i32>} : memref<25856xi32, #tpu.memory_space<vmem>>, vector<16xi32>, vector<16xi1>
      tpu.vector_store %arg11[%swap3A_288], %get3A_284 masked %ge3A_287 {strides = array<i32>} : memref<25856xi32, #tpu.memory_space<vmem>>, vector<16xi32>, vector<16xi1>
      %mul3A_290 = arith.constant 256 : i32
      %mul3A_291 = arith.muli %add3A_90, %mul3A_290 : i32
      %add3A_292 = arith.addi %mul3A_2, %mul3A_291 : i32
      %add3A_293 = arith.constant 128 : i32
      %add3A_294 = arith.addi %add3A_292, %add3A_293 : i32
      %add3A_295 = vector.broadcast %add3A_294 : i32 to vector<16xi32>
      %add3A_296 = arith.addi %add3A_295, %iota3A : vector<16xi32>
      %swap3A_297 = arith.index_cast %add3A_280 : i32 to index
      %swap3A_298 = tpu.vector_load %arg12[%swap3A_297] masked %ge3A_287 {strides = array<i32>} : memref<25856xi32, #tpu.memory_space<vmem>>, vector<16xi32>, vector<16xi1>
      tpu.vector_store %arg12[%swap3A_297], %add3A_296 masked %ge3A_287 {strides = array<i32>} : memref<25856xi32, #tpu.memory_space<vmem>>, vector<16xi32>, vector<16xi1>
      %all_reduce_population_count3A_299 = tpu.all_reduce %ge3A_287 {dim = 0 : i64, kind = #tpu.reduction_kind<sum>} : vector<16xi1> -> vector<16xi32>
      %slice3A_300 = vector.extract_strided_slice %all_reduce_population_count3A_299 {offsets = [0], sizes = [1], strides = [1]} : vector<16xi32> to vector<1xi32>
      %squeeze3A_301 = vector.extract %slice3A_300[0] : i32 from vector<1xi32>
      %add3A_302 = arith.addi %add3A_280, %squeeze3A_301 : i32
      %get3A_303 = arith.constant 0 : i32
      %get3A_304 = arith.index_cast %get3A_303 : i32 to index
      %get3A_305 = arith.constant 144 : index
      %get3A_306 = tpu.vector_load %arg8[%get3A_304, %get3A_305] {strides = array<i32>} : memref<2x256xi32, #tpu.memory_space<vmem>>, vector<16xi32>,
      %ge3A_307 = arith.constant 0 : i32
      %ge3A_308 = vector.broadcast %ge3A_307 : i32 to vector<16xi32>
      %ge3A_309 = arith.cmpi sge, %get3A_306, %ge3A_308 : vector<16xi32>
      %swap3A_310 = arith.index_cast %add3A_302 : i32 to index
      %swap3A_311 = tpu.vector_load %arg11[%swap3A_310] masked %ge3A_309 {strides = array<i32>} : memref<25856xi32, #tpu.memory_space<vmem>>, vector<16xi32>, vector<16xi1>
      tpu.vector_store %arg11[%swap3A_310], %get3A_306 masked %ge3A_309 {strides = array<i32>} : memref<25856xi32, #tpu.memory_space<vmem>>, vector<16xi32>, vector<16xi1>
      %mul3A_312 = arith.constant 256 : i32
      %mul3A_313 = arith.muli %add3A_90, %mul3A_312 : i32
      %add3A_314 = arith.addi %mul3A_2, %mul3A_313 : i32
      %add3A_315 = arith.constant 144 : i32
      %add3A_316 = arith.addi %add3A_314, %add3A_315 : i32
      %add3A_317 = vector.broadcast %add3A_316 : i32 to vector<16xi32>
      %add3A_318 = arith.addi %add3A_317, %iota3A : vector<16xi32>
      %swap3A_319 = arith.index_cast %add3A_302 : i32 to index
      %swap3A_320 = tpu.vector_load %arg12[%swap3A_319] masked %ge3A_309 {strides = array<i32>} : memref<25856xi32, #tpu.memory_space<vmem>>, vector<16xi32>, vector<16xi1>
      tpu.vector_store %arg12[%swap3A_319], %add3A_318 masked %ge3A_309 {strides = array<i32>} : memref<25856xi32, #tpu.memory_space<vmem>>, vector<16xi32>, vector<16xi1>
      %all_reduce_population_count3A_321 = tpu.all_reduce %ge3A_309 {dim = 0 : i64, kind = #tpu.reduction_kind<sum>} : vector<16xi1> -> vector<16xi32>
      %slice3A_322 = vector.extract_strided_slice %all_reduce_population_count3A_321 {offsets = [0], sizes = [1], strides = [1]} : vector<16xi32> to vector<1xi32>
      %squeeze3A_323 = vector.extract %slice3A_322[0] : i32 from vector<1xi32>
      %add3A_324 = arith.addi %add3A_302, %squeeze3A_323 : i32
      %get3A_325 = arith.constant 0 : i32
      %get3A_326 = arith.index_cast %get3A_325 : i32 to index
      %get3A_327 = arith.constant 160 : index
      %get3A_328 = tpu.vector_load %arg8[%get3A_326, %get3A_327] {strides = array<i32>} : memref<2x256xi32, #tpu.memory_space<vmem>>, vector<16xi32>,
      %ge3A_329 = arith.constant 0 : i32
      %ge3A_330 = vector.broadcast %ge3A_329 : i32 to vector<16xi32>
      %ge3A_331 = arith.cmpi sge, %get3A_328, %ge3A_330 : vector<16xi32>
      %swap3A_332 = arith.index_cast %add3A_324 : i32 to index
      %swap3A_333 = tpu.vector_load %arg11[%swap3A_332] masked %ge3A_331 {strides = array<i32>} : memref<25856xi32, #tpu.memory_space<vmem>>, vector<16xi32>, vector<16xi1>
      tpu.vector_store %arg11[%swap3A_332], %get3A_328 masked %ge3A_331 {strides = array<i32>} : memref<25856xi32, #tpu.memory_space<vmem>>, vector<16xi32>, vector<16xi1>
      %mul3A_334 = arith.constant 256 : i32
      %mul3A_335 = arith.muli %add3A_90, %mul3A_334 : i32
      %add3A_336 = arith.addi %mul3A_2, %mul3A_335 : i32
      %add3A_337 = arith.constant 160 : i32
      %add3A_338 = arith.addi %add3A_336, %add3A_337 : i32
      %add3A_339 = vector.broadcast %add3A_338 : i32 to vector<16xi32>
      %add3A_340 = arith.addi %add3A_339, %iota3A : vector<16xi32>
      %swap3A_341 = arith.index_cast %add3A_324 : i32 to index
      %swap3A_342 = tpu.vector_load %arg12[%swap3A_341] masked %ge3A_331 {strides = array<i32>} : memref<25856xi32, #tpu.memory_space<vmem>>, vector<16xi32>, vector<16xi1>
      tpu.vector_store %arg12[%swap3A_341], %add3A_340 masked %ge3A_331 {strides = array<i32>} : memref<25856xi32, #tpu.memory_space<vmem>>, vector<16xi32>, vector<16xi1>
      %all_reduce_population_count3A_343 = tpu.all_reduce %ge3A_331 {dim = 0 : i64, kind = #tpu.reduction_kind<sum>} : vector<16xi1> -> vector<16xi32>
      %slice3A_344 = vector.extract_strided_slice %all_reduce_population_count3A_343 {offsets = [0], sizes = [1], strides = [1]} : vector<16xi32> to vector<1xi32>
      %squeeze3A_345 = vector.extract %slice3A_344[0] : i32 from vector<1xi32>
      %add3A_346 = arith.addi %add3A_324, %squeeze3A_345 : i32
      %get3A_347 = arith.constant 0 : i32
      %get3A_348 = arith.index_cast %get3A_347 : i32 to index
      %get3A_349 = arith.constant 176 : index
      %get3A_350 = tpu.vector_load %arg8[%get3A_348, %get3A_349] {strides = array<i32>} : memref<2x256xi32, #tpu.memory_space<vmem>>, vector<16xi32>,
      %ge3A_351 = arith.constant 0 : i32
      %ge3A_352 = vector.broadcast %ge3A_351 : i32 to vector<16xi32>
      %ge3A_353 = arith.cmpi sge, %get3A_350, %ge3A_352 : vector<16xi32>
      %swap3A_354 = arith.index_cast %add3A_346 : i32 to index
      %swap3A_355 = tpu.vector_load %arg11[%swap3A_354] masked %ge3A_353 {strides = array<i32>} : memref<25856xi32, #tpu.memory_space<vmem>>, vector<16xi32>, vector<16xi1>
      tpu.vector_store %arg11[%swap3A_354], %get3A_350 masked %ge3A_353 {strides = array<i32>} : memref<25856xi32, #tpu.memory_space<vmem>>, vector<16xi32>, vector<16xi1>
      %mul3A_356 = arith.constant 256 : i32
      %mul3A_357 = arith.muli %add3A_90, %mul3A_356 : i32
      %add3A_358 = arith.addi %mul3A_2, %mul3A_357 : i32
      %add3A_359 = arith.constant 176 : i32
      %add3A_360 = arith.addi %add3A_358, %add3A_359 : i32
      %add3A_361 = vector.broadcast %add3A_360 : i32 to vector<16xi32>
      %add3A_362 = arith.addi %add3A_361, %iota3A : vector<16xi32>
      %swap3A_363 = arith.index_cast %add3A_346 : i32 to index
      %swap3A_364 = tpu.vector_load %arg12[%swap3A_363] masked %ge3A_353 {strides = array<i32>} : memref<25856xi32, #tpu.memory_space<vmem>>, vector<16xi32>, vector<16xi1>
      tpu.vector_store %arg12[%swap3A_363], %add3A_362 masked %ge3A_353 {strides = array<i32>} : memref<25856xi32, #tpu.memory_space<vmem>>, vector<16xi32>, vector<16xi1>
      %all_reduce_population_count3A_365 = tpu.all_reduce %ge3A_353 {dim = 0 : i64, kind = #tpu.reduction_kind<sum>} : vector<16xi1> -> vector<16xi32>
      %slice3A_366 = vector.extract_strided_slice %all_reduce_population_count3A_365 {offsets = [0], sizes = [1], strides = [1]} : vector<16xi32> to vector<1xi32>
      %squeeze3A_367 = vector.extract %slice3A_366[0] : i32 from vector<1xi32>
      %add3A_368 = arith.addi %add3A_346, %squeeze3A_367 : i32
      %get3A_369 = arith.constant 0 : i32
      %get3A_370 = arith.index_cast %get3A_369 : i32 to index
      %get3A_371 = arith.constant 192 : index
      %get3A_372 = tpu.vector_load %arg8[%get3A_370, %get3A_371] {strides = array<i32>} : memref<2x256xi32, #tpu.memory_space<vmem>>, vector<16xi32>,
      %ge3A_373 = arith.constant 0 : i32
      %ge3A_374 = vector.broadcast %ge3A_373 : i32 to vector<16xi32>
      %ge3A_375 = arith.cmpi sge, %get3A_372, %ge3A_374 : vector<16xi32>
      %swap3A_376 = arith.index_cast %add3A_368 : i32 to index
      %swap3A_377 = tpu.vector_load %arg11[%swap3A_376] masked %ge3A_375 {strides = array<i32>} : memref<25856xi32, #tpu.memory_space<vmem>>, vector<16xi32>, vector<16xi1>
      tpu.vector_store %arg11[%swap3A_376], %get3A_372 masked %ge3A_375 {strides = array<i32>} : memref<25856xi32, #tpu.memory_space<vmem>>, vector<16xi32>, vector<16xi1>
      %mul3A_378 = arith.constant 256 : i32
      %mul3A_379 = arith.muli %add3A_90, %mul3A_378 : i32
      %add3A_380 = arith.addi %mul3A_2, %mul3A_379 : i32
      %add3A_381 = arith.constant 192 : i32
      %add3A_382 = arith.addi %add3A_380, %add3A_381 : i32
      %add3A_383 = vector.broadcast %add3A_382 : i32 to vector<16xi32>
      %add3A_384 = arith.addi %add3A_383, %iota3A : vector<16xi32>
      %swap3A_385 = arith.index_cast %add3A_368 : i32 to index
      %swap3A_386 = tpu.vector_load %arg12[%swap3A_385] masked %ge3A_375 {strides = array<i32>} : memref<25856xi32, #tpu.memory_space<vmem>>, vector<16xi32>, vector<16xi1>
      tpu.vector_store %arg12[%swap3A_385], %add3A_384 masked %ge3A_375 {strides = array<i32>} : memref<25856xi32, #tpu.memory_space<vmem>>, vector<16xi32>, vector<16xi1>
      %all_reduce_population_count3A_387 = tpu.all_reduce %ge3A_375 {dim = 0 : i64, kind = #tpu.reduction_kind<sum>} : vector<16xi1> -> vector<16xi32>
      %slice3A_388 = vector.extract_strided_slice %all_reduce_population_count3A_387 {offsets = [0], sizes = [1], strides = [1]} : vector<16xi32> to vector<1xi32>
      %squeeze3A_389 = vector.extract %slice3A_388[0] : i32 from vector<1xi32>
      %add3A_390 = arith.addi %add3A_368, %squeeze3A_389 : i32
      %get3A_391 = arith.constant 0 : i32
      %get3A_392 = arith.index_cast %get3A_391 : i32 to index
      %get3A_393 = arith.constant 208 : index
      %get3A_394 = tpu.vector_load %arg8[%get3A_392, %get3A_393] {strides = array<i32>} : memref<2x256xi32, #tpu.memory_space<vmem>>, vector<16xi32>,
      %ge3A_395 = arith.constant 0 : i32
      %ge3A_396 = vector.broadcast %ge3A_395 : i32 to vector<16xi32>
      %ge3A_397 = arith.cmpi sge, %get3A_394, %ge3A_396 : vector<16xi32>
      %swap3A_398 = arith.index_cast %add3A_390 : i32 to index
      %swap3A_399 = tpu.vector_load %arg11[%swap3A_398] masked %ge3A_397 {strides = array<i32>} : memref<25856xi32, #tpu.memory_space<vmem>>, vector<16xi32>, vector<16xi1>
      tpu.vector_store %arg11[%swap3A_398], %get3A_394 masked %ge3A_397 {strides = array<i32>} : memref<25856xi32, #tpu.memory_space<vmem>>, vector<16xi32>, vector<16xi1>
      %mul3A_400 = arith.constant 256 : i32
      %mul3A_401 = arith.muli %add3A_90, %mul3A_400 : i32
      %add3A_402 = arith.addi %mul3A_2, %mul3A_401 : i32
      %add3A_403 = arith.constant 208 : i32
      %add3A_404 = arith.addi %add3A_402, %add3A_403 : i32
      %add3A_405 = vector.broadcast %add3A_404 : i32 to vector<16xi32>
      %add3A_406 = arith.addi %add3A_405, %iota3A : vector<16xi32>
      %swap3A_407 = arith.index_cast %add3A_390 : i32 to index
      %swap3A_408 = tpu.vector_load %arg12[%swap3A_407] masked %ge3A_397 {strides = array<i32>} : memref<25856xi32, #tpu.memory_space<vmem>>, vector<16xi32>, vector<16xi1>
      tpu.vector_store %arg12[%swap3A_407], %add3A_406 masked %ge3A_397 {strides = array<i32>} : memref<25856xi32, #tpu.memory_space<vmem>>, vector<16xi32>, vector<16xi1>
      %all_reduce_population_count3A_409 = tpu.all_reduce %ge3A_397 {dim = 0 : i64, kind = #tpu.reduction_kind<sum>} : vector<16xi1> -> vector<16xi32>
      %slice3A_410 = vector.extract_strided_slice %all_reduce_population_count3A_409 {offsets = [0], sizes = [1], strides = [1]} : vector<16xi32> to vector<1xi32>
      %squeeze3A_411 = vector.extract %slice3A_410[0] : i32 from vector<1xi32>
      %add3A_412 = arith.addi %add3A_390, %squeeze3A_411 : i32
      %get3A_413 = arith.constant 0 : i32
      %get3A_414 = arith.index_cast %get3A_413 : i32 to index
      %get3A_415 = arith.constant 224 : index
      %get3A_416 = tpu.vector_load %arg8[%get3A_414, %get3A_415] {strides = array<i32>} : memref<2x256xi32, #tpu.memory_space<vmem>>, vector<16xi32>,
      %ge3A_417 = arith.constant 0 : i32
      %ge3A_418 = vector.broadcast %ge3A_417 : i32 to vector<16xi32>
      %ge3A_419 = arith.cmpi sge, %get3A_416, %ge3A_418 : vector<16xi32>
      %swap3A_420 = arith.index_cast %add3A_412 : i32 to index
      %swap3A_421 = tpu.vector_load %arg11[%swap3A_420] masked %ge3A_419 {strides = array<i32>} : memref<25856xi32, #tpu.memory_space<vmem>>, vector<16xi32>, vector<16xi1>
      tpu.vector_store %arg11[%swap3A_420], %get3A_416 masked %ge3A_419 {strides = array<i32>} : memref<25856xi32, #tpu.memory_space<vmem>>, vector<16xi32>, vector<16xi1>
      %mul3A_422 = arith.constant 256 : i32
      %mul3A_423 = arith.muli %add3A_90, %mul3A_422 : i32
      %add3A_424 = arith.addi %mul3A_2, %mul3A_423 : i32
      %add3A_425 = arith.constant 224 : i32
      %add3A_426 = arith.addi %add3A_424, %add3A_425 : i32
      %add3A_427 = vector.broadcast %add3A_426 : i32 to vector<16xi32>
      %add3A_428 = arith.addi %add3A_427, %iota3A : vector<16xi32>
      %swap3A_429 = arith.index_cast %add3A_412 : i32 to index
      %swap3A_430 = tpu.vector_load %arg12[%swap3A_429] masked %ge3A_419 {strides = array<i32>} : memref<25856xi32, #tpu.memory_space<vmem>>, vector<16xi32>, vector<16xi1>
      tpu.vector_store %arg12[%swap3A_429], %add3A_428 masked %ge3A_419 {strides = array<i32>} : memref<25856xi32, #tpu.memory_space<vmem>>, vector<16xi32>, vector<16xi1>
      %all_reduce_population_count3A_431 = tpu.all_reduce %ge3A_419 {dim = 0 : i64, kind = #tpu.reduction_kind<sum>} : vector<16xi1> -> vector<16xi32>
      %slice3A_432 = vector.extract_strided_slice %all_reduce_population_count3A_431 {offsets = [0], sizes = [1], strides = [1]} : vector<16xi32> to vector<1xi32>
      %squeeze3A_433 = vector.extract %slice3A_432[0] : i32 from vector<1xi32>
      %add3A_434 = arith.addi %add3A_412, %squeeze3A_433 : i32
      %get3A_435 = arith.constant 0 : i32
      %get3A_436 = arith.index_cast %get3A_435 : i32 to index
      %get3A_437 = arith.constant 240 : index
      %get3A_438 = tpu.vector_load %arg8[%get3A_436, %get3A_437] {strides = array<i32>} : memref<2x256xi32, #tpu.memory_space<vmem>>, vector<16xi32>,
      %ge3A_439 = arith.constant 0 : i32
      %ge3A_440 = vector.broadcast %ge3A_439 : i32 to vector<16xi32>
      %ge3A_441 = arith.cmpi sge, %get3A_438, %ge3A_440 : vector<16xi32>
      %swap3A_442 = arith.index_cast %add3A_434 : i32 to index
      %swap3A_443 = tpu.vector_load %arg11[%swap3A_442] masked %ge3A_441 {strides = array<i32>} : memref<25856xi32, #tpu.memory_space<vmem>>, vector<16xi32>, vector<16xi1>
      tpu.vector_store %arg11[%swap3A_442], %get3A_438 masked %ge3A_441 {strides = array<i32>} : memref<25856xi32, #tpu.memory_space<vmem>>, vector<16xi32>, vector<16xi1>
      %mul3A_444 = arith.constant 256 : i32
      %mul3A_445 = arith.muli %add3A_90, %mul3A_444 : i32
      %add3A_446 = arith.addi %mul3A_2, %mul3A_445 : i32
      %add3A_447 = arith.constant 240 : i32
      %add3A_448 = arith.addi %add3A_446, %add3A_447 : i32
      %add3A_449 = vector.broadcast %add3A_448 : i32 to vector<16xi32>
      %add3A_450 = arith.addi %add3A_449, %iota3A : vector<16xi32>
      %swap3A_451 = arith.index_cast %add3A_434 : i32 to index
      %swap3A_452 = tpu.vector_load %arg12[%swap3A_451] masked %ge3A_441 {strides = array<i32>} : memref<25856xi32, #tpu.memory_space<vmem>>, vector<16xi32>, vector<16xi1>
      tpu.vector_store %arg12[%swap3A_451], %add3A_450 masked %ge3A_441 {strides = array<i32>} : memref<25856xi32, #tpu.memory_space<vmem>>, vector<16xi32>, vector<16xi1>
      %all_reduce_population_count3A_453 = tpu.all_reduce %ge3A_441 {dim = 0 : i64, kind = #tpu.reduction_kind<sum>} : vector<16xi1> -> vector<16xi32>
      %slice3A_454 = vector.extract_strided_slice %all_reduce_population_count3A_453 {offsets = [0], sizes = [1], strides = [1]} : vector<16xi32> to vector<1xi32>
      %squeeze3A_455 = vector.extract %slice3A_454[0] : i32 from vector<1xi32>
      %add3A_456 = arith.addi %add3A_434, %squeeze3A_455 : i32
      %add3A_457 = arith.constant 1 : i32
      %add3A_458 = arith.addi %add3A_90, %add3A_457 : i32
      %lt3A = arith.constant 100 : i32
      %lt3A_459 = arith.cmpi slt, %add3A_458, %lt3A : i32
      %convert_element_type3A_460 = arith.extui %lt3A_459 : i1 to i32
      %cond3A_461 = arith.constant 0 : i32
      %cond3A_462 = arith.cmpi ne, %convert_element_type3A_460, %cond3A_461 : i32
      scf.if %cond3A_462 {
        %ge3A_926 = arith.constant 1 : i32
        %ge3A_927 = arith.cmpi sge, %add3A_90, %ge3A_926 : i32
        %convert_element_type3A_928 = arith.extui %ge3A_927 : i1 to i32
        %cond3A_929 = arith.constant 0 : i32
        %cond3A_930 = arith.cmpi ne, %convert_element_type3A_928, %cond3A_929 : i32
        scf.if %cond3A_930 {
          %sub3A = arith.constant 1 : i32
          %sub3A_981 = arith.subi %add3A_90, %sub3A : i32
          %mul3A_982 = arith.constant 256 : i32
          %mul3A_983 = arith.muli %sub3A_981, %mul3A_982 : i32
          %add3A_984 = arith.addi %mul3A_2, %mul3A_983 : i32
          %dma_wait3A_985 = arith.constant 1 : i32
          %dma_wait3A_986 = arith.constant 0 : i32
          %dma_wait3A_987 = arith.constant 0 : i32
          %dma_wait3A_988 = tpu.memref_slice %arg9[%dma_wait3A_985, %dma_wait3A_986, %dma_wait3A_987] : memref<2x256x64xf32, #tpu.memory_space<vmem>> -> memref<1x256x64xf32, #tpu.memory_space<vmem>>
          %dma_wait3A_989 = tpu.memref_squeeze %dma_wait3A_988 : memref<1x256x64xf32, #tpu.memory_space<vmem>> -> memref<256x64xf32, #tpu.memory_space<vmem>>
          %dma_wait3A_990 = arith.constant 0 : i32
          %dma_wait3A_991 = tpu.memref_slice %arg6[%add3A_984, %dma_wait3A_990] : memref<819200x64xf32, #tpu.memory_space<hbm>> -> memref<256x64xf32, #tpu.memory_space<hbm>>
          %dma_wait3A_992 = arith.constant 0 : i32
          %dma_wait3A_993 = tpu.memref_slice %arg6[%add3A_984, %dma_wait3A_992] : memref<819200x64xf32, #tpu.memory_space<hbm>> -> memref<256x64xf32, #tpu.memory_space<hbm>>
          %dma_wait3A_994 = arith.constant 0 : i32
          %dma_wait3A_995 = arith.constant 0 : i32
          %dma_wait3A_996 = tpu.memref_slice %arg9[%dma_wait3A_985, %dma_wait3A_994, %dma_wait3A_995] : memref<2x256x64xf32, #tpu.memory_space<vmem>> -> memref<1x256x64xf32, #tpu.memory_space<vmem>>
          %dma_wait3A_997 = tpu.memref_squeeze %dma_wait3A_996 : memref<1x256x64xf32, #tpu.memory_space<vmem>> -> memref<256x64xf32, #tpu.memory_space<vmem>>
          tpu.wait_dma2 semaphore(%arg20 : memref<!tpu.dma_semaphore, #tpu.memory_space<semaphore_mem>>) src(%dma_wait3A_997 : memref<256x64xf32, #tpu.memory_space<vmem>>) dst(%dma_wait3A_993 : memref<256x64xf32, #tpu.memory_space<hbm>>)
        } else {
        }
        %add3A_931 = arith.constant 1 : i32
        %add3A_932 = arith.addi %add3A_90, %add3A_931 : i32
        %mul3A_933 = arith.constant 256 : i32
        %mul3A_934 = arith.muli %add3A_932, %mul3A_933 : i32
        %add3A_935 = arith.addi %mul3A_2, %mul3A_934 : i32
        %run_scoped3A_936 = arith.constant 1 : i32
        "tpu.region"() ({
          %run_scoped3A_981 = tpu.sem_alloc : memref<!tpu.dma_semaphore, #tpu.memory_space<semaphore_mem>>
          %dma_start3A_982 = arith.constant 0 : i32
          %dma_start3A_983 = tpu.memref_slice %arg7[%run_scoped3A_936, %dma_start3A_982] : memref<2x256xi32, #tpu.memory_space<vmem>> -> memref<1x256xi32, #tpu.memory_space<vmem>>
          %dma_start3A_984 = tpu.memref_squeeze %dma_start3A_983 : memref<1x256xi32, #tpu.memory_space<vmem>> -> memref<256xi32, #tpu.memory_space<vmem>>
          %dma_start3A_985 = tpu.memref_slice %arg2[%add3A_935] : memref<819200xi32, #tpu.memory_space<hbm>> -> memref<256xi32, #tpu.memory_space<hbm>>
          %dma_start3A_986 = arith.constant 0 : i32
          %dma_start3A_987 = tpu.memref_slice %arg7[%run_scoped3A_936, %dma_start3A_986] : memref<2x256xi32, #tpu.memory_space<vmem>> -> memref<1x256xi32, #tpu.memory_space<vmem>>
          %dma_start3A_988 = tpu.memref_squeeze %dma_start3A_987 : memref<1x256xi32, #tpu.memory_space<vmem>> -> memref<256xi32, #tpu.memory_space<vmem>>
          %dma_start3A_989 = tpu.memref_slice %arg2[%add3A_935] : memref<819200xi32, #tpu.memory_space<hbm>> -> memref<256xi32, #tpu.memory_space<hbm>>
          tpu.enqueue_dma source(%dma_start3A_989 : memref<256xi32, #tpu.memory_space<hbm>>) target(%dma_start3A_988 : memref<256xi32, #tpu.memory_space<vmem>>) target_semaphore(%run_scoped3A_981 : memref<!tpu.dma_semaphore, #tpu.memory_space<semaphore_mem>>)
          %dma_wait3A_990 = arith.constant 0 : i32
          %dma_wait3A_991 = tpu.memref_slice %arg7[%run_scoped3A_936, %dma_wait3A_990] : memref<2x256xi32, #tpu.memory_space<vmem>> -> memref<1x256xi32, #tpu.memory_space<vmem>>
          %dma_wait3A_992 = tpu.memref_squeeze %dma_wait3A_991 : memref<1x256xi32, #tpu.memory_space<vmem>> -> memref<256xi32, #tpu.memory_space<vmem>>
          %dma_wait3A_993 = tpu.memref_slice %arg2[%add3A_935] : memref<819200xi32, #tpu.memory_space<hbm>> -> memref<256xi32, #tpu.memory_space<hbm>>
          %dma_wait3A_994 = arith.constant 0 : i32
          %dma_wait3A_995 = tpu.memref_slice %arg7[%run_scoped3A_936, %dma_wait3A_994] : memref<2x256xi32, #tpu.memory_space<vmem>> -> memref<1x256xi32, #tpu.memory_space<vmem>>
          %dma_wait3A_996 = tpu.memref_squeeze %dma_wait3A_995 : memref<1x256xi32, #tpu.memory_space<vmem>> -> memref<256xi32, #tpu.memory_space<vmem>>
          %dma_wait3A_997 = tpu.memref_slice %arg2[%add3A_935] : memref<819200xi32, #tpu.memory_space<hbm>> -> memref<256xi32, #tpu.memory_space<hbm>>
          tpu.wait_dma2 semaphore(%run_scoped3A_981 : memref<!tpu.dma_semaphore, #tpu.memory_space<semaphore_mem>>) src(%dma_wait3A_997 : memref<256xi32, #tpu.memory_space<hbm>>) dst(%dma_wait3A_996 : memref<256xi32, #tpu.memory_space<vmem>>)
          tpu.yield
        }) : () -> ()
        %dma_start3A_937 = arith.constant 1 : i32
        %dma_start3A_938 = arith.constant 1 : i32
        %dma_start3A_939 = arith.constant 0 : i32
        %dma_start3A_940 = arith.constant 0 : i32
        %dma_start3A_941 = tpu.memref_slice %arg9[%dma_start3A_938, %dma_start3A_939, %dma_start3A_940] : memref<2x256x64xf32, #tpu.memory_space<vmem>> -> memref<1x128x64xf32, #tpu.memory_space<vmem>>
        %dma_start3A_942 = tpu.memref_squeeze %dma_start3A_941 : memref<1x128x64xf32, #tpu.memory_space<vmem>> -> memref<128x64xf32, #tpu.memory_space<vmem>>
        %dma_start3A_943 = arith.constant 0 : i32
        %dma_start3A_944 = tpu.memref_slice %arg7[%dma_start3A_937, %dma_start3A_943] : memref<2x256xi32, #tpu.memory_space<vmem>> -> memref<1x128xi32, #tpu.memory_space<vmem>>
        %dma_start3A_945 = tpu.memref_squeeze %dma_start3A_944 : memref<1x128xi32, #tpu.memory_space<vmem>> -> memref<128xi32, #tpu.memory_space<vmem>>
        %dma_start3A_946 = arith.constant 0 : i32
        %dma_start3A_947 = arith.constant 0 : i32
        %dma_start3A_948 = tpu.memref_slice %arg3[%dma_start3A_946, %dma_start3A_947] : memref<1000000x64xf32, #tpu.memory_space<hbm>> -> memref<1000000x64xf32, #tpu.memory_space<hbm>>
        tpu.enqueue_indirect_dma source(%dma_start3A_948 : memref<1000000x64xf32, #tpu.memory_space<hbm>>) target(%dma_start3A_942 : memref<128x64xf32, #tpu.memory_space<vmem>>) offsets(%dma_start3A_945 : memref<128xi32, #tpu.memory_space<vmem>>) semaphore(%arg16 : memref<!tpu.dma_semaphore, #tpu.memory_space<semaphore_mem>>)
        %dma_start3A_949 = arith.constant 1 : i32
        %dma_start3A_950 = arith.constant 1 : i32
        %dma_start3A_951 = arith.constant 0 : i32
        %dma_start3A_952 = tpu.memref_slice %arg8[%dma_start3A_950, %dma_start3A_951] : memref<2x256xi32, #tpu.memory_space<vmem>> -> memref<1x128xi32, #tpu.memory_space<vmem>>
        %dma_start3A_953 = tpu.memref_squeeze %dma_start3A_952 : memref<1x128xi32, #tpu.memory_space<vmem>> -> memref<128xi32, #tpu.memory_space<vmem>>
        %dma_start3A_954 = arith.constant 0 : i32
        %dma_start3A_955 = tpu.memref_slice %arg7[%dma_start3A_949, %dma_start3A_954] : memref<2x256xi32, #tpu.memory_space<vmem>> -> memref<1x128xi32, #tpu.memory_space<vmem>>
        %dma_start3A_956 = tpu.memref_squeeze %dma_start3A_955 : memref<1x128xi32, #tpu.memory_space<vmem>> -> memref<128xi32, #tpu.memory_space<vmem>>
        %dma_start3A_957 = arith.constant 0 : i32
        %dma_start3A_958 = tpu.memref_slice %arg4[%dma_start3A_957] : memref<1000448xi32, #tpu.memory_space<hbm>> -> memref<1000448xi32, #tpu.memory_space<hbm>>
        tpu.enqueue_indirect_dma source(%dma_start3A_958 : memref<1000448xi32, #tpu.memory_space<hbm>>) target(%dma_start3A_953 : memref<128xi32, #tpu.memory_space<vmem>>) offsets(%dma_start3A_956 : memref<128xi32, #tpu.memory_space<vmem>>) semaphore(%arg18 : memref<!tpu.dma_semaphore, #tpu.memory_space<semaphore_mem>>)
        %dma_start3A_959 = arith.constant 1 : i32
        %dma_start3A_960 = arith.constant 1 : i32
        %dma_start3A_961 = arith.constant 128 : i32
        %dma_start3A_962 = arith.constant 0 : i32
        %dma_start3A_963 = tpu.memref_slice %arg9[%dma_start3A_960, %dma_start3A_961, %dma_start3A_962] : memref<2x256x64xf32, #tpu.memory_space<vmem>> -> memref<1x128x64xf32, #tpu.memory_space<vmem>>
        %dma_start3A_964 = tpu.memref_squeeze %dma_start3A_963 : memref<1x128x64xf32, #tpu.memory_space<vmem>> -> memref<128x64xf32, #tpu.memory_space<vmem>>
        %dma_start3A_965 = arith.constant 128 : i32
        %dma_start3A_966 = tpu.memref_slice %arg7[%dma_start3A_959, %dma_start3A_965] : memref<2x256xi32, #tpu.memory_space<vmem>> -> memref<1x128xi32, #tpu.memory_space<vmem>>
        %dma_start3A_967 = tpu.memref_squeeze %dma_start3A_966 : memref<1x128xi32, #tpu.memory_space<vmem>> -> memref<128xi32, #tpu.memory_space<vmem>>
        %dma_start3A_968 = arith.constant 0 : i32
        %dma_start3A_969 = arith.constant 0 : i32
        %dma_start3A_970 = tpu.memref_slice %arg3[%dma_start3A_968, %dma_start3A_969] : memref<1000000x64xf32, #tpu.memory_space<hbm>> -> memref<1000000x64xf32, #tpu.memory_space<hbm>>
        tpu.enqueue_indirect_dma source(%dma_start3A_970 : memref<1000000x64xf32, #tpu.memory_space<hbm>>) target(%dma_start3A_964 : memref<128x64xf32, #tpu.memory_space<vmem>>) offsets(%dma_start3A_967 : memref<128xi32, #tpu.memory_space<vmem>>) semaphore(%arg16 : memref<!tpu.dma_semaphore, #tpu.memory_space<semaphore_mem>>)
        %dma_start3A_971 = arith.constant 1 : i32
        %dma_start3A_972 = arith.constant 1 : i32
        %dma_start3A_973 = arith.constant 128 : i32
        %dma_start3A_974 = tpu.memref_slice %arg8[%dma_start3A_972, %dma_start3A_973] : memref<2x256xi32, #tpu.memory_space<vmem>> -> memref<1x128xi32, #tpu.memory_space<vmem>>
        %dma_start3A_975 = tpu.memref_squeeze %dma_start3A_974 : memref<1x128xi32, #tpu.memory_space<vmem>> -> memref<128xi32, #tpu.memory_space<vmem>>
        %dma_start3A_976 = arith.constant 128 : i32
        %dma_start3A_977 = tpu.memref_slice %arg7[%dma_start3A_971, %dma_start3A_976] : memref<2x256xi32, #tpu.memory_space<vmem>> -> memref<1x128xi32, #tpu.memory_space<vmem>>
        %dma_start3A_978 = tpu.memref_squeeze %dma_start3A_977 : memref<1x128xi32, #tpu.memory_space<vmem>> -> memref<128xi32, #tpu.memory_space<vmem>>
        %dma_start3A_979 = arith.constant 0 : i32
        %dma_start3A_980 = tpu.memref_slice %arg4[%dma_start3A_979] : memref<1000448xi32, #tpu.memory_space<hbm>> -> memref<1000448xi32, #tpu.memory_space<hbm>>
        tpu.enqueue_indirect_dma source(%dma_start3A_980 : memref<1000448xi32, #tpu.memory_space<hbm>>) target(%dma_start3A_975 : memref<128xi32, #tpu.memory_space<vmem>>) offsets(%dma_start3A_978 : memref<128xi32, #tpu.memory_space<vmem>>) semaphore(%arg18 : memref<!tpu.dma_semaphore, #tpu.memory_space<semaphore_mem>>)
      } else {
      }
      %dma_wait3A_463 = arith.constant 0 : i32
      %dma_wait3A_464 = arith.constant 0 : i32
      %dma_wait3A_465 = arith.constant 0 : i32
      %dma_wait3A_466 = arith.constant 0 : i32
      %dma_wait3A_467 = tpu.memref_slice %arg9[%dma_wait3A_464, %dma_wait3A_465, %dma_wait3A_466] : memref<2x256x64xf32, #tpu.memory_space<vmem>> -> memref<1x128x64xf32, #tpu.memory_space<vmem>>
      %dma_wait3A_468 = tpu.memref_squeeze %dma_wait3A_467 : memref<1x128x64xf32, #tpu.memory_space<vmem>> -> memref<128x64xf32, #tpu.memory_space<vmem>>
      %dma_wait3A_469 = arith.constant 0 : i32
      %dma_wait3A_470 = tpu.memref_slice %arg7[%dma_wait3A_463, %dma_wait3A_469] : memref<2x256xi32, #tpu.memory_space<vmem>> -> memref<1x128xi32, #tpu.memory_space<vmem>>
      %dma_wait3A_471 = tpu.memref_squeeze %dma_wait3A_470 : memref<1x128xi32, #tpu.memory_space<vmem>> -> memref<128xi32, #tpu.memory_space<vmem>>
      %dma_wait3A_472 = arith.constant 0 : i32
      %dma_wait3A_473 = arith.constant 0 : i32
      %dma_wait3A_474 = tpu.memref_slice %arg3[%dma_wait3A_472, %dma_wait3A_473] : memref<1000000x64xf32, #tpu.memory_space<hbm>> -> memref<1000000x64xf32, #tpu.memory_space<hbm>>
      tpu.wait_indirect_dma semaphore(%arg15 : memref<!tpu.dma_semaphore, #tpu.memory_space<semaphore_mem>>) src(%dma_wait3A_474 : memref<1000000x64xf32, #tpu.memory_space<hbm>>) dst(%dma_wait3A_468 : memref<128x64xf32, #tpu.memory_space<vmem>>)
      %dma_wait3A_475 = arith.constant 0 : i32
      %dma_wait3A_476 = arith.constant 0 : i32
      %dma_wait3A_477 = arith.constant 128 : i32
      %dma_wait3A_478 = arith.constant 0 : i32
      %dma_wait3A_479 = tpu.memref_slice %arg9[%dma_wait3A_476, %dma_wait3A_477, %dma_wait3A_478] : memref<2x256x64xf32, #tpu.memory_space<vmem>> -> memref<1x128x64xf32, #tpu.memory_space<vmem>>
      %dma_wait3A_480 = tpu.memref_squeeze %dma_wait3A_479 : memref<1x128x64xf32, #tpu.memory_space<vmem>> -> memref<128x64xf32, #tpu.memory_space<vmem>>
      %dma_wait3A_481 = arith.constant 128 : i32
      %dma_wait3A_482 = tpu.memref_slice %arg7[%dma_wait3A_475, %dma_wait3A_481] : memref<2x256xi32, #tpu.memory_space<vmem>> -> memref<1x128xi32, #tpu.memory_space<vmem>>
      %dma_wait3A_483 = tpu.memref_squeeze %dma_wait3A_482 : memref<1x128xi32, #tpu.memory_space<vmem>> -> memref<128xi32, #tpu.memory_space<vmem>>
      %dma_wait3A_484 = arith.constant 0 : i32
      %dma_wait3A_485 = arith.constant 0 : i32
      %dma_wait3A_486 = tpu.memref_slice %arg3[%dma_wait3A_484, %dma_wait3A_485] : memref<1000000x64xf32, #tpu.memory_space<hbm>> -> memref<1000000x64xf32, #tpu.memory_space<hbm>>
      tpu.wait_indirect_dma semaphore(%arg15 : memref<!tpu.dma_semaphore, #tpu.memory_space<semaphore_mem>>) src(%dma_wait3A_486 : memref<1000000x64xf32, #tpu.memory_space<hbm>>) dst(%dma_wait3A_480 : memref<128x64xf32, #tpu.memory_space<vmem>>)
      %mul3A_487 = arith.constant 256 : i32
      %mul3A_488 = arith.muli %add3A_90, %mul3A_487 : i32
      %add3A_489 = arith.addi %mul3A_2, %mul3A_488 : i32
      %dma_start3A_490 = arith.constant 0 : i32
      %dma_start3A_491 = arith.constant 0 : i32
      %dma_start3A_492 = arith.constant 0 : i32
      %dma_start3A_493 = tpu.memref_slice %arg9[%dma_start3A_490, %dma_start3A_491, %dma_start3A_492] : memref<2x256x64xf32, #tpu.memory_space<vmem>> -> memref<1x256x64xf32, #tpu.memory_space<vmem>>
      %dma_start3A_494 = tpu.memref_squeeze %dma_start3A_493 : memref<1x256x64xf32, #tpu.memory_space<vmem>> -> memref<256x64xf32, #tpu.memory_space<vmem>>
      %dma_start3A_495 = arith.constant 0 : i32
      %dma_start3A_496 = tpu.memref_slice %arg6[%add3A_489, %dma_start3A_495] : memref<819200x64xf32, #tpu.memory_space<hbm>> -> memref<256x64xf32, #tpu.memory_space<hbm>>
      %dma_start3A_497 = arith.constant 0 : i32
      %dma_start3A_498 = tpu.memref_slice %arg6[%add3A_489, %dma_start3A_497] : memref<819200x64xf32, #tpu.memory_space<hbm>> -> memref<256x64xf32, #tpu.memory_space<hbm>>
      %dma_start3A_499 = arith.constant 0 : i32
      %dma_start3A_500 = arith.constant 0 : i32
      %dma_start3A_501 = tpu.memref_slice %arg9[%dma_start3A_490, %dma_start3A_499, %dma_start3A_500] : memref<2x256x64xf32, #tpu.memory_space<vmem>> -> memref<1x256x64xf32, #tpu.memory_space<vmem>>
      %dma_start3A_502 = tpu.memref_squeeze %dma_start3A_501 : memref<1x256x64xf32, #tpu.memory_space<vmem>> -> memref<256x64xf32, #tpu.memory_space<vmem>>
      tpu.enqueue_dma source(%dma_start3A_502 : memref<256x64xf32, #tpu.memory_space<vmem>>) target(%dma_start3A_498 : memref<256x64xf32, #tpu.memory_space<hbm>>) target_semaphore(%arg19 : memref<!tpu.dma_semaphore, #tpu.memory_space<semaphore_mem>>)
      %mul3A_503 = arith.constant 2 : i32
      %mul3A_504 = arith.muli %scan3A_85, %mul3A_503 : i32
      %add3A_505 = arith.constant 1 : i32
      %add3A_506 = arith.addi %mul3A_504, %add3A_505 : i32
      %dma_wait3A_507 = arith.constant 1 : i32
      %dma_wait3A_508 = arith.constant 1 : i32
      %dma_wait3A_509 = arith.constant 0 : i32
      %dma_wait3A_510 = tpu.memref_slice %arg8[%dma_wait3A_508, %dma_wait3A_509] : memref<2x256xi32, #tpu.memory_space<vmem>> -> memref<1x128xi32, #tpu.memory_space<vmem>>
      %dma_wait3A_511 = tpu.memref_squeeze %dma_wait3A_510 : memref<1x128xi32, #tpu.memory_space<vmem>> -> memref<128xi32, #tpu.memory_space<vmem>>
      %dma_wait3A_512 = arith.constant 0 : i32
      %dma_wait3A_513 = tpu.memref_slice %arg7[%dma_wait3A_507, %dma_wait3A_512] : memref<2x256xi32, #tpu.memory_space<vmem>> -> memref<1x128xi32, #tpu.memory_space<vmem>>
      %dma_wait3A_514 = tpu.memref_squeeze %dma_wait3A_513 : memref<1x128xi32, #tpu.memory_space<vmem>> -> memref<128xi32, #tpu.memory_space<vmem>>
      %dma_wait3A_515 = arith.constant 0 : i32
      %dma_wait3A_516 = tpu.memref_slice %arg4[%dma_wait3A_515] : memref<1000448xi32, #tpu.memory_space<hbm>> -> memref<1000448xi32, #tpu.memory_space<hbm>>
      tpu.wait_indirect_dma semaphore(%arg18 : memref<!tpu.dma_semaphore, #tpu.memory_space<semaphore_mem>>) src(%dma_wait3A_516 : memref<1000448xi32, #tpu.memory_space<hbm>>) dst(%dma_wait3A_511 : memref<128xi32, #tpu.memory_space<vmem>>)
      %dma_wait3A_517 = arith.constant 1 : i32
      %dma_wait3A_518 = arith.constant 1 : i32
      %dma_wait3A_519 = arith.constant 128 : i32
      %dma_wait3A_520 = tpu.memref_slice %arg8[%dma_wait3A_518, %dma_wait3A_519] : memref<2x256xi32, #tpu.memory_space<vmem>> -> memref<1x128xi32, #tpu.memory_space<vmem>>
      %dma_wait3A_521 = tpu.memref_squeeze %dma_wait3A_520 : memref<1x128xi32, #tpu.memory_space<vmem>> -> memref<128xi32, #tpu.memory_space<vmem>>
      %dma_wait3A_522 = arith.constant 128 : i32
      %dma_wait3A_523 = tpu.memref_slice %arg7[%dma_wait3A_517, %dma_wait3A_522] : memref<2x256xi32, #tpu.memory_space<vmem>> -> memref<1x128xi32, #tpu.memory_space<vmem>>
      %dma_wait3A_524 = tpu.memref_squeeze %dma_wait3A_523 : memref<1x128xi32, #tpu.memory_space<vmem>> -> memref<128xi32, #tpu.memory_space<vmem>>
      %dma_wait3A_525 = arith.constant 0 : i32
      %dma_wait3A_526 = tpu.memref_slice %arg4[%dma_wait3A_525] : memref<1000448xi32, #tpu.memory_space<hbm>> -> memref<1000448xi32, #tpu.memory_space<hbm>>
      tpu.wait_indirect_dma semaphore(%arg18 : memref<!tpu.dma_semaphore, #tpu.memory_space<semaphore_mem>>) src(%dma_wait3A_526 : memref<1000448xi32, #tpu.memory_space<hbm>>) dst(%dma_wait3A_521 : memref<128xi32, #tpu.memory_space<vmem>>)
      %get3A_527 = arith.constant 1 : i32
      %get3A_528 = arith.index_cast %get3A_527 : i32 to index
      %get3A_529 = arith.constant 0 : index
      %get3A_530 = tpu.vector_load %arg8[%get3A_528, %get3A_529] {strides = array<i32>} : memref<2x256xi32, #tpu.memory_space<vmem>>, vector<16xi32>,
      %ge3A_531 = arith.constant 0 : i32
      %ge3A_532 = vector.broadcast %ge3A_531 : i32 to vector<16xi32>
      %ge3A_533 = arith.cmpi sge, %get3A_530, %ge3A_532 : vector<16xi32>
      %swap3A_534 = arith.index_cast %add3A_456 : i32 to index
      %swap3A_535 = tpu.vector_load %arg11[%swap3A_534] masked %ge3A_533 {strides = array<i32>} : memref<25856xi32, #tpu.memory_space<vmem>>, vector<16xi32>, vector<16xi1>
      tpu.vector_store %arg11[%swap3A_534], %get3A_530 masked %ge3A_533 {strides = array<i32>} : memref<25856xi32, #tpu.memory_space<vmem>>, vector<16xi32>, vector<16xi1>
      %mul3A_536 = arith.constant 256 : i32
      %mul3A_537 = arith.muli %add3A_506, %mul3A_536 : i32
      %add3A_538 = arith.addi %mul3A_2, %mul3A_537 : i32
      %add3A_539 = arith.constant 0 : i32
      %add3A_540 = arith.addi %add3A_538, %add3A_539 : i32
      %add3A_541 = vector.broadcast %add3A_540 : i32 to vector<16xi32>
      %add3A_542 = arith.addi %add3A_541, %iota3A : vector<16xi32>
      %swap3A_543 = arith.index_cast %add3A_456 : i32 to index
      %swap3A_544 = tpu.vector_load %arg12[%swap3A_543] masked %ge3A_533 {strides = array<i32>} : memref<25856xi32, #tpu.memory_space<vmem>>, vector<16xi32>, vector<16xi1>
      tpu.vector_store %arg12[%swap3A_543], %add3A_542 masked %ge3A_533 {strides = array<i32>} : memref<25856xi32, #tpu.memory_space<vmem>>, vector<16xi32>, vector<16xi1>
      %all_reduce_population_count3A_545 = tpu.all_reduce %ge3A_533 {dim = 0 : i64, kind = #tpu.reduction_kind<sum>} : vector<16xi1> -> vector<16xi32>
      %slice3A_546 = vector.extract_strided_slice %all_reduce_population_count3A_545 {offsets = [0], sizes = [1], strides = [1]} : vector<16xi32> to vector<1xi32>
      %squeeze3A_547 = vector.extract %slice3A_546[0] : i32 from vector<1xi32>
      %add3A_548 = arith.addi %add3A_456, %squeeze3A_547 : i32
      %get3A_549 = arith.constant 1 : i32
      %get3A_550 = arith.index_cast %get3A_549 : i32 to index
      %get3A_551 = arith.constant 16 : index
      %get3A_552 = tpu.vector_load %arg8[%get3A_550, %get3A_551] {strides = array<i32>} : memref<2x256xi32, #tpu.memory_space<vmem>>, vector<16xi32>,
      %ge3A_553 = arith.constant 0 : i32
      %ge3A_554 = vector.broadcast %ge3A_553 : i32 to vector<16xi32>
      %ge3A_555 = arith.cmpi sge, %get3A_552, %ge3A_554 : vector<16xi32>
      %swap3A_556 = arith.index_cast %add3A_548 : i32 to index
      %swap3A_557 = tpu.vector_load %arg11[%swap3A_556] masked %ge3A_555 {strides = array<i32>} : memref<25856xi32, #tpu.memory_space<vmem>>, vector<16xi32>, vector<16xi1>
      tpu.vector_store %arg11[%swap3A_556], %get3A_552 masked %ge3A_555 {strides = array<i32>} : memref<25856xi32, #tpu.memory_space<vmem>>, vector<16xi32>, vector<16xi1>
      %mul3A_558 = arith.constant 256 : i32
      %mul3A_559 = arith.muli %add3A_506, %mul3A_558 : i32
      %add3A_560 = arith.addi %mul3A_2, %mul3A_559 : i32
      %add3A_561 = arith.constant 16 : i32
      %add3A_562 = arith.addi %add3A_560, %add3A_561 : i32
      %add3A_563 = vector.broadcast %add3A_562 : i32 to vector<16xi32>
      %add3A_564 = arith.addi %add3A_563, %iota3A : vector<16xi32>
      %swap3A_565 = arith.index_cast %add3A_548 : i32 to index
      %swap3A_566 = tpu.vector_load %arg12[%swap3A_565] masked %ge3A_555 {strides = array<i32>} : memref<25856xi32, #tpu.memory_space<vmem>>, vector<16xi32>, vector<16xi1>
      tpu.vector_store %arg12[%swap3A_565], %add3A_564 masked %ge3A_555 {strides = array<i32>} : memref<25856xi32, #tpu.memory_space<vmem>>, vector<16xi32>, vector<16xi1>
      %all_reduce_population_count3A_567 = tpu.all_reduce %ge3A_555 {dim = 0 : i64, kind = #tpu.reduction_kind<sum>} : vector<16xi1> -> vector<16xi32>
      %slice3A_568 = vector.extract_strided_slice %all_reduce_population_count3A_567 {offsets = [0], sizes = [1], strides = [1]} : vector<16xi32> to vector<1xi32>
      %squeeze3A_569 = vector.extract %slice3A_568[0] : i32 from vector<1xi32>
      %add3A_570 = arith.addi %add3A_548, %squeeze3A_569 : i32
      %get3A_571 = arith.constant 1 : i32
      %get3A_572 = arith.index_cast %get3A_571 : i32 to index
      %get3A_573 = arith.constant 32 : index
      %get3A_574 = tpu.vector_load %arg8[%get3A_572, %get3A_573] {strides = array<i32>} : memref<2x256xi32, #tpu.memory_space<vmem>>, vector<16xi32>,
      %ge3A_575 = arith.constant 0 : i32
      %ge3A_576 = vector.broadcast %ge3A_575 : i32 to vector<16xi32>
      %ge3A_577 = arith.cmpi sge, %get3A_574, %ge3A_576 : vector<16xi32>
      %swap3A_578 = arith.index_cast %add3A_570 : i32 to index
      %swap3A_579 = tpu.vector_load %arg11[%swap3A_578] masked %ge3A_577 {strides = array<i32>} : memref<25856xi32, #tpu.memory_space<vmem>>, vector<16xi32>, vector<16xi1>
      tpu.vector_store %arg11[%swap3A_578], %get3A_574 masked %ge3A_577 {strides = array<i32>} : memref<25856xi32, #tpu.memory_space<vmem>>, vector<16xi32>, vector<16xi1>
      %mul3A_580 = arith.constant 256 : i32
      %mul3A_581 = arith.muli %add3A_506, %mul3A_580 : i32
      %add3A_582 = arith.addi %mul3A_2, %mul3A_581 : i32
      %add3A_583 = arith.constant 32 : i32
      %add3A_584 = arith.addi %add3A_582, %add3A_583 : i32
      %add3A_585 = vector.broadcast %add3A_584 : i32 to vector<16xi32>
      %add3A_586 = arith.addi %add3A_585, %iota3A : vector<16xi32>
      %swap3A_587 = arith.index_cast %add3A_570 : i32 to index
      %swap3A_588 = tpu.vector_load %arg12[%swap3A_587] masked %ge3A_577 {strides = array<i32>} : memref<25856xi32, #tpu.memory_space<vmem>>, vector<16xi32>, vector<16xi1>
      tpu.vector_store %arg12[%swap3A_587], %add3A_586 masked %ge3A_577 {strides = array<i32>} : memref<25856xi32, #tpu.memory_space<vmem>>, vector<16xi32>, vector<16xi1>
      %all_reduce_population_count3A_589 = tpu.all_reduce %ge3A_577 {dim = 0 : i64, kind = #tpu.reduction_kind<sum>} : vector<16xi1> -> vector<16xi32>
      %slice3A_590 = vector.extract_strided_slice %all_reduce_population_count3A_589 {offsets = [0], sizes = [1], strides = [1]} : vector<16xi32> to vector<1xi32>
      %squeeze3A_591 = vector.extract %slice3A_590[0] : i32 from vector<1xi32>
      %add3A_592 = arith.addi %add3A_570, %squeeze3A_591 : i32
      %get3A_593 = arith.constant 1 : i32
      %get3A_594 = arith.index_cast %get3A_593 : i32 to index
      %get3A_595 = arith.constant 48 : index
      %get3A_596 = tpu.vector_load %arg8[%get3A_594, %get3A_595] {strides = array<i32>} : memref<2x256xi32, #tpu.memory_space<vmem>>, vector<16xi32>,
      %ge3A_597 = arith.constant 0 : i32
      %ge3A_598 = vector.broadcast %ge3A_597 : i32 to vector<16xi32>
      %ge3A_599 = arith.cmpi sge, %get3A_596, %ge3A_598 : vector<16xi32>
      %swap3A_600 = arith.index_cast %add3A_592 : i32 to index
      %swap3A_601 = tpu.vector_load %arg11[%swap3A_600] masked %ge3A_599 {strides = array<i32>} : memref<25856xi32, #tpu.memory_space<vmem>>, vector<16xi32>, vector<16xi1>
      tpu.vector_store %arg11[%swap3A_600], %get3A_596 masked %ge3A_599 {strides = array<i32>} : memref<25856xi32, #tpu.memory_space<vmem>>, vector<16xi32>, vector<16xi1>
      %mul3A_602 = arith.constant 256 : i32
      %mul3A_603 = arith.muli %add3A_506, %mul3A_602 : i32
      %add3A_604 = arith.addi %mul3A_2, %mul3A_603 : i32
      %add3A_605 = arith.constant 48 : i32
      %add3A_606 = arith.addi %add3A_604, %add3A_605 : i32
      %add3A_607 = vector.broadcast %add3A_606 : i32 to vector<16xi32>
      %add3A_608 = arith.addi %add3A_607, %iota3A : vector<16xi32>
      %swap3A_609 = arith.index_cast %add3A_592 : i32 to index
      %swap3A_610 = tpu.vector_load %arg12[%swap3A_609] masked %ge3A_599 {strides = array<i32>} : memref<25856xi32, #tpu.memory_space<vmem>>, vector<16xi32>, vector<16xi1>
      tpu.vector_store %arg12[%swap3A_609], %add3A_608 masked %ge3A_599 {strides = array<i32>} : memref<25856xi32, #tpu.memory_space<vmem>>, vector<16xi32>, vector<16xi1>
      %all_reduce_population_count3A_611 = tpu.all_reduce %ge3A_599 {dim = 0 : i64, kind = #tpu.reduction_kind<sum>} : vector<16xi1> -> vector<16xi32>
      %slice3A_612 = vector.extract_strided_slice %all_reduce_population_count3A_611 {offsets = [0], sizes = [1], strides = [1]} : vector<16xi32> to vector<1xi32>
      %squeeze3A_613 = vector.extract %slice3A_612[0] : i32 from vector<1xi32>
      %add3A_614 = arith.addi %add3A_592, %squeeze3A_613 : i32
      %get3A_615 = arith.constant 1 : i32
      %get3A_616 = arith.index_cast %get3A_615 : i32 to index
      %get3A_617 = arith.constant 64 : index
      %get3A_618 = tpu.vector_load %arg8[%get3A_616, %get3A_617] {strides = array<i32>} : memref<2x256xi32, #tpu.memory_space<vmem>>, vector<16xi32>,
      %ge3A_619 = arith.constant 0 : i32
      %ge3A_620 = vector.broadcast %ge3A_619 : i32 to vector<16xi32>
      %ge3A_621 = arith.cmpi sge, %get3A_618, %ge3A_620 : vector<16xi32>
      %swap3A_622 = arith.index_cast %add3A_614 : i32 to index
      %swap3A_623 = tpu.vector_load %arg11[%swap3A_622] masked %ge3A_621 {strides = array<i32>} : memref<25856xi32, #tpu.memory_space<vmem>>, vector<16xi32>, vector<16xi1>
      tpu.vector_store %arg11[%swap3A_622], %get3A_618 masked %ge3A_621 {strides = array<i32>} : memref<25856xi32, #tpu.memory_space<vmem>>, vector<16xi32>, vector<16xi1>
      %mul3A_624 = arith.constant 256 : i32
      %mul3A_625 = arith.muli %add3A_506, %mul3A_624 : i32
      %add3A_626 = arith.addi %mul3A_2, %mul3A_625 : i32
      %add3A_627 = arith.constant 64 : i32
      %add3A_628 = arith.addi %add3A_626, %add3A_627 : i32
      %add3A_629 = vector.broadcast %add3A_628 : i32 to vector<16xi32>
      %add3A_630 = arith.addi %add3A_629, %iota3A : vector<16xi32>
      %swap3A_631 = arith.index_cast %add3A_614 : i32 to index
      %swap3A_632 = tpu.vector_load %arg12[%swap3A_631] masked %ge3A_621 {strides = array<i32>} : memref<25856xi32, #tpu.memory_space<vmem>>, vector<16xi32>, vector<16xi1>
      tpu.vector_store %arg12[%swap3A_631], %add3A_630 masked %ge3A_621 {strides = array<i32>} : memref<25856xi32, #tpu.memory_space<vmem>>, vector<16xi32>, vector<16xi1>
      %all_reduce_population_count3A_633 = tpu.all_reduce %ge3A_621 {dim = 0 : i64, kind = #tpu.reduction_kind<sum>} : vector<16xi1> -> vector<16xi32>
      %slice3A_634 = vector.extract_strided_slice %all_reduce_population_count3A_633 {offsets = [0], sizes = [1], strides = [1]} : vector<16xi32> to vector<1xi32>
      %squeeze3A_635 = vector.extract %slice3A_634[0] : i32 from vector<1xi32>
      %add3A_636 = arith.addi %add3A_614, %squeeze3A_635 : i32
      %get3A_637 = arith.constant 1 : i32
      %get3A_638 = arith.index_cast %get3A_637 : i32 to index
      %get3A_639 = arith.constant 80 : index
      %get3A_640 = tpu.vector_load %arg8[%get3A_638, %get3A_639] {strides = array<i32>} : memref<2x256xi32, #tpu.memory_space<vmem>>, vector<16xi32>,
      %ge3A_641 = arith.constant 0 : i32
      %ge3A_642 = vector.broadcast %ge3A_641 : i32 to vector<16xi32>
      %ge3A_643 = arith.cmpi sge, %get3A_640, %ge3A_642 : vector<16xi32>
      %swap3A_644 = arith.index_cast %add3A_636 : i32 to index
      %swap3A_645 = tpu.vector_load %arg11[%swap3A_644] masked %ge3A_643 {strides = array<i32>} : memref<25856xi32, #tpu.memory_space<vmem>>, vector<16xi32>, vector<16xi1>
      tpu.vector_store %arg11[%swap3A_644], %get3A_640 masked %ge3A_643 {strides = array<i32>} : memref<25856xi32, #tpu.memory_space<vmem>>, vector<16xi32>, vector<16xi1>
      %mul3A_646 = arith.constant 256 : i32
      %mul3A_647 = arith.muli %add3A_506, %mul3A_646 : i32
      %add3A_648 = arith.addi %mul3A_2, %mul3A_647 : i32
      %add3A_649 = arith.constant 80 : i32
      %add3A_650 = arith.addi %add3A_648, %add3A_649 : i32
      %add3A_651 = vector.broadcast %add3A_650 : i32 to vector<16xi32>
      %add3A_652 = arith.addi %add3A_651, %iota3A : vector<16xi32>
      %swap3A_653 = arith.index_cast %add3A_636 : i32 to index
      %swap3A_654 = tpu.vector_load %arg12[%swap3A_653] masked %ge3A_643 {strides = array<i32>} : memref<25856xi32, #tpu.memory_space<vmem>>, vector<16xi32>, vector<16xi1>
      tpu.vector_store %arg12[%swap3A_653], %add3A_652 masked %ge3A_643 {strides = array<i32>} : memref<25856xi32, #tpu.memory_space<vmem>>, vector<16xi32>, vector<16xi1>
      %all_reduce_population_count3A_655 = tpu.all_reduce %ge3A_643 {dim = 0 : i64, kind = #tpu.reduction_kind<sum>} : vector<16xi1> -> vector<16xi32>
      %slice3A_656 = vector.extract_strided_slice %all_reduce_population_count3A_655 {offsets = [0], sizes = [1], strides = [1]} : vector<16xi32> to vector<1xi32>
      %squeeze3A_657 = vector.extract %slice3A_656[0] : i32 from vector<1xi32>
      %add3A_658 = arith.addi %add3A_636, %squeeze3A_657 : i32
      %get3A_659 = arith.constant 1 : i32
      %get3A_660 = arith.index_cast %get3A_659 : i32 to index
      %get3A_661 = arith.constant 96 : index
      %get3A_662 = tpu.vector_load %arg8[%get3A_660, %get3A_661] {strides = array<i32>} : memref<2x256xi32, #tpu.memory_space<vmem>>, vector<16xi32>,
      %ge3A_663 = arith.constant 0 : i32
      %ge3A_664 = vector.broadcast %ge3A_663 : i32 to vector<16xi32>
      %ge3A_665 = arith.cmpi sge, %get3A_662, %ge3A_664 : vector<16xi32>
      %swap3A_666 = arith.index_cast %add3A_658 : i32 to index
      %swap3A_667 = tpu.vector_load %arg11[%swap3A_666] masked %ge3A_665 {strides = array<i32>} : memref<25856xi32, #tpu.memory_space<vmem>>, vector<16xi32>, vector<16xi1>
      tpu.vector_store %arg11[%swap3A_666], %get3A_662 masked %ge3A_665 {strides = array<i32>} : memref<25856xi32, #tpu.memory_space<vmem>>, vector<16xi32>, vector<16xi1>
      %mul3A_668 = arith.constant 256 : i32
      %mul3A_669 = arith.muli %add3A_506, %mul3A_668 : i32
      %add3A_670 = arith.addi %mul3A_2, %mul3A_669 : i32
      %add3A_671 = arith.constant 96 : i32
      %add3A_672 = arith.addi %add3A_670, %add3A_671 : i32
      %add3A_673 = vector.broadcast %add3A_672 : i32 to vector<16xi32>
      %add3A_674 = arith.addi %add3A_673, %iota3A : vector<16xi32>
      %swap3A_675 = arith.index_cast %add3A_658 : i32 to index
      %swap3A_676 = tpu.vector_load %arg12[%swap3A_675] masked %ge3A_665 {strides = array<i32>} : memref<25856xi32, #tpu.memory_space<vmem>>, vector<16xi32>, vector<16xi1>
      tpu.vector_store %arg12[%swap3A_675], %add3A_674 masked %ge3A_665 {strides = array<i32>} : memref<25856xi32, #tpu.memory_space<vmem>>, vector<16xi32>, vector<16xi1>
      %all_reduce_population_count3A_677 = tpu.all_reduce %ge3A_665 {dim = 0 : i64, kind = #tpu.reduction_kind<sum>} : vector<16xi1> -> vector<16xi32>
      %slice3A_678 = vector.extract_strided_slice %all_reduce_population_count3A_677 {offsets = [0], sizes = [1], strides = [1]} : vector<16xi32> to vector<1xi32>
      %squeeze3A_679 = vector.extract %slice3A_678[0] : i32 from vector<1xi32>
      %add3A_680 = arith.addi %add3A_658, %squeeze3A_679 : i32
      %get3A_681 = arith.constant 1 : i32
      %get3A_682 = arith.index_cast %get3A_681 : i32 to index
      %get3A_683 = arith.constant 112 : index
      %get3A_684 = tpu.vector_load %arg8[%get3A_682, %get3A_683] {strides = array<i32>} : memref<2x256xi32, #tpu.memory_space<vmem>>, vector<16xi32>,
      %ge3A_685 = arith.constant 0 : i32
      %ge3A_686 = vector.broadcast %ge3A_685 : i32 to vector<16xi32>
      %ge3A_687 = arith.cmpi sge, %get3A_684, %ge3A_686 : vector<16xi32>
      %swap3A_688 = arith.index_cast %add3A_680 : i32 to index
      %swap3A_689 = tpu.vector_load %arg11[%swap3A_688] masked %ge3A_687 {strides = array<i32>} : memref<25856xi32, #tpu.memory_space<vmem>>, vector<16xi32>, vector<16xi1>
      tpu.vector_store %arg11[%swap3A_688], %get3A_684 masked %ge3A_687 {strides = array<i32>} : memref<25856xi32, #tpu.memory_space<vmem>>, vector<16xi32>, vector<16xi1>
      %mul3A_690 = arith.constant 256 : i32
      %mul3A_691 = arith.muli %add3A_506, %mul3A_690 : i32
      %add3A_692 = arith.addi %mul3A_2, %mul3A_691 : i32
      %add3A_693 = arith.constant 112 : i32
      %add3A_694 = arith.addi %add3A_692, %add3A_693 : i32
      %add3A_695 = vector.broadcast %add3A_694 : i32 to vector<16xi32>
      %add3A_696 = arith.addi %add3A_695, %iota3A : vector<16xi32>
      %swap3A_697 = arith.index_cast %add3A_680 : i32 to index
      %swap3A_698 = tpu.vector_load %arg12[%swap3A_697] masked %ge3A_687 {strides = array<i32>} : memref<25856xi32, #tpu.memory_space<vmem>>, vector<16xi32>, vector<16xi1>
      tpu.vector_store %arg12[%swap3A_697], %add3A_696 masked %ge3A_687 {strides = array<i32>} : memref<25856xi32, #tpu.memory_space<vmem>>, vector<16xi32>, vector<16xi1>
      %all_reduce_population_count3A_699 = tpu.all_reduce %ge3A_687 {dim = 0 : i64, kind = #tpu.reduction_kind<sum>} : vector<16xi1> -> vector<16xi32>
      %slice3A_700 = vector.extract_strided_slice %all_reduce_population_count3A_699 {offsets = [0], sizes = [1], strides = [1]} : vector<16xi32> to vector<1xi32>
      %squeeze3A_701 = vector.extract %slice3A_700[0] : i32 from vector<1xi32>
      %add3A_702 = arith.addi %add3A_680, %squeeze3A_701 : i32
      %get3A_703 = arith.constant 1 : i32
      %get3A_704 = arith.index_cast %get3A_703 : i32 to index
      %get3A_705 = arith.constant 128 : index
      %get3A_706 = tpu.vector_load %arg8[%get3A_704, %get3A_705] {strides = array<i32>} : memref<2x256xi32, #tpu.memory_space<vmem>>, vector<16xi32>,
      %ge3A_707 = arith.constant 0 : i32
      %ge3A_708 = vector.broadcast %ge3A_707 : i32 to vector<16xi32>
      %ge3A_709 = arith.cmpi sge, %get3A_706, %ge3A_708 : vector<16xi32>
      %swap3A_710 = arith.index_cast %add3A_702 : i32 to index
      %swap3A_711 = tpu.vector_load %arg11[%swap3A_710] masked %ge3A_709 {strides = array<i32>} : memref<25856xi32, #tpu.memory_space<vmem>>, vector<16xi32>, vector<16xi1>
      tpu.vector_store %arg11[%swap3A_710], %get3A_706 masked %ge3A_709 {strides = array<i32>} : memref<25856xi32, #tpu.memory_space<vmem>>, vector<16xi32>, vector<16xi1>
      %mul3A_712 = arith.constant 256 : i32
      %mul3A_713 = arith.muli %add3A_506, %mul3A_712 : i32
      %add3A_714 = arith.addi %mul3A_2, %mul3A_713 : i32
      %add3A_715 = arith.constant 128 : i32
      %add3A_716 = arith.addi %add3A_714, %add3A_715 : i32
      %add3A_717 = vector.broadcast %add3A_716 : i32 to vector<16xi32>
      %add3A_718 = arith.addi %add3A_717, %iota3A : vector<16xi32>
      %swap3A_719 = arith.index_cast %add3A_702 : i32 to index
      %swap3A_720 = tpu.vector_load %arg12[%swap3A_719] masked %ge3A_709 {strides = array<i32>} : memref<25856xi32, #tpu.memory_space<vmem>>, vector<16xi32>, vector<16xi1>
      tpu.vector_store %arg12[%swap3A_719], %add3A_718 masked %ge3A_709 {strides = array<i32>} : memref<25856xi32, #tpu.memory_space<vmem>>, vector<16xi32>, vector<16xi1>
      %all_reduce_population_count3A_721 = tpu.all_reduce %ge3A_709 {dim = 0 : i64, kind = #tpu.reduction_kind<sum>} : vector<16xi1> -> vector<16xi32>
      %slice3A_722 = vector.extract_strided_slice %all_reduce_population_count3A_721 {offsets = [0], sizes = [1], strides = [1]} : vector<16xi32> to vector<1xi32>
      %squeeze3A_723 = vector.extract %slice3A_722[0] : i32 from vector<1xi32>
      %add3A_724 = arith.addi %add3A_702, %squeeze3A_723 : i32
      %get3A_725 = arith.constant 1 : i32
      %get3A_726 = arith.index_cast %get3A_725 : i32 to index
      %get3A_727 = arith.constant 144 : index
      %get3A_728 = tpu.vector_load %arg8[%get3A_726, %get3A_727] {strides = array<i32>} : memref<2x256xi32, #tpu.memory_space<vmem>>, vector<16xi32>,
      %ge3A_729 = arith.constant 0 : i32
      %ge3A_730 = vector.broadcast %ge3A_729 : i32 to vector<16xi32>
      %ge3A_731 = arith.cmpi sge, %get3A_728, %ge3A_730 : vector<16xi32>
      %swap3A_732 = arith.index_cast %add3A_724 : i32 to index
      %swap3A_733 = tpu.vector_load %arg11[%swap3A_732] masked %ge3A_731 {strides = array<i32>} : memref<25856xi32, #tpu.memory_space<vmem>>, vector<16xi32>, vector<16xi1>
      tpu.vector_store %arg11[%swap3A_732], %get3A_728 masked %ge3A_731 {strides = array<i32>} : memref<25856xi32, #tpu.memory_space<vmem>>, vector<16xi32>, vector<16xi1>
      %mul3A_734 = arith.constant 256 : i32
      %mul3A_735 = arith.muli %add3A_506, %mul3A_734 : i32
      %add3A_736 = arith.addi %mul3A_2, %mul3A_735 : i32
      %add3A_737 = arith.constant 144 : i32
      %add3A_738 = arith.addi %add3A_736, %add3A_737 : i32
      %add3A_739 = vector.broadcast %add3A_738 : i32 to vector<16xi32>
      %add3A_740 = arith.addi %add3A_739, %iota3A : vector<16xi32>
      %swap3A_741 = arith.index_cast %add3A_724 : i32 to index
      %swap3A_742 = tpu.vector_load %arg12[%swap3A_741] masked %ge3A_731 {strides = array<i32>} : memref<25856xi32, #tpu.memory_space<vmem>>, vector<16xi32>, vector<16xi1>
      tpu.vector_store %arg12[%swap3A_741], %add3A_740 masked %ge3A_731 {strides = array<i32>} : memref<25856xi32, #tpu.memory_space<vmem>>, vector<16xi32>, vector<16xi1>
      %all_reduce_population_count3A_743 = tpu.all_reduce %ge3A_731 {dim = 0 : i64, kind = #tpu.reduction_kind<sum>} : vector<16xi1> -> vector<16xi32>
      %slice3A_744 = vector.extract_strided_slice %all_reduce_population_count3A_743 {offsets = [0], sizes = [1], strides = [1]} : vector<16xi32> to vector<1xi32>
      %squeeze3A_745 = vector.extract %slice3A_744[0] : i32 from vector<1xi32>
      %add3A_746 = arith.addi %add3A_724, %squeeze3A_745 : i32
      %get3A_747 = arith.constant 1 : i32
      %get3A_748 = arith.index_cast %get3A_747 : i32 to index
      %get3A_749 = arith.constant 160 : index
      %get3A_750 = tpu.vector_load %arg8[%get3A_748, %get3A_749] {strides = array<i32>} : memref<2x256xi32, #tpu.memory_space<vmem>>, vector<16xi32>,
      %ge3A_751 = arith.constant 0 : i32
      %ge3A_752 = vector.broadcast %ge3A_751 : i32 to vector<16xi32>
      %ge3A_753 = arith.cmpi sge, %get3A_750, %ge3A_752 : vector<16xi32>
      %swap3A_754 = arith.index_cast %add3A_746 : i32 to index
      %swap3A_755 = tpu.vector_load %arg11[%swap3A_754] masked %ge3A_753 {strides = array<i32>} : memref<25856xi32, #tpu.memory_space<vmem>>, vector<16xi32>, vector<16xi1>
      tpu.vector_store %arg11[%swap3A_754], %get3A_750 masked %ge3A_753 {strides = array<i32>} : memref<25856xi32, #tpu.memory_space<vmem>>, vector<16xi32>, vector<16xi1>
      %mul3A_756 = arith.constant 256 : i32
      %mul3A_757 = arith.muli %add3A_506, %mul3A_756 : i32
      %add3A_758 = arith.addi %mul3A_2, %mul3A_757 : i32
      %add3A_759 = arith.constant 160 : i32
      %add3A_760 = arith.addi %add3A_758, %add3A_759 : i32
      %add3A_761 = vector.broadcast %add3A_760 : i32 to vector<16xi32>
      %add3A_762 = arith.addi %add3A_761, %iota3A : vector<16xi32>
      %swap3A_763 = arith.index_cast %add3A_746 : i32 to index
      %swap3A_764 = tpu.vector_load %arg12[%swap3A_763] masked %ge3A_753 {strides = array<i32>} : memref<25856xi32, #tpu.memory_space<vmem>>, vector<16xi32>, vector<16xi1>
      tpu.vector_store %arg12[%swap3A_763], %add3A_762 masked %ge3A_753 {strides = array<i32>} : memref<25856xi32, #tpu.memory_space<vmem>>, vector<16xi32>, vector<16xi1>
      %all_reduce_population_count3A_765 = tpu.all_reduce %ge3A_753 {dim = 0 : i64, kind = #tpu.reduction_kind<sum>} : vector<16xi1> -> vector<16xi32>
      %slice3A_766 = vector.extract_strided_slice %all_reduce_population_count3A_765 {offsets = [0], sizes = [1], strides = [1]} : vector<16xi32> to vector<1xi32>
      %squeeze3A_767 = vector.extract %slice3A_766[0] : i32 from vector<1xi32>
      %add3A_768 = arith.addi %add3A_746, %squeeze3A_767 : i32
      %get3A_769 = arith.constant 1 : i32
      %get3A_770 = arith.index_cast %get3A_769 : i32 to index
      %get3A_771 = arith.constant 176 : index
      %get3A_772 = tpu.vector_load %arg8[%get3A_770, %get3A_771] {strides = array<i32>} : memref<2x256xi32, #tpu.memory_space<vmem>>, vector<16xi32>,
      %ge3A_773 = arith.constant 0 : i32
      %ge3A_774 = vector.broadcast %ge3A_773 : i32 to vector<16xi32>
      %ge3A_775 = arith.cmpi sge, %get3A_772, %ge3A_774 : vector<16xi32>
      %swap3A_776 = arith.index_cast %add3A_768 : i32 to index
      %swap3A_777 = tpu.vector_load %arg11[%swap3A_776] masked %ge3A_775 {strides = array<i32>} : memref<25856xi32, #tpu.memory_space<vmem>>, vector<16xi32>, vector<16xi1>
      tpu.vector_store %arg11[%swap3A_776], %get3A_772 masked %ge3A_775 {strides = array<i32>} : memref<25856xi32, #tpu.memory_space<vmem>>, vector<16xi32>, vector<16xi1>
      %mul3A_778 = arith.constant 256 : i32
      %mul3A_779 = arith.muli %add3A_506, %mul3A_778 : i32
      %add3A_780 = arith.addi %mul3A_2, %mul3A_779 : i32
      %add3A_781 = arith.constant 176 : i32
      %add3A_782 = arith.addi %add3A_780, %add3A_781 : i32
      %add3A_783 = vector.broadcast %add3A_782 : i32 to vector<16xi32>
      %add3A_784 = arith.addi %add3A_783, %iota3A : vector<16xi32>
      %swap3A_785 = arith.index_cast %add3A_768 : i32 to index
      %swap3A_786 = tpu.vector_load %arg12[%swap3A_785] masked %ge3A_775 {strides = array<i32>} : memref<25856xi32, #tpu.memory_space<vmem>>, vector<16xi32>, vector<16xi1>
      tpu.vector_store %arg12[%swap3A_785], %add3A_784 masked %ge3A_775 {strides = array<i32>} : memref<25856xi32, #tpu.memory_space<vmem>>, vector<16xi32>, vector<16xi1>
      %all_reduce_population_count3A_787 = tpu.all_reduce %ge3A_775 {dim = 0 : i64, kind = #tpu.reduction_kind<sum>} : vector<16xi1> -> vector<16xi32>
      %slice3A_788 = vector.extract_strided_slice %all_reduce_population_count3A_787 {offsets = [0], sizes = [1], strides = [1]} : vector<16xi32> to vector<1xi32>
      %squeeze3A_789 = vector.extract %slice3A_788[0] : i32 from vector<1xi32>
      %add3A_790 = arith.addi %add3A_768, %squeeze3A_789 : i32
      %get3A_791 = arith.constant 1 : i32
      %get3A_792 = arith.index_cast %get3A_791 : i32 to index
      %get3A_793 = arith.constant 192 : index
      %get3A_794 = tpu.vector_load %arg8[%get3A_792, %get3A_793] {strides = array<i32>} : memref<2x256xi32, #tpu.memory_space<vmem>>, vector<16xi32>,
      %ge3A_795 = arith.constant 0 : i32
      %ge3A_796 = vector.broadcast %ge3A_795 : i32 to vector<16xi32>
      %ge3A_797 = arith.cmpi sge, %get3A_794, %ge3A_796 : vector<16xi32>
      %swap3A_798 = arith.index_cast %add3A_790 : i32 to index
      %swap3A_799 = tpu.vector_load %arg11[%swap3A_798] masked %ge3A_797 {strides = array<i32>} : memref<25856xi32, #tpu.memory_space<vmem>>, vector<16xi32>, vector<16xi1>
      tpu.vector_store %arg11[%swap3A_798], %get3A_794 masked %ge3A_797 {strides = array<i32>} : memref<25856xi32, #tpu.memory_space<vmem>>, vector<16xi32>, vector<16xi1>
      %mul3A_800 = arith.constant 256 : i32
      %mul3A_801 = arith.muli %add3A_506, %mul3A_800 : i32
      %add3A_802 = arith.addi %mul3A_2, %mul3A_801 : i32
      %add3A_803 = arith.constant 192 : i32
      %add3A_804 = arith.addi %add3A_802, %add3A_803 : i32
      %add3A_805 = vector.broadcast %add3A_804 : i32 to vector<16xi32>
      %add3A_806 = arith.addi %add3A_805, %iota3A : vector<16xi32>
      %swap3A_807 = arith.index_cast %add3A_790 : i32 to index
      %swap3A_808 = tpu.vector_load %arg12[%swap3A_807] masked %ge3A_797 {strides = array<i32>} : memref<25856xi32, #tpu.memory_space<vmem>>, vector<16xi32>, vector<16xi1>
      tpu.vector_store %arg12[%swap3A_807], %add3A_806 masked %ge3A_797 {strides = array<i32>} : memref<25856xi32, #tpu.memory_space<vmem>>, vector<16xi32>, vector<16xi1>
      %all_reduce_population_count3A_809 = tpu.all_reduce %ge3A_797 {dim = 0 : i64, kind = #tpu.reduction_kind<sum>} : vector<16xi1> -> vector<16xi32>
      %slice3A_810 = vector.extract_strided_slice %all_reduce_population_count3A_809 {offsets = [0], sizes = [1], strides = [1]} : vector<16xi32> to vector<1xi32>
      %squeeze3A_811 = vector.extract %slice3A_810[0] : i32 from vector<1xi32>
      %add3A_812 = arith.addi %add3A_790, %squeeze3A_811 : i32
      %get3A_813 = arith.constant 1 : i32
      %get3A_814 = arith.index_cast %get3A_813 : i32 to index
      %get3A_815 = arith.constant 208 : index
      %get3A_816 = tpu.vector_load %arg8[%get3A_814, %get3A_815] {strides = array<i32>} : memref<2x256xi32, #tpu.memory_space<vmem>>, vector<16xi32>,
      %ge3A_817 = arith.constant 0 : i32
      %ge3A_818 = vector.broadcast %ge3A_817 : i32 to vector<16xi32>
      %ge3A_819 = arith.cmpi sge, %get3A_816, %ge3A_818 : vector<16xi32>
      %swap3A_820 = arith.index_cast %add3A_812 : i32 to index
      %swap3A_821 = tpu.vector_load %arg11[%swap3A_820] masked %ge3A_819 {strides = array<i32>} : memref<25856xi32, #tpu.memory_space<vmem>>, vector<16xi32>, vector<16xi1>
      tpu.vector_store %arg11[%swap3A_820], %get3A_816 masked %ge3A_819 {strides = array<i32>} : memref<25856xi32, #tpu.memory_space<vmem>>, vector<16xi32>, vector<16xi1>
      %mul3A_822 = arith.constant 256 : i32
      %mul3A_823 = arith.muli %add3A_506, %mul3A_822 : i32
      %add3A_824 = arith.addi %mul3A_2, %mul3A_823 : i32
      %add3A_825 = arith.constant 208 : i32
      %add3A_826 = arith.addi %add3A_824, %add3A_825 : i32
      %add3A_827 = vector.broadcast %add3A_826 : i32 to vector<16xi32>
      %add3A_828 = arith.addi %add3A_827, %iota3A : vector<16xi32>
      %swap3A_829 = arith.index_cast %add3A_812 : i32 to index
      %swap3A_830 = tpu.vector_load %arg12[%swap3A_829] masked %ge3A_819 {strides = array<i32>} : memref<25856xi32, #tpu.memory_space<vmem>>, vector<16xi32>, vector<16xi1>
      tpu.vector_store %arg12[%swap3A_829], %add3A_828 masked %ge3A_819 {strides = array<i32>} : memref<25856xi32, #tpu.memory_space<vmem>>, vector<16xi32>, vector<16xi1>
      %all_reduce_population_count3A_831 = tpu.all_reduce %ge3A_819 {dim = 0 : i64, kind = #tpu.reduction_kind<sum>} : vector<16xi1> -> vector<16xi32>
      %slice3A_832 = vector.extract_strided_slice %all_reduce_population_count3A_831 {offsets = [0], sizes = [1], strides = [1]} : vector<16xi32> to vector<1xi32>
      %squeeze3A_833 = vector.extract %slice3A_832[0] : i32 from vector<1xi32>
      %add3A_834 = arith.addi %add3A_812, %squeeze3A_833 : i32
      %get3A_835 = arith.constant 1 : i32
      %get3A_836 = arith.index_cast %get3A_835 : i32 to index
      %get3A_837 = arith.constant 224 : index
      %get3A_838 = tpu.vector_load %arg8[%get3A_836, %get3A_837] {strides = array<i32>} : memref<2x256xi32, #tpu.memory_space<vmem>>, vector<16xi32>,
      %ge3A_839 = arith.constant 0 : i32
      %ge3A_840 = vector.broadcast %ge3A_839 : i32 to vector<16xi32>
      %ge3A_841 = arith.cmpi sge, %get3A_838, %ge3A_840 : vector<16xi32>
      %swap3A_842 = arith.index_cast %add3A_834 : i32 to index
      %swap3A_843 = tpu.vector_load %arg11[%swap3A_842] masked %ge3A_841 {strides = array<i32>} : memref<25856xi32, #tpu.memory_space<vmem>>, vector<16xi32>, vector<16xi1>
      tpu.vector_store %arg11[%swap3A_842], %get3A_838 masked %ge3A_841 {strides = array<i32>} : memref<25856xi32, #tpu.memory_space<vmem>>, vector<16xi32>, vector<16xi1>
      %mul3A_844 = arith.constant 256 : i32
      %mul3A_845 = arith.muli %add3A_506, %mul3A_844 : i32
      %add3A_846 = arith.addi %mul3A_2, %mul3A_845 : i32
      %add3A_847 = arith.constant 224 : i32
      %add3A_848 = arith.addi %add3A_846, %add3A_847 : i32
      %add3A_849 = vector.broadcast %add3A_848 : i32 to vector<16xi32>
      %add3A_850 = arith.addi %add3A_849, %iota3A : vector<16xi32>
      %swap3A_851 = arith.index_cast %add3A_834 : i32 to index
      %swap3A_852 = tpu.vector_load %arg12[%swap3A_851] masked %ge3A_841 {strides = array<i32>} : memref<25856xi32, #tpu.memory_space<vmem>>, vector<16xi32>, vector<16xi1>
      tpu.vector_store %arg12[%swap3A_851], %add3A_850 masked %ge3A_841 {strides = array<i32>} : memref<25856xi32, #tpu.memory_space<vmem>>, vector<16xi32>, vector<16xi1>
      %all_reduce_population_count3A_853 = tpu.all_reduce %ge3A_841 {dim = 0 : i64, kind = #tpu.reduction_kind<sum>} : vector<16xi1> -> vector<16xi32>
      %slice3A_854 = vector.extract_strided_slice %all_reduce_population_count3A_853 {offsets = [0], sizes = [1], strides = [1]} : vector<16xi32> to vector<1xi32>
      %squeeze3A_855 = vector.extract %slice3A_854[0] : i32 from vector<1xi32>
      %add3A_856 = arith.addi %add3A_834, %squeeze3A_855 : i32
      %get3A_857 = arith.constant 1 : i32
      %get3A_858 = arith.index_cast %get3A_857 : i32 to index
      %get3A_859 = arith.constant 240 : index
      %get3A_860 = tpu.vector_load %arg8[%get3A_858, %get3A_859] {strides = array<i32>} : memref<2x256xi32, #tpu.memory_space<vmem>>, vector<16xi32>,
      %ge3A_861 = arith.constant 0 : i32
      %ge3A_862 = vector.broadcast %ge3A_861 : i32 to vector<16xi32>
      %ge3A_863 = arith.cmpi sge, %get3A_860, %ge3A_862 : vector<16xi32>
      %swap3A_864 = arith.index_cast %add3A_856 : i32 to index
      %swap3A_865 = tpu.vector_load %arg11[%swap3A_864] masked %ge3A_863 {strides = array<i32>} : memref<25856xi32, #tpu.memory_space<vmem>>, vector<16xi32>, vector<16xi1>
      tpu.vector_store %arg11[%swap3A_864], %get3A_860 masked %ge3A_863 {strides = array<i32>} : memref<25856xi32, #tpu.memory_space<vmem>>, vector<16xi32>, vector<16xi1>
      %mul3A_866 = arith.constant 256 : i32
      %mul3A_867 = arith.muli %add3A_506, %mul3A_866 : i32
      %add3A_868 = arith.addi %mul3A_2, %mul3A_867 : i32
      %add3A_869 = arith.constant 240 : i32
      %add3A_870 = arith.addi %add3A_868, %add3A_869 : i32
      %add3A_871 = vector.broadcast %add3A_870 : i32 to vector<16xi32>
      %add3A_872 = arith.addi %add3A_871, %iota3A : vector<16xi32>
      %swap3A_873 = arith.index_cast %add3A_856 : i32 to index
      %swap3A_874 = tpu.vector_load %arg12[%swap3A_873] masked %ge3A_863 {strides = array<i32>} : memref<25856xi32, #tpu.memory_space<vmem>>, vector<16xi32>, vector<16xi1>
      tpu.vector_store %arg12[%swap3A_873], %add3A_872 masked %ge3A_863 {strides = array<i32>} : memref<25856xi32, #tpu.memory_space<vmem>>, vector<16xi32>, vector<16xi1>
      %all_reduce_population_count3A_875 = tpu.all_reduce %ge3A_863 {dim = 0 : i64, kind = #tpu.reduction_kind<sum>} : vector<16xi1> -> vector<16xi32>
      %slice3A_876 = vector.extract_strided_slice %all_reduce_population_count3A_875 {offsets = [0], sizes = [1], strides = [1]} : vector<16xi32> to vector<1xi32>
      %squeeze3A_877 = vector.extract %slice3A_876[0] : i32 from vector<1xi32>
      %add3A_878 = arith.addi %add3A_856, %squeeze3A_877 : i32
      %add3A_879 = arith.constant 1 : i32
      %add3A_880 = arith.addi %add3A_506, %add3A_879 : i32
      %lt3A_881 = arith.constant 100 : i32
      %lt3A_882 = arith.cmpi slt, %add3A_880, %lt3A_881 : i32
      %convert_element_type3A_883 = arith.extui %lt3A_882 : i1 to i32
      %cond3A_884 = arith.constant 0 : i32
      %cond3A_885 = arith.cmpi ne, %convert_element_type3A_883, %cond3A_884 : i32
      scf.if %cond3A_885 {
        %ge3A_926 = arith.constant 1 : i32
        %ge3A_927 = arith.cmpi sge, %add3A_506, %ge3A_926 : i32
        %convert_element_type3A_928 = arith.extui %ge3A_927 : i1 to i32
        %cond3A_929 = arith.constant 0 : i32
        %cond3A_930 = arith.cmpi ne, %convert_element_type3A_928, %cond3A_929 : i32
        scf.if %cond3A_930 {
          %sub3A = arith.constant 1 : i32
          %sub3A_981 = arith.subi %add3A_506, %sub3A : i32
          %mul3A_982 = arith.constant 256 : i32
          %mul3A_983 = arith.muli %sub3A_981, %mul3A_982 : i32
          %add3A_984 = arith.addi %mul3A_2, %mul3A_983 : i32
          %dma_wait3A_985 = arith.constant 0 : i32
          %dma_wait3A_986 = arith.constant 0 : i32
          %dma_wait3A_987 = arith.constant 0 : i32
          %dma_wait3A_988 = tpu.memref_slice %arg9[%dma_wait3A_985, %dma_wait3A_986, %dma_wait3A_987] : memref<2x256x64xf32, #tpu.memory_space<vmem>> -> memref<1x256x64xf32, #tpu.memory_space<vmem>>
          %dma_wait3A_989 = tpu.memref_squeeze %dma_wait3A_988 : memref<1x256x64xf32, #tpu.memory_space<vmem>> -> memref<256x64xf32, #tpu.memory_space<vmem>>
          %dma_wait3A_990 = arith.constant 0 : i32
          %dma_wait3A_991 = tpu.memref_slice %arg6[%add3A_984, %dma_wait3A_990] : memref<819200x64xf32, #tpu.memory_space<hbm>> -> memref<256x64xf32, #tpu.memory_space<hbm>>
          %dma_wait3A_992 = arith.constant 0 : i32
          %dma_wait3A_993 = tpu.memref_slice %arg6[%add3A_984, %dma_wait3A_992] : memref<819200x64xf32, #tpu.memory_space<hbm>> -> memref<256x64xf32, #tpu.memory_space<hbm>>
          %dma_wait3A_994 = arith.constant 0 : i32
          %dma_wait3A_995 = arith.constant 0 : i32
          %dma_wait3A_996 = tpu.memref_slice %arg9[%dma_wait3A_985, %dma_wait3A_994, %dma_wait3A_995] : memref<2x256x64xf32, #tpu.memory_space<vmem>> -> memref<1x256x64xf32, #tpu.memory_space<vmem>>
          %dma_wait3A_997 = tpu.memref_squeeze %dma_wait3A_996 : memref<1x256x64xf32, #tpu.memory_space<vmem>> -> memref<256x64xf32, #tpu.memory_space<vmem>>
          tpu.wait_dma2 semaphore(%arg19 : memref<!tpu.dma_semaphore, #tpu.memory_space<semaphore_mem>>) src(%dma_wait3A_997 : memref<256x64xf32, #tpu.memory_space<vmem>>) dst(%dma_wait3A_993 : memref<256x64xf32, #tpu.memory_space<hbm>>)
        } else {
        }
        %add3A_931 = arith.constant 1 : i32
        %add3A_932 = arith.addi %add3A_506, %add3A_931 : i32
        %mul3A_933 = arith.constant 256 : i32
        %mul3A_934 = arith.muli %add3A_932, %mul3A_933 : i32
        %add3A_935 = arith.addi %mul3A_2, %mul3A_934 : i32
        %run_scoped3A_936 = arith.constant 0 : i32
        "tpu.region"() ({
          %run_scoped3A_981 = tpu.sem_alloc : memref<!tpu.dma_semaphore, #tpu.memory_space<semaphore_mem>>
          %dma_start3A_982 = arith.constant 0 : i32
          %dma_start3A_983 = tpu.memref_slice %arg7[%run_scoped3A_936, %dma_start3A_982] : memref<2x256xi32, #tpu.memory_space<vmem>> -> memref<1x256xi32, #tpu.memory_space<vmem>>
          %dma_start3A_984 = tpu.memref_squeeze %dma_start3A_983 : memref<1x256xi32, #tpu.memory_space<vmem>> -> memref<256xi32, #tpu.memory_space<vmem>>
          %dma_start3A_985 = tpu.memref_slice %arg2[%add3A_935] : memref<819200xi32, #tpu.memory_space<hbm>> -> memref<256xi32, #tpu.memory_space<hbm>>
          %dma_start3A_986 = arith.constant 0 : i32
          %dma_start3A_987 = tpu.memref_slice %arg7[%run_scoped3A_936, %dma_start3A_986] : memref<2x256xi32, #tpu.memory_space<vmem>> -> memref<1x256xi32, #tpu.memory_space<vmem>>
          %dma_start3A_988 = tpu.memref_squeeze %dma_start3A_987 : memref<1x256xi32, #tpu.memory_space<vmem>> -> memref<256xi32, #tpu.memory_space<vmem>>
          %dma_start3A_989 = tpu.memref_slice %arg2[%add3A_935] : memref<819200xi32, #tpu.memory_space<hbm>> -> memref<256xi32, #tpu.memory_space<hbm>>
          tpu.enqueue_dma source(%dma_start3A_989 : memref<256xi32, #tpu.memory_space<hbm>>) target(%dma_start3A_988 : memref<256xi32, #tpu.memory_space<vmem>>) target_semaphore(%run_scoped3A_981 : memref<!tpu.dma_semaphore, #tpu.memory_space<semaphore_mem>>)
          %dma_wait3A_990 = arith.constant 0 : i32
          %dma_wait3A_991 = tpu.memref_slice %arg7[%run_scoped3A_936, %dma_wait3A_990] : memref<2x256xi32, #tpu.memory_space<vmem>> -> memref<1x256xi32, #tpu.memory_space<vmem>>
          %dma_wait3A_992 = tpu.memref_squeeze %dma_wait3A_991 : memref<1x256xi32, #tpu.memory_space<vmem>> -> memref<256xi32, #tpu.memory_space<vmem>>
          %dma_wait3A_993 = tpu.memref_slice %arg2[%add3A_935] : memref<819200xi32, #tpu.memory_space<hbm>> -> memref<256xi32, #tpu.memory_space<hbm>>
          %dma_wait3A_994 = arith.constant 0 : i32
          %dma_wait3A_995 = tpu.memref_slice %arg7[%run_scoped3A_936, %dma_wait3A_994] : memref<2x256xi32, #tpu.memory_space<vmem>> -> memref<1x256xi32, #tpu.memory_space<vmem>>
          %dma_wait3A_996 = tpu.memref_squeeze %dma_wait3A_995 : memref<1x256xi32, #tpu.memory_space<vmem>> -> memref<256xi32, #tpu.memory_space<vmem>>
          %dma_wait3A_997 = tpu.memref_slice %arg2[%add3A_935] : memref<819200xi32, #tpu.memory_space<hbm>> -> memref<256xi32, #tpu.memory_space<hbm>>
          tpu.wait_dma2 semaphore(%run_scoped3A_981 : memref<!tpu.dma_semaphore, #tpu.memory_space<semaphore_mem>>) src(%dma_wait3A_997 : memref<256xi32, #tpu.memory_space<hbm>>) dst(%dma_wait3A_996 : memref<256xi32, #tpu.memory_space<vmem>>)
          tpu.yield
        }) : () -> ()
        %dma_start3A_937 = arith.constant 0 : i32
        %dma_start3A_938 = arith.constant 0 : i32
        %dma_start3A_939 = arith.constant 0 : i32
        %dma_start3A_940 = arith.constant 0 : i32
        %dma_start3A_941 = tpu.memref_slice %arg9[%dma_start3A_938, %dma_start3A_939, %dma_start3A_940] : memref<2x256x64xf32, #tpu.memory_space<vmem>> -> memref<1x128x64xf32, #tpu.memory_space<vmem>>
        %dma_start3A_942 = tpu.memref_squeeze %dma_start3A_941 : memref<1x128x64xf32, #tpu.memory_space<vmem>> -> memref<128x64xf32, #tpu.memory_space<vmem>>
        %dma_start3A_943 = arith.constant 0 : i32
        %dma_start3A_944 = tpu.memref_slice %arg7[%dma_start3A_937, %dma_start3A_943] : memref<2x256xi32, #tpu.memory_space<vmem>> -> memref<1x128xi32, #tpu.memory_space<vmem>>
        %dma_start3A_945 = tpu.memref_squeeze %dma_start3A_944 : memref<1x128xi32, #tpu.memory_space<vmem>> -> memref<128xi32, #tpu.memory_space<vmem>>
        %dma_start3A_946 = arith.constant 0 : i32
        %dma_start3A_947 = arith.constant 0 : i32
        %dma_start3A_948 = tpu.memref_slice %arg3[%dma_start3A_946, %dma_start3A_947] : memref<1000000x64xf32, #tpu.memory_space<hbm>> -> memref<1000000x64xf32, #tpu.memory_space<hbm>>
        tpu.enqueue_indirect_dma source(%dma_start3A_948 : memref<1000000x64xf32, #tpu.memory_space<hbm>>) target(%dma_start3A_942 : memref<128x64xf32, #tpu.memory_space<vmem>>) offsets(%dma_start3A_945 : memref<128xi32, #tpu.memory_space<vmem>>) semaphore(%arg15 : memref<!tpu.dma_semaphore, #tpu.memory_space<semaphore_mem>>)
        %dma_start3A_949 = arith.constant 0 : i32
        %dma_start3A_950 = arith.constant 0 : i32
        %dma_start3A_951 = arith.constant 0 : i32
        %dma_start3A_952 = tpu.memref_slice %arg8[%dma_start3A_950, %dma_start3A_951] : memref<2x256xi32, #tpu.memory_space<vmem>> -> memref<1x128xi32, #tpu.memory_space<vmem>>
        %dma_start3A_953 = tpu.memref_squeeze %dma_start3A_952 : memref<1x128xi32, #tpu.memory_space<vmem>> -> memref<128xi32, #tpu.memory_space<vmem>>
        %dma_start3A_954 = arith.constant 0 : i32
        %dma_start3A_955 = tpu.memref_slice %arg7[%dma_start3A_949, %dma_start3A_954] : memref<2x256xi32, #tpu.memory_space<vmem>> -> memref<1x128xi32, #tpu.memory_space<vmem>>
        %dma_start3A_956 = tpu.memref_squeeze %dma_start3A_955 : memref<1x128xi32, #tpu.memory_space<vmem>> -> memref<128xi32, #tpu.memory_space<vmem>>
        %dma_start3A_957 = arith.constant 0 : i32
        %dma_start3A_958 = tpu.memref_slice %arg4[%dma_start3A_957] : memref<1000448xi32, #tpu.memory_space<hbm>> -> memref<1000448xi32, #tpu.memory_space<hbm>>
        tpu.enqueue_indirect_dma source(%dma_start3A_958 : memref<1000448xi32, #tpu.memory_space<hbm>>) target(%dma_start3A_953 : memref<128xi32, #tpu.memory_space<vmem>>) offsets(%dma_start3A_956 : memref<128xi32, #tpu.memory_space<vmem>>) semaphore(%arg17 : memref<!tpu.dma_semaphore, #tpu.memory_space<semaphore_mem>>)
        %dma_start3A_959 = arith.constant 0 : i32
        %dma_start3A_960 = arith.constant 0 : i32
        %dma_start3A_961 = arith.constant 128 : i32
        %dma_start3A_962 = arith.constant 0 : i32
        %dma_start3A_963 = tpu.memref_slice %arg9[%dma_start3A_960, %dma_start3A_961, %dma_start3A_962] : memref<2x256x64xf32, #tpu.memory_space<vmem>> -> memref<1x128x64xf32, #tpu.memory_space<vmem>>
        %dma_start3A_964 = tpu.memref_squeeze %dma_start3A_963 : memref<1x128x64xf32, #tpu.memory_space<vmem>> -> memref<128x64xf32, #tpu.memory_space<vmem>>
        %dma_start3A_965 = arith.constant 128 : i32
        %dma_start3A_966 = tpu.memref_slice %arg7[%dma_start3A_959, %dma_start3A_965] : memref<2x256xi32, #tpu.memory_space<vmem>> -> memref<1x128xi32, #tpu.memory_space<vmem>>
        %dma_start3A_967 = tpu.memref_squeeze %dma_start3A_966 : memref<1x128xi32, #tpu.memory_space<vmem>> -> memref<128xi32, #tpu.memory_space<vmem>>
        %dma_start3A_968 = arith.constant 0 : i32
        %dma_start3A_969 = arith.constant 0 : i32
        %dma_start3A_970 = tpu.memref_slice %arg3[%dma_start3A_968, %dma_start3A_969] : memref<1000000x64xf32, #tpu.memory_space<hbm>> -> memref<1000000x64xf32, #tpu.memory_space<hbm>>
        tpu.enqueue_indirect_dma source(%dma_start3A_970 : memref<1000000x64xf32, #tpu.memory_space<hbm>>) target(%dma_start3A_964 : memref<128x64xf32, #tpu.memory_space<vmem>>) offsets(%dma_start3A_967 : memref<128xi32, #tpu.memory_space<vmem>>) semaphore(%arg15 : memref<!tpu.dma_semaphore, #tpu.memory_space<semaphore_mem>>)
        %dma_start3A_971 = arith.constant 0 : i32
        %dma_start3A_972 = arith.constant 0 : i32
        %dma_start3A_973 = arith.constant 128 : i32
        %dma_start3A_974 = tpu.memref_slice %arg8[%dma_start3A_972, %dma_start3A_973] : memref<2x256xi32, #tpu.memory_space<vmem>> -> memref<1x128xi32, #tpu.memory_space<vmem>>
        %dma_start3A_975 = tpu.memref_squeeze %dma_start3A_974 : memref<1x128xi32, #tpu.memory_space<vmem>> -> memref<128xi32, #tpu.memory_space<vmem>>
        %dma_start3A_976 = arith.constant 128 : i32
        %dma_start3A_977 = tpu.memref_slice %arg7[%dma_start3A_971, %dma_start3A_976] : memref<2x256xi32, #tpu.memory_space<vmem>> -> memref<1x128xi32, #tpu.memory_space<vmem>>
        %dma_start3A_978 = tpu.memref_squeeze %dma_start3A_977 : memref<1x128xi32, #tpu.memory_space<vmem>> -> memref<128xi32, #tpu.memory_space<vmem>>
        %dma_start3A_979 = arith.constant 0 : i32
        %dma_start3A_980 = tpu.memref_slice %arg4[%dma_start3A_979] : memref<1000448xi32, #tpu.memory_space<hbm>> -> memref<1000448xi32, #tpu.memory_space<hbm>>
        tpu.enqueue_indirect_dma source(%dma_start3A_980 : memref<1000448xi32, #tpu.memory_space<hbm>>) target(%dma_start3A_975 : memref<128xi32, #tpu.memory_space<vmem>>) offsets(%dma_start3A_978 : memref<128xi32, #tpu.memory_space<vmem>>) semaphore(%arg17 : memref<!tpu.dma_semaphore, #tpu.memory_space<semaphore_mem>>)
      } else {
      }
      %dma_wait3A_886 = arith.constant 1 : i32
      %dma_wait3A_887 = arith.constant 1 : i32
      %dma_wait3A_888 = arith.constant 0 : i32
      %dma_wait3A_889 = arith.constant 0 : i32
      %dma_wait3A_890 = tpu.memref_slice %arg9[%dma_wait3A_887, %dma_wait3A_888, %dma_wait3A_889] : memref<2x256x64xf32, #tpu.memory_space<vmem>> -> memref<1x128x64xf32, #tpu.memory_space<vmem>>
      %dma_wait3A_891 = tpu.memref_squeeze %dma_wait3A_890 : memref<1x128x64xf32, #tpu.memory_space<vmem>> -> memref<128x64xf32, #tpu.memory_space<vmem>>
      %dma_wait3A_892 = arith.constant 0 : i32
      %dma_wait3A_893 = tpu.memref_slice %arg7[%dma_wait3A_886, %dma_wait3A_892] : memref<2x256xi32, #tpu.memory_space<vmem>> -> memref<1x128xi32, #tpu.memory_space<vmem>>
      %dma_wait3A_894 = tpu.memref_squeeze %dma_wait3A_893 : memref<1x128xi32, #tpu.memory_space<vmem>> -> memref<128xi32, #tpu.memory_space<vmem>>
      %dma_wait3A_895 = arith.constant 0 : i32
      %dma_wait3A_896 = arith.constant 0 : i32
      %dma_wait3A_897 = tpu.memref_slice %arg3[%dma_wait3A_895, %dma_wait3A_896] : memref<1000000x64xf32, #tpu.memory_space<hbm>> -> memref<1000000x64xf32, #tpu.memory_space<hbm>>
      tpu.wait_indirect_dma semaphore(%arg16 : memref<!tpu.dma_semaphore, #tpu.memory_space<semaphore_mem>>) src(%dma_wait3A_897 : memref<1000000x64xf32, #tpu.memory_space<hbm>>) dst(%dma_wait3A_891 : memref<128x64xf32, #tpu.memory_space<vmem>>)
      %dma_wait3A_898 = arith.constant 1 : i32
      %dma_wait3A_899 = arith.constant 1 : i32
      %dma_wait3A_900 = arith.constant 128 : i32
      %dma_wait3A_901 = arith.constant 0 : i32
      %dma_wait3A_902 = tpu.memref_slice %arg9[%dma_wait3A_899, %dma_wait3A_900, %dma_wait3A_901] : memref<2x256x64xf32, #tpu.memory_space<vmem>> -> memref<1x128x64xf32, #tpu.memory_space<vmem>>
      %dma_wait3A_903 = tpu.memref_squeeze %dma_wait3A_902 : memref<1x128x64xf32, #tpu.memory_space<vmem>> -> memref<128x64xf32, #tpu.memory_space<vmem>>
      %dma_wait3A_904 = arith.constant 128 : i32
      %dma_wait3A_905 = tpu.memref_slice %arg7[%dma_wait3A_898, %dma_wait3A_904] : memref<2x256xi32, #tpu.memory_space<vmem>> -> memref<1x128xi32, #tpu.memory_space<vmem>>
      %dma_wait3A_906 = tpu.memref_squeeze %dma_wait3A_905 : memref<1x128xi32, #tpu.memory_space<vmem>> -> memref<128xi32, #tpu.memory_space<vmem>>
      %dma_wait3A_907 = arith.constant 0 : i32
      %dma_wait3A_908 = arith.constant 0 : i32
      %dma_wait3A_909 = tpu.memref_slice %arg3[%dma_wait3A_907, %dma_wait3A_908] : memref<1000000x64xf32, #tpu.memory_space<hbm>> -> memref<1000000x64xf32, #tpu.memory_space<hbm>>
      tpu.wait_indirect_dma semaphore(%arg16 : memref<!tpu.dma_semaphore, #tpu.memory_space<semaphore_mem>>) src(%dma_wait3A_909 : memref<1000000x64xf32, #tpu.memory_space<hbm>>) dst(%dma_wait3A_903 : memref<128x64xf32, #tpu.memory_space<vmem>>)
      %mul3A_910 = arith.constant 256 : i32
      %mul3A_911 = arith.muli %add3A_506, %mul3A_910 : i32
      %add3A_912 = arith.addi %mul3A_2, %mul3A_911 : i32
      %dma_start3A_913 = arith.constant 1 : i32
      %dma_start3A_914 = arith.constant 0 : i32
      %dma_start3A_915 = arith.constant 0 : i32
      %dma_start3A_916 = tpu.memref_slice %arg9[%dma_start3A_913, %dma_start3A_914, %dma_start3A_915] : memref<2x256x64xf32, #tpu.memory_space<vmem>> -> memref<1x256x64xf32, #tpu.memory_space<vmem>>
      %dma_start3A_917 = tpu.memref_squeeze %dma_start3A_916 : memref<1x256x64xf32, #tpu.memory_space<vmem>> -> memref<256x64xf32, #tpu.memory_space<vmem>>
      %dma_start3A_918 = arith.constant 0 : i32
      %dma_start3A_919 = tpu.memref_slice %arg6[%add3A_912, %dma_start3A_918] : memref<819200x64xf32, #tpu.memory_space<hbm>> -> memref<256x64xf32, #tpu.memory_space<hbm>>
      %dma_start3A_920 = arith.constant 0 : i32
      %dma_start3A_921 = tpu.memref_slice %arg6[%add3A_912, %dma_start3A_920] : memref<819200x64xf32, #tpu.memory_space<hbm>> -> memref<256x64xf32, #tpu.memory_space<hbm>>
      %dma_start3A_922 = arith.constant 0 : i32
      %dma_start3A_923 = arith.constant 0 : i32
      %dma_start3A_924 = tpu.memref_slice %arg9[%dma_start3A_913, %dma_start3A_922, %dma_start3A_923] : memref<2x256x64xf32, #tpu.memory_space<vmem>> -> memref<1x256x64xf32, #tpu.memory_space<vmem>>
      %dma_start3A_925 = tpu.memref_squeeze %dma_start3A_924 : memref<1x256x64xf32, #tpu.memory_space<vmem>> -> memref<256x64xf32, #tpu.memory_space<vmem>>
      tpu.enqueue_dma source(%dma_start3A_925 : memref<256x64xf32, #tpu.memory_space<vmem>>) target(%dma_start3A_921 : memref<256x64xf32, #tpu.memory_space<hbm>>) target_semaphore(%arg20 : memref<!tpu.dma_semaphore, #tpu.memory_space<semaphore_mem>>)
      scf.yield %add3A_878 : i32
    }
    %scan3A_53 = arith.constant 50 : i32
    %add3A_54 = arith.constant 25344 : i32
    %add3A_55 = arith.addi %mul3A_2, %add3A_54 : i32
    %dma_wait3A = arith.constant 1 : i32
    %dma_wait3A_56 = arith.constant 0 : i32
    %dma_wait3A_57 = arith.constant 0 : i32
    %dma_wait3A_58 = tpu.memref_slice %arg9[%dma_wait3A, %dma_wait3A_56, %dma_wait3A_57] : memref<2x256x64xf32, #tpu.memory_space<vmem>> -> memref<1x256x64xf32, #tpu.memory_space<vmem>>
    %dma_wait3A_59 = tpu.memref_squeeze %dma_wait3A_58 : memref<1x256x64xf32, #tpu.memory_space<vmem>> -> memref<256x64xf32, #tpu.memory_space<vmem>>
    %dma_wait3A_60 = arith.constant 0 : i32
    %dma_wait3A_61 = tpu.memref_slice %arg6[%add3A_55, %dma_wait3A_60] : memref<819200x64xf32, #tpu.memory_space<hbm>> -> memref<256x64xf32, #tpu.memory_space<hbm>>
    %dma_wait3A_62 = arith.constant 0 : i32
    %dma_wait3A_63 = tpu.memref_slice %arg6[%add3A_55, %dma_wait3A_62] : memref<819200x64xf32, #tpu.memory_space<hbm>> -> memref<256x64xf32, #tpu.memory_space<hbm>>
    %dma_wait3A_64 = arith.constant 0 : i32
    %dma_wait3A_65 = arith.constant 0 : i32
    %dma_wait3A_66 = tpu.memref_slice %arg9[%dma_wait3A, %dma_wait3A_64, %dma_wait3A_65] : memref<2x256x64xf32, #tpu.memory_space<vmem>> -> memref<1x256x64xf32, #tpu.memory_space<vmem>>
    %dma_wait3A_67 = tpu.memref_squeeze %dma_wait3A_66 : memref<1x256x64xf32, #tpu.memory_space<vmem>> -> memref<256x64xf32, #tpu.memory_space<vmem>>
    tpu.wait_dma2 semaphore(%arg20 : memref<!tpu.dma_semaphore, #tpu.memory_space<semaphore_mem>>) src(%dma_wait3A_67 : memref<256x64xf32, #tpu.memory_space<vmem>>) dst(%dma_wait3A_63 : memref<256x64xf32, #tpu.memory_space<hbm>>)
    %add3A_68 = arith.constant 25088 : i32
    %add3A_69 = arith.addi %mul3A_2, %add3A_68 : i32
    %dma_wait3A_70 = arith.constant 0 : i32
    %dma_wait3A_71 = arith.constant 0 : i32
    %dma_wait3A_72 = arith.constant 0 : i32
    %dma_wait3A_73 = tpu.memref_slice %arg9[%dma_wait3A_70, %dma_wait3A_71, %dma_wait3A_72] : memref<2x256x64xf32, #tpu.memory_space<vmem>> -> memref<1x256x64xf32, #tpu.memory_space<vmem>>
    %dma_wait3A_74 = tpu.memref_squeeze %dma_wait3A_73 : memref<1x256x64xf32, #tpu.memory_space<vmem>> -> memref<256x64xf32, #tpu.memory_space<vmem>>
    %dma_wait3A_75 = arith.constant 0 : i32
    %dma_wait3A_76 = tpu.memref_slice %arg6[%add3A_69, %dma_wait3A_75] : memref<819200x64xf32, #tpu.memory_space<hbm>> -> memref<256x64xf32, #tpu.memory_space<hbm>>
    %dma_wait3A_77 = arith.constant 0 : i32
    %dma_wait3A_78 = tpu.memref_slice %arg6[%add3A_69, %dma_wait3A_77] : memref<819200x64xf32, #tpu.memory_space<hbm>> -> memref<256x64xf32, #tpu.memory_space<hbm>>
    %dma_wait3A_79 = arith.constant 0 : i32
    %dma_wait3A_80 = arith.constant 0 : i32
    %dma_wait3A_81 = tpu.memref_slice %arg9[%dma_wait3A_70, %dma_wait3A_79, %dma_wait3A_80] : memref<2x256x64xf32, #tpu.memory_space<vmem>> -> memref<1x256x64xf32, #tpu.memory_space<vmem>>
    %dma_wait3A_82 = tpu.memref_squeeze %dma_wait3A_81 : memref<1x256x64xf32, #tpu.memory_space<vmem>> -> memref<256x64xf32, #tpu.memory_space<vmem>>
    tpu.wait_dma2 semaphore(%arg19 : memref<!tpu.dma_semaphore, #tpu.memory_space<semaphore_mem>>) src(%dma_wait3A_82 : memref<256x64xf32, #tpu.memory_space<vmem>>) dst(%dma_wait3A_78 : memref<256x64xf32, #tpu.memory_space<hbm>>)
    %gt3A = arith.constant 0 : i32
    %gt3A_83 = arith.cmpi sgt, %scan3A_52, %gt3A : i32
    %convert_element_type3A = arith.extui %gt3A_83 : i1 to i32
    %cond3A = arith.constant 0 : i32
    %cond3A_84 = arith.cmpi ne, %convert_element_type3A, %cond3A : i32
    scf.if %cond3A_84 {
      %get3A = arith.constant 0 : index
      %get3A_85 = tpu.vector_load %arg11[%get3A] {strides = array<i32>} : memref<25856xi32, #tpu.memory_space<vmem>>, vector<16xi32>,
      %slice3A = vector.extract_strided_slice %get3A_85 {offsets = [0], sizes = [1], strides = [1]} : vector<16xi32> to vector<1xi32>
      %squeeze3A = vector.extract %slice3A[0] : i32 from vector<1xi32>
      %broadcast_in_dim3A = vector.broadcast %squeeze3A : i32 to vector<16xi32>
      %get3A_86 = arith.constant 0 : index
      %get3A_87 = tpu.vector_load %arg12[%get3A_86] {strides = array<i32>} : memref<25856xi32, #tpu.memory_space<vmem>>, vector<16xi32>,
      %slice3A_88 = vector.extract_strided_slice %get3A_87 {offsets = [0], sizes = [1], strides = [1]} : vector<16xi32> to vector<1xi32>
      %squeeze3A_89 = vector.extract %slice3A_88[0] : i32 from vector<1xi32>
      %broadcast_in_dim3A_90 = vector.broadcast %squeeze3A_89 : i32 to vector<16xi32>
      %add3A_91 = arith.constant 0 : i32
      %add3A_92 = arith.addi %scan3A_52, %add3A_91 : i32
      %swap3A = arith.index_cast %add3A_92 : i32 to index
      %swap3A_93 = tpu.vector_load %arg11[%swap3A] {strides = array<i32>} : memref<25856xi32, #tpu.memory_space<vmem>>, vector<16xi32>,
      tpu.vector_store %arg11[%swap3A], %broadcast_in_dim3A {strides = array<i32>} : memref<25856xi32, #tpu.memory_space<vmem>>, vector<16xi32>,
      %add3A_94 = arith.constant 0 : i32
      %add3A_95 = arith.addi %scan3A_52, %add3A_94 : i32
      %swap3A_96 = arith.index_cast %add3A_95 : i32 to index
      %swap3A_97 = tpu.vector_load %arg12[%swap3A_96] {strides = array<i32>} : memref<25856xi32, #tpu.memory_space<vmem>>, vector<16xi32>,
      tpu.vector_store %arg12[%swap3A_96], %broadcast_in_dim3A_90 {strides = array<i32>} : memref<25856xi32, #tpu.memory_space<vmem>>, vector<16xi32>,
      %add3A_98 = arith.constant 16 : i32
      %add3A_99 = arith.addi %scan3A_52, %add3A_98 : i32
      %swap3A_100 = arith.index_cast %add3A_99 : i32 to index
      %swap3A_101 = tpu.vector_load %arg11[%swap3A_100] {strides = array<i32>} : memref<25856xi32, #tpu.memory_space<vmem>>, vector<16xi32>,
      tpu.vector_store %arg11[%swap3A_100], %broadcast_in_dim3A {strides = array<i32>} : memref<25856xi32, #tpu.memory_space<vmem>>, vector<16xi32>,
      %add3A_102 = arith.constant 16 : i32
      %add3A_103 = arith.addi %scan3A_52, %add3A_102 : i32
      %swap3A_104 = arith.index_cast %add3A_103 : i32 to index
      %swap3A_105 = tpu.vector_load %arg12[%swap3A_104] {strides = array<i32>} : memref<25856xi32, #tpu.memory_space<vmem>>, vector<16xi32>,
      tpu.vector_store %arg12[%swap3A_104], %broadcast_in_dim3A_90 {strides = array<i32>} : memref<25856xi32, #tpu.memory_space<vmem>>, vector<16xi32>,
      %add3A_106 = arith.constant 32 : i32
      %add3A_107 = arith.addi %scan3A_52, %add3A_106 : i32
      %swap3A_108 = arith.index_cast %add3A_107 : i32 to index
      %swap3A_109 = tpu.vector_load %arg11[%swap3A_108] {strides = array<i32>} : memref<25856xi32, #tpu.memory_space<vmem>>, vector<16xi32>,
      tpu.vector_store %arg11[%swap3A_108], %broadcast_in_dim3A {strides = array<i32>} : memref<25856xi32, #tpu.memory_space<vmem>>, vector<16xi32>,
      %add3A_110 = arith.constant 32 : i32
      %add3A_111 = arith.addi %scan3A_52, %add3A_110 : i32
      %swap3A_112 = arith.index_cast %add3A_111 : i32 to index
      %swap3A_113 = tpu.vector_load %arg12[%swap3A_112] {strides = array<i32>} : memref<25856xi32, #tpu.memory_space<vmem>>, vector<16xi32>,
      tpu.vector_store %arg12[%swap3A_112], %broadcast_in_dim3A_90 {strides = array<i32>} : memref<25856xi32, #tpu.memory_space<vmem>>, vector<16xi32>,
      %add3A_114 = arith.constant 48 : i32
      %add3A_115 = arith.addi %scan3A_52, %add3A_114 : i32
      %swap3A_116 = arith.index_cast %add3A_115 : i32 to index
      %swap3A_117 = tpu.vector_load %arg11[%swap3A_116] {strides = array<i32>} : memref<25856xi32, #tpu.memory_space<vmem>>, vector<16xi32>,
      tpu.vector_store %arg11[%swap3A_116], %broadcast_in_dim3A {strides = array<i32>} : memref<25856xi32, #tpu.memory_space<vmem>>, vector<16xi32>,
      %add3A_118 = arith.constant 48 : i32
      %add3A_119 = arith.addi %scan3A_52, %add3A_118 : i32
      %swap3A_120 = arith.index_cast %add3A_119 : i32 to index
      %swap3A_121 = tpu.vector_load %arg12[%swap3A_120] {strides = array<i32>} : memref<25856xi32, #tpu.memory_space<vmem>>, vector<16xi32>,
      tpu.vector_store %arg12[%swap3A_120], %broadcast_in_dim3A_90 {strides = array<i32>} : memref<25856xi32, #tpu.memory_space<vmem>>, vector<16xi32>,
      %add3A_122 = arith.constant 64 : i32
      %add3A_123 = arith.addi %scan3A_52, %add3A_122 : i32
      %swap3A_124 = arith.index_cast %add3A_123 : i32 to index
      %swap3A_125 = tpu.vector_load %arg11[%swap3A_124] {strides = array<i32>} : memref<25856xi32, #tpu.memory_space<vmem>>, vector<16xi32>,
      tpu.vector_store %arg11[%swap3A_124], %broadcast_in_dim3A {strides = array<i32>} : memref<25856xi32, #tpu.memory_space<vmem>>, vector<16xi32>,
      %add3A_126 = arith.constant 64 : i32
      %add3A_127 = arith.addi %scan3A_52, %add3A_126 : i32
      %swap3A_128 = arith.index_cast %add3A_127 : i32 to index
      %swap3A_129 = tpu.vector_load %arg12[%swap3A_128] {strides = array<i32>} : memref<25856xi32, #tpu.memory_space<vmem>>, vector<16xi32>,
      tpu.vector_store %arg12[%swap3A_128], %broadcast_in_dim3A_90 {strides = array<i32>} : memref<25856xi32, #tpu.memory_space<vmem>>, vector<16xi32>,
      %add3A_130 = arith.constant 80 : i32
      %add3A_131 = arith.addi %scan3A_52, %add3A_130 : i32
      %swap3A_132 = arith.index_cast %add3A_131 : i32 to index
      %swap3A_133 = tpu.vector_load %arg11[%swap3A_132] {strides = array<i32>} : memref<25856xi32, #tpu.memory_space<vmem>>, vector<16xi32>,
      tpu.vector_store %arg11[%swap3A_132], %broadcast_in_dim3A {strides = array<i32>} : memref<25856xi32, #tpu.memory_space<vmem>>, vector<16xi32>,
      %add3A_134 = arith.constant 80 : i32
      %add3A_135 = arith.addi %scan3A_52, %add3A_134 : i32
      %swap3A_136 = arith.index_cast %add3A_135 : i32 to index
      %swap3A_137 = tpu.vector_load %arg12[%swap3A_136] {strides = array<i32>} : memref<25856xi32, #tpu.memory_space<vmem>>, vector<16xi32>,
      tpu.vector_store %arg12[%swap3A_136], %broadcast_in_dim3A_90 {strides = array<i32>} : memref<25856xi32, #tpu.memory_space<vmem>>, vector<16xi32>,
      %add3A_138 = arith.constant 96 : i32
      %add3A_139 = arith.addi %scan3A_52, %add3A_138 : i32
      %swap3A_140 = arith.index_cast %add3A_139 : i32 to index
      %swap3A_141 = tpu.vector_load %arg11[%swap3A_140] {strides = array<i32>} : memref<25856xi32, #tpu.memory_space<vmem>>, vector<16xi32>,
      tpu.vector_store %arg11[%swap3A_140], %broadcast_in_dim3A {strides = array<i32>} : memref<25856xi32, #tpu.memory_space<vmem>>, vector<16xi32>,
      %add3A_142 = arith.constant 96 : i32
      %add3A_143 = arith.addi %scan3A_52, %add3A_142 : i32
      %swap3A_144 = arith.index_cast %add3A_143 : i32 to index
      %swap3A_145 = tpu.vector_load %arg12[%swap3A_144] {strides = array<i32>} : memref<25856xi32, #tpu.memory_space<vmem>>, vector<16xi32>,
      tpu.vector_store %arg12[%swap3A_144], %broadcast_in_dim3A_90 {strides = array<i32>} : memref<25856xi32, #tpu.memory_space<vmem>>, vector<16xi32>,
      %add3A_146 = arith.constant 112 : i32
      %add3A_147 = arith.addi %scan3A_52, %add3A_146 : i32
      %swap3A_148 = arith.index_cast %add3A_147 : i32 to index
      %swap3A_149 = tpu.vector_load %arg11[%swap3A_148] {strides = array<i32>} : memref<25856xi32, #tpu.memory_space<vmem>>, vector<16xi32>,
      tpu.vector_store %arg11[%swap3A_148], %broadcast_in_dim3A {strides = array<i32>} : memref<25856xi32, #tpu.memory_space<vmem>>, vector<16xi32>,
      %add3A_150 = arith.constant 112 : i32
      %add3A_151 = arith.addi %scan3A_52, %add3A_150 : i32
      %swap3A_152 = arith.index_cast %add3A_151 : i32 to index
      %swap3A_153 = tpu.vector_load %arg12[%swap3A_152] {strides = array<i32>} : memref<25856xi32, #tpu.memory_space<vmem>>, vector<16xi32>,
      tpu.vector_store %arg12[%swap3A_152], %broadcast_in_dim3A_90 {strides = array<i32>} : memref<25856xi32, #tpu.memory_space<vmem>>, vector<16xi32>,
      %add3A_154 = arith.constant 128 : i32
      %add3A_155 = arith.addi %scan3A_52, %add3A_154 : i32
      %sub3A = arith.constant 1 : i32
      %sub3A_156 = arith.subi %add3A_155, %sub3A : i32
      %jit3A = arith.constant 128 : i32
      %div3A = arith.divsi %sub3A_156, %jit3A : i32
      %sign3A = arith.constant 0 : i32
      %sign3A_157 = arith.cmpi sgt, %sub3A_156, %sign3A : i32
      %sign3A_158 = arith.extui %sign3A_157 : i1 to i32
      %sign3A_159 = arith.constant 0 : i32
      %sign3A_160 = arith.cmpi slt, %sub3A_156, %sign3A_159 : i32
      %sign3A_161 = arith.extui %sign3A_160 : i1 to i32
      %sign3A_162 = arith.subi %sign3A_158, %sign3A_161 : i32
      %sign3A_163 = arith.constant 0 : i32
      %sign3A_164 = arith.cmpi sgt, %jit3A, %sign3A_163 : i32
      %sign3A_165 = arith.extui %sign3A_164 : i1 to i32
      %sign3A_166 = arith.constant 0 : i32
      %sign3A_167 = arith.cmpi slt, %jit3A, %sign3A_166 : i32
      %sign3A_168 = arith.extui %sign3A_167 : i1 to i32
      %sign3A_169 = arith.subi %sign3A_165, %sign3A_168 : i32
      %ne3A = arith.cmpi ne, %sign3A_162, %sign3A_169 : i32
      %rem3A = arith.remsi %sub3A_156, %jit3A : i32
      %ne3A_170 = arith.constant 0 : i32
      %ne3A_171 = arith.cmpi ne, %rem3A, %ne3A_170 : i32
      %and3A = arith.andi %ne3A, %ne3A_171 : i1
      %sub3A_172 = arith.constant 1 : i32
      %sub3A_173 = arith.subi %div3A, %sub3A_172 : i32
      %select_n3A = arith.select %and3A, %sub3A_173, %div3A : i32
      %while3A = arith.constant 0 : i32
      %while3A_174 = arith.subi %select_n3A, %while3A : i32
      %while3A_175 = arith.addi %while3A, %while3A_174 : i32
      %while3A_176 = arith.constant 1 : i32
      %while3A_177 = arith.divsi %while3A_174, %while3A_176 : i32
      %while3A_178 = arith.muli %while3A_177, %while3A_176 : i32
      %while3A_179 = arith.addi %while3A, %while3A_178 : i32
      %while3A_180 = arith.constant 1 : i32
      scf.for %while3A_182 = %while3A to %while3A_179 step %while3A_180  : i32 {
        %mul3A_183 = arith.constant 128 : i32
        %mul3A_184 = arith.muli %while3A_182, %mul3A_183 : i32
        %add3A_185 = arith.constant 0 : i32
        %add3A_186 = arith.addi %mul3A_184, %add3A_185 : i32
        %get3A_187 = arith.index_cast %add3A_186 : i32 to index
        %get3A_188 = tpu.vector_load %arg11[%get3A_187] {strides = array<i32>} : memref<25856xi32, #tpu.memory_space<vmem>>, vector<16xi32>,
        %swap3A_189 = arith.constant 0 : index
        %swap3A_190 = tpu.vector_load %arg13[%swap3A_189] {strides = array<i32>} : memref<128xi32, #tpu.memory_space<vmem>>, vector<16xi32>,
        tpu.vector_store %arg13[%swap3A_189], %get3A_188 {strides = array<i32>} : memref<128xi32, #tpu.memory_space<vmem>>, vector<16xi32>,
        %mul3A_191 = arith.constant 128 : i32
        %mul3A_192 = arith.muli %while3A_182, %mul3A_191 : i32
        %add3A_193 = arith.constant 0 : i32
        %add3A_194 = arith.addi %mul3A_192, %add3A_193 : i32
        %get3A_195 = arith.index_cast %add3A_194 : i32 to index
        %get3A_196 = tpu.vector_load %arg12[%get3A_195] {strides = array<i32>} : memref<25856xi32, #tpu.memory_space<vmem>>, vector<16xi32>,
        %swap3A_197 = arith.constant 0 : index
        %swap3A_198 = tpu.vector_load %arg14[%swap3A_197] {strides = array<i32>} : memref<128xi32, #tpu.memory_space<vmem>>, vector<16xi32>,
        tpu.vector_store %arg14[%swap3A_197], %get3A_196 {strides = array<i32>} : memref<128xi32, #tpu.memory_space<vmem>>, vector<16xi32>,
        %mul3A_199 = arith.constant 128 : i32
        %mul3A_200 = arith.muli %while3A_182, %mul3A_199 : i32
        %add3A_201 = arith.constant 16 : i32
        %add3A_202 = arith.addi %mul3A_200, %add3A_201 : i32
        %get3A_203 = arith.index_cast %add3A_202 : i32 to index
        %get3A_204 = tpu.vector_load %arg11[%get3A_203] {strides = array<i32>} : memref<25856xi32, #tpu.memory_space<vmem>>, vector<16xi32>,
        %swap3A_205 = arith.constant 16 : index
        %swap3A_206 = tpu.vector_load %arg13[%swap3A_205] {strides = array<i32>} : memref<128xi32, #tpu.memory_space<vmem>>, vector<16xi32>,
        tpu.vector_store %arg13[%swap3A_205], %get3A_204 {strides = array<i32>} : memref<128xi32, #tpu.memory_space<vmem>>, vector<16xi32>,
        %mul3A_207 = arith.constant 128 : i32
        %mul3A_208 = arith.muli %while3A_182, %mul3A_207 : i32
        %add3A_209 = arith.constant 16 : i32
        %add3A_210 = arith.addi %mul3A_208, %add3A_209 : i32
        %get3A_211 = arith.index_cast %add3A_210 : i32 to index
        %get3A_212 = tpu.vector_load %arg12[%get3A_211] {strides = array<i32>} : memref<25856xi32, #tpu.memory_space<vmem>>, vector<16xi32>,
        %swap3A_213 = arith.constant 16 : index
        %swap3A_214 = tpu.vector_load %arg14[%swap3A_213] {strides = array<i32>} : memref<128xi32, #tpu.memory_space<vmem>>, vector<16xi32>,
        tpu.vector_store %arg14[%swap3A_213], %get3A_212 {strides = array<i32>} : memref<128xi32, #tpu.memory_space<vmem>>, vector<16xi32>,
        %mul3A_215 = arith.constant 128 : i32
        %mul3A_216 = arith.muli %while3A_182, %mul3A_215 : i32
        %add3A_217 = arith.constant 32 : i32
        %add3A_218 = arith.addi %mul3A_216, %add3A_217 : i32
        %get3A_219 = arith.index_cast %add3A_218 : i32 to index
        %get3A_220 = tpu.vector_load %arg11[%get3A_219] {strides = array<i32>} : memref<25856xi32, #tpu.memory_space<vmem>>, vector<16xi32>,
        %swap3A_221 = arith.constant 32 : index
        %swap3A_222 = tpu.vector_load %arg13[%swap3A_221] {strides = array<i32>} : memref<128xi32, #tpu.memory_space<vmem>>, vector<16xi32>,
        tpu.vector_store %arg13[%swap3A_221], %get3A_220 {strides = array<i32>} : memref<128xi32, #tpu.memory_space<vmem>>, vector<16xi32>,
        %mul3A_223 = arith.constant 128 : i32
        %mul3A_224 = arith.muli %while3A_182, %mul3A_223 : i32
        %add3A_225 = arith.constant 32 : i32
        %add3A_226 = arith.addi %mul3A_224, %add3A_225 : i32
        %get3A_227 = arith.index_cast %add3A_226 : i32 to index
        %get3A_228 = tpu.vector_load %arg12[%get3A_227] {strides = array<i32>} : memref<25856xi32, #tpu.memory_space<vmem>>, vector<16xi32>,
        %swap3A_229 = arith.constant 32 : index
        %swap3A_230 = tpu.vector_load %arg14[%swap3A_229] {strides = array<i32>} : memref<128xi32, #tpu.memory_space<vmem>>, vector<16xi32>,
        tpu.vector_store %arg14[%swap3A_229], %get3A_228 {strides = array<i32>} : memref<128xi32, #tpu.memory_space<vmem>>, vector<16xi32>,
        %mul3A_231 = arith.constant 128 : i32
        %mul3A_232 = arith.muli %while3A_182, %mul3A_231 : i32
        %add3A_233 = arith.constant 48 : i32
        %add3A_234 = arith.addi %mul3A_232, %add3A_233 : i32
        %get3A_235 = arith.index_cast %add3A_234 : i32 to index
        %get3A_236 = tpu.vector_load %arg11[%get3A_235] {strides = array<i32>} : memref<25856xi32, #tpu.memory_space<vmem>>, vector<16xi32>,
        %swap3A_237 = arith.constant 48 : index
        %swap3A_238 = tpu.vector_load %arg13[%swap3A_237] {strides = array<i32>} : memref<128xi32, #tpu.memory_space<vmem>>, vector<16xi32>,
        tpu.vector_store %arg13[%swap3A_237], %get3A_236 {strides = array<i32>} : memref<128xi32, #tpu.memory_space<vmem>>, vector<16xi32>,
        %mul3A_239 = arith.constant 128 : i32
        %mul3A_240 = arith.muli %while3A_182, %mul3A_239 : i32
        %add3A_241 = arith.constant 48 : i32
        %add3A_242 = arith.addi %mul3A_240, %add3A_241 : i32
        %get3A_243 = arith.index_cast %add3A_242 : i32 to index
        %get3A_244 = tpu.vector_load %arg12[%get3A_243] {strides = array<i32>} : memref<25856xi32, #tpu.memory_space<vmem>>, vector<16xi32>,
        %swap3A_245 = arith.constant 48 : index
        %swap3A_246 = tpu.vector_load %arg14[%swap3A_245] {strides = array<i32>} : memref<128xi32, #tpu.memory_space<vmem>>, vector<16xi32>,
        tpu.vector_store %arg14[%swap3A_245], %get3A_244 {strides = array<i32>} : memref<128xi32, #tpu.memory_space<vmem>>, vector<16xi32>,
        %mul3A_247 = arith.constant 128 : i32
        %mul3A_248 = arith.muli %while3A_182, %mul3A_247 : i32
        %add3A_249 = arith.constant 64 : i32
        %add3A_250 = arith.addi %mul3A_248, %add3A_249 : i32
        %get3A_251 = arith.index_cast %add3A_250 : i32 to index
        %get3A_252 = tpu.vector_load %arg11[%get3A_251] {strides = array<i32>} : memref<25856xi32, #tpu.memory_space<vmem>>, vector<16xi32>,
        %swap3A_253 = arith.constant 64 : index
        %swap3A_254 = tpu.vector_load %arg13[%swap3A_253] {strides = array<i32>} : memref<128xi32, #tpu.memory_space<vmem>>, vector<16xi32>,
        tpu.vector_store %arg13[%swap3A_253], %get3A_252 {strides = array<i32>} : memref<128xi32, #tpu.memory_space<vmem>>, vector<16xi32>,
        %mul3A_255 = arith.constant 128 : i32
        %mul3A_256 = arith.muli %while3A_182, %mul3A_255 : i32
        %add3A_257 = arith.constant 64 : i32
        %add3A_258 = arith.addi %mul3A_256, %add3A_257 : i32
        %get3A_259 = arith.index_cast %add3A_258 : i32 to index
        %get3A_260 = tpu.vector_load %arg12[%get3A_259] {strides = array<i32>} : memref<25856xi32, #tpu.memory_space<vmem>>, vector<16xi32>,
        %swap3A_261 = arith.constant 64 : index
        %swap3A_262 = tpu.vector_load %arg14[%swap3A_261] {strides = array<i32>} : memref<128xi32, #tpu.memory_space<vmem>>, vector<16xi32>,
        tpu.vector_store %arg14[%swap3A_261], %get3A_260 {strides = array<i32>} : memref<128xi32, #tpu.memory_space<vmem>>, vector<16xi32>,
        %mul3A_263 = arith.constant 128 : i32
        %mul3A_264 = arith.muli %while3A_182, %mul3A_263 : i32
        %add3A_265 = arith.constant 80 : i32
        %add3A_266 = arith.addi %mul3A_264, %add3A_265 : i32
        %get3A_267 = arith.index_cast %add3A_266 : i32 to index
        %get3A_268 = tpu.vector_load %arg11[%get3A_267] {strides = array<i32>} : memref<25856xi32, #tpu.memory_space<vmem>>, vector<16xi32>,
        %swap3A_269 = arith.constant 80 : index
        %swap3A_270 = tpu.vector_load %arg13[%swap3A_269] {strides = array<i32>} : memref<128xi32, #tpu.memory_space<vmem>>, vector<16xi32>,
        tpu.vector_store %arg13[%swap3A_269], %get3A_268 {strides = array<i32>} : memref<128xi32, #tpu.memory_space<vmem>>, vector<16xi32>,
        %mul3A_271 = arith.constant 128 : i32
        %mul3A_272 = arith.muli %while3A_182, %mul3A_271 : i32
        %add3A_273 = arith.constant 80 : i32
        %add3A_274 = arith.addi %mul3A_272, %add3A_273 : i32
        %get3A_275 = arith.index_cast %add3A_274 : i32 to index
        %get3A_276 = tpu.vector_load %arg12[%get3A_275] {strides = array<i32>} : memref<25856xi32, #tpu.memory_space<vmem>>, vector<16xi32>,
        %swap3A_277 = arith.constant 80 : index
        %swap3A_278 = tpu.vector_load %arg14[%swap3A_277] {strides = array<i32>} : memref<128xi32, #tpu.memory_space<vmem>>, vector<16xi32>,
        tpu.vector_store %arg14[%swap3A_277], %get3A_276 {strides = array<i32>} : memref<128xi32, #tpu.memory_space<vmem>>, vector<16xi32>,
        %mul3A_279 = arith.constant 128 : i32
        %mul3A_280 = arith.muli %while3A_182, %mul3A_279 : i32
        %add3A_281 = arith.constant 96 : i32
        %add3A_282 = arith.addi %mul3A_280, %add3A_281 : i32
        %get3A_283 = arith.index_cast %add3A_282 : i32 to index
        %get3A_284 = tpu.vector_load %arg11[%get3A_283] {strides = array<i32>} : memref<25856xi32, #tpu.memory_space<vmem>>, vector<16xi32>,
        %swap3A_285 = arith.constant 96 : index
        %swap3A_286 = tpu.vector_load %arg13[%swap3A_285] {strides = array<i32>} : memref<128xi32, #tpu.memory_space<vmem>>, vector<16xi32>,
        tpu.vector_store %arg13[%swap3A_285], %get3A_284 {strides = array<i32>} : memref<128xi32, #tpu.memory_space<vmem>>, vector<16xi32>,
        %mul3A_287 = arith.constant 128 : i32
        %mul3A_288 = arith.muli %while3A_182, %mul3A_287 : i32
        %add3A_289 = arith.constant 96 : i32
        %add3A_290 = arith.addi %mul3A_288, %add3A_289 : i32
        %get3A_291 = arith.index_cast %add3A_290 : i32 to index
        %get3A_292 = tpu.vector_load %arg12[%get3A_291] {strides = array<i32>} : memref<25856xi32, #tpu.memory_space<vmem>>, vector<16xi32>,
        %swap3A_293 = arith.constant 96 : index
        %swap3A_294 = tpu.vector_load %arg14[%swap3A_293] {strides = array<i32>} : memref<128xi32, #tpu.memory_space<vmem>>, vector<16xi32>,
        tpu.vector_store %arg14[%swap3A_293], %get3A_292 {strides = array<i32>} : memref<128xi32, #tpu.memory_space<vmem>>, vector<16xi32>,
        %mul3A_295 = arith.constant 128 : i32
        %mul3A_296 = arith.muli %while3A_182, %mul3A_295 : i32
        %add3A_297 = arith.constant 112 : i32
        %add3A_298 = arith.addi %mul3A_296, %add3A_297 : i32
        %get3A_299 = arith.index_cast %add3A_298 : i32 to index
        %get3A_300 = tpu.vector_load %arg11[%get3A_299] {strides = array<i32>} : memref<25856xi32, #tpu.memory_space<vmem>>, vector<16xi32>,
        %swap3A_301 = arith.constant 112 : index
        %swap3A_302 = tpu.vector_load %arg13[%swap3A_301] {strides = array<i32>} : memref<128xi32, #tpu.memory_space<vmem>>, vector<16xi32>,
        tpu.vector_store %arg13[%swap3A_301], %get3A_300 {strides = array<i32>} : memref<128xi32, #tpu.memory_space<vmem>>, vector<16xi32>,
        %mul3A_303 = arith.constant 128 : i32
        %mul3A_304 = arith.muli %while3A_182, %mul3A_303 : i32
        %add3A_305 = arith.constant 112 : i32
        %add3A_306 = arith.addi %mul3A_304, %add3A_305 : i32
        %get3A_307 = arith.index_cast %add3A_306 : i32 to index
        %get3A_308 = tpu.vector_load %arg12[%get3A_307] {strides = array<i32>} : memref<25856xi32, #tpu.memory_space<vmem>>, vector<16xi32>,
        %swap3A_309 = arith.constant 112 : index
        %swap3A_310 = tpu.vector_load %arg14[%swap3A_309] {strides = array<i32>} : memref<128xi32, #tpu.memory_space<vmem>>, vector<16xi32>,
        tpu.vector_store %arg14[%swap3A_309], %get3A_308 {strides = array<i32>} : memref<128xi32, #tpu.memory_space<vmem>>, vector<16xi32>,
        %dma_start3A_311 = arith.constant 0 : i32
        %dma_start3A_312 = arith.constant 0 : i32
        %dma_start3A_313 = tpu.memref_slice %arg5[%dma_start3A_311, %dma_start3A_312] : memref<65536x64xf32, #tpu.memory_space<hbm>> -> memref<65536x64xf32, #tpu.memory_space<hbm>>
        tpu.enqueue_indirect_dma source(%dma_start3A_313 : memref<65536x64xf32, #tpu.memory_space<hbm>>) target(%arg10 : memref<128x64xf32, #tpu.memory_space<vmem>>) offsets(%arg13 : memref<128xi32, #tpu.memory_space<vmem>>) semaphore(%arg21 : memref<!tpu.dma_semaphore, #tpu.memory_space<semaphore_mem>>)
        %dma_wait3A_314 = arith.constant 0 : i32
        %dma_wait3A_315 = arith.constant 0 : i32
        %dma_wait3A_316 = tpu.memref_slice %arg5[%dma_wait3A_314, %dma_wait3A_315] : memref<65536x64xf32, #tpu.memory_space<hbm>> -> memref<65536x64xf32, #tpu.memory_space<hbm>>
        tpu.wait_indirect_dma semaphore(%arg21 : memref<!tpu.dma_semaphore, #tpu.memory_space<semaphore_mem>>) src(%dma_wait3A_316 : memref<65536x64xf32, #tpu.memory_space<hbm>>) dst(%arg10 : memref<128x64xf32, #tpu.memory_space<vmem>>)
        %dma_start3A_317 = arith.constant 0 : i32
        %dma_start3A_318 = arith.constant 0 : i32
        %dma_start3A_319 = tpu.memref_slice %arg6[%dma_start3A_317, %dma_start3A_318] : memref<819200x64xf32, #tpu.memory_space<hbm>> -> memref<819200x64xf32, #tpu.memory_space<hbm>>
        tpu.enqueue_indirect_dma source(%arg10 : memref<128x64xf32, #tpu.memory_space<vmem>>) target(%dma_start3A_319 : memref<819200x64xf32, #tpu.memory_space<hbm>>) offsets(%arg14 : memref<128xi32, #tpu.memory_space<vmem>>) semaphore(%arg21 : memref<!tpu.dma_semaphore, #tpu.memory_space<semaphore_mem>>)
        %dma_wait3A_320 = arith.constant 0 : i32
        %dma_wait3A_321 = arith.constant 0 : i32
        %dma_wait3A_322 = tpu.memref_slice %arg6[%dma_wait3A_320, %dma_wait3A_321] : memref<819200x64xf32, #tpu.memory_space<hbm>> -> memref<819200x64xf32, #tpu.memory_space<hbm>>
        tpu.wait_indirect_dma semaphore(%arg21 : memref<!tpu.dma_semaphore, #tpu.memory_space<semaphore_mem>>) src(%arg10 : memref<128x64xf32, #tpu.memory_space<vmem>>) dst(%dma_wait3A_322 : memref<819200x64xf32, #tpu.memory_space<hbm>>)
      }
      %while3A_181 = arith.constant 1 : i32
      scf.for %while3A_182 = %while3A_179 to %while3A_175 step %while3A_181  : i32 {
        %mul3A_183 = arith.constant 128 : i32
        %mul3A_184 = arith.muli %while3A_182, %mul3A_183 : i32
        %add3A_185 = arith.constant 0 : i32
        %add3A_186 = arith.addi %mul3A_184, %add3A_185 : i32
        %get3A_187 = arith.index_cast %add3A_186 : i32 to index
        %get3A_188 = tpu.vector_load %arg11[%get3A_187] {strides = array<i32>} : memref<25856xi32, #tpu.memory_space<vmem>>, vector<16xi32>,
        %swap3A_189 = arith.constant 0 : index
        %swap3A_190 = tpu.vector_load %arg13[%swap3A_189] {strides = array<i32>} : memref<128xi32, #tpu.memory_space<vmem>>, vector<16xi32>,
        tpu.vector_store %arg13[%swap3A_189], %get3A_188 {strides = array<i32>} : memref<128xi32, #tpu.memory_space<vmem>>, vector<16xi32>,
        %mul3A_191 = arith.constant 128 : i32
        %mul3A_192 = arith.muli %while3A_182, %mul3A_191 : i32
        %add3A_193 = arith.constant 0 : i32
        %add3A_194 = arith.addi %mul3A_192, %add3A_193 : i32
        %get3A_195 = arith.index_cast %add3A_194 : i32 to index
        %get3A_196 = tpu.vector_load %arg12[%get3A_195] {strides = array<i32>} : memref<25856xi32, #tpu.memory_space<vmem>>, vector<16xi32>,
        %swap3A_197 = arith.constant 0 : index
        %swap3A_198 = tpu.vector_load %arg14[%swap3A_197] {strides = array<i32>} : memref<128xi32, #tpu.memory_space<vmem>>, vector<16xi32>,
        tpu.vector_store %arg14[%swap3A_197], %get3A_196 {strides = array<i32>} : memref<128xi32, #tpu.memory_space<vmem>>, vector<16xi32>,
        %mul3A_199 = arith.constant 128 : i32
        %mul3A_200 = arith.muli %while3A_182, %mul3A_199 : i32
        %add3A_201 = arith.constant 16 : i32
        %add3A_202 = arith.addi %mul3A_200, %add3A_201 : i32
        %get3A_203 = arith.index_cast %add3A_202 : i32 to index
        %get3A_204 = tpu.vector_load %arg11[%get3A_203] {strides = array<i32>} : memref<25856xi32, #tpu.memory_space<vmem>>, vector<16xi32>,
        %swap3A_205 = arith.constant 16 : index
        %swap3A_206 = tpu.vector_load %arg13[%swap3A_205] {strides = array<i32>} : memref<128xi32, #tpu.memory_space<vmem>>, vector<16xi32>,
        tpu.vector_store %arg13[%swap3A_205], %get3A_204 {strides = array<i32>} : memref<128xi32, #tpu.memory_space<vmem>>, vector<16xi32>,
        %mul3A_207 = arith.constant 128 : i32
        %mul3A_208 = arith.muli %while3A_182, %mul3A_207 : i32
        %add3A_209 = arith.constant 16 : i32
        %add3A_210 = arith.addi %mul3A_208, %add3A_209 : i32
        %get3A_211 = arith.index_cast %add3A_210 : i32 to index
        %get3A_212 = tpu.vector_load %arg12[%get3A_211] {strides = array<i32>} : memref<25856xi32, #tpu.memory_space<vmem>>, vector<16xi32>,
        %swap3A_213 = arith.constant 16 : index
        %swap3A_214 = tpu.vector_load %arg14[%swap3A_213] {strides = array<i32>} : memref<128xi32, #tpu.memory_space<vmem>>, vector<16xi32>,
        tpu.vector_store %arg14[%swap3A_213], %get3A_212 {strides = array<i32>} : memref<128xi32, #tpu.memory_space<vmem>>, vector<16xi32>,
        %mul3A_215 = arith.constant 128 : i32
        %mul3A_216 = arith.muli %while3A_182, %mul3A_215 : i32
        %add3A_217 = arith.constant 32 : i32
        %add3A_218 = arith.addi %mul3A_216, %add3A_217 : i32
        %get3A_219 = arith.index_cast %add3A_218 : i32 to index
        %get3A_220 = tpu.vector_load %arg11[%get3A_219] {strides = array<i32>} : memref<25856xi32, #tpu.memory_space<vmem>>, vector<16xi32>,
        %swap3A_221 = arith.constant 32 : index
        %swap3A_222 = tpu.vector_load %arg13[%swap3A_221] {strides = array<i32>} : memref<128xi32, #tpu.memory_space<vmem>>, vector<16xi32>,
        tpu.vector_store %arg13[%swap3A_221], %get3A_220 {strides = array<i32>} : memref<128xi32, #tpu.memory_space<vmem>>, vector<16xi32>,
        %mul3A_223 = arith.constant 128 : i32
        %mul3A_224 = arith.muli %while3A_182, %mul3A_223 : i32
        %add3A_225 = arith.constant 32 : i32
        %add3A_226 = arith.addi %mul3A_224, %add3A_225 : i32
        %get3A_227 = arith.index_cast %add3A_226 : i32 to index
        %get3A_228 = tpu.vector_load %arg12[%get3A_227] {strides = array<i32>} : memref<25856xi32, #tpu.memory_space<vmem>>, vector<16xi32>,
        %swap3A_229 = arith.constant 32 : index
        %swap3A_230 = tpu.vector_load %arg14[%swap3A_229] {strides = array<i32>} : memref<128xi32, #tpu.memory_space<vmem>>, vector<16xi32>,
        tpu.vector_store %arg14[%swap3A_229], %get3A_228 {strides = array<i32>} : memref<128xi32, #tpu.memory_space<vmem>>, vector<16xi32>,
        %mul3A_231 = arith.constant 128 : i32
        %mul3A_232 = arith.muli %while3A_182, %mul3A_231 : i32
        %add3A_233 = arith.constant 48 : i32
        %add3A_234 = arith.addi %mul3A_232, %add3A_233 : i32
        %get3A_235 = arith.index_cast %add3A_234 : i32 to index
        %get3A_236 = tpu.vector_load %arg11[%get3A_235] {strides = array<i32>} : memref<25856xi32, #tpu.memory_space<vmem>>, vector<16xi32>,
        %swap3A_237 = arith.constant 48 : index
        %swap3A_238 = tpu.vector_load %arg13[%swap3A_237] {strides = array<i32>} : memref<128xi32, #tpu.memory_space<vmem>>, vector<16xi32>,
        tpu.vector_store %arg13[%swap3A_237], %get3A_236 {strides = array<i32>} : memref<128xi32, #tpu.memory_space<vmem>>, vector<16xi32>,
        %mul3A_239 = arith.constant 128 : i32
        %mul3A_240 = arith.muli %while3A_182, %mul3A_239 : i32
        %add3A_241 = arith.constant 48 : i32
        %add3A_242 = arith.addi %mul3A_240, %add3A_241 : i32
        %get3A_243 = arith.index_cast %add3A_242 : i32 to index
        %get3A_244 = tpu.vector_load %arg12[%get3A_243] {strides = array<i32>} : memref<25856xi32, #tpu.memory_space<vmem>>, vector<16xi32>,
        %swap3A_245 = arith.constant 48 : index
        %swap3A_246 = tpu.vector_load %arg14[%swap3A_245] {strides = array<i32>} : memref<128xi32, #tpu.memory_space<vmem>>, vector<16xi32>,
        tpu.vector_store %arg14[%swap3A_245], %get3A_244 {strides = array<i32>} : memref<128xi32, #tpu.memory_space<vmem>>, vector<16xi32>,
        %mul3A_247 = arith.constant 128 : i32
        %mul3A_248 = arith.muli %while3A_182, %mul3A_247 : i32
        %add3A_249 = arith.constant 64 : i32
        %add3A_250 = arith.addi %mul3A_248, %add3A_249 : i32
        %get3A_251 = arith.index_cast %add3A_250 : i32 to index
        %get3A_252 = tpu.vector_load %arg11[%get3A_251] {strides = array<i32>} : memref<25856xi32, #tpu.memory_space<vmem>>, vector<16xi32>,
        %swap3A_253 = arith.constant 64 : index
        %swap3A_254 = tpu.vector_load %arg13[%swap3A_253] {strides = array<i32>} : memref<128xi32, #tpu.memory_space<vmem>>, vector<16xi32>,
        tpu.vector_store %arg13[%swap3A_253], %get3A_252 {strides = array<i32>} : memref<128xi32, #tpu.memory_space<vmem>>, vector<16xi32>,
        %mul3A_255 = arith.constant 128 : i32
        %mul3A_256 = arith.muli %while3A_182, %mul3A_255 : i32
        %add3A_257 = arith.constant 64 : i32
        %add3A_258 = arith.addi %mul3A_256, %add3A_257 : i32
        %get3A_259 = arith.index_cast %add3A_258 : i32 to index
        %get3A_260 = tpu.vector_load %arg12[%get3A_259] {strides = array<i32>} : memref<25856xi32, #tpu.memory_space<vmem>>, vector<16xi32>,
        %swap3A_261 = arith.constant 64 : index
        %swap3A_262 = tpu.vector_load %arg14[%swap3A_261] {strides = array<i32>} : memref<128xi32, #tpu.memory_space<vmem>>, vector<16xi32>,
        tpu.vector_store %arg14[%swap3A_261], %get3A_260 {strides = array<i32>} : memref<128xi32, #tpu.memory_space<vmem>>, vector<16xi32>,
        %mul3A_263 = arith.constant 128 : i32
        %mul3A_264 = arith.muli %while3A_182, %mul3A_263 : i32
        %add3A_265 = arith.constant 80 : i32
        %add3A_266 = arith.addi %mul3A_264, %add3A_265 : i32
        %get3A_267 = arith.index_cast %add3A_266 : i32 to index
        %get3A_268 = tpu.vector_load %arg11[%get3A_267] {strides = array<i32>} : memref<25856xi32, #tpu.memory_space<vmem>>, vector<16xi32>,
        %swap3A_269 = arith.constant 80 : index
        %swap3A_270 = tpu.vector_load %arg13[%swap3A_269] {strides = array<i32>} : memref<128xi32, #tpu.memory_space<vmem>>, vector<16xi32>,
        tpu.vector_store %arg13[%swap3A_269], %get3A_268 {strides = array<i32>} : memref<128xi32, #tpu.memory_space<vmem>>, vector<16xi32>,
        %mul3A_271 = arith.constant 128 : i32
        %mul3A_272 = arith.muli %while3A_182, %mul3A_271 : i32
        %add3A_273 = arith.constant 80 : i32
        %add3A_274 = arith.addi %mul3A_272, %add3A_273 : i32
        %get3A_275 = arith.index_cast %add3A_274 : i32 to index
        %get3A_276 = tpu.vector_load %arg12[%get3A_275] {strides = array<i32>} : memref<25856xi32, #tpu.memory_space<vmem>>, vector<16xi32>,
        %swap3A_277 = arith.constant 80 : index
        %swap3A_278 = tpu.vector_load %arg14[%swap3A_277] {strides = array<i32>} : memref<128xi32, #tpu.memory_space<vmem>>, vector<16xi32>,
        tpu.vector_store %arg14[%swap3A_277], %get3A_276 {strides = array<i32>} : memref<128xi32, #tpu.memory_space<vmem>>, vector<16xi32>,
        %mul3A_279 = arith.constant 128 : i32
        %mul3A_280 = arith.muli %while3A_182, %mul3A_279 : i32
        %add3A_281 = arith.constant 96 : i32
        %add3A_282 = arith.addi %mul3A_280, %add3A_281 : i32
        %get3A_283 = arith.index_cast %add3A_282 : i32 to index
        %get3A_284 = tpu.vector_load %arg11[%get3A_283] {strides = array<i32>} : memref<25856xi32, #tpu.memory_space<vmem>>, vector<16xi32>,
        %swap3A_285 = arith.constant 96 : index
        %swap3A_286 = tpu.vector_load %arg13[%swap3A_285] {strides = array<i32>} : memref<128xi32, #tpu.memory_space<vmem>>, vector<16xi32>,
        tpu.vector_store %arg13[%swap3A_285], %get3A_284 {strides = array<i32>} : memref<128xi32, #tpu.memory_space<vmem>>, vector<16xi32>,
        %mul3A_287 = arith.constant 128 : i32
        %mul3A_288 = arith.muli %while3A_182, %mul3A_287 : i32
        %add3A_289 = arith.constant 96 : i32
        %add3A_290 = arith.addi %mul3A_288, %add3A_289 : i32
        %get3A_291 = arith.index_cast %add3A_290 : i32 to index
        %get3A_292 = tpu.vector_load %arg12[%get3A_291] {strides = array<i32>} : memref<25856xi32, #tpu.memory_space<vmem>>, vector<16xi32>,
        %swap3A_293 = arith.constant 96 : index
        %swap3A_294 = tpu.vector_load %arg14[%swap3A_293] {strides = array<i32>} : memref<128xi32, #tpu.memory_space<vmem>>, vector<16xi32>,
        tpu.vector_store %arg14[%swap3A_293], %get3A_292 {strides = array<i32>} : memref<128xi32, #tpu.memory_space<vmem>>, vector<16xi32>,
        %mul3A_295 = arith.constant 128 : i32
        %mul3A_296 = arith.muli %while3A_182, %mul3A_295 : i32
        %add3A_297 = arith.constant 112 : i32
        %add3A_298 = arith.addi %mul3A_296, %add3A_297 : i32
        %get3A_299 = arith.index_cast %add3A_298 : i32 to index
        %get3A_300 = tpu.vector_load %arg11[%get3A_299] {strides = array<i32>} : memref<25856xi32, #tpu.memory_space<vmem>>, vector<16xi32>,
        %swap3A_301 = arith.constant 112 : index
        %swap3A_302 = tpu.vector_load %arg13[%swap3A_301] {strides = array<i32>} : memref<128xi32, #tpu.memory_space<vmem>>, vector<16xi32>,
        tpu.vector_store %arg13[%swap3A_301], %get3A_300 {strides = array<i32>} : memref<128xi32, #tpu.memory_space<vmem>>, vector<16xi32>,
        %mul3A_303 = arith.constant 128 : i32
        %mul3A_304 = arith.muli %while3A_182, %mul3A_303 : i32
        %add3A_305 = arith.constant 112 : i32
        %add3A_306 = arith.addi %mul3A_304, %add3A_305 : i32
        %get3A_307 = arith.index_cast %add3A_306 : i32 to index
        %get3A_308 = tpu.vector_load %arg12[%get3A_307] {strides = array<i32>} : memref<25856xi32, #tpu.memory_space<vmem>>, vector<16xi32>,
        %swap3A_309 = arith.constant 112 : index
        %swap3A_310 = tpu.vector_load %arg14[%swap3A_309] {strides = array<i32>} : memref<128xi32, #tpu.memory_space<vmem>>, vector<16xi32>,
        tpu.vector_store %arg14[%swap3A_309], %get3A_308 {strides = array<i32>} : memref<128xi32, #tpu.memory_space<vmem>>, vector<16xi32>,
        %dma_start3A_311 = arith.constant 0 : i32
        %dma_start3A_312 = arith.constant 0 : i32
        %dma_start3A_313 = tpu.memref_slice %arg5[%dma_start3A_311, %dma_start3A_312] : memref<65536x64xf32, #tpu.memory_space<hbm>> -> memref<65536x64xf32, #tpu.memory_space<hbm>>
        tpu.enqueue_indirect_dma source(%dma_start3A_313 : memref<65536x64xf32, #tpu.memory_space<hbm>>) target(%arg10 : memref<128x64xf32, #tpu.memory_space<vmem>>) offsets(%arg13 : memref<128xi32, #tpu.memory_space<vmem>>) semaphore(%arg21 : memref<!tpu.dma_semaphore, #tpu.memory_space<semaphore_mem>>)
        %dma_wait3A_314 = arith.constant 0 : i32
        %dma_wait3A_315 = arith.constant 0 : i32
        %dma_wait3A_316 = tpu.memref_slice %arg5[%dma_wait3A_314, %dma_wait3A_315] : memref<65536x64xf32, #tpu.memory_space<hbm>> -> memref<65536x64xf32, #tpu.memory_space<hbm>>
        tpu.wait_indirect_dma semaphore(%arg21 : memref<!tpu.dma_semaphore, #tpu.memory_space<semaphore_mem>>) src(%dma_wait3A_316 : memref<65536x64xf32, #tpu.memory_space<hbm>>) dst(%arg10 : memref<128x64xf32, #tpu.memory_space<vmem>>)
        %dma_start3A_317 = arith.constant 0 : i32
        %dma_start3A_318 = arith.constant 0 : i32
        %dma_start3A_319 = tpu.memref_slice %arg6[%dma_start3A_317, %dma_start3A_318] : memref<819200x64xf32, #tpu.memory_space<hbm>> -> memref<819200x64xf32, #tpu.memory_space<hbm>>
        tpu.enqueue_indirect_dma source(%arg10 : memref<128x64xf32, #tpu.memory_space<vmem>>) target(%dma_start3A_319 : memref<819200x64xf32, #tpu.memory_space<hbm>>) offsets(%arg14 : memref<128xi32, #tpu.memory_space<vmem>>) semaphore(%arg21 : memref<!tpu.dma_semaphore, #tpu.memory_space<semaphore_mem>>)
        %dma_wait3A_320 = arith.constant 0 : i32
        %dma_wait3A_321 = arith.constant 0 : i32
        %dma_wait3A_322 = tpu.memref_slice %arg6[%dma_wait3A_320, %dma_wait3A_321] : memref<819200x64xf32, #tpu.memory_space<hbm>> -> memref<819200x64xf32, #tpu.memory_space<hbm>>
        tpu.wait_indirect_dma semaphore(%arg21 : memref<!tpu.dma_semaphore, #tpu.memory_space<semaphore_mem>>) src(%arg10 : memref<128x64xf32, #tpu.memory_space<vmem>>) dst(%dma_wait3A_322 : memref<819200x64xf32, #tpu.memory_space<hbm>>)
      }
    } else {
    }
    return
  }
}

#map = affine_map<(d0, d1) -> (0)>
module attributes {stable_mosaic.version = 14 : i64} {
  func.func @build(%arg0: i32, %arg1: i32, %arg2: memref<65536xi32, #tpu.memory_space<hbm>>, %arg3: memref<1000448xi32, #tpu.memory_space<hbm>>, %arg4: memref<31264xi32, #tpu.memory_space<vmem>>, %arg5: memref<4096xi32, #tpu.memory_space<vmem>>) attributes {dimension_semantics = [#tpu.dimension_semantics<core_parallel>, #tpu.dimension_semantics<subcore_parallel>], iteration_bounds = array<i64: 2, 16>, scalar_prefetch = 0 : i64, scratch_operands = 2 : i64, tpu.core_type = #tpu.core_type<sc_vector_subcore>, window_params = [{transform_indices = #map}, {transform_indices = #map}]} {
    %mul3A = arith.constant 16 : i32
    %mul3A_0 = arith.muli %arg0, %mul3A : i32
    %add3A = arith.addi %mul3A_0, %arg1 : i32
    %mul3A_1 = arith.constant 31264 : i32
    %mul3A_2 = arith.muli %add3A, %mul3A_1 : i32
    %broadcast_in_dim3A = arith.constant -1 : i32
    %broadcast_in_dim3A_3 = vector.broadcast %broadcast_in_dim3A : i32 to vector<16xi32>
    %scan3A = arith.constant 0 : i32
    %scan3A_4 = arith.constant 1952 : i32
    %scan3A_5 = arith.addi %scan3A, %scan3A_4 : i32
    %scan3A_6 = arith.constant 4 : i32
    scf.for %scan3A_115 = %scan3A to %scan3A_5 step %scan3A_6  : i32 {
      %mul3A_116 = arith.constant 16 : i32
      %mul3A_117 = arith.muli %scan3A_115, %mul3A_116 : i32
      %swap3A_118 = arith.index_cast %mul3A_117 : i32 to index
      %swap3A_119 = tpu.vector_load %arg4[%swap3A_118] {strides = array<i32>} : memref<31264xi32, #tpu.memory_space<vmem>>, vector<16xi32>,
      tpu.vector_store %arg4[%swap3A_118], %broadcast_in_dim3A_3 {strides = array<i32>} : memref<31264xi32, #tpu.memory_space<vmem>>, vector<16xi32>,
      %scan3A_120 = arith.constant 1 : i32
      %scan3A_121 = arith.addi %scan3A_115, %scan3A_120 : i32
      %mul3A_122 = arith.constant 16 : i32
      %mul3A_123 = arith.muli %scan3A_121, %mul3A_122 : i32
      %swap3A_124 = arith.index_cast %mul3A_123 : i32 to index
      %swap3A_125 = tpu.vector_load %arg4[%swap3A_124] {strides = array<i32>} : memref<31264xi32, #tpu.memory_space<vmem>>, vector<16xi32>,
      tpu.vector_store %arg4[%swap3A_124], %broadcast_in_dim3A_3 {strides = array<i32>} : memref<31264xi32, #tpu.memory_space<vmem>>, vector<16xi32>,
      %scan3A_126 = arith.constant 2 : i32
      %scan3A_127 = arith.addi %scan3A_115, %scan3A_126 : i32
      %mul3A_128 = arith.constant 16 : i32
      %mul3A_129 = arith.muli %scan3A_127, %mul3A_128 : i32
      %swap3A_130 = arith.index_cast %mul3A_129 : i32 to index
      %swap3A_131 = tpu.vector_load %arg4[%swap3A_130] {strides = array<i32>} : memref<31264xi32, #tpu.memory_space<vmem>>, vector<16xi32>,
      tpu.vector_store %arg4[%swap3A_130], %broadcast_in_dim3A_3 {strides = array<i32>} : memref<31264xi32, #tpu.memory_space<vmem>>, vector<16xi32>,
      %scan3A_132 = arith.constant 3 : i32
      %scan3A_133 = arith.addi %scan3A_115, %scan3A_132 : i32
      %mul3A_134 = arith.constant 16 : i32
      %mul3A_135 = arith.muli %scan3A_133, %mul3A_134 : i32
      %swap3A_136 = arith.index_cast %mul3A_135 : i32 to index
      %swap3A_137 = tpu.vector_load %arg4[%swap3A_136] {strides = array<i32>} : memref<31264xi32, #tpu.memory_space<vmem>>, vector<16xi32>,
      tpu.vector_store %arg4[%swap3A_136], %broadcast_in_dim3A_3 {strides = array<i32>} : memref<31264xi32, #tpu.memory_space<vmem>>, vector<16xi32>,
    }
    %scan3A_7 = arith.constant 1952 : i32
    %scan3A_8 = arith.addi %scan3A, %scan3A_7 : i32
    %mul3A_9 = arith.constant 16 : i32
    %mul3A_10 = arith.muli %scan3A_8, %mul3A_9 : i32
    %swap3A = arith.index_cast %mul3A_10 : i32 to index
    %swap3A_11 = tpu.vector_load %arg4[%swap3A] {strides = array<i32>} : memref<31264xi32, #tpu.memory_space<vmem>>, vector<16xi32>,
    tpu.vector_store %arg4[%swap3A], %broadcast_in_dim3A_3 {strides = array<i32>} : memref<31264xi32, #tpu.memory_space<vmem>>, vector<16xi32>,
    %scan3A_12 = arith.constant 1953 : i32
    %scan3A_13 = arith.addi %scan3A, %scan3A_12 : i32
    %mul3A_14 = arith.constant 16 : i32
    %mul3A_15 = arith.muli %scan3A_13, %mul3A_14 : i32
    %swap3A_16 = arith.index_cast %mul3A_15 : i32 to index
    %swap3A_17 = tpu.vector_load %arg4[%swap3A_16] {strides = array<i32>} : memref<31264xi32, #tpu.memory_space<vmem>>, vector<16xi32>,
    tpu.vector_store %arg4[%swap3A_16], %broadcast_in_dim3A_3 {strides = array<i32>} : memref<31264xi32, #tpu.memory_space<vmem>>, vector<16xi32>,
    %scan3A_18 = arith.constant 1954 : i32
    %iota3A = tpu.iota {dimensions = array<i32: 0>} : vector<16xi32>
    "tpu.region"() ({
      %run_scoped3A = tpu.sem_alloc : memref<!tpu.dma_semaphore, #tpu.memory_space<semaphore_mem>>
      %dma_start3A = arith.constant 0 : i32
      %dma_start3A_115 = tpu.memref_slice %arg2[%dma_start3A] : memref<65536xi32, #tpu.memory_space<hbm>> -> memref<4096xi32, #tpu.memory_space<hbm>>
      %dma_start3A_116 = arith.constant 0 : i32
      %dma_start3A_117 = tpu.memref_slice %arg2[%dma_start3A_116] : memref<65536xi32, #tpu.memory_space<hbm>> -> memref<4096xi32, #tpu.memory_space<hbm>>
      tpu.enqueue_dma source(%dma_start3A_117 : memref<4096xi32, #tpu.memory_space<hbm>>) target(%arg5 : memref<4096xi32, #tpu.memory_space<vmem>>) target_semaphore(%run_scoped3A : memref<!tpu.dma_semaphore, #tpu.memory_space<semaphore_mem>>)
      %dma_wait3A = arith.constant 0 : i32
      %dma_wait3A_118 = tpu.memref_slice %arg2[%dma_wait3A] : memref<65536xi32, #tpu.memory_space<hbm>> -> memref<4096xi32, #tpu.memory_space<hbm>>
      %dma_wait3A_119 = arith.constant 0 : i32
      %dma_wait3A_120 = tpu.memref_slice %arg2[%dma_wait3A_119] : memref<65536xi32, #tpu.memory_space<hbm>> -> memref<4096xi32, #tpu.memory_space<hbm>>
      tpu.wait_dma2 semaphore(%run_scoped3A : memref<!tpu.dma_semaphore, #tpu.memory_space<semaphore_mem>>) src(%dma_wait3A_120 : memref<4096xi32, #tpu.memory_space<hbm>>) dst(%arg5 : memref<4096xi32, #tpu.memory_space<vmem>>)
      tpu.yield
    }) : () -> ()
    %scan3A_19 = arith.constant 0 : i32
    %scan3A_20 = arith.constant 0 : i32
    %scan3A_21 = arith.constant 256 : i32
    %scan3A_22 = arith.addi %scan3A_20, %scan3A_21 : i32
    %scan3A_23 = arith.constant 1 : i32
    scf.for %scan3A_115 = %scan3A_20 to %scan3A_22 step %scan3A_23  : i32 {
      %mul3A_116 = arith.constant 16 : i32
      %mul3A_117 = arith.muli %scan3A_115, %mul3A_116 : i32
      %get3A = arith.index_cast %mul3A_117 : i32 to index
      %get3A_118 = tpu.vector_load %arg5[%get3A] {strides = array<i32>} : memref<4096xi32, #tpu.memory_space<vmem>>, vector<16xi32>,
      %mul3A_119 = arith.constant 16 : i32
      %mul3A_120 = arith.muli %scan3A_115, %mul3A_119 : i32
      %add3A_121 = arith.addi %scan3A_19, %mul3A_120 : i32
      %add3A_122 = vector.broadcast %add3A_121 : i32 to vector<16xi32>
      %add3A_123 = arith.addi %add3A_122, %iota3A : vector<16xi32>
      %sub3A = vector.broadcast %mul3A_2 : i32 to vector<16xi32>
      %sub3A_124 = arith.subi %get3A_118, %sub3A : vector<16xi32>
      %ge3A = arith.constant 0 : i32
      %ge3A_125 = vector.broadcast %ge3A : i32 to vector<16xi32>
      %ge3A_126 = arith.cmpi sge, %sub3A_124, %ge3A_125 : vector<16xi32>
      %lt3A = arith.constant 31264 : i32
      %lt3A_127 = vector.broadcast %lt3A : i32 to vector<16xi32>
      %lt3A_128 = arith.cmpi slt, %sub3A_124, %lt3A_127 : vector<16xi32>
      %and3A = arith.andi %ge3A_126, %lt3A_128 : vector<16xi1>
      tpu.vector_store_idx %arg4[%sub3A_124], %add3A_123 masked %and3A : memref<31264xi32, #tpu.memory_space<vmem>>[vector<16xi32>], vector<16xi32>, vector<16xi1>
      %gather3A = tpu.vector_load_idx %arg4[%sub3A_124] masked %and3A : memref<31264xi32, #tpu.memory_space<vmem>>[vector<16xi32>], vector<16xi32>, vector<16xi1>
      %lt3A_129 = arith.cmpi slt, %gather3A, %add3A_123 : vector<16xi32>
      %and3A_130 = arith.andi %and3A, %lt3A_129 : vector<16xi1>
      %while3A = scf.while (%while3A_131 = %and3A_130) : (vector<16xi1>) -> vector<16xi1> {
        %all_reduce_population_count3A = tpu.all_reduce %while3A_131 {dim = 0 : i64, kind = #tpu.reduction_kind<sum>} : vector<16xi1> -> vector<16xi32>
        %slice3A = vector.extract_strided_slice %all_reduce_population_count3A {offsets = [0], sizes = [1], strides = [1]} : vector<16xi32> to vector<1xi32>
        %squeeze3A = vector.extract %slice3A[0] : i32 from vector<1xi32>
        %gt3A = arith.constant 0 : i32
        %gt3A_132 = arith.cmpi sgt, %squeeze3A, %gt3A : i32
        scf.condition(%gt3A_132) %while3A_131 : vector<16xi1>
      } do {
      ^bb0(%while3A_131: vector<16xi1>):
        tpu.vector_store_idx %arg4[%sub3A_124], %add3A_123 masked %while3A_131 : memref<31264xi32, #tpu.memory_space<vmem>>[vector<16xi32>], vector<16xi32>, vector<16xi1>
        %gather3A_132 = tpu.vector_load_idx %arg4[%sub3A_124] masked %while3A_131 : memref<31264xi32, #tpu.memory_space<vmem>>[vector<16xi32>], vector<16xi32>, vector<16xi1>
        %lt3A_133 = arith.cmpi slt, %gather3A_132, %add3A_123 : vector<16xi32>
        %and3A_134 = arith.andi %while3A_131, %lt3A_133 : vector<16xi1>
        scf.yield %and3A_134 : vector<16xi1>
      }
    }
    %scan3A_24 = arith.constant 256 : i32
    "tpu.region"() ({
      %run_scoped3A = tpu.sem_alloc : memref<!tpu.dma_semaphore, #tpu.memory_space<semaphore_mem>>
      %dma_start3A = arith.constant 4096 : i32
      %dma_start3A_115 = tpu.memref_slice %arg2[%dma_start3A] : memref<65536xi32, #tpu.memory_space<hbm>> -> memref<4096xi32, #tpu.memory_space<hbm>>
      %dma_start3A_116 = arith.constant 4096 : i32
      %dma_start3A_117 = tpu.memref_slice %arg2[%dma_start3A_116] : memref<65536xi32, #tpu.memory_space<hbm>> -> memref<4096xi32, #tpu.memory_space<hbm>>
      tpu.enqueue_dma source(%dma_start3A_117 : memref<4096xi32, #tpu.memory_space<hbm>>) target(%arg5 : memref<4096xi32, #tpu.memory_space<vmem>>) target_semaphore(%run_scoped3A : memref<!tpu.dma_semaphore, #tpu.memory_space<semaphore_mem>>)
      %dma_wait3A = arith.constant 4096 : i32
      %dma_wait3A_118 = tpu.memref_slice %arg2[%dma_wait3A] : memref<65536xi32, #tpu.memory_space<hbm>> -> memref<4096xi32, #tpu.memory_space<hbm>>
      %dma_wait3A_119 = arith.constant 4096 : i32
      %dma_wait3A_120 = tpu.memref_slice %arg2[%dma_wait3A_119] : memref<65536xi32, #tpu.memory_space<hbm>> -> memref<4096xi32, #tpu.memory_space<hbm>>
      tpu.wait_dma2 semaphore(%run_scoped3A : memref<!tpu.dma_semaphore, #tpu.memory_space<semaphore_mem>>) src(%dma_wait3A_120 : memref<4096xi32, #tpu.memory_space<hbm>>) dst(%arg5 : memref<4096xi32, #tpu.memory_space<vmem>>)
      tpu.yield
    }) : () -> ()
    %scan3A_25 = arith.constant 4096 : i32
    %scan3A_26 = arith.constant 0 : i32
    %scan3A_27 = arith.constant 256 : i32
    %scan3A_28 = arith.addi %scan3A_26, %scan3A_27 : i32
    %scan3A_29 = arith.constant 1 : i32
    scf.for %scan3A_115 = %scan3A_26 to %scan3A_28 step %scan3A_29  : i32 {
      %mul3A_116 = arith.constant 16 : i32
      %mul3A_117 = arith.muli %scan3A_115, %mul3A_116 : i32
      %get3A = arith.index_cast %mul3A_117 : i32 to index
      %get3A_118 = tpu.vector_load %arg5[%get3A] {strides = array<i32>} : memref<4096xi32, #tpu.memory_space<vmem>>, vector<16xi32>,
      %mul3A_119 = arith.constant 16 : i32
      %mul3A_120 = arith.muli %scan3A_115, %mul3A_119 : i32
      %add3A_121 = arith.addi %scan3A_25, %mul3A_120 : i32
      %add3A_122 = vector.broadcast %add3A_121 : i32 to vector<16xi32>
      %add3A_123 = arith.addi %add3A_122, %iota3A : vector<16xi32>
      %sub3A = vector.broadcast %mul3A_2 : i32 to vector<16xi32>
      %sub3A_124 = arith.subi %get3A_118, %sub3A : vector<16xi32>
      %ge3A = arith.constant 0 : i32
      %ge3A_125 = vector.broadcast %ge3A : i32 to vector<16xi32>
      %ge3A_126 = arith.cmpi sge, %sub3A_124, %ge3A_125 : vector<16xi32>
      %lt3A = arith.constant 31264 : i32
      %lt3A_127 = vector.broadcast %lt3A : i32 to vector<16xi32>
      %lt3A_128 = arith.cmpi slt, %sub3A_124, %lt3A_127 : vector<16xi32>
      %and3A = arith.andi %ge3A_126, %lt3A_128 : vector<16xi1>
      tpu.vector_store_idx %arg4[%sub3A_124], %add3A_123 masked %and3A : memref<31264xi32, #tpu.memory_space<vmem>>[vector<16xi32>], vector<16xi32>, vector<16xi1>
      %gather3A = tpu.vector_load_idx %arg4[%sub3A_124] masked %and3A : memref<31264xi32, #tpu.memory_space<vmem>>[vector<16xi32>], vector<16xi32>, vector<16xi1>
      %lt3A_129 = arith.cmpi slt, %gather3A, %add3A_123 : vector<16xi32>
      %and3A_130 = arith.andi %and3A, %lt3A_129 : vector<16xi1>
      %while3A = scf.while (%while3A_131 = %and3A_130) : (vector<16xi1>) -> vector<16xi1> {
        %all_reduce_population_count3A = tpu.all_reduce %while3A_131 {dim = 0 : i64, kind = #tpu.reduction_kind<sum>} : vector<16xi1> -> vector<16xi32>
        %slice3A = vector.extract_strided_slice %all_reduce_population_count3A {offsets = [0], sizes = [1], strides = [1]} : vector<16xi32> to vector<1xi32>
        %squeeze3A = vector.extract %slice3A[0] : i32 from vector<1xi32>
        %gt3A = arith.constant 0 : i32
        %gt3A_132 = arith.cmpi sgt, %squeeze3A, %gt3A : i32
        scf.condition(%gt3A_132) %while3A_131 : vector<16xi1>
      } do {
      ^bb0(%while3A_131: vector<16xi1>):
        tpu.vector_store_idx %arg4[%sub3A_124], %add3A_123 masked %while3A_131 : memref<31264xi32, #tpu.memory_space<vmem>>[vector<16xi32>], vector<16xi32>, vector<16xi1>
        %gather3A_132 = tpu.vector_load_idx %arg4[%sub3A_124] masked %while3A_131 : memref<31264xi32, #tpu.memory_space<vmem>>[vector<16xi32>], vector<16xi32>, vector<16xi1>
        %lt3A_133 = arith.cmpi slt, %gather3A_132, %add3A_123 : vector<16xi32>
        %and3A_134 = arith.andi %while3A_131, %lt3A_133 : vector<16xi1>
        scf.yield %and3A_134 : vector<16xi1>
      }
    }
    %scan3A_30 = arith.constant 256 : i32
    "tpu.region"() ({
      %run_scoped3A = tpu.sem_alloc : memref<!tpu.dma_semaphore, #tpu.memory_space<semaphore_mem>>
      %dma_start3A = arith.constant 8192 : i32
      %dma_start3A_115 = tpu.memref_slice %arg2[%dma_start3A] : memref<65536xi32, #tpu.memory_space<hbm>> -> memref<4096xi32, #tpu.memory_space<hbm>>
      %dma_start3A_116 = arith.constant 8192 : i32
      %dma_start3A_117 = tpu.memref_slice %arg2[%dma_start3A_116] : memref<65536xi32, #tpu.memory_space<hbm>> -> memref<4096xi32, #tpu.memory_space<hbm>>
      tpu.enqueue_dma source(%dma_start3A_117 : memref<4096xi32, #tpu.memory_space<hbm>>) target(%arg5 : memref<4096xi32, #tpu.memory_space<vmem>>) target_semaphore(%run_scoped3A : memref<!tpu.dma_semaphore, #tpu.memory_space<semaphore_mem>>)
      %dma_wait3A = arith.constant 8192 : i32
      %dma_wait3A_118 = tpu.memref_slice %arg2[%dma_wait3A] : memref<65536xi32, #tpu.memory_space<hbm>> -> memref<4096xi32, #tpu.memory_space<hbm>>
      %dma_wait3A_119 = arith.constant 8192 : i32
      %dma_wait3A_120 = tpu.memref_slice %arg2[%dma_wait3A_119] : memref<65536xi32, #tpu.memory_space<hbm>> -> memref<4096xi32, #tpu.memory_space<hbm>>
      tpu.wait_dma2 semaphore(%run_scoped3A : memref<!tpu.dma_semaphore, #tpu.memory_space<semaphore_mem>>) src(%dma_wait3A_120 : memref<4096xi32, #tpu.memory_space<hbm>>) dst(%arg5 : memref<4096xi32, #tpu.memory_space<vmem>>)
      tpu.yield
    }) : () -> ()
    %scan3A_31 = arith.constant 8192 : i32
    %scan3A_32 = arith.constant 0 : i32
    %scan3A_33 = arith.constant 256 : i32
    %scan3A_34 = arith.addi %scan3A_32, %scan3A_33 : i32
    %scan3A_35 = arith.constant 1 : i32
    scf.for %scan3A_115 = %scan3A_32 to %scan3A_34 step %scan3A_35  : i32 {
      %mul3A_116 = arith.constant 16 : i32
      %mul3A_117 = arith.muli %scan3A_115, %mul3A_116 : i32
      %get3A = arith.index_cast %mul3A_117 : i32 to index
      %get3A_118 = tpu.vector_load %arg5[%get3A] {strides = array<i32>} : memref<4096xi32, #tpu.memory_space<vmem>>, vector<16xi32>,
      %mul3A_119 = arith.constant 16 : i32
      %mul3A_120 = arith.muli %scan3A_115, %mul3A_119 : i32
      %add3A_121 = arith.addi %scan3A_31, %mul3A_120 : i32
      %add3A_122 = vector.broadcast %add3A_121 : i32 to vector<16xi32>
      %add3A_123 = arith.addi %add3A_122, %iota3A : vector<16xi32>
      %sub3A = vector.broadcast %mul3A_2 : i32 to vector<16xi32>
      %sub3A_124 = arith.subi %get3A_118, %sub3A : vector<16xi32>
      %ge3A = arith.constant 0 : i32
      %ge3A_125 = vector.broadcast %ge3A : i32 to vector<16xi32>
      %ge3A_126 = arith.cmpi sge, %sub3A_124, %ge3A_125 : vector<16xi32>
      %lt3A = arith.constant 31264 : i32
      %lt3A_127 = vector.broadcast %lt3A : i32 to vector<16xi32>
      %lt3A_128 = arith.cmpi slt, %sub3A_124, %lt3A_127 : vector<16xi32>
      %and3A = arith.andi %ge3A_126, %lt3A_128 : vector<16xi1>
      tpu.vector_store_idx %arg4[%sub3A_124], %add3A_123 masked %and3A : memref<31264xi32, #tpu.memory_space<vmem>>[vector<16xi32>], vector<16xi32>, vector<16xi1>
      %gather3A = tpu.vector_load_idx %arg4[%sub3A_124] masked %and3A : memref<31264xi32, #tpu.memory_space<vmem>>[vector<16xi32>], vector<16xi32>, vector<16xi1>
      %lt3A_129 = arith.cmpi slt, %gather3A, %add3A_123 : vector<16xi32>
      %and3A_130 = arith.andi %and3A, %lt3A_129 : vector<16xi1>
      %while3A = scf.while (%while3A_131 = %and3A_130) : (vector<16xi1>) -> vector<16xi1> {
        %all_reduce_population_count3A = tpu.all_reduce %while3A_131 {dim = 0 : i64, kind = #tpu.reduction_kind<sum>} : vector<16xi1> -> vector<16xi32>
        %slice3A = vector.extract_strided_slice %all_reduce_population_count3A {offsets = [0], sizes = [1], strides = [1]} : vector<16xi32> to vector<1xi32>
        %squeeze3A = vector.extract %slice3A[0] : i32 from vector<1xi32>
        %gt3A = arith.constant 0 : i32
        %gt3A_132 = arith.cmpi sgt, %squeeze3A, %gt3A : i32
        scf.condition(%gt3A_132) %while3A_131 : vector<16xi1>
      } do {
      ^bb0(%while3A_131: vector<16xi1>):
        tpu.vector_store_idx %arg4[%sub3A_124], %add3A_123 masked %while3A_131 : memref<31264xi32, #tpu.memory_space<vmem>>[vector<16xi32>], vector<16xi32>, vector<16xi1>
        %gather3A_132 = tpu.vector_load_idx %arg4[%sub3A_124] masked %while3A_131 : memref<31264xi32, #tpu.memory_space<vmem>>[vector<16xi32>], vector<16xi32>, vector<16xi1>
        %lt3A_133 = arith.cmpi slt, %gather3A_132, %add3A_123 : vector<16xi32>
        %and3A_134 = arith.andi %while3A_131, %lt3A_133 : vector<16xi1>
        scf.yield %and3A_134 : vector<16xi1>
      }
    }
    %scan3A_36 = arith.constant 256 : i32
    "tpu.region"() ({
      %run_scoped3A = tpu.sem_alloc : memref<!tpu.dma_semaphore, #tpu.memory_space<semaphore_mem>>
      %dma_start3A = arith.constant 12288 : i32
      %dma_start3A_115 = tpu.memref_slice %arg2[%dma_start3A] : memref<65536xi32, #tpu.memory_space<hbm>> -> memref<4096xi32, #tpu.memory_space<hbm>>
      %dma_start3A_116 = arith.constant 12288 : i32
      %dma_start3A_117 = tpu.memref_slice %arg2[%dma_start3A_116] : memref<65536xi32, #tpu.memory_space<hbm>> -> memref<4096xi32, #tpu.memory_space<hbm>>
      tpu.enqueue_dma source(%dma_start3A_117 : memref<4096xi32, #tpu.memory_space<hbm>>) target(%arg5 : memref<4096xi32, #tpu.memory_space<vmem>>) target_semaphore(%run_scoped3A : memref<!tpu.dma_semaphore, #tpu.memory_space<semaphore_mem>>)
      %dma_wait3A = arith.constant 12288 : i32
      %dma_wait3A_118 = tpu.memref_slice %arg2[%dma_wait3A] : memref<65536xi32, #tpu.memory_space<hbm>> -> memref<4096xi32, #tpu.memory_space<hbm>>
      %dma_wait3A_119 = arith.constant 12288 : i32
      %dma_wait3A_120 = tpu.memref_slice %arg2[%dma_wait3A_119] : memref<65536xi32, #tpu.memory_space<hbm>> -> memref<4096xi32, #tpu.memory_space<hbm>>
      tpu.wait_dma2 semaphore(%run_scoped3A : memref<!tpu.dma_semaphore, #tpu.memory_space<semaphore_mem>>) src(%dma_wait3A_120 : memref<4096xi32, #tpu.memory_space<hbm>>) dst(%arg5 : memref<4096xi32, #tpu.memory_space<vmem>>)
      tpu.yield
    }) : () -> ()
    %scan3A_37 = arith.constant 12288 : i32
    %scan3A_38 = arith.constant 0 : i32
    %scan3A_39 = arith.constant 256 : i32
    %scan3A_40 = arith.addi %scan3A_38, %scan3A_39 : i32
    %scan3A_41 = arith.constant 1 : i32
    scf.for %scan3A_115 = %scan3A_38 to %scan3A_40 step %scan3A_41  : i32 {
      %mul3A_116 = arith.constant 16 : i32
      %mul3A_117 = arith.muli %scan3A_115, %mul3A_116 : i32
      %get3A = arith.index_cast %mul3A_117 : i32 to index
      %get3A_118 = tpu.vector_load %arg5[%get3A] {strides = array<i32>} : memref<4096xi32, #tpu.memory_space<vmem>>, vector<16xi32>,
      %mul3A_119 = arith.constant 16 : i32
      %mul3A_120 = arith.muli %scan3A_115, %mul3A_119 : i32
      %add3A_121 = arith.addi %scan3A_37, %mul3A_120 : i32
      %add3A_122 = vector.broadcast %add3A_121 : i32 to vector<16xi32>
      %add3A_123 = arith.addi %add3A_122, %iota3A : vector<16xi32>
      %sub3A = vector.broadcast %mul3A_2 : i32 to vector<16xi32>
      %sub3A_124 = arith.subi %get3A_118, %sub3A : vector<16xi32>
      %ge3A = arith.constant 0 : i32
      %ge3A_125 = vector.broadcast %ge3A : i32 to vector<16xi32>
      %ge3A_126 = arith.cmpi sge, %sub3A_124, %ge3A_125 : vector<16xi32>
      %lt3A = arith.constant 31264 : i32
      %lt3A_127 = vector.broadcast %lt3A : i32 to vector<16xi32>
      %lt3A_128 = arith.cmpi slt, %sub3A_124, %lt3A_127 : vector<16xi32>
      %and3A = arith.andi %ge3A_126, %lt3A_128 : vector<16xi1>
      tpu.vector_store_idx %arg4[%sub3A_124], %add3A_123 masked %and3A : memref<31264xi32, #tpu.memory_space<vmem>>[vector<16xi32>], vector<16xi32>, vector<16xi1>
      %gather3A = tpu.vector_load_idx %arg4[%sub3A_124] masked %and3A : memref<31264xi32, #tpu.memory_space<vmem>>[vector<16xi32>], vector<16xi32>, vector<16xi1>
      %lt3A_129 = arith.cmpi slt, %gather3A, %add3A_123 : vector<16xi32>
      %and3A_130 = arith.andi %and3A, %lt3A_129 : vector<16xi1>
      %while3A = scf.while (%while3A_131 = %and3A_130) : (vector<16xi1>) -> vector<16xi1> {
        %all_reduce_population_count3A = tpu.all_reduce %while3A_131 {dim = 0 : i64, kind = #tpu.reduction_kind<sum>} : vector<16xi1> -> vector<16xi32>
        %slice3A = vector.extract_strided_slice %all_reduce_population_count3A {offsets = [0], sizes = [1], strides = [1]} : vector<16xi32> to vector<1xi32>
        %squeeze3A = vector.extract %slice3A[0] : i32 from vector<1xi32>
        %gt3A = arith.constant 0 : i32
        %gt3A_132 = arith.cmpi sgt, %squeeze3A, %gt3A : i32
        scf.condition(%gt3A_132) %while3A_131 : vector<16xi1>
      } do {
      ^bb0(%while3A_131: vector<16xi1>):
        tpu.vector_store_idx %arg4[%sub3A_124], %add3A_123 masked %while3A_131 : memref<31264xi32, #tpu.memory_space<vmem>>[vector<16xi32>], vector<16xi32>, vector<16xi1>
        %gather3A_132 = tpu.vector_load_idx %arg4[%sub3A_124] masked %while3A_131 : memref<31264xi32, #tpu.memory_space<vmem>>[vector<16xi32>], vector<16xi32>, vector<16xi1>
        %lt3A_133 = arith.cmpi slt, %gather3A_132, %add3A_123 : vector<16xi32>
        %and3A_134 = arith.andi %while3A_131, %lt3A_133 : vector<16xi1>
        scf.yield %and3A_134 : vector<16xi1>
      }
    }
    %scan3A_42 = arith.constant 256 : i32
    "tpu.region"() ({
      %run_scoped3A = tpu.sem_alloc : memref<!tpu.dma_semaphore, #tpu.memory_space<semaphore_mem>>
      %dma_start3A = arith.constant 16384 : i32
      %dma_start3A_115 = tpu.memref_slice %arg2[%dma_start3A] : memref<65536xi32, #tpu.memory_space<hbm>> -> memref<4096xi32, #tpu.memory_space<hbm>>
      %dma_start3A_116 = arith.constant 16384 : i32
      %dma_start3A_117 = tpu.memref_slice %arg2[%dma_start3A_116] : memref<65536xi32, #tpu.memory_space<hbm>> -> memref<4096xi32, #tpu.memory_space<hbm>>
      tpu.enqueue_dma source(%dma_start3A_117 : memref<4096xi32, #tpu.memory_space<hbm>>) target(%arg5 : memref<4096xi32, #tpu.memory_space<vmem>>) target_semaphore(%run_scoped3A : memref<!tpu.dma_semaphore, #tpu.memory_space<semaphore_mem>>)
      %dma_wait3A = arith.constant 16384 : i32
      %dma_wait3A_118 = tpu.memref_slice %arg2[%dma_wait3A] : memref<65536xi32, #tpu.memory_space<hbm>> -> memref<4096xi32, #tpu.memory_space<hbm>>
      %dma_wait3A_119 = arith.constant 16384 : i32
      %dma_wait3A_120 = tpu.memref_slice %arg2[%dma_wait3A_119] : memref<65536xi32, #tpu.memory_space<hbm>> -> memref<4096xi32, #tpu.memory_space<hbm>>
      tpu.wait_dma2 semaphore(%run_scoped3A : memref<!tpu.dma_semaphore, #tpu.memory_space<semaphore_mem>>) src(%dma_wait3A_120 : memref<4096xi32, #tpu.memory_space<hbm>>) dst(%arg5 : memref<4096xi32, #tpu.memory_space<vmem>>)
      tpu.yield
    }) : () -> ()
    %scan3A_43 = arith.constant 16384 : i32
    %scan3A_44 = arith.constant 0 : i32
    %scan3A_45 = arith.constant 256 : i32
    %scan3A_46 = arith.addi %scan3A_44, %scan3A_45 : i32
    %scan3A_47 = arith.constant 1 : i32
    scf.for %scan3A_115 = %scan3A_44 to %scan3A_46 step %scan3A_47  : i32 {
      %mul3A_116 = arith.constant 16 : i32
      %mul3A_117 = arith.muli %scan3A_115, %mul3A_116 : i32
      %get3A = arith.index_cast %mul3A_117 : i32 to index
      %get3A_118 = tpu.vector_load %arg5[%get3A] {strides = array<i32>} : memref<4096xi32, #tpu.memory_space<vmem>>, vector<16xi32>,
      %mul3A_119 = arith.constant 16 : i32
      %mul3A_120 = arith.muli %scan3A_115, %mul3A_119 : i32
      %add3A_121 = arith.addi %scan3A_43, %mul3A_120 : i32
      %add3A_122 = vector.broadcast %add3A_121 : i32 to vector<16xi32>
      %add3A_123 = arith.addi %add3A_122, %iota3A : vector<16xi32>
      %sub3A = vector.broadcast %mul3A_2 : i32 to vector<16xi32>
      %sub3A_124 = arith.subi %get3A_118, %sub3A : vector<16xi32>
      %ge3A = arith.constant 0 : i32
      %ge3A_125 = vector.broadcast %ge3A : i32 to vector<16xi32>
      %ge3A_126 = arith.cmpi sge, %sub3A_124, %ge3A_125 : vector<16xi32>
      %lt3A = arith.constant 31264 : i32
      %lt3A_127 = vector.broadcast %lt3A : i32 to vector<16xi32>
      %lt3A_128 = arith.cmpi slt, %sub3A_124, %lt3A_127 : vector<16xi32>
      %and3A = arith.andi %ge3A_126, %lt3A_128 : vector<16xi1>
      tpu.vector_store_idx %arg4[%sub3A_124], %add3A_123 masked %and3A : memref<31264xi32, #tpu.memory_space<vmem>>[vector<16xi32>], vector<16xi32>, vector<16xi1>
      %gather3A = tpu.vector_load_idx %arg4[%sub3A_124] masked %and3A : memref<31264xi32, #tpu.memory_space<vmem>>[vector<16xi32>], vector<16xi32>, vector<16xi1>
      %lt3A_129 = arith.cmpi slt, %gather3A, %add3A_123 : vector<16xi32>
      %and3A_130 = arith.andi %and3A, %lt3A_129 : vector<16xi1>
      %while3A = scf.while (%while3A_131 = %and3A_130) : (vector<16xi1>) -> vector<16xi1> {
        %all_reduce_population_count3A = tpu.all_reduce %while3A_131 {dim = 0 : i64, kind = #tpu.reduction_kind<sum>} : vector<16xi1> -> vector<16xi32>
        %slice3A = vector.extract_strided_slice %all_reduce_population_count3A {offsets = [0], sizes = [1], strides = [1]} : vector<16xi32> to vector<1xi32>
        %squeeze3A = vector.extract %slice3A[0] : i32 from vector<1xi32>
        %gt3A = arith.constant 0 : i32
        %gt3A_132 = arith.cmpi sgt, %squeeze3A, %gt3A : i32
        scf.condition(%gt3A_132) %while3A_131 : vector<16xi1>
      } do {
      ^bb0(%while3A_131: vector<16xi1>):
        tpu.vector_store_idx %arg4[%sub3A_124], %add3A_123 masked %while3A_131 : memref<31264xi32, #tpu.memory_space<vmem>>[vector<16xi32>], vector<16xi32>, vector<16xi1>
        %gather3A_132 = tpu.vector_load_idx %arg4[%sub3A_124] masked %while3A_131 : memref<31264xi32, #tpu.memory_space<vmem>>[vector<16xi32>], vector<16xi32>, vector<16xi1>
        %lt3A_133 = arith.cmpi slt, %gather3A_132, %add3A_123 : vector<16xi32>
        %and3A_134 = arith.andi %while3A_131, %lt3A_133 : vector<16xi1>
        scf.yield %and3A_134 : vector<16xi1>
      }
    }
    %scan3A_48 = arith.constant 256 : i32
    "tpu.region"() ({
      %run_scoped3A = tpu.sem_alloc : memref<!tpu.dma_semaphore, #tpu.memory_space<semaphore_mem>>
      %dma_start3A = arith.constant 20480 : i32
      %dma_start3A_115 = tpu.memref_slice %arg2[%dma_start3A] : memref<65536xi32, #tpu.memory_space<hbm>> -> memref<4096xi32, #tpu.memory_space<hbm>>
      %dma_start3A_116 = arith.constant 20480 : i32
      %dma_start3A_117 = tpu.memref_slice %arg2[%dma_start3A_116] : memref<65536xi32, #tpu.memory_space<hbm>> -> memref<4096xi32, #tpu.memory_space<hbm>>
      tpu.enqueue_dma source(%dma_start3A_117 : memref<4096xi32, #tpu.memory_space<hbm>>) target(%arg5 : memref<4096xi32, #tpu.memory_space<vmem>>) target_semaphore(%run_scoped3A : memref<!tpu.dma_semaphore, #tpu.memory_space<semaphore_mem>>)
      %dma_wait3A = arith.constant 20480 : i32
      %dma_wait3A_118 = tpu.memref_slice %arg2[%dma_wait3A] : memref<65536xi32, #tpu.memory_space<hbm>> -> memref<4096xi32, #tpu.memory_space<hbm>>
      %dma_wait3A_119 = arith.constant 20480 : i32
      %dma_wait3A_120 = tpu.memref_slice %arg2[%dma_wait3A_119] : memref<65536xi32, #tpu.memory_space<hbm>> -> memref<4096xi32, #tpu.memory_space<hbm>>
      tpu.wait_dma2 semaphore(%run_scoped3A : memref<!tpu.dma_semaphore, #tpu.memory_space<semaphore_mem>>) src(%dma_wait3A_120 : memref<4096xi32, #tpu.memory_space<hbm>>) dst(%arg5 : memref<4096xi32, #tpu.memory_space<vmem>>)
      tpu.yield
    }) : () -> ()
    %scan3A_49 = arith.constant 20480 : i32
    %scan3A_50 = arith.constant 0 : i32
    %scan3A_51 = arith.constant 256 : i32
    %scan3A_52 = arith.addi %scan3A_50, %scan3A_51 : i32
    %scan3A_53 = arith.constant 1 : i32
    scf.for %scan3A_115 = %scan3A_50 to %scan3A_52 step %scan3A_53  : i32 {
      %mul3A_116 = arith.constant 16 : i32
      %mul3A_117 = arith.muli %scan3A_115, %mul3A_116 : i32
      %get3A = arith.index_cast %mul3A_117 : i32 to index
      %get3A_118 = tpu.vector_load %arg5[%get3A] {strides = array<i32>} : memref<4096xi32, #tpu.memory_space<vmem>>, vector<16xi32>,
      %mul3A_119 = arith.constant 16 : i32
      %mul3A_120 = arith.muli %scan3A_115, %mul3A_119 : i32
      %add3A_121 = arith.addi %scan3A_49, %mul3A_120 : i32
      %add3A_122 = vector.broadcast %add3A_121 : i32 to vector<16xi32>
      %add3A_123 = arith.addi %add3A_122, %iota3A : vector<16xi32>
      %sub3A = vector.broadcast %mul3A_2 : i32 to vector<16xi32>
      %sub3A_124 = arith.subi %get3A_118, %sub3A : vector<16xi32>
      %ge3A = arith.constant 0 : i32
      %ge3A_125 = vector.broadcast %ge3A : i32 to vector<16xi32>
      %ge3A_126 = arith.cmpi sge, %sub3A_124, %ge3A_125 : vector<16xi32>
      %lt3A = arith.constant 31264 : i32
      %lt3A_127 = vector.broadcast %lt3A : i32 to vector<16xi32>
      %lt3A_128 = arith.cmpi slt, %sub3A_124, %lt3A_127 : vector<16xi32>
      %and3A = arith.andi %ge3A_126, %lt3A_128 : vector<16xi1>
      tpu.vector_store_idx %arg4[%sub3A_124], %add3A_123 masked %and3A : memref<31264xi32, #tpu.memory_space<vmem>>[vector<16xi32>], vector<16xi32>, vector<16xi1>
      %gather3A = tpu.vector_load_idx %arg4[%sub3A_124] masked %and3A : memref<31264xi32, #tpu.memory_space<vmem>>[vector<16xi32>], vector<16xi32>, vector<16xi1>
      %lt3A_129 = arith.cmpi slt, %gather3A, %add3A_123 : vector<16xi32>
      %and3A_130 = arith.andi %and3A, %lt3A_129 : vector<16xi1>
      %while3A = scf.while (%while3A_131 = %and3A_130) : (vector<16xi1>) -> vector<16xi1> {
        %all_reduce_population_count3A = tpu.all_reduce %while3A_131 {dim = 0 : i64, kind = #tpu.reduction_kind<sum>} : vector<16xi1> -> vector<16xi32>
        %slice3A = vector.extract_strided_slice %all_reduce_population_count3A {offsets = [0], sizes = [1], strides = [1]} : vector<16xi32> to vector<1xi32>
        %squeeze3A = vector.extract %slice3A[0] : i32 from vector<1xi32>
        %gt3A = arith.constant 0 : i32
        %gt3A_132 = arith.cmpi sgt, %squeeze3A, %gt3A : i32
        scf.condition(%gt3A_132) %while3A_131 : vector<16xi1>
      } do {
      ^bb0(%while3A_131: vector<16xi1>):
        tpu.vector_store_idx %arg4[%sub3A_124], %add3A_123 masked %while3A_131 : memref<31264xi32, #tpu.memory_space<vmem>>[vector<16xi32>], vector<16xi32>, vector<16xi1>
        %gather3A_132 = tpu.vector_load_idx %arg4[%sub3A_124] masked %while3A_131 : memref<31264xi32, #tpu.memory_space<vmem>>[vector<16xi32>], vector<16xi32>, vector<16xi1>
        %lt3A_133 = arith.cmpi slt, %gather3A_132, %add3A_123 : vector<16xi32>
        %and3A_134 = arith.andi %while3A_131, %lt3A_133 : vector<16xi1>
        scf.yield %and3A_134 : vector<16xi1>
      }
    }
    %scan3A_54 = arith.constant 256 : i32
    "tpu.region"() ({
      %run_scoped3A = tpu.sem_alloc : memref<!tpu.dma_semaphore, #tpu.memory_space<semaphore_mem>>
      %dma_start3A = arith.constant 24576 : i32
      %dma_start3A_115 = tpu.memref_slice %arg2[%dma_start3A] : memref<65536xi32, #tpu.memory_space<hbm>> -> memref<4096xi32, #tpu.memory_space<hbm>>
      %dma_start3A_116 = arith.constant 24576 : i32
      %dma_start3A_117 = tpu.memref_slice %arg2[%dma_start3A_116] : memref<65536xi32, #tpu.memory_space<hbm>> -> memref<4096xi32, #tpu.memory_space<hbm>>
      tpu.enqueue_dma source(%dma_start3A_117 : memref<4096xi32, #tpu.memory_space<hbm>>) target(%arg5 : memref<4096xi32, #tpu.memory_space<vmem>>) target_semaphore(%run_scoped3A : memref<!tpu.dma_semaphore, #tpu.memory_space<semaphore_mem>>)
      %dma_wait3A = arith.constant 24576 : i32
      %dma_wait3A_118 = tpu.memref_slice %arg2[%dma_wait3A] : memref<65536xi32, #tpu.memory_space<hbm>> -> memref<4096xi32, #tpu.memory_space<hbm>>
      %dma_wait3A_119 = arith.constant 24576 : i32
      %dma_wait3A_120 = tpu.memref_slice %arg2[%dma_wait3A_119] : memref<65536xi32, #tpu.memory_space<hbm>> -> memref<4096xi32, #tpu.memory_space<hbm>>
      tpu.wait_dma2 semaphore(%run_scoped3A : memref<!tpu.dma_semaphore, #tpu.memory_space<semaphore_mem>>) src(%dma_wait3A_120 : memref<4096xi32, #tpu.memory_space<hbm>>) dst(%arg5 : memref<4096xi32, #tpu.memory_space<vmem>>)
      tpu.yield
    }) : () -> ()
    %scan3A_55 = arith.constant 24576 : i32
    %scan3A_56 = arith.constant 0 : i32
    %scan3A_57 = arith.constant 256 : i32
    %scan3A_58 = arith.addi %scan3A_56, %scan3A_57 : i32
    %scan3A_59 = arith.constant 1 : i32
    scf.for %scan3A_115 = %scan3A_56 to %scan3A_58 step %scan3A_59  : i32 {
      %mul3A_116 = arith.constant 16 : i32
      %mul3A_117 = arith.muli %scan3A_115, %mul3A_116 : i32
      %get3A = arith.index_cast %mul3A_117 : i32 to index
      %get3A_118 = tpu.vector_load %arg5[%get3A] {strides = array<i32>} : memref<4096xi32, #tpu.memory_space<vmem>>, vector<16xi32>,
      %mul3A_119 = arith.constant 16 : i32
      %mul3A_120 = arith.muli %scan3A_115, %mul3A_119 : i32
      %add3A_121 = arith.addi %scan3A_55, %mul3A_120 : i32
      %add3A_122 = vector.broadcast %add3A_121 : i32 to vector<16xi32>
      %add3A_123 = arith.addi %add3A_122, %iota3A : vector<16xi32>
      %sub3A = vector.broadcast %mul3A_2 : i32 to vector<16xi32>
      %sub3A_124 = arith.subi %get3A_118, %sub3A : vector<16xi32>
      %ge3A = arith.constant 0 : i32
      %ge3A_125 = vector.broadcast %ge3A : i32 to vector<16xi32>
      %ge3A_126 = arith.cmpi sge, %sub3A_124, %ge3A_125 : vector<16xi32>
      %lt3A = arith.constant 31264 : i32
      %lt3A_127 = vector.broadcast %lt3A : i32 to vector<16xi32>
      %lt3A_128 = arith.cmpi slt, %sub3A_124, %lt3A_127 : vector<16xi32>
      %and3A = arith.andi %ge3A_126, %lt3A_128 : vector<16xi1>
      tpu.vector_store_idx %arg4[%sub3A_124], %add3A_123 masked %and3A : memref<31264xi32, #tpu.memory_space<vmem>>[vector<16xi32>], vector<16xi32>, vector<16xi1>
      %gather3A = tpu.vector_load_idx %arg4[%sub3A_124] masked %and3A : memref<31264xi32, #tpu.memory_space<vmem>>[vector<16xi32>], vector<16xi32>, vector<16xi1>
      %lt3A_129 = arith.cmpi slt, %gather3A, %add3A_123 : vector<16xi32>
      %and3A_130 = arith.andi %and3A, %lt3A_129 : vector<16xi1>
      %while3A = scf.while (%while3A_131 = %and3A_130) : (vector<16xi1>) -> vector<16xi1> {
        %all_reduce_population_count3A = tpu.all_reduce %while3A_131 {dim = 0 : i64, kind = #tpu.reduction_kind<sum>} : vector<16xi1> -> vector<16xi32>
        %slice3A = vector.extract_strided_slice %all_reduce_population_count3A {offsets = [0], sizes = [1], strides = [1]} : vector<16xi32> to vector<1xi32>
        %squeeze3A = vector.extract %slice3A[0] : i32 from vector<1xi32>
        %gt3A = arith.constant 0 : i32
        %gt3A_132 = arith.cmpi sgt, %squeeze3A, %gt3A : i32
        scf.condition(%gt3A_132) %while3A_131 : vector<16xi1>
      } do {
      ^bb0(%while3A_131: vector<16xi1>):
        tpu.vector_store_idx %arg4[%sub3A_124], %add3A_123 masked %while3A_131 : memref<31264xi32, #tpu.memory_space<vmem>>[vector<16xi32>], vector<16xi32>, vector<16xi1>
        %gather3A_132 = tpu.vector_load_idx %arg4[%sub3A_124] masked %while3A_131 : memref<31264xi32, #tpu.memory_space<vmem>>[vector<16xi32>], vector<16xi32>, vector<16xi1>
        %lt3A_133 = arith.cmpi slt, %gather3A_132, %add3A_123 : vector<16xi32>
        %and3A_134 = arith.andi %while3A_131, %lt3A_133 : vector<16xi1>
        scf.yield %and3A_134 : vector<16xi1>
      }
    }
    %scan3A_60 = arith.constant 256 : i32
    "tpu.region"() ({
      %run_scoped3A = tpu.sem_alloc : memref<!tpu.dma_semaphore, #tpu.memory_space<semaphore_mem>>
      %dma_start3A = arith.constant 28672 : i32
      %dma_start3A_115 = tpu.memref_slice %arg2[%dma_start3A] : memref<65536xi32, #tpu.memory_space<hbm>> -> memref<4096xi32, #tpu.memory_space<hbm>>
      %dma_start3A_116 = arith.constant 28672 : i32
      %dma_start3A_117 = tpu.memref_slice %arg2[%dma_start3A_116] : memref<65536xi32, #tpu.memory_space<hbm>> -> memref<4096xi32, #tpu.memory_space<hbm>>
      tpu.enqueue_dma source(%dma_start3A_117 : memref<4096xi32, #tpu.memory_space<hbm>>) target(%arg5 : memref<4096xi32, #tpu.memory_space<vmem>>) target_semaphore(%run_scoped3A : memref<!tpu.dma_semaphore, #tpu.memory_space<semaphore_mem>>)
      %dma_wait3A = arith.constant 28672 : i32
      %dma_wait3A_118 = tpu.memref_slice %arg2[%dma_wait3A] : memref<65536xi32, #tpu.memory_space<hbm>> -> memref<4096xi32, #tpu.memory_space<hbm>>
      %dma_wait3A_119 = arith.constant 28672 : i32
      %dma_wait3A_120 = tpu.memref_slice %arg2[%dma_wait3A_119] : memref<65536xi32, #tpu.memory_space<hbm>> -> memref<4096xi32, #tpu.memory_space<hbm>>
      tpu.wait_dma2 semaphore(%run_scoped3A : memref<!tpu.dma_semaphore, #tpu.memory_space<semaphore_mem>>) src(%dma_wait3A_120 : memref<4096xi32, #tpu.memory_space<hbm>>) dst(%arg5 : memref<4096xi32, #tpu.memory_space<vmem>>)
      tpu.yield
    }) : () -> ()
    %scan3A_61 = arith.constant 28672 : i32
    %scan3A_62 = arith.constant 0 : i32
    %scan3A_63 = arith.constant 256 : i32
    %scan3A_64 = arith.addi %scan3A_62, %scan3A_63 : i32
    %scan3A_65 = arith.constant 1 : i32
    scf.for %scan3A_115 = %scan3A_62 to %scan3A_64 step %scan3A_65  : i32 {
      %mul3A_116 = arith.constant 16 : i32
      %mul3A_117 = arith.muli %scan3A_115, %mul3A_116 : i32
      %get3A = arith.index_cast %mul3A_117 : i32 to index
      %get3A_118 = tpu.vector_load %arg5[%get3A] {strides = array<i32>} : memref<4096xi32, #tpu.memory_space<vmem>>, vector<16xi32>,
      %mul3A_119 = arith.constant 16 : i32
      %mul3A_120 = arith.muli %scan3A_115, %mul3A_119 : i32
      %add3A_121 = arith.addi %scan3A_61, %mul3A_120 : i32
      %add3A_122 = vector.broadcast %add3A_121 : i32 to vector<16xi32>
      %add3A_123 = arith.addi %add3A_122, %iota3A : vector<16xi32>
      %sub3A = vector.broadcast %mul3A_2 : i32 to vector<16xi32>
      %sub3A_124 = arith.subi %get3A_118, %sub3A : vector<16xi32>
      %ge3A = arith.constant 0 : i32
      %ge3A_125 = vector.broadcast %ge3A : i32 to vector<16xi32>
      %ge3A_126 = arith.cmpi sge, %sub3A_124, %ge3A_125 : vector<16xi32>
      %lt3A = arith.constant 31264 : i32
      %lt3A_127 = vector.broadcast %lt3A : i32 to vector<16xi32>
      %lt3A_128 = arith.cmpi slt, %sub3A_124, %lt3A_127 : vector<16xi32>
      %and3A = arith.andi %ge3A_126, %lt3A_128 : vector<16xi1>
      tpu.vector_store_idx %arg4[%sub3A_124], %add3A_123 masked %and3A : memref<31264xi32, #tpu.memory_space<vmem>>[vector<16xi32>], vector<16xi32>, vector<16xi1>
      %gather3A = tpu.vector_load_idx %arg4[%sub3A_124] masked %and3A : memref<31264xi32, #tpu.memory_space<vmem>>[vector<16xi32>], vector<16xi32>, vector<16xi1>
      %lt3A_129 = arith.cmpi slt, %gather3A, %add3A_123 : vector<16xi32>
      %and3A_130 = arith.andi %and3A, %lt3A_129 : vector<16xi1>
      %while3A = scf.while (%while3A_131 = %and3A_130) : (vector<16xi1>) -> vector<16xi1> {
        %all_reduce_population_count3A = tpu.all_reduce %while3A_131 {dim = 0 : i64, kind = #tpu.reduction_kind<sum>} : vector<16xi1> -> vector<16xi32>
        %slice3A = vector.extract_strided_slice %all_reduce_population_count3A {offsets = [0], sizes = [1], strides = [1]} : vector<16xi32> to vector<1xi32>
        %squeeze3A = vector.extract %slice3A[0] : i32 from vector<1xi32>
        %gt3A = arith.constant 0 : i32
        %gt3A_132 = arith.cmpi sgt, %squeeze3A, %gt3A : i32
        scf.condition(%gt3A_132) %while3A_131 : vector<16xi1>
      } do {
      ^bb0(%while3A_131: vector<16xi1>):
        tpu.vector_store_idx %arg4[%sub3A_124], %add3A_123 masked %while3A_131 : memref<31264xi32, #tpu.memory_space<vmem>>[vector<16xi32>], vector<16xi32>, vector<16xi1>
        %gather3A_132 = tpu.vector_load_idx %arg4[%sub3A_124] masked %while3A_131 : memref<31264xi32, #tpu.memory_space<vmem>>[vector<16xi32>], vector<16xi32>, vector<16xi1>
        %lt3A_133 = arith.cmpi slt, %gather3A_132, %add3A_123 : vector<16xi32>
        %and3A_134 = arith.andi %while3A_131, %lt3A_133 : vector<16xi1>
        scf.yield %and3A_134 : vector<16xi1>
      }
    }
    %scan3A_66 = arith.constant 256 : i32
    "tpu.region"() ({
      %run_scoped3A = tpu.sem_alloc : memref<!tpu.dma_semaphore, #tpu.memory_space<semaphore_mem>>
      %dma_start3A = arith.constant 32768 : i32
      %dma_start3A_115 = tpu.memref_slice %arg2[%dma_start3A] : memref<65536xi32, #tpu.memory_space<hbm>> -> memref<4096xi32, #tpu.memory_space<hbm>>
      %dma_start3A_116 = arith.constant 32768 : i32
      %dma_start3A_117 = tpu.memref_slice %arg2[%dma_start3A_116] : memref<65536xi32, #tpu.memory_space<hbm>> -> memref<4096xi32, #tpu.memory_space<hbm>>
      tpu.enqueue_dma source(%dma_start3A_117 : memref<4096xi32, #tpu.memory_space<hbm>>) target(%arg5 : memref<4096xi32, #tpu.memory_space<vmem>>) target_semaphore(%run_scoped3A : memref<!tpu.dma_semaphore, #tpu.memory_space<semaphore_mem>>)
      %dma_wait3A = arith.constant 32768 : i32
      %dma_wait3A_118 = tpu.memref_slice %arg2[%dma_wait3A] : memref<65536xi32, #tpu.memory_space<hbm>> -> memref<4096xi32, #tpu.memory_space<hbm>>
      %dma_wait3A_119 = arith.constant 32768 : i32
      %dma_wait3A_120 = tpu.memref_slice %arg2[%dma_wait3A_119] : memref<65536xi32, #tpu.memory_space<hbm>> -> memref<4096xi32, #tpu.memory_space<hbm>>
      tpu.wait_dma2 semaphore(%run_scoped3A : memref<!tpu.dma_semaphore, #tpu.memory_space<semaphore_mem>>) src(%dma_wait3A_120 : memref<4096xi32, #tpu.memory_space<hbm>>) dst(%arg5 : memref<4096xi32, #tpu.memory_space<vmem>>)
      tpu.yield
    }) : () -> ()
    %scan3A_67 = arith.constant 32768 : i32
    %scan3A_68 = arith.constant 0 : i32
    %scan3A_69 = arith.constant 256 : i32
    %scan3A_70 = arith.addi %scan3A_68, %scan3A_69 : i32
    %scan3A_71 = arith.constant 1 : i32
    scf.for %scan3A_115 = %scan3A_68 to %scan3A_70 step %scan3A_71  : i32 {
      %mul3A_116 = arith.constant 16 : i32
      %mul3A_117 = arith.muli %scan3A_115, %mul3A_116 : i32
      %get3A = arith.index_cast %mul3A_117 : i32 to index
      %get3A_118 = tpu.vector_load %arg5[%get3A] {strides = array<i32>} : memref<4096xi32, #tpu.memory_space<vmem>>, vector<16xi32>,
      %mul3A_119 = arith.constant 16 : i32
      %mul3A_120 = arith.muli %scan3A_115, %mul3A_119 : i32
      %add3A_121 = arith.addi %scan3A_67, %mul3A_120 : i32
      %add3A_122 = vector.broadcast %add3A_121 : i32 to vector<16xi32>
      %add3A_123 = arith.addi %add3A_122, %iota3A : vector<16xi32>
      %sub3A = vector.broadcast %mul3A_2 : i32 to vector<16xi32>
      %sub3A_124 = arith.subi %get3A_118, %sub3A : vector<16xi32>
      %ge3A = arith.constant 0 : i32
      %ge3A_125 = vector.broadcast %ge3A : i32 to vector<16xi32>
      %ge3A_126 = arith.cmpi sge, %sub3A_124, %ge3A_125 : vector<16xi32>
      %lt3A = arith.constant 31264 : i32
      %lt3A_127 = vector.broadcast %lt3A : i32 to vector<16xi32>
      %lt3A_128 = arith.cmpi slt, %sub3A_124, %lt3A_127 : vector<16xi32>
      %and3A = arith.andi %ge3A_126, %lt3A_128 : vector<16xi1>
      tpu.vector_store_idx %arg4[%sub3A_124], %add3A_123 masked %and3A : memref<31264xi32, #tpu.memory_space<vmem>>[vector<16xi32>], vector<16xi32>, vector<16xi1>
      %gather3A = tpu.vector_load_idx %arg4[%sub3A_124] masked %and3A : memref<31264xi32, #tpu.memory_space<vmem>>[vector<16xi32>], vector<16xi32>, vector<16xi1>
      %lt3A_129 = arith.cmpi slt, %gather3A, %add3A_123 : vector<16xi32>
      %and3A_130 = arith.andi %and3A, %lt3A_129 : vector<16xi1>
      %while3A = scf.while (%while3A_131 = %and3A_130) : (vector<16xi1>) -> vector<16xi1> {
        %all_reduce_population_count3A = tpu.all_reduce %while3A_131 {dim = 0 : i64, kind = #tpu.reduction_kind<sum>} : vector<16xi1> -> vector<16xi32>
        %slice3A = vector.extract_strided_slice %all_reduce_population_count3A {offsets = [0], sizes = [1], strides = [1]} : vector<16xi32> to vector<1xi32>
        %squeeze3A = vector.extract %slice3A[0] : i32 from vector<1xi32>
        %gt3A = arith.constant 0 : i32
        %gt3A_132 = arith.cmpi sgt, %squeeze3A, %gt3A : i32
        scf.condition(%gt3A_132) %while3A_131 : vector<16xi1>
      } do {
      ^bb0(%while3A_131: vector<16xi1>):
        tpu.vector_store_idx %arg4[%sub3A_124], %add3A_123 masked %while3A_131 : memref<31264xi32, #tpu.memory_space<vmem>>[vector<16xi32>], vector<16xi32>, vector<16xi1>
        %gather3A_132 = tpu.vector_load_idx %arg4[%sub3A_124] masked %while3A_131 : memref<31264xi32, #tpu.memory_space<vmem>>[vector<16xi32>], vector<16xi32>, vector<16xi1>
        %lt3A_133 = arith.cmpi slt, %gather3A_132, %add3A_123 : vector<16xi32>
        %and3A_134 = arith.andi %while3A_131, %lt3A_133 : vector<16xi1>
        scf.yield %and3A_134 : vector<16xi1>
      }
    }
    %scan3A_72 = arith.constant 256 : i32
    "tpu.region"() ({
      %run_scoped3A = tpu.sem_alloc : memref<!tpu.dma_semaphore, #tpu.memory_space<semaphore_mem>>
      %dma_start3A = arith.constant 36864 : i32
      %dma_start3A_115 = tpu.memref_slice %arg2[%dma_start3A] : memref<65536xi32, #tpu.memory_space<hbm>> -> memref<4096xi32, #tpu.memory_space<hbm>>
      %dma_start3A_116 = arith.constant 36864 : i32
      %dma_start3A_117 = tpu.memref_slice %arg2[%dma_start3A_116] : memref<65536xi32, #tpu.memory_space<hbm>> -> memref<4096xi32, #tpu.memory_space<hbm>>
      tpu.enqueue_dma source(%dma_start3A_117 : memref<4096xi32, #tpu.memory_space<hbm>>) target(%arg5 : memref<4096xi32, #tpu.memory_space<vmem>>) target_semaphore(%run_scoped3A : memref<!tpu.dma_semaphore, #tpu.memory_space<semaphore_mem>>)
      %dma_wait3A = arith.constant 36864 : i32
      %dma_wait3A_118 = tpu.memref_slice %arg2[%dma_wait3A] : memref<65536xi32, #tpu.memory_space<hbm>> -> memref<4096xi32, #tpu.memory_space<hbm>>
      %dma_wait3A_119 = arith.constant 36864 : i32
      %dma_wait3A_120 = tpu.memref_slice %arg2[%dma_wait3A_119] : memref<65536xi32, #tpu.memory_space<hbm>> -> memref<4096xi32, #tpu.memory_space<hbm>>
      tpu.wait_dma2 semaphore(%run_scoped3A : memref<!tpu.dma_semaphore, #tpu.memory_space<semaphore_mem>>) src(%dma_wait3A_120 : memref<4096xi32, #tpu.memory_space<hbm>>) dst(%arg5 : memref<4096xi32, #tpu.memory_space<vmem>>)
      tpu.yield
    }) : () -> ()
    %scan3A_73 = arith.constant 36864 : i32
    %scan3A_74 = arith.constant 0 : i32
    %scan3A_75 = arith.constant 256 : i32
    %scan3A_76 = arith.addi %scan3A_74, %scan3A_75 : i32
    %scan3A_77 = arith.constant 1 : i32
    scf.for %scan3A_115 = %scan3A_74 to %scan3A_76 step %scan3A_77  : i32 {
      %mul3A_116 = arith.constant 16 : i32
      %mul3A_117 = arith.muli %scan3A_115, %mul3A_116 : i32
      %get3A = arith.index_cast %mul3A_117 : i32 to index
      %get3A_118 = tpu.vector_load %arg5[%get3A] {strides = array<i32>} : memref<4096xi32, #tpu.memory_space<vmem>>, vector<16xi32>,
      %mul3A_119 = arith.constant 16 : i32
      %mul3A_120 = arith.muli %scan3A_115, %mul3A_119 : i32
      %add3A_121 = arith.addi %scan3A_73, %mul3A_120 : i32
      %add3A_122 = vector.broadcast %add3A_121 : i32 to vector<16xi32>
      %add3A_123 = arith.addi %add3A_122, %iota3A : vector<16xi32>
      %sub3A = vector.broadcast %mul3A_2 : i32 to vector<16xi32>
      %sub3A_124 = arith.subi %get3A_118, %sub3A : vector<16xi32>
      %ge3A = arith.constant 0 : i32
      %ge3A_125 = vector.broadcast %ge3A : i32 to vector<16xi32>
      %ge3A_126 = arith.cmpi sge, %sub3A_124, %ge3A_125 : vector<16xi32>
      %lt3A = arith.constant 31264 : i32
      %lt3A_127 = vector.broadcast %lt3A : i32 to vector<16xi32>
      %lt3A_128 = arith.cmpi slt, %sub3A_124, %lt3A_127 : vector<16xi32>
      %and3A = arith.andi %ge3A_126, %lt3A_128 : vector<16xi1>
      tpu.vector_store_idx %arg4[%sub3A_124], %add3A_123 masked %and3A : memref<31264xi32, #tpu.memory_space<vmem>>[vector<16xi32>], vector<16xi32>, vector<16xi1>
      %gather3A = tpu.vector_load_idx %arg4[%sub3A_124] masked %and3A : memref<31264xi32, #tpu.memory_space<vmem>>[vector<16xi32>], vector<16xi32>, vector<16xi1>
      %lt3A_129 = arith.cmpi slt, %gather3A, %add3A_123 : vector<16xi32>
      %and3A_130 = arith.andi %and3A, %lt3A_129 : vector<16xi1>
      %while3A = scf.while (%while3A_131 = %and3A_130) : (vector<16xi1>) -> vector<16xi1> {
        %all_reduce_population_count3A = tpu.all_reduce %while3A_131 {dim = 0 : i64, kind = #tpu.reduction_kind<sum>} : vector<16xi1> -> vector<16xi32>
        %slice3A = vector.extract_strided_slice %all_reduce_population_count3A {offsets = [0], sizes = [1], strides = [1]} : vector<16xi32> to vector<1xi32>
        %squeeze3A = vector.extract %slice3A[0] : i32 from vector<1xi32>
        %gt3A = arith.constant 0 : i32
        %gt3A_132 = arith.cmpi sgt, %squeeze3A, %gt3A : i32
        scf.condition(%gt3A_132) %while3A_131 : vector<16xi1>
      } do {
      ^bb0(%while3A_131: vector<16xi1>):
        tpu.vector_store_idx %arg4[%sub3A_124], %add3A_123 masked %while3A_131 : memref<31264xi32, #tpu.memory_space<vmem>>[vector<16xi32>], vector<16xi32>, vector<16xi1>
        %gather3A_132 = tpu.vector_load_idx %arg4[%sub3A_124] masked %while3A_131 : memref<31264xi32, #tpu.memory_space<vmem>>[vector<16xi32>], vector<16xi32>, vector<16xi1>
        %lt3A_133 = arith.cmpi slt, %gather3A_132, %add3A_123 : vector<16xi32>
        %and3A_134 = arith.andi %while3A_131, %lt3A_133 : vector<16xi1>
        scf.yield %and3A_134 : vector<16xi1>
      }
    }
    %scan3A_78 = arith.constant 256 : i32
    "tpu.region"() ({
      %run_scoped3A = tpu.sem_alloc : memref<!tpu.dma_semaphore, #tpu.memory_space<semaphore_mem>>
      %dma_start3A = arith.constant 40960 : i32
      %dma_start3A_115 = tpu.memref_slice %arg2[%dma_start3A] : memref<65536xi32, #tpu.memory_space<hbm>> -> memref<4096xi32, #tpu.memory_space<hbm>>
      %dma_start3A_116 = arith.constant 40960 : i32
      %dma_start3A_117 = tpu.memref_slice %arg2[%dma_start3A_116] : memref<65536xi32, #tpu.memory_space<hbm>> -> memref<4096xi32, #tpu.memory_space<hbm>>
      tpu.enqueue_dma source(%dma_start3A_117 : memref<4096xi32, #tpu.memory_space<hbm>>) target(%arg5 : memref<4096xi32, #tpu.memory_space<vmem>>) target_semaphore(%run_scoped3A : memref<!tpu.dma_semaphore, #tpu.memory_space<semaphore_mem>>)
      %dma_wait3A = arith.constant 40960 : i32
      %dma_wait3A_118 = tpu.memref_slice %arg2[%dma_wait3A] : memref<65536xi32, #tpu.memory_space<hbm>> -> memref<4096xi32, #tpu.memory_space<hbm>>
      %dma_wait3A_119 = arith.constant 40960 : i32
      %dma_wait3A_120 = tpu.memref_slice %arg2[%dma_wait3A_119] : memref<65536xi32, #tpu.memory_space<hbm>> -> memref<4096xi32, #tpu.memory_space<hbm>>
      tpu.wait_dma2 semaphore(%run_scoped3A : memref<!tpu.dma_semaphore, #tpu.memory_space<semaphore_mem>>) src(%dma_wait3A_120 : memref<4096xi32, #tpu.memory_space<hbm>>) dst(%arg5 : memref<4096xi32, #tpu.memory_space<vmem>>)
      tpu.yield
    }) : () -> ()
    %scan3A_79 = arith.constant 40960 : i32
    %scan3A_80 = arith.constant 0 : i32
    %scan3A_81 = arith.constant 256 : i32
    %scan3A_82 = arith.addi %scan3A_80, %scan3A_81 : i32
    %scan3A_83 = arith.constant 1 : i32
    scf.for %scan3A_115 = %scan3A_80 to %scan3A_82 step %scan3A_83  : i32 {
      %mul3A_116 = arith.constant 16 : i32
      %mul3A_117 = arith.muli %scan3A_115, %mul3A_116 : i32
      %get3A = arith.index_cast %mul3A_117 : i32 to index
      %get3A_118 = tpu.vector_load %arg5[%get3A] {strides = array<i32>} : memref<4096xi32, #tpu.memory_space<vmem>>, vector<16xi32>,
      %mul3A_119 = arith.constant 16 : i32
      %mul3A_120 = arith.muli %scan3A_115, %mul3A_119 : i32
      %add3A_121 = arith.addi %scan3A_79, %mul3A_120 : i32
      %add3A_122 = vector.broadcast %add3A_121 : i32 to vector<16xi32>
      %add3A_123 = arith.addi %add3A_122, %iota3A : vector<16xi32>
      %sub3A = vector.broadcast %mul3A_2 : i32 to vector<16xi32>
      %sub3A_124 = arith.subi %get3A_118, %sub3A : vector<16xi32>
      %ge3A = arith.constant 0 : i32
      %ge3A_125 = vector.broadcast %ge3A : i32 to vector<16xi32>
      %ge3A_126 = arith.cmpi sge, %sub3A_124, %ge3A_125 : vector<16xi32>
      %lt3A = arith.constant 31264 : i32
      %lt3A_127 = vector.broadcast %lt3A : i32 to vector<16xi32>
      %lt3A_128 = arith.cmpi slt, %sub3A_124, %lt3A_127 : vector<16xi32>
      %and3A = arith.andi %ge3A_126, %lt3A_128 : vector<16xi1>
      tpu.vector_store_idx %arg4[%sub3A_124], %add3A_123 masked %and3A : memref<31264xi32, #tpu.memory_space<vmem>>[vector<16xi32>], vector<16xi32>, vector<16xi1>
      %gather3A = tpu.vector_load_idx %arg4[%sub3A_124] masked %and3A : memref<31264xi32, #tpu.memory_space<vmem>>[vector<16xi32>], vector<16xi32>, vector<16xi1>
      %lt3A_129 = arith.cmpi slt, %gather3A, %add3A_123 : vector<16xi32>
      %and3A_130 = arith.andi %and3A, %lt3A_129 : vector<16xi1>
      %while3A = scf.while (%while3A_131 = %and3A_130) : (vector<16xi1>) -> vector<16xi1> {
        %all_reduce_population_count3A = tpu.all_reduce %while3A_131 {dim = 0 : i64, kind = #tpu.reduction_kind<sum>} : vector<16xi1> -> vector<16xi32>
        %slice3A = vector.extract_strided_slice %all_reduce_population_count3A {offsets = [0], sizes = [1], strides = [1]} : vector<16xi32> to vector<1xi32>
        %squeeze3A = vector.extract %slice3A[0] : i32 from vector<1xi32>
        %gt3A = arith.constant 0 : i32
        %gt3A_132 = arith.cmpi sgt, %squeeze3A, %gt3A : i32
        scf.condition(%gt3A_132) %while3A_131 : vector<16xi1>
      } do {
      ^bb0(%while3A_131: vector<16xi1>):
        tpu.vector_store_idx %arg4[%sub3A_124], %add3A_123 masked %while3A_131 : memref<31264xi32, #tpu.memory_space<vmem>>[vector<16xi32>], vector<16xi32>, vector<16xi1>
        %gather3A_132 = tpu.vector_load_idx %arg4[%sub3A_124] masked %while3A_131 : memref<31264xi32, #tpu.memory_space<vmem>>[vector<16xi32>], vector<16xi32>, vector<16xi1>
        %lt3A_133 = arith.cmpi slt, %gather3A_132, %add3A_123 : vector<16xi32>
        %and3A_134 = arith.andi %while3A_131, %lt3A_133 : vector<16xi1>
        scf.yield %and3A_134 : vector<16xi1>
      }
    }
    %scan3A_84 = arith.constant 256 : i32
    "tpu.region"() ({
      %run_scoped3A = tpu.sem_alloc : memref<!tpu.dma_semaphore, #tpu.memory_space<semaphore_mem>>
      %dma_start3A = arith.constant 45056 : i32
      %dma_start3A_115 = tpu.memref_slice %arg2[%dma_start3A] : memref<65536xi32, #tpu.memory_space<hbm>> -> memref<4096xi32, #tpu.memory_space<hbm>>
      %dma_start3A_116 = arith.constant 45056 : i32
      %dma_start3A_117 = tpu.memref_slice %arg2[%dma_start3A_116] : memref<65536xi32, #tpu.memory_space<hbm>> -> memref<4096xi32, #tpu.memory_space<hbm>>
      tpu.enqueue_dma source(%dma_start3A_117 : memref<4096xi32, #tpu.memory_space<hbm>>) target(%arg5 : memref<4096xi32, #tpu.memory_space<vmem>>) target_semaphore(%run_scoped3A : memref<!tpu.dma_semaphore, #tpu.memory_space<semaphore_mem>>)
      %dma_wait3A = arith.constant 45056 : i32
      %dma_wait3A_118 = tpu.memref_slice %arg2[%dma_wait3A] : memref<65536xi32, #tpu.memory_space<hbm>> -> memref<4096xi32, #tpu.memory_space<hbm>>
      %dma_wait3A_119 = arith.constant 45056 : i32
      %dma_wait3A_120 = tpu.memref_slice %arg2[%dma_wait3A_119] : memref<65536xi32, #tpu.memory_space<hbm>> -> memref<4096xi32, #tpu.memory_space<hbm>>
      tpu.wait_dma2 semaphore(%run_scoped3A : memref<!tpu.dma_semaphore, #tpu.memory_space<semaphore_mem>>) src(%dma_wait3A_120 : memref<4096xi32, #tpu.memory_space<hbm>>) dst(%arg5 : memref<4096xi32, #tpu.memory_space<vmem>>)
      tpu.yield
    }) : () -> ()
    %scan3A_85 = arith.constant 45056 : i32
    %scan3A_86 = arith.constant 0 : i32
    %scan3A_87 = arith.constant 256 : i32
    %scan3A_88 = arith.addi %scan3A_86, %scan3A_87 : i32
    %scan3A_89 = arith.constant 1 : i32
    scf.for %scan3A_115 = %scan3A_86 to %scan3A_88 step %scan3A_89  : i32 {
      %mul3A_116 = arith.constant 16 : i32
      %mul3A_117 = arith.muli %scan3A_115, %mul3A_116 : i32
      %get3A = arith.index_cast %mul3A_117 : i32 to index
      %get3A_118 = tpu.vector_load %arg5[%get3A] {strides = array<i32>} : memref<4096xi32, #tpu.memory_space<vmem>>, vector<16xi32>,
      %mul3A_119 = arith.constant 16 : i32
      %mul3A_120 = arith.muli %scan3A_115, %mul3A_119 : i32
      %add3A_121 = arith.addi %scan3A_85, %mul3A_120 : i32
      %add3A_122 = vector.broadcast %add3A_121 : i32 to vector<16xi32>
      %add3A_123 = arith.addi %add3A_122, %iota3A : vector<16xi32>
      %sub3A = vector.broadcast %mul3A_2 : i32 to vector<16xi32>
      %sub3A_124 = arith.subi %get3A_118, %sub3A : vector<16xi32>
      %ge3A = arith.constant 0 : i32
      %ge3A_125 = vector.broadcast %ge3A : i32 to vector<16xi32>
      %ge3A_126 = arith.cmpi sge, %sub3A_124, %ge3A_125 : vector<16xi32>
      %lt3A = arith.constant 31264 : i32
      %lt3A_127 = vector.broadcast %lt3A : i32 to vector<16xi32>
      %lt3A_128 = arith.cmpi slt, %sub3A_124, %lt3A_127 : vector<16xi32>
      %and3A = arith.andi %ge3A_126, %lt3A_128 : vector<16xi1>
      tpu.vector_store_idx %arg4[%sub3A_124], %add3A_123 masked %and3A : memref<31264xi32, #tpu.memory_space<vmem>>[vector<16xi32>], vector<16xi32>, vector<16xi1>
      %gather3A = tpu.vector_load_idx %arg4[%sub3A_124] masked %and3A : memref<31264xi32, #tpu.memory_space<vmem>>[vector<16xi32>], vector<16xi32>, vector<16xi1>
      %lt3A_129 = arith.cmpi slt, %gather3A, %add3A_123 : vector<16xi32>
      %and3A_130 = arith.andi %and3A, %lt3A_129 : vector<16xi1>
      %while3A = scf.while (%while3A_131 = %and3A_130) : (vector<16xi1>) -> vector<16xi1> {
        %all_reduce_population_count3A = tpu.all_reduce %while3A_131 {dim = 0 : i64, kind = #tpu.reduction_kind<sum>} : vector<16xi1> -> vector<16xi32>
        %slice3A = vector.extract_strided_slice %all_reduce_population_count3A {offsets = [0], sizes = [1], strides = [1]} : vector<16xi32> to vector<1xi32>
        %squeeze3A = vector.extract %slice3A[0] : i32 from vector<1xi32>
        %gt3A = arith.constant 0 : i32
        %gt3A_132 = arith.cmpi sgt, %squeeze3A, %gt3A : i32
        scf.condition(%gt3A_132) %while3A_131 : vector<16xi1>
      } do {
      ^bb0(%while3A_131: vector<16xi1>):
        tpu.vector_store_idx %arg4[%sub3A_124], %add3A_123 masked %while3A_131 : memref<31264xi32, #tpu.memory_space<vmem>>[vector<16xi32>], vector<16xi32>, vector<16xi1>
        %gather3A_132 = tpu.vector_load_idx %arg4[%sub3A_124] masked %while3A_131 : memref<31264xi32, #tpu.memory_space<vmem>>[vector<16xi32>], vector<16xi32>, vector<16xi1>
        %lt3A_133 = arith.cmpi slt, %gather3A_132, %add3A_123 : vector<16xi32>
        %and3A_134 = arith.andi %while3A_131, %lt3A_133 : vector<16xi1>
        scf.yield %and3A_134 : vector<16xi1>
      }
    }
    %scan3A_90 = arith.constant 256 : i32
    "tpu.region"() ({
      %run_scoped3A = tpu.sem_alloc : memref<!tpu.dma_semaphore, #tpu.memory_space<semaphore_mem>>
      %dma_start3A = arith.constant 49152 : i32
      %dma_start3A_115 = tpu.memref_slice %arg2[%dma_start3A] : memref<65536xi32, #tpu.memory_space<hbm>> -> memref<4096xi32, #tpu.memory_space<hbm>>
      %dma_start3A_116 = arith.constant 49152 : i32
      %dma_start3A_117 = tpu.memref_slice %arg2[%dma_start3A_116] : memref<65536xi32, #tpu.memory_space<hbm>> -> memref<4096xi32, #tpu.memory_space<hbm>>
      tpu.enqueue_dma source(%dma_start3A_117 : memref<4096xi32, #tpu.memory_space<hbm>>) target(%arg5 : memref<4096xi32, #tpu.memory_space<vmem>>) target_semaphore(%run_scoped3A : memref<!tpu.dma_semaphore, #tpu.memory_space<semaphore_mem>>)
      %dma_wait3A = arith.constant 49152 : i32
      %dma_wait3A_118 = tpu.memref_slice %arg2[%dma_wait3A] : memref<65536xi32, #tpu.memory_space<hbm>> -> memref<4096xi32, #tpu.memory_space<hbm>>
      %dma_wait3A_119 = arith.constant 49152 : i32
      %dma_wait3A_120 = tpu.memref_slice %arg2[%dma_wait3A_119] : memref<65536xi32, #tpu.memory_space<hbm>> -> memref<4096xi32, #tpu.memory_space<hbm>>
      tpu.wait_dma2 semaphore(%run_scoped3A : memref<!tpu.dma_semaphore, #tpu.memory_space<semaphore_mem>>) src(%dma_wait3A_120 : memref<4096xi32, #tpu.memory_space<hbm>>) dst(%arg5 : memref<4096xi32, #tpu.memory_space<vmem>>)
      tpu.yield
    }) : () -> ()
    %scan3A_91 = arith.constant 49152 : i32
    %scan3A_92 = arith.constant 0 : i32
    %scan3A_93 = arith.constant 256 : i32
    %scan3A_94 = arith.addi %scan3A_92, %scan3A_93 : i32
    %scan3A_95 = arith.constant 1 : i32
    scf.for %scan3A_115 = %scan3A_92 to %scan3A_94 step %scan3A_95  : i32 {
      %mul3A_116 = arith.constant 16 : i32
      %mul3A_117 = arith.muli %scan3A_115, %mul3A_116 : i32
      %get3A = arith.index_cast %mul3A_117 : i32 to index
      %get3A_118 = tpu.vector_load %arg5[%get3A] {strides = array<i32>} : memref<4096xi32, #tpu.memory_space<vmem>>, vector<16xi32>,
      %mul3A_119 = arith.constant 16 : i32
      %mul3A_120 = arith.muli %scan3A_115, %mul3A_119 : i32
      %add3A_121 = arith.addi %scan3A_91, %mul3A_120 : i32
      %add3A_122 = vector.broadcast %add3A_121 : i32 to vector<16xi32>
      %add3A_123 = arith.addi %add3A_122, %iota3A : vector<16xi32>
      %sub3A = vector.broadcast %mul3A_2 : i32 to vector<16xi32>
      %sub3A_124 = arith.subi %get3A_118, %sub3A : vector<16xi32>
      %ge3A = arith.constant 0 : i32
      %ge3A_125 = vector.broadcast %ge3A : i32 to vector<16xi32>
      %ge3A_126 = arith.cmpi sge, %sub3A_124, %ge3A_125 : vector<16xi32>
      %lt3A = arith.constant 31264 : i32
      %lt3A_127 = vector.broadcast %lt3A : i32 to vector<16xi32>
      %lt3A_128 = arith.cmpi slt, %sub3A_124, %lt3A_127 : vector<16xi32>
      %and3A = arith.andi %ge3A_126, %lt3A_128 : vector<16xi1>
      tpu.vector_store_idx %arg4[%sub3A_124], %add3A_123 masked %and3A : memref<31264xi32, #tpu.memory_space<vmem>>[vector<16xi32>], vector<16xi32>, vector<16xi1>
      %gather3A = tpu.vector_load_idx %arg4[%sub3A_124] masked %and3A : memref<31264xi32, #tpu.memory_space<vmem>>[vector<16xi32>], vector<16xi32>, vector<16xi1>
      %lt3A_129 = arith.cmpi slt, %gather3A, %add3A_123 : vector<16xi32>
      %and3A_130 = arith.andi %and3A, %lt3A_129 : vector<16xi1>
      %while3A = scf.while (%while3A_131 = %and3A_130) : (vector<16xi1>) -> vector<16xi1> {
        %all_reduce_population_count3A = tpu.all_reduce %while3A_131 {dim = 0 : i64, kind = #tpu.reduction_kind<sum>} : vector<16xi1> -> vector<16xi32>
        %slice3A = vector.extract_strided_slice %all_reduce_population_count3A {offsets = [0], sizes = [1], strides = [1]} : vector<16xi32> to vector<1xi32>
        %squeeze3A = vector.extract %slice3A[0] : i32 from vector<1xi32>
        %gt3A = arith.constant 0 : i32
        %gt3A_132 = arith.cmpi sgt, %squeeze3A, %gt3A : i32
        scf.condition(%gt3A_132) %while3A_131 : vector<16xi1>
      } do {
      ^bb0(%while3A_131: vector<16xi1>):
        tpu.vector_store_idx %arg4[%sub3A_124], %add3A_123 masked %while3A_131 : memref<31264xi32, #tpu.memory_space<vmem>>[vector<16xi32>], vector<16xi32>, vector<16xi1>
        %gather3A_132 = tpu.vector_load_idx %arg4[%sub3A_124] masked %while3A_131 : memref<31264xi32, #tpu.memory_space<vmem>>[vector<16xi32>], vector<16xi32>, vector<16xi1>
        %lt3A_133 = arith.cmpi slt, %gather3A_132, %add3A_123 : vector<16xi32>
        %and3A_134 = arith.andi %while3A_131, %lt3A_133 : vector<16xi1>
        scf.yield %and3A_134 : vector<16xi1>
      }
    }
    %scan3A_96 = arith.constant 256 : i32
    "tpu.region"() ({
      %run_scoped3A = tpu.sem_alloc : memref<!tpu.dma_semaphore, #tpu.memory_space<semaphore_mem>>
      %dma_start3A = arith.constant 53248 : i32
      %dma_start3A_115 = tpu.memref_slice %arg2[%dma_start3A] : memref<65536xi32, #tpu.memory_space<hbm>> -> memref<4096xi32, #tpu.memory_space<hbm>>
      %dma_start3A_116 = arith.constant 53248 : i32
      %dma_start3A_117 = tpu.memref_slice %arg2[%dma_start3A_116] : memref<65536xi32, #tpu.memory_space<hbm>> -> memref<4096xi32, #tpu.memory_space<hbm>>
      tpu.enqueue_dma source(%dma_start3A_117 : memref<4096xi32, #tpu.memory_space<hbm>>) target(%arg5 : memref<4096xi32, #tpu.memory_space<vmem>>) target_semaphore(%run_scoped3A : memref<!tpu.dma_semaphore, #tpu.memory_space<semaphore_mem>>)
      %dma_wait3A = arith.constant 53248 : i32
      %dma_wait3A_118 = tpu.memref_slice %arg2[%dma_wait3A] : memref<65536xi32, #tpu.memory_space<hbm>> -> memref<4096xi32, #tpu.memory_space<hbm>>
      %dma_wait3A_119 = arith.constant 53248 : i32
      %dma_wait3A_120 = tpu.memref_slice %arg2[%dma_wait3A_119] : memref<65536xi32, #tpu.memory_space<hbm>> -> memref<4096xi32, #tpu.memory_space<hbm>>
      tpu.wait_dma2 semaphore(%run_scoped3A : memref<!tpu.dma_semaphore, #tpu.memory_space<semaphore_mem>>) src(%dma_wait3A_120 : memref<4096xi32, #tpu.memory_space<hbm>>) dst(%arg5 : memref<4096xi32, #tpu.memory_space<vmem>>)
      tpu.yield
    }) : () -> ()
    %scan3A_97 = arith.constant 53248 : i32
    %scan3A_98 = arith.constant 0 : i32
    %scan3A_99 = arith.constant 256 : i32
    %scan3A_100 = arith.addi %scan3A_98, %scan3A_99 : i32
    %scan3A_101 = arith.constant 1 : i32
    scf.for %scan3A_115 = %scan3A_98 to %scan3A_100 step %scan3A_101  : i32 {
      %mul3A_116 = arith.constant 16 : i32
      %mul3A_117 = arith.muli %scan3A_115, %mul3A_116 : i32
      %get3A = arith.index_cast %mul3A_117 : i32 to index
      %get3A_118 = tpu.vector_load %arg5[%get3A] {strides = array<i32>} : memref<4096xi32, #tpu.memory_space<vmem>>, vector<16xi32>,
      %mul3A_119 = arith.constant 16 : i32
      %mul3A_120 = arith.muli %scan3A_115, %mul3A_119 : i32
      %add3A_121 = arith.addi %scan3A_97, %mul3A_120 : i32
      %add3A_122 = vector.broadcast %add3A_121 : i32 to vector<16xi32>
      %add3A_123 = arith.addi %add3A_122, %iota3A : vector<16xi32>
      %sub3A = vector.broadcast %mul3A_2 : i32 to vector<16xi32>
      %sub3A_124 = arith.subi %get3A_118, %sub3A : vector<16xi32>
      %ge3A = arith.constant 0 : i32
      %ge3A_125 = vector.broadcast %ge3A : i32 to vector<16xi32>
      %ge3A_126 = arith.cmpi sge, %sub3A_124, %ge3A_125 : vector<16xi32>
      %lt3A = arith.constant 31264 : i32
      %lt3A_127 = vector.broadcast %lt3A : i32 to vector<16xi32>
      %lt3A_128 = arith.cmpi slt, %sub3A_124, %lt3A_127 : vector<16xi32>
      %and3A = arith.andi %ge3A_126, %lt3A_128 : vector<16xi1>
      tpu.vector_store_idx %arg4[%sub3A_124], %add3A_123 masked %and3A : memref<31264xi32, #tpu.memory_space<vmem>>[vector<16xi32>], vector<16xi32>, vector<16xi1>
      %gather3A = tpu.vector_load_idx %arg4[%sub3A_124] masked %and3A : memref<31264xi32, #tpu.memory_space<vmem>>[vector<16xi32>], vector<16xi32>, vector<16xi1>
      %lt3A_129 = arith.cmpi slt, %gather3A, %add3A_123 : vector<16xi32>
      %and3A_130 = arith.andi %and3A, %lt3A_129 : vector<16xi1>
      %while3A = scf.while (%while3A_131 = %and3A_130) : (vector<16xi1>) -> vector<16xi1> {
        %all_reduce_population_count3A = tpu.all_reduce %while3A_131 {dim = 0 : i64, kind = #tpu.reduction_kind<sum>} : vector<16xi1> -> vector<16xi32>
        %slice3A = vector.extract_strided_slice %all_reduce_population_count3A {offsets = [0], sizes = [1], strides = [1]} : vector<16xi32> to vector<1xi32>
        %squeeze3A = vector.extract %slice3A[0] : i32 from vector<1xi32>
        %gt3A = arith.constant 0 : i32
        %gt3A_132 = arith.cmpi sgt, %squeeze3A, %gt3A : i32
        scf.condition(%gt3A_132) %while3A_131 : vector<16xi1>
      } do {
      ^bb0(%while3A_131: vector<16xi1>):
        tpu.vector_store_idx %arg4[%sub3A_124], %add3A_123 masked %while3A_131 : memref<31264xi32, #tpu.memory_space<vmem>>[vector<16xi32>], vector<16xi32>, vector<16xi1>
        %gather3A_132 = tpu.vector_load_idx %arg4[%sub3A_124] masked %while3A_131 : memref<31264xi32, #tpu.memory_space<vmem>>[vector<16xi32>], vector<16xi32>, vector<16xi1>
        %lt3A_133 = arith.cmpi slt, %gather3A_132, %add3A_123 : vector<16xi32>
        %and3A_134 = arith.andi %while3A_131, %lt3A_133 : vector<16xi1>
        scf.yield %and3A_134 : vector<16xi1>
      }
    }
    %scan3A_102 = arith.constant 256 : i32
    "tpu.region"() ({
      %run_scoped3A = tpu.sem_alloc : memref<!tpu.dma_semaphore, #tpu.memory_space<semaphore_mem>>
      %dma_start3A = arith.constant 57344 : i32
      %dma_start3A_115 = tpu.memref_slice %arg2[%dma_start3A] : memref<65536xi32, #tpu.memory_space<hbm>> -> memref<4096xi32, #tpu.memory_space<hbm>>
      %dma_start3A_116 = arith.constant 57344 : i32
      %dma_start3A_117 = tpu.memref_slice %arg2[%dma_start3A_116] : memref<65536xi32, #tpu.memory_space<hbm>> -> memref<4096xi32, #tpu.memory_space<hbm>>
      tpu.enqueue_dma source(%dma_start3A_117 : memref<4096xi32, #tpu.memory_space<hbm>>) target(%arg5 : memref<4096xi32, #tpu.memory_space<vmem>>) target_semaphore(%run_scoped3A : memref<!tpu.dma_semaphore, #tpu.memory_space<semaphore_mem>>)
      %dma_wait3A = arith.constant 57344 : i32
      %dma_wait3A_118 = tpu.memref_slice %arg2[%dma_wait3A] : memref<65536xi32, #tpu.memory_space<hbm>> -> memref<4096xi32, #tpu.memory_space<hbm>>
      %dma_wait3A_119 = arith.constant 57344 : i32
      %dma_wait3A_120 = tpu.memref_slice %arg2[%dma_wait3A_119] : memref<65536xi32, #tpu.memory_space<hbm>> -> memref<4096xi32, #tpu.memory_space<hbm>>
      tpu.wait_dma2 semaphore(%run_scoped3A : memref<!tpu.dma_semaphore, #tpu.memory_space<semaphore_mem>>) src(%dma_wait3A_120 : memref<4096xi32, #tpu.memory_space<hbm>>) dst(%arg5 : memref<4096xi32, #tpu.memory_space<vmem>>)
      tpu.yield
    }) : () -> ()
    %scan3A_103 = arith.constant 57344 : i32
    %scan3A_104 = arith.constant 0 : i32
    %scan3A_105 = arith.constant 256 : i32
    %scan3A_106 = arith.addi %scan3A_104, %scan3A_105 : i32
    %scan3A_107 = arith.constant 1 : i32
    scf.for %scan3A_115 = %scan3A_104 to %scan3A_106 step %scan3A_107  : i32 {
      %mul3A_116 = arith.constant 16 : i32
      %mul3A_117 = arith.muli %scan3A_115, %mul3A_116 : i32
      %get3A = arith.index_cast %mul3A_117 : i32 to index
      %get3A_118 = tpu.vector_load %arg5[%get3A] {strides = array<i32>} : memref<4096xi32, #tpu.memory_space<vmem>>, vector<16xi32>,
      %mul3A_119 = arith.constant 16 : i32
      %mul3A_120 = arith.muli %scan3A_115, %mul3A_119 : i32
      %add3A_121 = arith.addi %scan3A_103, %mul3A_120 : i32
      %add3A_122 = vector.broadcast %add3A_121 : i32 to vector<16xi32>
      %add3A_123 = arith.addi %add3A_122, %iota3A : vector<16xi32>
      %sub3A = vector.broadcast %mul3A_2 : i32 to vector<16xi32>
      %sub3A_124 = arith.subi %get3A_118, %sub3A : vector<16xi32>
      %ge3A = arith.constant 0 : i32
      %ge3A_125 = vector.broadcast %ge3A : i32 to vector<16xi32>
      %ge3A_126 = arith.cmpi sge, %sub3A_124, %ge3A_125 : vector<16xi32>
      %lt3A = arith.constant 31264 : i32
      %lt3A_127 = vector.broadcast %lt3A : i32 to vector<16xi32>
      %lt3A_128 = arith.cmpi slt, %sub3A_124, %lt3A_127 : vector<16xi32>
      %and3A = arith.andi %ge3A_126, %lt3A_128 : vector<16xi1>
      tpu.vector_store_idx %arg4[%sub3A_124], %add3A_123 masked %and3A : memref<31264xi32, #tpu.memory_space<vmem>>[vector<16xi32>], vector<16xi32>, vector<16xi1>
      %gather3A = tpu.vector_load_idx %arg4[%sub3A_124] masked %and3A : memref<31264xi32, #tpu.memory_space<vmem>>[vector<16xi32>], vector<16xi32>, vector<16xi1>
      %lt3A_129 = arith.cmpi slt, %gather3A, %add3A_123 : vector<16xi32>
      %and3A_130 = arith.andi %and3A, %lt3A_129 : vector<16xi1>
      %while3A = scf.while (%while3A_131 = %and3A_130) : (vector<16xi1>) -> vector<16xi1> {
        %all_reduce_population_count3A = tpu.all_reduce %while3A_131 {dim = 0 : i64, kind = #tpu.reduction_kind<sum>} : vector<16xi1> -> vector<16xi32>
        %slice3A = vector.extract_strided_slice %all_reduce_population_count3A {offsets = [0], sizes = [1], strides = [1]} : vector<16xi32> to vector<1xi32>
        %squeeze3A = vector.extract %slice3A[0] : i32 from vector<1xi32>
        %gt3A = arith.constant 0 : i32
        %gt3A_132 = arith.cmpi sgt, %squeeze3A, %gt3A : i32
        scf.condition(%gt3A_132) %while3A_131 : vector<16xi1>
      } do {
      ^bb0(%while3A_131: vector<16xi1>):
        tpu.vector_store_idx %arg4[%sub3A_124], %add3A_123 masked %while3A_131 : memref<31264xi32, #tpu.memory_space<vmem>>[vector<16xi32>], vector<16xi32>, vector<16xi1>
        %gather3A_132 = tpu.vector_load_idx %arg4[%sub3A_124] masked %while3A_131 : memref<31264xi32, #tpu.memory_space<vmem>>[vector<16xi32>], vector<16xi32>, vector<16xi1>
        %lt3A_133 = arith.cmpi slt, %gather3A_132, %add3A_123 : vector<16xi32>
        %and3A_134 = arith.andi %while3A_131, %lt3A_133 : vector<16xi1>
        scf.yield %and3A_134 : vector<16xi1>
      }
    }
    %scan3A_108 = arith.constant 256 : i32
    "tpu.region"() ({
      %run_scoped3A = tpu.sem_alloc : memref<!tpu.dma_semaphore, #tpu.memory_space<semaphore_mem>>
      %dma_start3A = arith.constant 61440 : i32
      %dma_start3A_115 = tpu.memref_slice %arg2[%dma_start3A] : memref<65536xi32, #tpu.memory_space<hbm>> -> memref<4096xi32, #tpu.memory_space<hbm>>
      %dma_start3A_116 = arith.constant 61440 : i32
      %dma_start3A_117 = tpu.memref_slice %arg2[%dma_start3A_116] : memref<65536xi32, #tpu.memory_space<hbm>> -> memref<4096xi32, #tpu.memory_space<hbm>>
      tpu.enqueue_dma source(%dma_start3A_117 : memref<4096xi32, #tpu.memory_space<hbm>>) target(%arg5 : memref<4096xi32, #tpu.memory_space<vmem>>) target_semaphore(%run_scoped3A : memref<!tpu.dma_semaphore, #tpu.memory_space<semaphore_mem>>)
      %dma_wait3A = arith.constant 61440 : i32
      %dma_wait3A_118 = tpu.memref_slice %arg2[%dma_wait3A] : memref<65536xi32, #tpu.memory_space<hbm>> -> memref<4096xi32, #tpu.memory_space<hbm>>
      %dma_wait3A_119 = arith.constant 61440 : i32
      %dma_wait3A_120 = tpu.memref_slice %arg2[%dma_wait3A_119] : memref<65536xi32, #tpu.memory_space<hbm>> -> memref<4096xi32, #tpu.memory_space<hbm>>
      tpu.wait_dma2 semaphore(%run_scoped3A : memref<!tpu.dma_semaphore, #tpu.memory_space<semaphore_mem>>) src(%dma_wait3A_120 : memref<4096xi32, #tpu.memory_space<hbm>>) dst(%arg5 : memref<4096xi32, #tpu.memory_space<vmem>>)
      tpu.yield
    }) : () -> ()
    %scan3A_109 = arith.constant 61440 : i32
    %scan3A_110 = arith.constant 0 : i32
    %scan3A_111 = arith.constant 256 : i32
    %scan3A_112 = arith.addi %scan3A_110, %scan3A_111 : i32
    %scan3A_113 = arith.constant 1 : i32
    scf.for %scan3A_115 = %scan3A_110 to %scan3A_112 step %scan3A_113  : i32 {
      %mul3A_116 = arith.constant 16 : i32
      %mul3A_117 = arith.muli %scan3A_115, %mul3A_116 : i32
      %get3A = arith.index_cast %mul3A_117 : i32 to index
      %get3A_118 = tpu.vector_load %arg5[%get3A] {strides = array<i32>} : memref<4096xi32, #tpu.memory_space<vmem>>, vector<16xi32>,
      %mul3A_119 = arith.constant 16 : i32
      %mul3A_120 = arith.muli %scan3A_115, %mul3A_119 : i32
      %add3A_121 = arith.addi %scan3A_109, %mul3A_120 : i32
      %add3A_122 = vector.broadcast %add3A_121 : i32 to vector<16xi32>
      %add3A_123 = arith.addi %add3A_122, %iota3A : vector<16xi32>
      %sub3A = vector.broadcast %mul3A_2 : i32 to vector<16xi32>
      %sub3A_124 = arith.subi %get3A_118, %sub3A : vector<16xi32>
      %ge3A = arith.constant 0 : i32
      %ge3A_125 = vector.broadcast %ge3A : i32 to vector<16xi32>
      %ge3A_126 = arith.cmpi sge, %sub3A_124, %ge3A_125 : vector<16xi32>
      %lt3A = arith.constant 31264 : i32
      %lt3A_127 = vector.broadcast %lt3A : i32 to vector<16xi32>
      %lt3A_128 = arith.cmpi slt, %sub3A_124, %lt3A_127 : vector<16xi32>
      %and3A = arith.andi %ge3A_126, %lt3A_128 : vector<16xi1>
      tpu.vector_store_idx %arg4[%sub3A_124], %add3A_123 masked %and3A : memref<31264xi32, #tpu.memory_space<vmem>>[vector<16xi32>], vector<16xi32>, vector<16xi1>
      %gather3A = tpu.vector_load_idx %arg4[%sub3A_124] masked %and3A : memref<31264xi32, #tpu.memory_space<vmem>>[vector<16xi32>], vector<16xi32>, vector<16xi1>
      %lt3A_129 = arith.cmpi slt, %gather3A, %add3A_123 : vector<16xi32>
      %and3A_130 = arith.andi %and3A, %lt3A_129 : vector<16xi1>
      %while3A = scf.while (%while3A_131 = %and3A_130) : (vector<16xi1>) -> vector<16xi1> {
        %all_reduce_population_count3A = tpu.all_reduce %while3A_131 {dim = 0 : i64, kind = #tpu.reduction_kind<sum>} : vector<16xi1> -> vector<16xi32>
        %slice3A = vector.extract_strided_slice %all_reduce_population_count3A {offsets = [0], sizes = [1], strides = [1]} : vector<16xi32> to vector<1xi32>
        %squeeze3A = vector.extract %slice3A[0] : i32 from vector<1xi32>
        %gt3A = arith.constant 0 : i32
        %gt3A_132 = arith.cmpi sgt, %squeeze3A, %gt3A : i32
        scf.condition(%gt3A_132) %while3A_131 : vector<16xi1>
      } do {
      ^bb0(%while3A_131: vector<16xi1>):
        tpu.vector_store_idx %arg4[%sub3A_124], %add3A_123 masked %while3A_131 : memref<31264xi32, #tpu.memory_space<vmem>>[vector<16xi32>], vector<16xi32>, vector<16xi1>
        %gather3A_132 = tpu.vector_load_idx %arg4[%sub3A_124] masked %while3A_131 : memref<31264xi32, #tpu.memory_space<vmem>>[vector<16xi32>], vector<16xi32>, vector<16xi1>
        %lt3A_133 = arith.cmpi slt, %gather3A_132, %add3A_123 : vector<16xi32>
        %and3A_134 = arith.andi %while3A_131, %lt3A_133 : vector<16xi1>
        scf.yield %and3A_134 : vector<16xi1>
      }
    }
    %scan3A_114 = arith.constant 256 : i32
    "tpu.region"() ({
      %run_scoped3A = tpu.sem_alloc : memref<!tpu.dma_semaphore, #tpu.memory_space<semaphore_mem>>
      %dma_start3A = tpu.memref_slice %arg3[%mul3A_2] : memref<1000448xi32, #tpu.memory_space<hbm>> -> memref<31264xi32, #tpu.memory_space<hbm>>
      %dma_start3A_115 = tpu.memref_slice %arg3[%mul3A_2] : memref<1000448xi32, #tpu.memory_space<hbm>> -> memref<31264xi32, #tpu.memory_space<hbm>>
      tpu.enqueue_dma source(%arg4 : memref<31264xi32, #tpu.memory_space<vmem>>) target(%dma_start3A_115 : memref<31264xi32, #tpu.memory_space<hbm>>) target_semaphore(%run_scoped3A : memref<!tpu.dma_semaphore, #tpu.memory_space<semaphore_mem>>)
      %dma_wait3A = tpu.memref_slice %arg3[%mul3A_2] : memref<1000448xi32, #tpu.memory_space<hbm>> -> memref<31264xi32, #tpu.memory_space<hbm>>
      %dma_wait3A_116 = tpu.memref_slice %arg3[%mul3A_2] : memref<1000448xi32, #tpu.memory_space<hbm>> -> memref<31264xi32, #tpu.memory_space<hbm>>
      tpu.wait_dma2 semaphore(%run_scoped3A : memref<!tpu.dma_semaphore, #tpu.memory_space<semaphore_mem>>) src(%arg4 : memref<31264xi32, #tpu.memory_space<vmem>>) dst(%dma_wait3A_116 : memref<31264xi32, #tpu.memory_space<hbm>>)
      tpu.yield
    }) : () -> ()
    return
  }
}

</mosaic_0001>

<sc_bundles>
// kernel: kernel.4.cloned.1.call-start
scs
__scs_entry_jumppad:
0x0: {  	(pc) =	sbr.rel $0x88, $3  }
0x1: {  	(tag) =	ssettag $0x0;
	lr =	simm.s32 $0x1  }
0x2: {  	[smem:$0x3F9D] =	sst lr;
	_ =	strace $0xD0000000  }
0x3: {  	_ = 	snop  }
0x4: {  	_ = 	snop  }
0x5: {  	_ = 	snop  }
0x6: {  	_ = 	snop  }
0x7: {  	_ = 	snop  }
__scs_overlays_trampoline_lowered:
0x8: {  	[smem:$0x3FAC] =	sst s0  }
0x9: {  	[smem:$0x3FAD] =	sst s1  }
0xa: {  	[smem:$0x3FAE] =	sst s2  }
0xb: {  	[smem:$0x3FAF] =	sst s3  }
0xc: {  	[smem:$0x3FB0] =	sst s4  }
0xd: {  	[smem:$0x3FB1] =	sst s5  }
0xe: {  	[smem:$0x3FB2] =	sst s6  }
0xf: {  	[smem:$0x3FB3] =	sst s7  }
0x10: {  	[smem:$0x3FB4] =	sst s8  }
0x11: {  	[smem:$0x3FB5] =	sst s9;
	s0 =	simm.s32 @!p0 $0x0  }
0x12: {  	s1 =	sld [smem:$0x3F9B];
	s0 =	simm.s32 @p0 $0x1  }
0x13: {  	[smem:$0x3FB6] =	sst s0;
	s0 =	simm.s32 @!p1 $0x0  }
0x14: {  	s2 =	sld [smem:$0x3F9A];
	s0 =	simm.s32 @p1 $0x1  }
0x15: {  	[smem:$0x3FB7] =	sst s0;
	s0 =	simm.s32 @!p2 $0x0  }
0x16: {  	s3 =	sld [smem:$0x3FDB];
	s0 =	simm.s32 @p2 $0x1  }
0x17: {  	s4 =	simm.s32 $0x1BF5;
	[smem:$0x3FB9] =	sst s0  }
0x18: {  	s0 =	sld [smem:$0x3F9C];
	_ =	swait.ge [sflag:s4], $0x0  }
0x19: {  	s7 =	sld [smem:$0x3F9D]  }
0x1a: {  	s8 =	sadd.s32 $0xFFFFE003, lr  }
0x1b: {  	s9 =	sadd.s32 $0xFFFFFEF7, lr;
	s5 =	simm.s32 $0xFFFFFFFF;
	p2 =	slt.u32 s8, $0xFFFFF086  }
0x1c: {  	p1 =	slt.u32 s9, $0xF7A;
	s5 =	simm.s32 @!p2 $0x0  }
0x1d: {  	s5 =	simm.s32 @p1 $0x1;
	p0 =	seq.s32 s7, s2  }
0x1e: {  	s7 =	smul.u32 @!p0 $0xF7A, s2;
	p2 =	seq.s32 @!p0 s5, $0x0  }
0x1f: {  	s9 =	smul.u32 $0xF7A, s1;
	s8 =	simm.s32 @!p0 $0x1BF5;
	p2 =	por !p2, p0  }
0x20: {  	[sflag:s8] =	ssyncset.s32 @!p0 $0xFFFFF086;
	s6 =	sadd.s32 @!p0 s3, s7;
	s7 =	simm.s32 @!p0 $0x108  }
0x21: {  	s3 =	sadd.s32 s3, s9;
	s6 =	sadd.s32 @!p0 $0x88, s6;
	s7 =	simm.s32 @p2 $0x1082  }
0x22: {  	[simem:s7], [sflag:s8] =	dma.local @!p0 [hbm:s6], $0xF7A  }
0x23: {  	s9 =	sor.u32 $0xD0000000, s2;
	s6 =	simm.s32 $0x108;
	_ =	swait.ge @!p0 [sflag:s8], $0x0  }
0x24: {  	s3 =	sadd.s32 $0x88, s3;
	s6 =	simm.s32 @!p1 $0x1082;
	[sflag:s4] =	ssyncset.s32 $0xFFFFF086  }
0x25: {  	[simem:s6], [sflag:s4] =	dma.local [hbm:s3], $0xF7A  }
0x26: {  	[smem:$0x3F9D] =	sst s1;
	(tag) =	ssettag s2;
	_ =	strace s9  }
0x27: {  	s1 =	sld [smem:$0x3FAD]  }
0x28: {  	s2 =	sld [smem:$0x3FAE]  }
0x29: {  	s4 =	sld [smem:$0x3FB0]  }
0x2a: {  	p0 =	seq.s32 s5, $0x0;
	s5 =	sld [smem:$0x3FB1]  }
0x2b: {  	s6 =	sld [smem:$0x3FB2]  }
0x2c: {  	s7 =	sld [smem:$0x3FB3]  }
0x2d: {  	s3 =	simm.s32 $0x108;
	s8 =	sld [smem:$0x3FB4]  }
0x2e: {  	s3 =	simm.s32 @!p0 $0x1082;
	s9 =	sld [smem:$0x3FB5]  }
0x2f: {  	lr =	sadd.s32 s0, s3;
	s0 =	sld [smem:$0x3FAC]  }
0x30: {  	s3 =	sld [smem:$0x3FAF]  }
0x31: {  	[smem:$0x3FB8] =	sst s10  }
0x32: {  	s10 =	sld [smem:$0x3FB6];
	_ =	sdelay $0x3  }
0x33: {  	p0 =	seq.s32 s10, $0x1;
	s10 =	sld [smem:$0x3FB8];
	_ =	sdelay $0x3  }
0x34: {  	[smem:$0x3FB8] =	sst s10  }
0x35: {  	s10 =	sld [smem:$0x3FB7];
	_ =	sdelay $0x3  }
0x36: {  	p1 =	seq.s32 s10, $0x1;
	s10 =	sld [smem:$0x3FB8];
	_ =	sdelay $0x3  }
0x37: {  	[smem:$0x3FB8] =	sst s10  }
0x38: {  	s10 =	sld [smem:$0x3FB9]  }
0x39: {  	_ = 	snop;
	(pc) =	sbr.ind lr, $3  }
0x3a: {  	_ = 	snop  }
0x3b: {  	_ = 	snop  }
0x3c: {  	p2 =	seq.s32 s10, $0x1;
	s10 =	sld [smem:$0x3FB8]  }
0x3d: {  	_ =	shalt  }
0x3e: {  	_ =	shalt  }
0x3f: {  	_ =	shalt  }
0x40: {  	_ =	shalt  }
0x41: {  	_ =	shalt  }
0x42: {  	_ =	shalt  }
0x43: {  	_ =	shalt  }
0x44: {  	_ =	shalt  }
0x45: {  	_ =	shalt  }
0x46: {  	_ =	shalt  }
0x47: {  	_ =	shalt  }
0x48: {  	_ =	shalt  }
0x49: {  	_ =	shalt  }
0x4a: {  	_ =	shalt  }
0x4b: {  	_ =	shalt  }
0x4c: {  	_ =	shalt  }
0x4d: {  	_ =	shalt  }
0x4e: {  	_ =	shalt  }
0x4f: {  	_ =	shalt  }
0x50: {  	_ =	shalt  }
0x51: {  	_ =	shalt  }
0x52: {  	_ =	shalt  }
0x53: {  	_ =	shalt  }
0x54: {  	_ =	shalt  }
0x55: {  	_ =	shalt  }
0x56: {  	_ =	shalt  }
0x57: {  	_ =	shalt  }
0x58: {  	_ =	shalt  }
0x59: {  	_ =	shalt  }
0x5a: {  	_ =	shalt  }
0x5b: {  	_ =	shalt  }
0x5c: {  	_ =	shalt  }
0x5d: {  	_ =	shalt  }
0x5e: {  	_ =	shalt  }
0x5f: {  	_ =	shalt  }
0x60: {  	_ =	shalt  }
0x61: {  	_ =	shalt  }
0x62: {  	_ =	shalt  }
0x63: {  	_ =	shalt  }
0x64: {  	_ =	shalt  }
0x65: {  	_ =	shalt  }
0x66: {  	_ =	shalt  }
0x67: {  	_ =	shalt  }
0x68: {  	_ =	shalt  }
0x69: {  	_ =	shalt  }
0x6a: {  	_ =	shalt  }
0x6b: {  	_ =	shalt  }
0x6c: {  	_ =	shalt  }
0x6d: {  	_ =	shalt  }
0x6e: {  	_ =	shalt  }
0x6f: {  	_ =	shalt  }
0x70: {  	_ =	shalt  }
0x71: {  	_ =	shalt  }
0x72: {  	_ =	shalt  }
0x73: {  	_ =	shalt  }
0x74: {  	_ =	shalt  }
0x75: {  	_ =	shalt  }
0x76: {  	_ =	shalt  }
0x77: {  	_ =	shalt  }
0x78: {  	_ =	shalt  }
0x79: {  	_ =	shalt  }
0x7a: {  	_ =	shalt  }
0x7b: {  	_ =	shalt  }
0x7c: {  	_ =	shalt  }
0x7d: {  	_ =	shalt  }
0x7e: {  	_ =	shalt  }
0x7f: {  	_ =	shalt  }
0x80: {  	_ =	shalt  }
0x81: {  	_ =	shalt  }
0x82: {  	_ =	shalt  }
0x83: {  	_ =	shalt  }
0x84: {  	_ =	shalt  }
0x85: {  	_ =	shalt  }
0x86: {  	_ =	shalt  }
0x87: {  	_ =	shalt  }
.Lfunc_end0:
.L_simem_size_0:
called_computation.1_lowered:
.L_overlay_start_0:
0x88: {  	s2 =	sld [smem:$0x3FD9]  }
0x89: {  	s3 =	sld [smem:$0x3FFE];
	_ =	sdelay $0x1  }
0x8a: {  	s1 =	srdreg.scid  }
0x8b: {  	s0 =	sand.u32 $0x1, s1  }
0x8c: {  	s17 =	sshll.u32 s0, $0xA;
	s2 =	sadd.s32 s3, s2  }
0x8d: {  	s2 =	sadd.s32 s2, s17  }
0x8e: {  	[smem:$0x3FC4] =	sst s2  }
0x8f: {  	_ = 	snop  }
0x90: {  	s2 =	sld [smem:$0x3FC7];
	(tm) =	ssettm $0x1  }
0x91: {  	s18 =	sld [smem:$0x3FFB];
	_ =	sdelay $0x3  }
0x92: {  	_ =	strace s18  }
0x93: {  	s3 =	sld [smem:$0x3FFC];
	_ =	sdelay $0x3  }
0x94: {  	_ =	strace s3  }
0x95: {  	s3 =	sld [smem:$0x3FFD];
	_ =	sdelay $0x3  }
0x96: {  	_ =	strace s3  }
0x97: {  	_ =	strace $0x8FFFFFFF  }
0x98: {  	s19 =	sld [smem:$0x3FDB];
	_ =	sdelay $0x1  }
0x99: {  	s4 =	simm.s32 $_scs_section_size  }
0x9a: {  	s5 =	simm.s32 $_size__tile_overlayer_lowered;
	s6 =	simm.s32 $_tile_overlayer_lowered  }
0x9b: {  	s22 =	simm.s32 $0x1BFF;
	s21 =	sshll.u32 s6, $0x1;
	s3 =	sadd.s32 s4, s19  }
0x9c: {  	s7 =	simm.s32 $0x0;
	s20 =	sshll.u32 s5, $0x1;
	s5 =	sadd.s32 s21, s3  }
0x9d: {  	[timem:s7], [sflag:s22] =	dma.local [hbm:s5], s20  }
0x9e: {  	_ =	swait.ge [sflag:s22], s20  }
0x9f: {  	s4 =	ssub.s32 $0x0, s20;
	[sflag:s22] =	ssyncset.done $0x0  }
0xa0: {  	[sflag:s22] =	ssyncadd.s32 s4;
	_ =	sdelay $0x1  }
0xa1: {  	s23 =	simm.s32 $0x1B8B  }
0xa2: {  	_ =	swait.ge [sflag:s23], $0x1  }
0xa3: {  	[sflag:s23] =	ssyncset.done $0x0  }
0xa4: {  	s25 =	simm.s32 $0x1B8E;
	s24 =	sld [smem:$0x3FFE];
	[sflag:s23] =	ssyncadd.s32 $0xFFFFFFFF  }
0xa5: {  	s26 =	simm.s32 $execute0_lowered;
	[smem:$0x3FD2] =	sst s25  }
0xa6: {  	s5 =	sshll.u32 s26, $0x1;
	_ =	strace $0x80000046;
	[dreg:$0x1] =	wrdreg $0xFFFFFFFF  }
0xa7: {  	s28 =	simm.s32 $_size_execute0_lowered;
	s3 =	sadd.s32 s3, s5;
	[dreg:$0x0] =	wrdreg $0x0  }
0xa8: {  	s5 =	sshll.u32 s28, $0x1;
	[dreg:$0x2] =	wrdreg s3  }
0xa9: {  	[dreg:$0x3] =	wrdreg s5  }
0xaa: {  	[dreg:$0x4] =	wrdreg $0xC0  }
0xab: {  	_ =	task [dreg:s7], $0x5FFFF  }
0xac: {  	[dreg:$0x1] =	wrdreg $0xFFFFFFFF  }
0xad: {  	[dreg:$0x0] =	wrdreg $0x60  }
0xae: {  	[dreg:$0x2] =	wrdreg s2  }
0xaf: {  	[dreg:$0x3] =	wrdreg s24  }
0xb0: {  	[dreg:$0x4] =	wrdreg $0x9  }
0xb1: {  	_ =	task.clear_ibuf [dreg:s7], $0x5FFFF;
	_ =	strace $0x90000046  }
0xb2: {  	s29 =	simm.s32 $0x9;
	_ =	strace $0x80000048  }
0xb3: {  	_ =	swait.ge [sflag:s29], $0x1  }
0xb4: {  	[sflag:s29] =	ssyncadd.s32 $0xFFFFFFFF  }
0xb5: {  	_ =	strace $0x90000048  }
0xb6: {  	_ =	sfence  }
0xb7: {  	s30 =	sld [smem:$0x0];
	_ =	sdelay $0x2  }
0xb8: {  	s31 =	sshll.u32 s1, $0xD;
	s1 =	sshrl.u32 s1, $0x2  }
0xb9: {  	s3 =	sand.u32 $0x4000, s31;
	s1 =	sadd.s32 s1, s30  }
0xba: {  	s0 =	sor.u32 s3, s0;
	s1 =	sshll.u32 s1, $0x11  }
0xbb: {  	s0 =	sor.u32 s1, s0  }
0xbc: {  	s0 =	sadd.s32 $0x8F2B, s0  }
0xbd: {  	[sflag:s0] =	ssyncadd.remote.s32 $0x1  }
0xbe: {  	_ =	sfence.sel $0xFFFF  }
0xbf: {  	[dreg:$0x0] =	wrdreg $0xFFFFFFFF;
	(pc) =	sbr.abs _section_cstart, $3  }
0xc0: {  	[dreg:$0x1] =	wrdreg $0xFFFFFFFF  }
0xc1: {  	_ =	task.clear_ibuf [dreg:s7], $0x2FFFF;
	_ =	strace $0x9FFFFFFF  }
0xc2: {  	(tm) =	ssettm $0x7FFFFFFF  }
0xc3: {  	_ =	shalt  }
tec
execute0_lowered:
.L_overlay_start_1:
0x0: {  	(tag) =	ssettag $0x1  }
0x1: {  	s0 =	srdreg.scid;
	s2 =	rddreg [dreg:$0x0]  }
0x2: {  	s5 =	rddreg [dreg:$0x1];
	s3 =	simm.s32 $0x0;
	s22 =	simm.s32 $0x1  }
0x3: {  	s23 =	simm.s32 $0x0;
	s4 =	sand.u32 $0x1, s0;
	s0 =	stileid.u32  }
0x4: {  	[smem:$0x7FF] =	sst s3;
	s7 =	sadd.s32 $0x800, s2;
	s8 =	sadd.s32 $0xA00, s2  }
0x5: {  	s9 =	sadd.s32 $0xC00, s2;
	s10 =	sadd.s32 $0xE00, s2;
	s11 =	sadd.s32 $0x1000, s2  }
0x6: {  	s12 =	sadd.s32 $0x1200, s2;
	s13 =	sadd.s32 $0x1400, s2;
	s1 =	sshll.u32 s4, $0x4  }
0x7: {  	s14 =	sadd.s32 $0x1600, s2;
	s15 =	sadd.s32 $0x1800, s2;
	s1 =	sor.u32 s0, s1  }
0x8: {  	s16 =	sadd.s32 $0x1A00, s2;
	s17 =	sadd.s32 $0x1C00, s2;
	s21 =	smul.u32 $0x7A20, s1  }
.Ltmp0:
0x9: {  	s18 =	sadd.s32 $0x1E00, s2;
	s4 =	ssub.s32 $0x2, s4;
	(pc) =	sbr.rel .LBB2_1-.Ltmp0, $4  }
0xa: {  	s31 =	sshrl.u32 s4, $0x1;
	s1 =	rddreg [dreg:$0x2];
	_ =	strace $0x80000047  }
0xb: {  	s20 =	ssub.s32 s4, s31;
	s4 =	sadd.s32 $0x200, s2;
	s6 =	sshrl.u32 s21, $0x3  }
0xc: {  	s20 =	smax.u32 s20, $0x1;
	v0 =	vmov s21;
	s21 =	simm.s32 $0x7A20;
	s19 =	sadd.s32 s6, s5  }
0xd: {  	v1 =	vimm.s32 $0xFFFFFFFF;
	v2 =	vlaneseq.u32;
	s5 =	sadd.s32 $0x400, s2;
	s6 =	sadd.s32 $0x600, s2;
	s19 =	sadd.s32 $0x1000, s19  }
.LBB2_67:
0xe: {  	s23 =	sadd.s32 $0x1, s23  }
0xf: {  	p0 =	sne.s32 s23, s20  }
.Ltmp1:
0x10: {  	_ = 	snop;
	(pc) =	sbr.rel @!p0 .LBB2_68-.Ltmp1, $4  }
0x11: {  	[hbm4b:s19+s3] =	stream.linear.scatter [tilespmem:s3], [sflag:$0x1], $0x7A20, $0x38;
	[tilespmem:$0x8A20] =	vst v63  }
0x12: {  	_ =	swait.ge [sflag:s22], $0x7A20  }
0x13: {  	[sflag:s22] =	ssyncset.done $0x0  }
0x14: {  	[sflag:s22] =	ssyncadd.s32 $0xFFFF85E0  }
.LBB2_1:
0x15: {  	s24 =	simm.s32 $0x20  }
0x16: {  	[tilespmem:s24+$0xFFFFFFE0] =	vst v1  }
0x17: {  	[tilespmem:s24+$0x10] =	vst v1  }
0x18: {  	s25 =	simm.s32 $0x0;
	[tilespmem:s24+$0x0] =	vst v1  }
.LBB2_2:
0x19: {  	s25 =	sadd.s32 $0x4, s25  }
0x1a: {  	[tilespmem:s24+$0xFFFFFFF0] =	vst v1;
	s24 =	sadd.s32 $0x40, s24;
	p0 =	slt.u32 s25, $0x79C  }
.Ltmp2:
0x1b: {  	[tilespmem:s24+$0xFFFFFFE0] =	vst v1;
	(pc) =	sbr.rel @p0 .LBB2_2-.Ltmp2, $3  }
0x1c: {  	_ =	sdelay $0x1  }
0x1d: {  	[tilespmem:s24+$0x10] =	vst v1  }
0x1e: {  	[tilespmem:s24+$0x0] =	vst v1  }
0x1f: {  	[tilespmem:s24+$0xFFFFFFF0] =	vst v1  }
0x20: {  	[tilespmem:$0x7A00] =	vst v1  }
.Ltmp3:
0x21: {  	s24 =	simm.s32 $0x0;
	[tilespmem:$0x7A10] =	vst v1;
	(pc) =	sbr.rel .LBB2_4-.Ltmp3, $4  }
0x22: {  	[tilespmem:s21], [sflag:$0x1] =	stream.linear.gather [hbm4b:s2+s24], $0x1000, $0x38;
	[tilespmem:$0x8A20] =	vst v63  }
0x23: {  	_ =	swait.ge [sflag:s22], $0x1000  }
0x24: {  	[sflag:s22] =	ssyncset.done $0x0  }
0x25: {  	[sflag:s22] =	ssyncadd.s32 $0xFFFFF000  }
.LBB2_6:
0x26: {  	s24 =	sadd.s32 $0x1, s24  }
0x27: {  	p0 =	sne.s32 s24, $0x100  }
.Ltmp4:
0x28: {  	_ = 	snop;
	(pc) =	sbr.rel @!p0 .LBB2_7-.Ltmp4, $1  }
0x29: {  	_ =	sdelay $0x3  }
.LBB2_4:
0x2a: {  	s25 =	sshll.u32 s24, $0x4  }
0x2b: {  	v3 =	vld [tilespmem:s25+$0x7A20];
	_ =	sdelay $0x4  }
0x2c: {  	v4 =	vsub.s32 v3, v0  }
0x2d: {  	v3 =	vand.u32 $0x7, v3;
	vm0 =	vlt.u32 v4, $0x7A20;
	v4 =	vand.u32 $0xFFFFFFF8, v4  }
0x2e: {  	v3 =	vor.u32 v3, v4;
	_ =	sdelay $0x3  }
0x2f: {  	v4 =	vor.u32 s25, v2  }
0x30: {  	[tilespmem:v3+s3+$0x0] =	vst.idx.msk vm0, v4  }
0x31: {  	v5 =	vld.idx.msk [tilespmem:v3+s3+$0x0], vm0;
	_ =	sdelay $0x4  }
0x32: {  	vm1 =	vlt.s32 v5, v4  }
0x33: {  	vm0 =	vmand vm0, vm1  }
0x34: {  	v5 =	vmpcnt.ones.xlane vm0;
	_ =	sdelay $0x1  }
0x35: {  	(v2sf) =	vpush v5, $0x0;
	_ =	sdelay $0xe  }
0x36: {  	s31 =	spop (v2sf)  }
0x37: {  	p0 =	slt.s32 s31, $0x1  }
.Ltmp5:
0x38: {  	_ = 	snop;
	(pc) =	sbr.rel @p0 .LBB2_6-.Ltmp5, $1  }
0x39: {  	_ =	sdelay $0x3  }
.LBB2_5:
0x3a: {  	[tilespmem:v3+s3+$0x0] =	vst.idx.msk vm0, v4  }
0x3b: {  	v5 =	vld.idx.msk [tilespmem:v3+s3+$0x0], vm0;
	_ =	sdelay $0x4  }
0x3c: {  	vm1 =	vlt.s32 v5, v4  }
0x3d: {  	vm0 =	vmand vm0, vm1  }
0x3e: {  	v5 =	vmpcnt.ones.xlane vm0;
	_ =	sdelay $0x1  }
0x3f: {  	(v2sf) =	vpush v5, $0x0;
	_ =	sdelay $0xe  }
0x40: {  	s25 =	spop (v2sf)  }
0x41: {  	p0 =	sgt.s32 s25, $0x0  }
.Ltmp6:
0x42: {  	_ = 	snop;
	(pc) =	sbr.rel @p0 .LBB2_5-.Ltmp6, $1  }
0x43: {  	_ =	sdelay $0x3  }
.Ltmp7:
0x44: {  	_ = 	snop;
	(pc) =	sbr.rel .LBB2_6-.Ltmp7, $1  }
0x45: {  	_ =	sdelay $0x3  }
.LBB2_7:
.Ltmp8:
0x46: {  	s24 =	simm.s32 $0x0;
	(pc) =	sbr.rel .LBB2_8-.Ltmp8, $4  }
0x47: {  	[tilespmem:s21], [sflag:$0x1] =	stream.linear.gather [hbm4b:s4+s24], $0x1000, $0x38;
	[tilespmem:$0x8A20] =	vst v63  }
0x48: {  	_ =	swait.ge [sflag:s22], $0x1000  }
0x49: {  	[sflag:s22] =	ssyncset.done $0x0  }
0x4a: {  	[sflag:s22] =	ssyncadd.s32 $0xFFFFF000  }
.LBB2_10:
0x4b: {  	s24 =	sadd.s32 $0x1, s24  }
0x4c: {  	p0 =	sne.s32 s24, $0x100  }
.Ltmp9:
0x4d: {  	_ = 	snop;
	(pc) =	sbr.rel @!p0 .LBB2_11-.Ltmp9, $1  }
0x4e: {  	_ =	sdelay $0x3  }
.LBB2_8:
0x4f: {  	s25 =	sshll.u32 s24, $0x4  }
0x50: {  	v3 =	vld [tilespmem:s25+$0x7A20];
	_ =	sdelay $0x4  }
0x51: {  	v4 =	vsub.s32 v3, v0  }
0x52: {  	v3 =	vand.u32 $0x7, v3;
	vm0 =	vlt.u32 v4, $0x7A20;
	v4 =	vand.u32 $0xFFFFFFF8, v4  }
0x53: {  	v3 =	vor.u32 v3, v4;
	_ =	sdelay $0x2  }
0x54: {  	s25 =	sor.u32 $0x1000, s25  }
0x55: {  	v4 =	vor.u32 s25, v2  }
0x56: {  	[tilespmem:v3+s3+$0x0] =	vst.idx.msk vm0, v4  }
0x57: {  	v5 =	vld.idx.msk [tilespmem:v3+s3+$0x0], vm0;
	_ =	sdelay $0x4  }
0x58: {  	vm1 =	vlt.s32 v5, v4  }
0x59: {  	vm0 =	vmand vm0, vm1  }
0x5a: {  	v5 =	vmpcnt.ones.xlane vm0;
	_ =	sdelay $0x1  }
0x5b: {  	(v2sf) =	vpush v5, $0x0;
	_ =	sdelay $0xe  }
0x5c: {  	s31 =	spop (v2sf)  }
0x5d: {  	p0 =	slt.s32 s31, $0x1  }
.Ltmp10:
0x5e: {  	_ = 	snop;
	(pc) =	sbr.rel @p0 .LBB2_10-.Ltmp10, $1  }
0x5f: {  	_ =	sdelay $0x3  }
.LBB2_9:
0x60: {  	[tilespmem:v3+s3+$0x0] =	vst.idx.msk vm0, v4  }
0x61: {  	v5 =	vld.idx.msk [tilespmem:v3+s3+$0x0], vm0;
	_ =	sdelay $0x4  }
0x62: {  	vm1 =	vlt.s32 v5, v4  }
0x63: {  	vm0 =	vmand vm0, vm1  }
0x64: {  	v5 =	vmpcnt.ones.xlane vm0;
	_ =	sdelay $0x1  }
0x65: {  	(v2sf) =	vpush v5, $0x0;
	_ =	sdelay $0xe  }
0x66: {  	s25 =	spop (v2sf)  }
0x67: {  	p0 =	sgt.s32 s25, $0x0  }
.Ltmp11:
0x68: {  	_ = 	snop;
	(pc) =	sbr.rel @p0 .LBB2_9-.Ltmp11, $1  }
0x69: {  	_ =	sdelay $0x3  }
.Ltmp12:
0x6a: {  	_ = 	snop;
	(pc) =	sbr.rel .LBB2_10-.Ltmp12, $1  }
0x6b: {  	_ =	sdelay $0x3  }
.LBB2_11:
.Ltmp13:
0x6c: {  	s24 =	simm.s32 $0x0;
	(pc) =	sbr.rel .LBB2_12-.Ltmp13, $4  }
0x6d: {  	[tilespmem:s21], [sflag:$0x1] =	stream.linear.gather [hbm4b:s5+s24], $0x1000, $0x38;
	[tilespmem:$0x8A20] =	vst v63  }
0x6e: {  	_ =	swait.ge [sflag:s22], $0x1000  }
0x6f: {  	[sflag:s22] =	ssyncset.done $0x0  }
0x70: {  	[sflag:s22] =	ssyncadd.s32 $0xFFFFF000  }
.LBB2_14:
0x71: {  	s24 =	sadd.s32 $0x1, s24  }
0x72: {  	p0 =	sne.s32 s24, $0x100  }
.Ltmp14:
0x73: {  	_ = 	snop;
	(pc) =	sbr.rel @!p0 .LBB2_15-.Ltmp14, $1  }
0x74: {  	_ =	sdelay $0x3  }
.LBB2_12:
0x75: {  	s25 =	sshll.u32 s24, $0x4  }
0x76: {  	v3 =	vld [tilespmem:s25+$0x7A20];
	_ =	sdelay $0x4  }
0x77: {  	v4 =	vsub.s32 v3, v0  }
0x78: {  	v3 =	vand.u32 $0x7, v3;
	vm0 =	vlt.u32 v4, $0x7A20;
	v4 =	vand.u32 $0xFFFFFFF8, v4  }
0x79: {  	v3 =	vor.u32 v3, v4;
	_ =	sdelay $0x2  }
0x7a: {  	s25 =	sor.u32 $0x2000, s25  }
0x7b: {  	v4 =	vor.u32 s25, v2  }
0x7c: {  	[tilespmem:v3+s3+$0x0] =	vst.idx.msk vm0, v4  }
0x7d: {  	v5 =	vld.idx.msk [tilespmem:v3+s3+$0x0], vm0;
	_ =	sdelay $0x4  }
0x7e: {  	vm1 =	vlt.s32 v5, v4  }
0x7f: {  	vm0 =	vmand vm0, vm1  }
0x80: {  	v5 =	vmpcnt.ones.xlane vm0;
	_ =	sdelay $0x1  }
0x81: {  	(v2sf) =	vpush v5, $0x0;
	_ =	sdelay $0xe  }
0x82: {  	s31 =	spop (v2sf)  }
0x83: {  	p0 =	slt.s32 s31, $0x1  }
.Ltmp15:
0x84: {  	_ = 	snop;
	(pc) =	sbr.rel @p0 .LBB2_14-.Ltmp15, $1  }
0x85: {  	_ =	sdelay $0x3  }
.LBB2_13:
0x86: {  	[tilespmem:v3+s3+$0x0] =	vst.idx.msk vm0, v4  }
0x87: {  	v5 =	vld.idx.msk [tilespmem:v3+s3+$0x0], vm0;
	_ =	sdelay $0x4  }
0x88: {  	vm1 =	vlt.s32 v5, v4  }
0x89: {  	vm0 =	vmand vm0, vm1  }
0x8a: {  	v5 =	vmpcnt.ones.xlane vm0;
	_ =	sdelay $0x1  }
0x8b: {  	(v2sf) =	vpush v5, $0x0;
	_ =	sdelay $0xe  }
0x8c: {  	s25 =	spop (v2sf)  }
0x8d: {  	p0 =	sgt.s32 s25, $0x0  }
.Ltmp16:
0x8e: {  	_ = 	snop;
	(pc) =	sbr.rel @p0 .LBB2_13-.Ltmp16, $1  }
0x8f: {  	_ =	sdelay $0x3  }
.Ltmp17:
0x90: {  	_ = 	snop;
	(pc) =	sbr.rel .LBB2_14-.Ltmp17, $1  }
0x91: {  	_ =	sdelay $0x3  }
.LBB2_15:
.Ltmp18:
0x92: {  	s24 =	simm.s32 $0x0;
	(pc) =	sbr.rel .LBB2_16-.Ltmp18, $4  }
0x93: {  	[tilespmem:s21], [sflag:$0x1] =	stream.linear.gather [hbm4b:s6+s24], $0x1000, $0x38;
	[tilespmem:$0x8A20] =	vst v63  }
0x94: {  	_ =	swait.ge [sflag:s22], $0x1000  }
0x95: {  	[sflag:s22] =	ssyncset.done $0x0  }
0x96: {  	[sflag:s22] =	ssyncadd.s32 $0xFFFFF000  }
.LBB2_18:
0x97: {  	s24 =	sadd.s32 $0x1, s24  }
0x98: {  	p0 =	sne.s32 s24, $0x100  }
.Ltmp19:
0x99: {  	_ = 	snop;
	(pc) =	sbr.rel @!p0 .LBB2_19-.Ltmp19, $1  }
0x9a: {  	_ =	sdelay $0x3  }
.LBB2_16:
0x9b: {  	s25 =	sshll.u32 s24, $0x4  }
0x9c: {  	v3 =	vld [tilespmem:s25+$0x7A20];
	_ =	sdelay $0x4  }
0x9d: {  	v4 =	vsub.s32 v3, v0  }
0x9e: {  	v3 =	vand.u32 $0x7, v3;
	vm0 =	vlt.u32 v4, $0x7A20;
	v4 =	vand.u32 $0xFFFFFFF8, v4  }
0x9f: {  	v3 =	vor.u32 v3, v4;
	_ =	sdelay $0x2  }
0xa0: {  	s25 =	sor.u32 $0x3000, s25  }
0xa1: {  	v4 =	vor.u32 s25, v2  }
0xa2: {  	[tilespmem:v3+s3+$0x0] =	vst.idx.msk vm0, v4  }
0xa3: {  	v5 =	vld.idx.msk [tilespmem:v3+s3+$0x0], vm0;
	_ =	sdelay $0x4  }
0xa4: {  	vm1 =	vlt.s32 v5, v4  }
0xa5: {  	vm0 =	vmand vm0, vm1  }
0xa6: {  	v5 =	vmpcnt.ones.xlane vm0;
	_ =	sdelay $0x1  }
0xa7: {  	(v2sf) =	vpush v5, $0x0;
	_ =	sdelay $0xe  }
0xa8: {  	s31 =	spop (v2sf)  }
0xa9: {  	p0 =	slt.s32 s31, $0x1  }
.Ltmp20:
0xaa: {  	_ = 	snop;
	(pc) =	sbr.rel @p0 .LBB2_18-.Ltmp20, $1  }
0xab: {  	_ =	sdelay $0x3  }
.LBB2_17:
0xac: {  	[tilespmem:v3+s3+$0x0] =	vst.idx.msk vm0, v4  }
0xad: {  	v5 =	vld.idx.msk [tilespmem:v3+s3+$0x0], vm0;
	_ =	sdelay $0x4  }
0xae: {  	vm1 =	vlt.s32 v5, v4  }
0xaf: {  	vm0 =	vmand vm0, vm1  }
0xb0: {  	v5 =	vmpcnt.ones.xlane vm0;
	_ =	sdelay $0x1  }
0xb1: {  	(v2sf) =	vpush v5, $0x0;
	_ =	sdelay $0xe  }
0xb2: {  	s25 =	spop (v2sf)  }
0xb3: {  	p0 =	sgt.s32 s25, $0x0  }
.Ltmp21:
0xb4: {  	_ = 	snop;
	(pc) =	sbr.rel @p0 .LBB2_17-.Ltmp21, $1  }
0xb5: {  	_ =	sdelay $0x3  }
.Ltmp22:
0xb6: {  	_ = 	snop;
	(pc) =	sbr.rel .LBB2_18-.Ltmp22, $1  }
0xb7: {  	_ =	sdelay $0x3  }
.LBB2_19:
.Ltmp23:
0xb8: {  	s24 =	simm.s32 $0x0;
	(pc) =	sbr.rel .LBB2_20-.Ltmp23, $4  }
0xb9: {  	[tilespmem:s21], [sflag:$0x1] =	stream.linear.gather [hbm4b:s7+s24], $0x1000, $0x38;
	[tilespmem:$0x8A20] =	vst v63  }
0xba: {  	_ =	swait.ge [sflag:s22], $0x1000  }
0xbb: {  	[sflag:s22] =	ssyncset.done $0x0  }
0xbc: {  	[sflag:s22] =	ssyncadd.s32 $0xFFFFF000  }
.LBB2_22:
0xbd: {  	s24 =	sadd.s32 $0x1, s24  }
0xbe: {  	p0 =	sne.s32 s24, $0x100  }
.Ltmp24:
0xbf: {  	_ = 	snop;
	(pc) =	sbr.rel @!p0 .LBB2_23-.Ltmp24, $1  }
0xc0: {  	_ =	sdelay $0x3  }
.LBB2_20:
0xc1: {  	s25 =	sshll.u32 s24, $0x4  }
0xc2: {  	v3 =	vld [tilespmem:s25+$0x7A20];
	_ =	sdelay $0x4  }
0xc3: {  	v4 =	vsub.s32 v3, v0  }
0xc4: {  	v3 =	vand.u32 $0x7, v3;
	vm0 =	vlt.u32 v4, $0x7A20;
	v4 =	vand.u32 $0xFFFFFFF8, v4  }
0xc5: {  	v3 =	vor.u32 v3, v4;
	_ =	sdelay $0x2  }
0xc6: {  	s25 =	sor.u32 $0x4000, s25  }
0xc7: {  	v4 =	vor.u32 s25, v2  }
0xc8: {  	[tilespmem:v3+s3+$0x0] =	vst.idx.msk vm0, v4  }
0xc9: {  	v5 =	vld.idx.msk [tilespmem:v3+s3+$0x0], vm0;
	_ =	sdelay $0x4  }
0xca: {  	vm1 =	vlt.s32 v5, v4  }
0xcb: {  	vm0 =	vmand vm0, vm1  }
0xcc: {  	v5 =	vmpcnt.ones.xlane vm0;
	_ =	sdelay $0x1  }
0xcd: {  	(v2sf) =	vpush v5, $0x0;
	_ =	sdelay $0xe  }
0xce: {  	s31 =	spop (v2sf)  }
0xcf: {  	p0 =	slt.s32 s31, $0x1  }
.Ltmp25:
0xd0: {  	_ = 	snop;
	(pc) =	sbr.rel @p0 .LBB2_22-.Ltmp25, $1  }
0xd1: {  	_ =	sdelay $0x3  }
.LBB2_21:
0xd2: {  	[tilespmem:v3+s3+$0x0] =	vst.idx.msk vm0, v4  }
0xd3: {  	v5 =	vld.idx.msk [tilespmem:v3+s3+$0x0], vm0;
	_ =	sdelay $0x4  }
0xd4: {  	vm1 =	vlt.s32 v5, v4  }
0xd5: {  	vm0 =	vmand vm0, vm1  }
0xd6: {  	v5 =	vmpcnt.ones.xlane vm0;
	_ =	sdelay $0x1  }
0xd7: {  	(v2sf) =	vpush v5, $0x0;
	_ =	sdelay $0xe  }
0xd8: {  	s25 =	spop (v2sf)  }
0xd9: {  	p0 =	sgt.s32 s25, $0x0  }
.Ltmp26:
0xda: {  	_ = 	snop;
	(pc) =	sbr.rel @p0 .LBB2_21-.Ltmp26, $1  }
0xdb: {  	_ =	sdelay $0x3  }
.Ltmp27:
0xdc: {  	_ = 	snop;
	(pc) =	sbr.rel .LBB2_22-.Ltmp27, $1  }
0xdd: {  	_ =	sdelay $0x3  }
.LBB2_23:
.Ltmp28:
0xde: {  	s24 =	simm.s32 $0x0;
	(pc) =	sbr.rel .LBB2_24-.Ltmp28, $4  }
0xdf: {  	[tilespmem:s21], [sflag:$0x1] =	stream.linear.gather [hbm4b:s8+s24], $0x1000, $0x38;
	[tilespmem:$0x8A20] =	vst v63  }
0xe0: {  	_ =	swait.ge [sflag:s22], $0x1000  }
0xe1: {  	[sflag:s22] =	ssyncset.done $0x0  }
0xe2: {  	[sflag:s22] =	ssyncadd.s32 $0xFFFFF000  }
.LBB2_26:
0xe3: {  	s24 =	sadd.s32 $0x1, s24  }
0xe4: {  	p0 =	sne.s32 s24, $0x100  }
.Ltmp29:
0xe5: {  	_ = 	snop;
	(pc) =	sbr.rel @!p0 .LBB2_27-.Ltmp29, $1  }
0xe6: {  	_ =	sdelay $0x3  }
.LBB2_24:
0xe7: {  	s25 =	sshll.u32 s24, $0x4  }
0xe8: {  	v3 =	vld [tilespmem:s25+$0x7A20];
	_ =	sdelay $0x4  }
0xe9: {  	v4 =	vsub.s32 v3, v0  }
0xea: {  	v3 =	vand.u32 $0x7, v3;
	vm0 =	vlt.u32 v4, $0x7A20;
	v4 =	vand.u32 $0xFFFFFFF8, v4  }
0xeb: {  	v3 =	vor.u32 v3, v4;
	_ =	sdelay $0x2  }
0xec: {  	s25 =	sor.u32 $0x5000, s25  }
0xed: {  	v4 =	vor.u32 s25, v2  }
0xee: {  	[tilespmem:v3+s3+$0x0] =	vst.idx.msk vm0, v4  }
0xef: {  	v5 =	vld.idx.msk [tilespmem:v3+s3+$0x0], vm0;
	_ =	sdelay $0x4  }
0xf0: {  	vm1 =	vlt.s32 v5, v4  }
0xf1: {  	vm0 =	vmand vm0, vm1  }
0xf2: {  	v5 =	vmpcnt.ones.xlane vm0;
	_ =	sdelay $0x1  }
0xf3: {  	(v2sf) =	vpush v5, $0x0;
	_ =	sdelay $0xe  }
0xf4: {  	s31 =	spop (v2sf)  }
0xf5: {  	p0 =	slt.s32 s31, $0x1  }
.Ltmp30:
0xf6: {  	_ = 	snop;
	(pc) =	sbr.rel @p0 .LBB2_26-.Ltmp30, $1  }
0xf7: {  	_ =	sdelay $0x3  }
.LBB2_25:
0xf8: {  	[tilespmem:v3+s3+$0x0] =	vst.idx.msk vm0, v4  }
0xf9: {  	v5 =	vld.idx.msk [tilespmem:v3+s3+$0x0], vm0;
	_ =	sdelay $0x4  }
0xfa: {  	vm1 =	vlt.s32 v5, v4  }
0xfb: {  	vm0 =	vmand vm0, vm1  }
0xfc: {  	v5 =	vmpcnt.ones.xlane vm0;
	_ =	sdelay $0x1  }
0xfd: {  	(v2sf) =	vpush v5, $0x0;
	_ =	sdelay $0xe  }
0xfe: {  	s25 =	spop (v2sf)  }
0xff: {  	p0 =	sgt.s32 s25, $0x0  }
.Ltmp31:
0x100: {  	_ = 	snop;
	(pc) =	sbr.rel @p0 .LBB2_25-.Ltmp31, $1  }
0x101: {  	_ =	sdelay $0x3  }
.Ltmp32:
0x102: {  	_ = 	snop;
	(pc) =	sbr.rel .LBB2_26-.Ltmp32, $1  }
0x103: {  	_ =	sdelay $0x3  }
.LBB2_27:
.Ltmp33:
0x104: {  	s24 =	simm.s32 $0x0;
	(pc) =	sbr.rel .LBB2_28-.Ltmp33, $4  }
0x105: {  	[tilespmem:s21], [sflag:$0x1] =	stream.linear.gather [hbm4b:s9+s24], $0x1000, $0x38;
	[tilespmem:$0x8A20] =	vst v63  }
0x106: {  	_ =	swait.ge [sflag:s22], $0x1000  }
0x107: {  	[sflag:s22] =	ssyncset.done $0x0  }
0x108: {  	[sflag:s22] =	ssyncadd.s32 $0xFFFFF000  }
.LBB2_30:
0x109: {  	s24 =	sadd.s32 $0x1, s24  }
0x10a: {  	p0 =	sne.s32 s24, $0x100  }
.Ltmp34:
0x10b: {  	_ = 	snop;
	(pc) =	sbr.rel @!p0 .LBB2_31-.Ltmp34, $1  }
0x10c: {  	_ =	sdelay $0x3  }
.LBB2_28:
0x10d: {  	s25 =	sshll.u32 s24, $0x4  }
0x10e: {  	v3 =	vld [tilespmem:s25+$0x7A20];
	_ =	sdelay $0x4  }
0x10f: {  	v4 =	vsub.s32 v3, v0  }
0x110: {  	v3 =	vand.u32 $0x7, v3;
	vm0 =	vlt.u32 v4, $0x7A20;
	v4 =	vand.u32 $0xFFFFFFF8, v4  }
0x111: {  	v3 =	vor.u32 v3, v4;
	_ =	sdelay $0x2  }
0x112: {  	s25 =	sor.u32 $0x6000, s25  }
0x113: {  	v4 =	vor.u32 s25, v2  }
0x114: {  	[tilespmem:v3+s3+$0x0] =	vst.idx.msk vm0, v4  }
0x115: {  	v5 =	vld.idx.msk [tilespmem:v3+s3+$0x0], vm0;
	_ =	sdelay $0x4  }
0x116: {  	vm1 =	vlt.s32 v5, v4  }
0x117: {  	vm0 =	vmand vm0, vm1  }
0x118: {  	v5 =	vmpcnt.ones.xlane vm0;
	_ =	sdelay $0x1  }
0x119: {  	(v2sf) =	vpush v5, $0x0;
	_ =	sdelay $0xe  }
0x11a: {  	s31 =	spop (v2sf)  }
0x11b: {  	p0 =	slt.s32 s31, $0x1  }
.Ltmp35:
0x11c: {  	_ = 	snop;
	(pc) =	sbr.rel @p0 .LBB2_30-.Ltmp35, $1  }
0x11d: {  	_ =	sdelay $0x3  }
.LBB2_29:
0x11e: {  	[tilespmem:v3+s3+$0x0] =	vst.idx.msk vm0, v4  }
0x11f: {  	v5 =	vld.idx.msk [tilespmem:v3+s3+$0x0], vm0;
	_ =	sdelay $0x4  }
0x120: {  	vm1 =	vlt.s32 v5, v4  }
0x121: {  	vm0 =	vmand vm0, vm1  }
0x122: {  	v5 =	vmpcnt.ones.xlane vm0;
	_ =	sdelay $0x1  }
0x123: {  	(v2sf) =	vpush v5, $0x0;
	_ =	sdelay $0xe  }
0x124: {  	s25 =	spop (v2sf)  }
0x125: {  	p0 =	sgt.s32 s25, $0x0  }
.Ltmp36:
0x126: {  	_ = 	snop;
	(pc) =	sbr.rel @p0 .LBB2_29-.Ltmp36, $1  }
0x127: {  	_ =	sdelay $0x3  }
.Ltmp37:
0x128: {  	_ = 	snop;
	(pc) =	sbr.rel .LBB2_30-.Ltmp37, $1  }
0x129: {  	_ =	sdelay $0x3  }
.LBB2_31:
.Ltmp38:
0x12a: {  	s24 =	simm.s32 $0x0;
	(pc) =	sbr.rel .LBB2_32-.Ltmp38, $4  }
0x12b: {  	[tilespmem:s21], [sflag:$0x1] =	stream.linear.gather [hbm4b:s10+s24], $0x1000, $0x38;
	[tilespmem:$0x8A20] =	vst v63  }
0x12c: {  	_ =	swait.ge [sflag:s22], $0x1000  }
0x12d: {  	[sflag:s22] =	ssyncset.done $0x0  }
0x12e: {  	[sflag:s22] =	ssyncadd.s32 $0xFFFFF000  }
.LBB2_34:
0x12f: {  	s24 =	sadd.s32 $0x1, s24  }
0x130: {  	p0 =	sne.s32 s24, $0x100  }
.Ltmp39:
0x131: {  	_ = 	snop;
	(pc) =	sbr.rel @!p0 .LBB2_35-.Ltmp39, $1  }
0x132: {  	_ =	sdelay $0x3  }
.LBB2_32:
0x133: {  	s25 =	sshll.u32 s24, $0x4  }
0x134: {  	v3 =	vld [tilespmem:s25+$0x7A20];
	_ =	sdelay $0x4  }
0x135: {  	v4 =	vsub.s32 v3, v0  }
0x136: {  	v3 =	vand.u32 $0x7, v3;
	vm0 =	vlt.u32 v4, $0x7A20;
	v4 =	vand.u32 $0xFFFFFFF8, v4  }
0x137: {  	v3 =	vor.u32 v3, v4;
	_ =	sdelay $0x2  }
0x138: {  	s25 =	sor.u32 $0x7000, s25  }
0x139: {  	v4 =	vor.u32 s25, v2  }
0x13a: {  	[tilespmem:v3+s3+$0x0] =	vst.idx.msk vm0, v4  }
0x13b: {  	v5 =	vld.idx.msk [tilespmem:v3+s3+$0x0], vm0;
	_ =	sdelay $0x4  }
0x13c: {  	vm1 =	vlt.s32 v5, v4  }
0x13d: {  	vm0 =	vmand vm0, vm1  }
0x13e: {  	v5 =	vmpcnt.ones.xlane vm0;
	_ =	sdelay $0x1  }
0x13f: {  	(v2sf) =	vpush v5, $0x0;
	_ =	sdelay $0xe  }
0x140: {  	s31 =	spop (v2sf)  }
0x141: {  	p0 =	slt.s32 s31, $0x1  }
.Ltmp40:
0x142: {  	_ = 	snop;
	(pc) =	sbr.rel @p0 .LBB2_34-.Ltmp40, $1  }
0x143: {  	_ =	sdelay $0x3  }
.LBB2_33:
0x144: {  	[tilespmem:v3+s3+$0x0] =	vst.idx.msk vm0, v4  }
0x145: {  	v5 =	vld.idx.msk [tilespmem:v3+s3+$0x0], vm0;
	_ =	sdelay $0x4  }
0x146: {  	vm1 =	vlt.s32 v5, v4  }
0x147: {  	vm0 =	vmand vm0, vm1  }
0x148: {  	v5 =	vmpcnt.ones.xlane vm0;
	_ =	sdelay $0x1  }
0x149: {  	(v2sf) =	vpush v5, $0x0;
	_ =	sdelay $0xe  }
0x14a: {  	s25 =	spop (v2sf)  }
0x14b: {  	p0 =	sgt.s32 s25, $0x0  }
.Ltmp41:
0x14c: {  	_ = 	snop;
	(pc) =	sbr.rel @p0 .LBB2_33-.Ltmp41, $1  }
0x14d: {  	_ =	sdelay $0x3  }
.Ltmp42:
0x14e: {  	_ = 	snop;
	(pc) =	sbr.rel .LBB2_34-.Ltmp42, $1  }
0x14f: {  	_ =	sdelay $0x3  }
.LBB2_35:
.Ltmp43:
0x150: {  	s24 =	simm.s32 $0x0;
	(pc) =	sbr.rel .LBB2_36-.Ltmp43, $4  }
0x151: {  	[tilespmem:s21], [sflag:$0x1] =	stream.linear.gather [hbm4b:s11+s24], $0x1000, $0x38;
	[tilespmem:$0x8A20] =	vst v63  }
0x152: {  	_ =	swait.ge [sflag:s22], $0x1000  }
0x153: {  	[sflag:s22] =	ssyncset.done $0x0  }
0x154: {  	[sflag:s22] =	ssyncadd.s32 $0xFFFFF000  }
.LBB2_38:
0x155: {  	s24 =	sadd.s32 $0x1, s24  }
0x156: {  	p0 =	sne.s32 s24, $0x100  }
.Ltmp44:
0x157: {  	_ = 	snop;
	(pc) =	sbr.rel @!p0 .LBB2_39-.Ltmp44, $1  }
0x158: {  	_ =	sdelay $0x3  }
.LBB2_36:
0x159: {  	s25 =	sshll.u32 s24, $0x4  }
0x15a: {  	v3 =	vld [tilespmem:s25+$0x7A20];
	_ =	sdelay $0x4  }
0x15b: {  	v4 =	vsub.s32 v3, v0  }
0x15c: {  	v3 =	vand.u32 $0x7, v3;
	vm0 =	vlt.u32 v4, $0x7A20;
	v4 =	vand.u32 $0xFFFFFFF8, v4  }
0x15d: {  	v3 =	vor.u32 v3, v4;
	_ =	sdelay $0x2  }
0x15e: {  	s25 =	sor.u32 $0x8000, s25  }
0x15f: {  	v4 =	vor.u32 s25, v2  }
0x160: {  	[tilespmem:v3+s3+$0x0] =	vst.idx.msk vm0, v4  }
0x161: {  	v5 =	vld.idx.msk [tilespmem:v3+s3+$0x0], vm0;
	_ =	sdelay $0x4  }
0x162: {  	vm1 =	vlt.s32 v5, v4  }
0x163: {  	vm0 =	vmand vm0, vm1  }
0x164: {  	v5 =	vmpcnt.ones.xlane vm0;
	_ =	sdelay $0x1  }
0x165: {  	(v2sf) =	vpush v5, $0x0;
	_ =	sdelay $0xe  }
0x166: {  	s31 =	spop (v2sf)  }
0x167: {  	p0 =	slt.s32 s31, $0x1  }
.Ltmp45:
0x168: {  	_ = 	snop;
	(pc) =	sbr.rel @p0 .LBB2_38-.Ltmp45, $1  }
0x169: {  	_ =	sdelay $0x3  }
.LBB2_37:
0x16a: {  	[tilespmem:v3+s3+$0x0] =	vst.idx.msk vm0, v4  }
0x16b: {  	v5 =	vld.idx.msk [tilespmem:v3+s3+$0x0], vm0;
	_ =	sdelay $0x4  }
0x16c: {  	vm1 =	vlt.s32 v5, v4  }
0x16d: {  	vm0 =	vmand vm0, vm1  }
0x16e: {  	v5 =	vmpcnt.ones.xlane vm0;
	_ =	sdelay $0x1  }
0x16f: {  	(v2sf) =	vpush v5, $0x0;
	_ =	sdelay $0xe  }
0x170: {  	s25 =	spop (v2sf)  }
0x171: {  	p0 =	sgt.s32 s25, $0x0  }
.Ltmp46:
0x172: {  	_ = 	snop;
	(pc) =	sbr.rel @p0 .LBB2_37-.Ltmp46, $1  }
0x173: {  	_ =	sdelay $0x3  }
.Ltmp47:
0x174: {  	_ = 	snop;
	(pc) =	sbr.rel .LBB2_38-.Ltmp47, $1  }
0x175: {  	_ =	sdelay $0x3  }
.LBB2_39:
.Ltmp48:
0x176: {  	s24 =	simm.s32 $0x0;
	(pc) =	sbr.rel .LBB2_40-.Ltmp48, $4  }
0x177: {  	[tilespmem:s21], [sflag:$0x1] =	stream.linear.gather [hbm4b:s12+s24], $0x1000, $0x38;
	[tilespmem:$0x8A20] =	vst v63  }
0x178: {  	_ =	swait.ge [sflag:s22], $0x1000  }
0x179: {  	[sflag:s22] =	ssyncset.done $0x0  }
0x17a: {  	[sflag:s22] =	ssyncadd.s32 $0xFFFFF000  }
.LBB2_42:
0x17b: {  	s24 =	sadd.s32 $0x1, s24  }
0x17c: {  	p0 =	sne.s32 s24, $0x100  }
.Ltmp49:
0x17d: {  	_ = 	snop;
	(pc) =	sbr.rel @!p0 .LBB2_43-.Ltmp49, $1  }
0x17e: {  	_ =	sdelay $0x3  }
.LBB2_40:
0x17f: {  	s25 =	sshll.u32 s24, $0x4  }
0x180: {  	v3 =	vld [tilespmem:s25+$0x7A20];
	_ =	sdelay $0x4  }
0x181: {  	v4 =	vsub.s32 v3, v0  }
0x182: {  	v3 =	vand.u32 $0x7, v3;
	vm0 =	vlt.u32 v4, $0x7A20;
	v4 =	vand.u32 $0xFFFFFFF8, v4  }
0x183: {  	v3 =	vor.u32 v3, v4;
	_ =	sdelay $0x2  }
0x184: {  	s25 =	sor.u32 $0x9000, s25  }
0x185: {  	v4 =	vor.u32 s25, v2  }
0x186: {  	[tilespmem:v3+s3+$0x0] =	vst.idx.msk vm0, v4  }
0x187: {  	v5 =	vld.idx.msk [tilespmem:v3+s3+$0x0], vm0;
	_ =	sdelay $0x4  }
0x188: {  	vm1 =	vlt.s32 v5, v4  }
0x189: {  	vm0 =	vmand vm0, vm1  }
0x18a: {  	v5 =	vmpcnt.ones.xlane vm0;
	_ =	sdelay $0x1  }
0x18b: {  	(v2sf) =	vpush v5, $0x0;
	_ =	sdelay $0xe  }
0x18c: {  	s31 =	spop (v2sf)  }
0x18d: {  	p0 =	slt.s32 s31, $0x1  }
.Ltmp50:
0x18e: {  	_ = 	snop;
	(pc) =	sbr.rel @p0 .LBB2_42-.Ltmp50, $1  }
0x18f: {  	_ =	sdelay $0x3  }
.LBB2_41:
0x190: {  	[tilespmem:v3+s3+$0x0] =	vst.idx.msk vm0, v4  }
0x191: {  	v5 =	vld.idx.msk [tilespmem:v3+s3+$0x0], vm0;
	_ =	sdelay $0x4  }
0x192: {  	vm1 =	vlt.s32 v5, v4  }
0x193: {  	vm0 =	vmand vm0, vm1  }
0x194: {  	v5 =	vmpcnt.ones.xlane vm0;
	_ =	sdelay $0x1  }
0x195: {  	(v2sf) =	vpush v5, $0x0;
	_ =	sdelay $0xe  }
0x196: {  	s25 =	spop (v2sf)  }
0x197: {  	p0 =	sgt.s32 s25, $0x0  }
.Ltmp51:
0x198: {  	_ = 	snop;
	(pc) =	sbr.rel @p0 .LBB2_41-.Ltmp51, $1  }
0x199: {  	_ =	sdelay $0x3  }
.Ltmp52:
0x19a: {  	_ = 	snop;
	(pc) =	sbr.rel .LBB2_42-.Ltmp52, $1  }
0x19b: {  	_ =	sdelay $0x3  }
.LBB2_43:
.Ltmp53:
0x19c: {  	s24 =	simm.s32 $0x0;
	(pc) =	sbr.rel .LBB2_44-.Ltmp53, $4  }
0x19d: {  	[tilespmem:s21], [sflag:$0x1] =	stream.linear.gather [hbm4b:s13+s24], $0x1000, $0x38;
	[tilespmem:$0x8A20] =	vst v63  }
0x19e: {  	_ =	swait.ge [sflag:s22], $0x1000  }
0x19f: {  	[sflag:s22] =	ssyncset.done $0x0  }
0x1a0: {  	[sflag:s22] =	ssyncadd.s32 $0xFFFFF000  }
.LBB2_46:
0x1a1: {  	s24 =	sadd.s32 $0x1, s24  }
0x1a2: {  	p0 =	sne.s32 s24, $0x100  }
.Ltmp54:
0x1a3: {  	_ = 	snop;
	(pc) =	sbr.rel @!p0 .LBB2_47-.Ltmp54, $1  }
0x1a4: {  	_ =	sdelay $0x3  }
.LBB2_44:
0x1a5: {  	s25 =	sshll.u32 s24, $0x4  }
0x1a6: {  	v3 =	vld [tilespmem:s25+$0x7A20];
	_ =	sdelay $0x4  }
0x1a7: {  	v4 =	vsub.s32 v3, v0  }
0x1a8: {  	v3 =	vand.u32 $0x7, v3;
	vm0 =	vlt.u32 v4, $0x7A20;
	v4 =	vand.u32 $0xFFFFFFF8, v4  }
0x1a9: {  	v3 =	vor.u32 v3, v4;
	_ =	sdelay $0x2  }
0x1aa: {  	s25 =	sor.u32 $0xA000, s25  }
0x1ab: {  	v4 =	vor.u32 s25, v2  }
0x1ac: {  	[tilespmem:v3+s3+$0x0] =	vst.idx.msk vm0, v4  }
0x1ad: {  	v5 =	vld.idx.msk [tilespmem:v3+s3+$0x0], vm0;
	_ =	sdelay $0x4  }
0x1ae: {  	vm1 =	vlt.s32 v5, v4  }
0x1af: {  	vm0 =	vmand vm0, vm1  }
0x1b0: {  	v5 =	vmpcnt.ones.xlane vm0;
	_ =	sdelay $0x1  }
0x1b1: {  	(v2sf) =	vpush v5, $0x0;
	_ =	sdelay $0xe  }
0x1b2: {  	s31 =	spop (v2sf)  }
0x1b3: {  	p0 =	slt.s32 s31, $0x1  }
.Ltmp55:
0x1b4: {  	_ = 	snop;
	(pc) =	sbr.rel @p0 .LBB2_46-.Ltmp55, $1  }
0x1b5: {  	_ =	sdelay $0x3  }
.LBB2_45:
0x1b6: {  	[tilespmem:v3+s3+$0x0] =	vst.idx.msk vm0, v4  }
0x1b7: {  	v5 =	vld.idx.msk [tilespmem:v3+s3+$0x0], vm0;
	_ =	sdelay $0x4  }
0x1b8: {  	vm1 =	vlt.s32 v5, v4  }
0x1b9: {  	vm0 =	vmand vm0, vm1  }
0x1ba: {  	v5 =	vmpcnt.ones.xlane vm0;
	_ =	sdelay $0x1  }
0x1bb: {  	(v2sf) =	vpush v5, $0x0;
	_ =	sdelay $0xe  }
0x1bc: {  	s25 =	spop (v2sf)  }
0x1bd: {  	p0 =	sgt.s32 s25, $0x0  }
.Ltmp56:
0x1be: {  	_ = 	snop;
	(pc) =	sbr.rel @p0 .LBB2_45-.Ltmp56, $1  }
0x1bf: {  	_ =	sdelay $0x3  }
.Ltmp57:
0x1c0: {  	_ = 	snop;
	(pc) =	sbr.rel .LBB2_46-.Ltmp57, $1  }
0x1c1: {  	_ =	sdelay $0x3  }
.LBB2_47:
.Ltmp58:
0x1c2: {  	s24 =	simm.s32 $0x0;
	(pc) =	sbr.rel .LBB2_48-.Ltmp58, $4  }
0x1c3: {  	[tilespmem:s21], [sflag:$0x1] =	stream.linear.gather [hbm4b:s14+s24], $0x1000, $0x38;
	[tilespmem:$0x8A20] =	vst v63  }
0x1c4: {  	_ =	swait.ge [sflag:s22], $0x1000  }
0x1c5: {  	[sflag:s22] =	ssyncset.done $0x0  }
0x1c6: {  	[sflag:s22] =	ssyncadd.s32 $0xFFFFF000  }
.LBB2_50:
0x1c7: {  	s24 =	sadd.s32 $0x1, s24  }
0x1c8: {  	p0 =	sne.s32 s24, $0x100  }
.Ltmp59:
0x1c9: {  	_ = 	snop;
	(pc) =	sbr.rel @!p0 .LBB2_51-.Ltmp59, $1  }
0x1ca: {  	_ =	sdelay $0x3  }
.LBB2_48:
0x1cb: {  	s25 =	sshll.u32 s24, $0x4  }
0x1cc: {  	v3 =	vld [tilespmem:s25+$0x7A20];
	_ =	sdelay $0x4  }
0x1cd: {  	v4 =	vsub.s32 v3, v0  }
0x1ce: {  	v3 =	vand.u32 $0x7, v3;
	vm0 =	vlt.u32 v4, $0x7A20;
	v4 =	vand.u32 $0xFFFFFFF8, v4  }
0x1cf: {  	v3 =	vor.u32 v3, v4;
	_ =	sdelay $0x2  }
0x1d0: {  	s25 =	sor.u32 $0xB000, s25  }
0x1d1: {  	v4 =	vor.u32 s25, v2  }
0x1d2: {  	[tilespmem:v3+s3+$0x0] =	vst.idx.msk vm0, v4  }
0x1d3: {  	v5 =	vld.idx.msk [tilespmem:v3+s3+$0x0], vm0;
	_ =	sdelay $0x4  }
0x1d4: {  	vm1 =	vlt.s32 v5, v4  }
0x1d5: {  	vm0 =	vmand vm0, vm1  }
0x1d6: {  	v5 =	vmpcnt.ones.xlane vm0;
	_ =	sdelay $0x1  }
0x1d7: {  	(v2sf) =	vpush v5, $0x0;
	_ =	sdelay $0xe  }
0x1d8: {  	s31 =	spop (v2sf)  }
0x1d9: {  	p0 =	slt.s32 s31, $0x1  }
.Ltmp60:
0x1da: {  	_ = 	snop;
	(pc) =	sbr.rel @p0 .LBB2_50-.Ltmp60, $1  }
0x1db: {  	_ =	sdelay $0x3  }
.LBB2_49:
0x1dc: {  	[tilespmem:v3+s3+$0x0] =	vst.idx.msk vm0, v4  }
0x1dd: {  	v5 =	vld.idx.msk [tilespmem:v3+s3+$0x0], vm0;
	_ =	sdelay $0x4  }
0x1de: {  	vm1 =	vlt.s32 v5, v4  }
0x1df: {  	vm0 =	vmand vm0, vm1  }
0x1e0: {  	v5 =	vmpcnt.ones.xlane vm0;
	_ =	sdelay $0x1  }
0x1e1: {  	(v2sf) =	vpush v5, $0x0;
	_ =	sdelay $0xe  }
0x1e2: {  	s25 =	spop (v2sf)  }
0x1e3: {  	p0 =	sgt.s32 s25, $0x0  }
.Ltmp61:
0x1e4: {  	_ = 	snop;
	(pc) =	sbr.rel @p0 .LBB2_49-.Ltmp61, $1  }
0x1e5: {  	_ =	sdelay $0x3  }
.Ltmp62:
0x1e6: {  	_ = 	snop;
	(pc) =	sbr.rel .LBB2_50-.Ltmp62, $1  }
0x1e7: {  	_ =	sdelay $0x3  }
.LBB2_51:
.Ltmp63:
0x1e8: {  	s24 =	simm.s32 $0x0;
	(pc) =	sbr.rel .LBB2_52-.Ltmp63, $4  }
0x1e9: {  	[tilespmem:s21], [sflag:$0x1] =	stream.linear.gather [hbm4b:s15+s24], $0x1000, $0x38;
	[tilespmem:$0x8A20] =	vst v63  }
0x1ea: {  	_ =	swait.ge [sflag:s22], $0x1000  }
0x1eb: {  	[sflag:s22] =	ssyncset.done $0x0  }
0x1ec: {  	[sflag:s22] =	ssyncadd.s32 $0xFFFFF000  }
.LBB2_54:
0x1ed: {  	s24 =	sadd.s32 $0x1, s24  }
0x1ee: {  	p0 =	sne.s32 s24, $0x100  }
.Ltmp64:
0x1ef: {  	_ = 	snop;
	(pc) =	sbr.rel @!p0 .LBB2_55-.Ltmp64, $1  }
0x1f0: {  	_ =	sdelay $0x3  }
.LBB2_52:
0x1f1: {  	s25 =	sshll.u32 s24, $0x4  }
0x1f2: {  	v3 =	vld [tilespmem:s25+$0x7A20];
	_ =	sdelay $0x4  }
0x1f3: {  	v4 =	vsub.s32 v3, v0  }
0x1f4: {  	v3 =	vand.u32 $0x7, v3;
	vm0 =	vlt.u32 v4, $0x7A20;
	v4 =	vand.u32 $0xFFFFFFF8, v4  }
0x1f5: {  	v3 =	vor.u32 v3, v4;
	_ =	sdelay $0x2  }
0x1f6: {  	s25 =	sor.u32 $0xC000, s25  }
0x1f7: {  	v4 =	vor.u32 s25, v2  }
0x1f8: {  	[tilespmem:v3+s3+$0x0] =	vst.idx.msk vm0, v4  }
0x1f9: {  	v5 =	vld.idx.msk [tilespmem:v3+s3+$0x0], vm0;
	_ =	sdelay $0x4  }
0x1fa: {  	vm1 =	vlt.s32 v5, v4  }
0x1fb: {  	vm0 =	vmand vm0, vm1  }
0x1fc: {  	v5 =	vmpcnt.ones.xlane vm0;
	_ =	sdelay $0x1  }
0x1fd: {  	(v2sf) =	vpush v5, $0x0;
	_ =	sdelay $0xe  }
0x1fe: {  	s31 =	spop (v2sf)  }
0x1ff: {  	p0 =	slt.s32 s31, $0x1  }
.Ltmp65:
0x200: {  	_ = 	snop;
	(pc) =	sbr.rel @p0 .LBB2_54-.Ltmp65, $1  }
0x201: {  	_ =	sdelay $0x3  }
.LBB2_53:
0x202: {  	[tilespmem:v3+s3+$0x0] =	vst.idx.msk vm0, v4  }
0x203: {  	v5 =	vld.idx.msk [tilespmem:v3+s3+$0x0], vm0;
	_ =	sdelay $0x4  }
0x204: {  	vm1 =	vlt.s32 v5, v4  }
0x205: {  	vm0 =	vmand vm0, vm1  }
0x206: {  	v5 =	vmpcnt.ones.xlane vm0;
	_ =	sdelay $0x1  }
0x207: {  	(v2sf) =	vpush v5, $0x0;
	_ =	sdelay $0xe  }
0x208: {  	s25 =	spop (v2sf)  }
0x209: {  	p0 =	sgt.s32 s25, $0x0  }
.Ltmp66:
0x20a: {  	_ = 	snop;
	(pc) =	sbr.rel @p0 .LBB2_53-.Ltmp66, $1  }
0x20b: {  	_ =	sdelay $0x3  }
.Ltmp67:
0x20c: {  	_ = 	snop;
	(pc) =	sbr.rel .LBB2_54-.Ltmp67, $1  }
0x20d: {  	_ =	sdelay $0x3  }
.LBB2_55:
.Ltmp68:
0x20e: {  	s24 =	simm.s32 $0x0;
	(pc) =	sbr.rel .LBB2_56-.Ltmp68, $4  }
0x20f: {  	[tilespmem:s21], [sflag:$0x1] =	stream.linear.gather [hbm4b:s16+s24], $0x1000, $0x38;
	[tilespmem:$0x8A20] =	vst v63  }
0x210: {  	_ =	swait.ge [sflag:s22], $0x1000  }
0x211: {  	[sflag:s22] =	ssyncset.done $0x0  }
0x212: {  	[sflag:s22] =	ssyncadd.s32 $0xFFFFF000  }
.LBB2_58:
0x213: {  	s24 =	sadd.s32 $0x1, s24  }
0x214: {  	p0 =	sne.s32 s24, $0x100  }
.Ltmp69:
0x215: {  	_ = 	snop;
	(pc) =	sbr.rel @!p0 .LBB2_59-.Ltmp69, $1  }
0x216: {  	_ =	sdelay $0x3  }
.LBB2_56:
0x217: {  	s25 =	sshll.u32 s24, $0x4  }
0x218: {  	v3 =	vld [tilespmem:s25+$0x7A20];
	_ =	sdelay $0x4  }
0x219: {  	v4 =	vsub.s32 v3, v0  }
0x21a: {  	v3 =	vand.u32 $0x7, v3;
	vm0 =	vlt.u32 v4, $0x7A20;
	v4 =	vand.u32 $0xFFFFFFF8, v4  }
0x21b: {  	v3 =	vor.u32 v3, v4;
	_ =	sdelay $0x2  }
0x21c: {  	s25 =	sor.u32 $0xD000, s25  }
0x21d: {  	v4 =	vor.u32 s25, v2  }
0x21e: {  	[tilespmem:v3+s3+$0x0] =	vst.idx.msk vm0, v4  }
0x21f: {  	v5 =	vld.idx.msk [tilespmem:v3+s3+$0x0], vm0;
	_ =	sdelay $0x4  }
0x220: {  	vm1 =	vlt.s32 v5, v4  }
0x221: {  	vm0 =	vmand vm0, vm1  }
0x222: {  	v5 =	vmpcnt.ones.xlane vm0;
	_ =	sdelay $0x1  }
0x223: {  	(v2sf) =	vpush v5, $0x0;
	_ =	sdelay $0xe  }
0x224: {  	s31 =	spop (v2sf)  }
0x225: {  	p0 =	slt.s32 s31, $0x1  }
.Ltmp70:
0x226: {  	_ = 	snop;
	(pc) =	sbr.rel @p0 .LBB2_58-.Ltmp70, $1  }
0x227: {  	_ =	sdelay $0x3  }
.LBB2_57:
0x228: {  	[tilespmem:v3+s3+$0x0] =	vst.idx.msk vm0, v4  }
0x229: {  	v5 =	vld.idx.msk [tilespmem:v3+s3+$0x0], vm0;
	_ =	sdelay $0x4  }
0x22a: {  	vm1 =	vlt.s32 v5, v4  }
0x22b: {  	vm0 =	vmand vm0, vm1  }
0x22c: {  	v5 =	vmpcnt.ones.xlane vm0;
	_ =	sdelay $0x1  }
0x22d: {  	(v2sf) =	vpush v5, $0x0;
	_ =	sdelay $0xe  }
0x22e: {  	s25 =	spop (v2sf)  }
0x22f: {  	p0 =	sgt.s32 s25, $0x0  }
.Ltmp71:
0x230: {  	_ = 	snop;
	(pc) =	sbr.rel @p0 .LBB2_57-.Ltmp71, $1  }
0x231: {  	_ =	sdelay $0x3  }
.Ltmp72:
0x232: {  	_ = 	snop;
	(pc) =	sbr.rel .LBB2_58-.Ltmp72, $1  }
0x233: {  	_ =	sdelay $0x3  }
.LBB2_59:
.Ltmp73:
0x234: {  	s24 =	simm.s32 $0x0;
	(pc) =	sbr.rel .LBB2_60-.Ltmp73, $4  }
0x235: {  	[tilespmem:s21], [sflag:$0x1] =	stream.linear.gather [hbm4b:s17+s24], $0x1000, $0x38;
	[tilespmem:$0x8A20] =	vst v63  }
0x236: {  	_ =	swait.ge [sflag:s22], $0x1000  }
0x237: {  	[sflag:s22] =	ssyncset.done $0x0  }
0x238: {  	[sflag:s22] =	ssyncadd.s32 $0xFFFFF000  }
.LBB2_62:
0x239: {  	s24 =	sadd.s32 $0x1, s24  }
0x23a: {  	p0 =	sne.s32 s24, $0x100  }
.Ltmp74:
0x23b: {  	_ = 	snop;
	(pc) =	sbr.rel @!p0 .LBB2_63-.Ltmp74, $1  }
0x23c: {  	_ =	sdelay $0x3  }
.LBB2_60:
0x23d: {  	s25 =	sshll.u32 s24, $0x4  }
0x23e: {  	v3 =	vld [tilespmem:s25+$0x7A20];
	_ =	sdelay $0x4  }
0x23f: {  	v4 =	vsub.s32 v3, v0  }
0x240: {  	v3 =	vand.u32 $0x7, v3;
	vm0 =	vlt.u32 v4, $0x7A20;
	v4 =	vand.u32 $0xFFFFFFF8, v4  }
0x241: {  	v3 =	vor.u32 v3, v4;
	_ =	sdelay $0x2  }
0x242: {  	s25 =	sor.u32 $0xE000, s25  }
0x243: {  	v4 =	vor.u32 s25, v2  }
0x244: {  	[tilespmem:v3+s3+$0x0] =	vst.idx.msk vm0, v4  }
0x245: {  	v5 =	vld.idx.msk [tilespmem:v3+s3+$0x0], vm0;
	_ =	sdelay $0x4  }
0x246: {  	vm1 =	vlt.s32 v5, v4  }
0x247: {  	vm0 =	vmand vm0, vm1  }
0x248: {  	v5 =	vmpcnt.ones.xlane vm0;
	_ =	sdelay $0x1  }
0x249: {  	(v2sf) =	vpush v5, $0x0;
	_ =	sdelay $0xe  }
0x24a: {  	s31 =	spop (v2sf)  }
0x24b: {  	p0 =	slt.s32 s31, $0x1  }
.Ltmp75:
0x24c: {  	_ = 	snop;
	(pc) =	sbr.rel @p0 .LBB2_62-.Ltmp75, $1  }
0x24d: {  	_ =	sdelay $0x3  }
.LBB2_61:
0x24e: {  	[tilespmem:v3+s3+$0x0] =	vst.idx.msk vm0, v4  }
0x24f: {  	v5 =	vld.idx.msk [tilespmem:v3+s3+$0x0], vm0;
	_ =	sdelay $0x4  }
0x250: {  	vm1 =	vlt.s32 v5, v4  }
0x251: {  	vm0 =	vmand vm0, vm1  }
0x252: {  	v5 =	vmpcnt.ones.xlane vm0;
	_ =	sdelay $0x1  }
0x253: {  	(v2sf) =	vpush v5, $0x0;
	_ =	sdelay $0xe  }
0x254: {  	s25 =	spop (v2sf)  }
0x255: {  	p0 =	sgt.s32 s25, $0x0  }
.Ltmp76:
0x256: {  	_ = 	snop;
	(pc) =	sbr.rel @p0 .LBB2_61-.Ltmp76, $1  }
0x257: {  	_ =	sdelay $0x3  }
.Ltmp77:
0x258: {  	_ = 	snop;
	(pc) =	sbr.rel .LBB2_62-.Ltmp77, $1  }
0x259: {  	_ =	sdelay $0x3  }
.LBB2_63:
.Ltmp78:
0x25a: {  	s24 =	simm.s32 $0x0;
	(pc) =	sbr.rel .LBB2_64-.Ltmp78, $4  }
0x25b: {  	[tilespmem:s21], [sflag:$0x1] =	stream.linear.gather [hbm4b:s18+s24], $0x1000, $0x38;
	[tilespmem:$0x8A20] =	vst v63  }
0x25c: {  	_ =	swait.ge [sflag:s22], $0x1000  }
0x25d: {  	[sflag:s22] =	ssyncset.done $0x0  }
0x25e: {  	[sflag:s22] =	ssyncadd.s32 $0xFFFFF000  }
.LBB2_66:
0x25f: {  	s24 =	sadd.s32 $0x1, s24  }
0x260: {  	p0 =	sne.s32 s24, $0x100  }
.Ltmp79:
0x261: {  	_ = 	snop;
	(pc) =	sbr.rel @!p0 .LBB2_67-.Ltmp79, $1  }
0x262: {  	_ =	sdelay $0x3  }
.LBB2_64:
0x263: {  	s25 =	sshll.u32 s24, $0x4  }
0x264: {  	v3 =	vld [tilespmem:s25+$0x7A20];
	_ =	sdelay $0x4  }
0x265: {  	v4 =	vsub.s32 v3, v0  }
0x266: {  	v3 =	vand.u32 $0x7, v3;
	vm0 =	vlt.u32 v4, $0x7A20;
	v4 =	vand.u32 $0xFFFFFFF8, v4  }
0x267: {  	v3 =	vor.u32 v3, v4;
	_ =	sdelay $0x2  }
0x268: {  	s25 =	sor.u32 $0xF000, s25  }
0x269: {  	v4 =	vor.u32 s25, v2  }
0x26a: {  	[tilespmem:v3+s3+$0x0] =	vst.idx.msk vm0, v4  }
0x26b: {  	v5 =	vld.idx.msk [tilespmem:v3+s3+$0x0], vm0;
	_ =	sdelay $0x4  }
0x26c: {  	vm1 =	vlt.s32 v5, v4  }
0x26d: {  	vm0 =	vmand vm0, vm1  }
0x26e: {  	v5 =	vmpcnt.ones.xlane vm0;
	_ =	sdelay $0x1  }
0x26f: {  	(v2sf) =	vpush v5, $0x0;
	_ =	sdelay $0xe  }
0x270: {  	s31 =	spop (v2sf)  }
0x271: {  	p0 =	slt.s32 s31, $0x1  }
.Ltmp80:
0x272: {  	_ = 	snop;
	(pc) =	sbr.rel @p0 .LBB2_66-.Ltmp80, $1  }
0x273: {  	_ =	sdelay $0x3  }
.LBB2_65:
0x274: {  	[tilespmem:v3+s3+$0x0] =	vst.idx.msk vm0, v4  }
0x275: {  	v5 =	vld.idx.msk [tilespmem:v3+s3+$0x0], vm0;
	_ =	sdelay $0x4  }
0x276: {  	vm1 =	vlt.s32 v5, v4  }
0x277: {  	vm0 =	vmand vm0, vm1  }
0x278: {  	v5 =	vmpcnt.ones.xlane vm0;
	_ =	sdelay $0x1  }
0x279: {  	(v2sf) =	vpush v5, $0x0;
	_ =	sdelay $0xe  }
0x27a: {  	s25 =	spop (v2sf)  }
0x27b: {  	p0 =	sgt.s32 s25, $0x0  }
.Ltmp81:
0x27c: {  	_ = 	snop;
	(pc) =	sbr.rel @p0 .LBB2_65-.Ltmp81, $1  }
0x27d: {  	_ =	sdelay $0x3  }
.Ltmp82:
0x27e: {  	_ = 	snop;
	(pc) =	sbr.rel .LBB2_66-.Ltmp82, $1  }
0x27f: {  	_ =	sdelay $0x3  }
.LBB2_68:
0x280: {  	_ =	sfence.sel $0x180000  }
0x281: {  	[bflag:$0x0] =	sbarrier.arrive $0xFFFF  }
0x282: {  	p0 =	sne.s32 s0, $0x0;
	_ =	strace $0x90000047  }
0x283: {  	s0 =	sadd.s32 @!p0 $0x100000, s1;
	[bflag:$0x2] =	sbarrier.arrive $0xFFFF  }
0x284: {  	[sflag:s0] =	ssyncadd.tile.s32 @!p0 $0x1;
	_ =	shalt  }
.Lfunc_end2:
_tile_overlayer_lowered:
.L_overlay_start_2:
0x285: {  	(tag) =	ssettag $0x2  }
0x286: {  	s0 =	rddreg [dreg:$0x0];
	s2 =	stileid.u32  }
0x287: {  	s1 =	rddreg [dreg:$0x1];
	p0 =	sne.s32 s2, $0x0  }
0x288: {  	s3 =	rddreg [dreg:$0x2];
	[bflag:$0x3] =	sbarrier.arrive $0xFFFF;
	s2 =	simm.s32 @!p0 $0x1C01  }
0x289: {  	[timem:s3], [sflag:s2] =	dma.local @!p0 [hbm:s0], s1  }
0x28a: {  	s0 =	simm.s32 @!p0 $0x1  }
0x28b: {  	_ =	swait.ge @!p0 [sflag:s0], s1  }
0x28c: {  	s1 =	ssub.s32 @!p0 $0x0, s1;
	[sflag:s0] =	ssyncset.done @!p0 $0x0  }
0x28d: {  	[sflag:s0] =	ssyncadd.s32 @!p0 s1  }
0x28e: {  	[bflag:$0x3] =	sbarrier.arrive $0xFFFF  }
0x28f: {  	_ =	shalt  }

// kernel: kernel.7.cloned.1.call-start
scs
__scs_entry_jumppad:
0x0: {  	(pc) =	sbr.rel $0x88, $3  }
0x1: {  	(tag) =	ssettag $0x0;
	lr =	simm.s32 $0x1  }
0x2: {  	[smem:$0x3F9D] =	sst lr;
	_ =	strace $0xD0000000  }
0x3: {  	_ = 	snop  }
0x4: {  	_ = 	snop  }
0x5: {  	_ = 	snop  }
0x6: {  	_ = 	snop  }
0x7: {  	_ = 	snop  }
__scs_overlays_trampoline_lowered:
0x8: {  	[smem:$0x3FAC] =	sst s0  }
0x9: {  	[smem:$0x3FAD] =	sst s1  }
0xa: {  	[smem:$0x3FAE] =	sst s2  }
0xb: {  	[smem:$0x3FAF] =	sst s3  }
0xc: {  	[smem:$0x3FB0] =	sst s4  }
0xd: {  	[smem:$0x3FB1] =	sst s5  }
0xe: {  	[smem:$0x3FB2] =	sst s6  }
0xf: {  	[smem:$0x3FB3] =	sst s7  }
0x10: {  	[smem:$0x3FB4] =	sst s8  }
0x11: {  	[smem:$0x3FB5] =	sst s9;
	s0 =	simm.s32 @!p0 $0x0  }
0x12: {  	s1 =	sld [smem:$0x3F9B];
	s0 =	simm.s32 @p0 $0x1  }
0x13: {  	[smem:$0x3FB6] =	sst s0;
	s0 =	simm.s32 @!p1 $0x0  }
0x14: {  	s2 =	sld [smem:$0x3F9A];
	s0 =	simm.s32 @p1 $0x1  }
0x15: {  	[smem:$0x3FB7] =	sst s0;
	s0 =	simm.s32 @!p2 $0x0  }
0x16: {  	s3 =	sld [smem:$0x3FDB];
	s0 =	simm.s32 @p2 $0x1  }
0x17: {  	s4 =	simm.s32 $0x1BF5;
	[smem:$0x3FB9] =	sst s0  }
0x18: {  	s0 =	sld [smem:$0x3F9C];
	_ =	swait.ge [sflag:s4], $0x0  }
0x19: {  	s7 =	sld [smem:$0x3F9D]  }
0x1a: {  	s8 =	sadd.s32 $0xFFFFE003, lr  }
0x1b: {  	s9 =	sadd.s32 $0xFFFFFEF7, lr;
	s5 =	simm.s32 $0xFFFFFFFF;
	p2 =	slt.u32 s8, $0xFFFFF086  }
0x1c: {  	p1 =	slt.u32 s9, $0xF7A;
	s5 =	simm.s32 @!p2 $0x0  }
0x1d: {  	s5 =	simm.s32 @p1 $0x1;
	p0 =	seq.s32 s7, s2  }
0x1e: {  	s7 =	smul.u32 @!p0 $0xF7A, s2;
	p2 =	seq.s32 @!p0 s5, $0x0  }
0x1f: {  	s9 =	smul.u32 $0xF7A, s1;
	s8 =	simm.s32 @!p0 $0x1BF5;
	p2 =	por !p2, p0  }
0x20: {  	[sflag:s8] =	ssyncset.s32 @!p0 $0xFFFFF086;
	s6 =	sadd.s32 @!p0 s3, s7;
	s7 =	simm.s32 @!p0 $0x108  }
0x21: {  	s3 =	sadd.s32 s3, s9;
	s6 =	sadd.s32 @!p0 $0x88, s6;
	s7 =	simm.s32 @p2 $0x1082  }
0x22: {  	[simem:s7], [sflag:s8] =	dma.local @!p0 [hbm:s6], $0xF7A  }
0x23: {  	s9 =	sor.u32 $0xD0000000, s2;
	s6 =	simm.s32 $0x108;
	_ =	swait.ge @!p0 [sflag:s8], $0x0  }
0x24: {  	s3 =	sadd.s32 $0x88, s3;
	s6 =	simm.s32 @!p1 $0x1082;
	[sflag:s4] =	ssyncset.s32 $0xFFFFF086  }
0x25: {  	[simem:s6], [sflag:s4] =	dma.local [hbm:s3], $0xF7A  }
0x26: {  	[smem:$0x3F9D] =	sst s1;
	(tag) =	ssettag s2;
	_ =	strace s9  }
0x27: {  	s1 =	sld [smem:$0x3FAD]  }
0x28: {  	s2 =	sld [smem:$0x3FAE]  }
0x29: {  	s4 =	sld [smem:$0x3FB0]  }
0x2a: {  	p0 =	seq.s32 s5, $0x0;
	s5 =	sld [smem:$0x3FB1]  }
0x2b: {  	s6 =	sld [smem:$0x3FB2]  }
0x2c: {  	s7 =	sld [smem:$0x3FB3]  }
0x2d: {  	s3 =	simm.s32 $0x108;
	s8 =	sld [smem:$0x3FB4]  }
0x2e: {  	s3 =	simm.s32 @!p0 $0x1082;
	s9 =	sld [smem:$0x3FB5]  }
0x2f: {  	lr =	sadd.s32 s0, s3;
	s0 =	sld [smem:$0x3FAC]  }
0x30: {  	s3 =	sld [smem:$0x3FAF]  }
0x31: {  	[smem:$0x3FB8] =	sst s10  }
0x32: {  	s10 =	sld [smem:$0x3FB6];
	_ =	sdelay $0x3  }
0x33: {  	p0 =	seq.s32 s10, $0x1;
	s10 =	sld [smem:$0x3FB8];
	_ =	sdelay $0x3  }
0x34: {  	[smem:$0x3FB8] =	sst s10  }
0x35: {  	s10 =	sld [smem:$0x3FB7];
	_ =	sdelay $0x3  }
0x36: {  	p1 =	seq.s32 s10, $0x1;
	s10 =	sld [smem:$0x3FB8];
	_ =	sdelay $0x3  }
0x37: {  	[smem:$0x3FB8] =	sst s10  }
0x38: {  	s10 =	sld [smem:$0x3FB9]  }
0x39: {  	_ = 	snop;
	(pc) =	sbr.ind lr, $3  }
0x3a: {  	_ = 	snop  }
0x3b: {  	_ = 	snop  }
0x3c: {  	p2 =	seq.s32 s10, $0x1;
	s10 =	sld [smem:$0x3FB8]  }
0x3d: {  	_ =	shalt  }
0x3e: {  	_ =	shalt  }
0x3f: {  	_ =	shalt  }
0x40: {  	_ =	shalt  }
0x41: {  	_ =	shalt  }
0x42: {  	_ =	shalt  }
0x43: {  	_ =	shalt  }
0x44: {  	_ =	shalt  }
0x45: {  	_ =	shalt  }
0x46: {  	_ =	shalt  }
0x47: {  	_ =	shalt  }
0x48: {  	_ =	shalt  }
0x49: {  	_ =	shalt  }
0x4a: {  	_ =	shalt  }
0x4b: {  	_ =	shalt  }
0x4c: {  	_ =	shalt  }
0x4d: {  	_ =	shalt  }
0x4e: {  	_ =	shalt  }
0x4f: {  	_ =	shalt  }
0x50: {  	_ =	shalt  }
0x51: {  	_ =	shalt  }
0x52: {  	_ =	shalt  }
0x53: {  	_ =	shalt  }
0x54: {  	_ =	shalt  }
0x55: {  	_ =	shalt  }
0x56: {  	_ =	shalt  }
0x57: {  	_ =	shalt  }
0x58: {  	_ =	shalt  }
0x59: {  	_ =	shalt  }
0x5a: {  	_ =	shalt  }
0x5b: {  	_ =	shalt  }
0x5c: {  	_ =	shalt  }
0x5d: {  	_ =	shalt  }
0x5e: {  	_ =	shalt  }
0x5f: {  	_ =	shalt  }
0x60: {  	_ =	shalt  }
0x61: {  	_ =	shalt  }
0x62: {  	_ =	shalt  }
0x63: {  	_ =	shalt  }
0x64: {  	_ =	shalt  }
0x65: {  	_ =	shalt  }
0x66: {  	_ =	shalt  }
0x67: {  	_ =	shalt  }
0x68: {  	_ =	shalt  }
0x69: {  	_ =	shalt  }
0x6a: {  	_ =	shalt  }
0x6b: {  	_ =	shalt  }
0x6c: {  	_ =	shalt  }
0x6d: {  	_ =	shalt  }
0x6e: {  	_ =	shalt  }
0x6f: {  	_ =	shalt  }
0x70: {  	_ =	shalt  }
0x71: {  	_ =	shalt  }
0x72: {  	_ =	shalt  }
0x73: {  	_ =	shalt  }
0x74: {  	_ =	shalt  }
0x75: {  	_ =	shalt  }
0x76: {  	_ =	shalt  }
0x77: {  	_ =	shalt  }
0x78: {  	_ =	shalt  }
0x79: {  	_ =	shalt  }
0x7a: {  	_ =	shalt  }
0x7b: {  	_ =	shalt  }
0x7c: {  	_ =	shalt  }
0x7d: {  	_ =	shalt  }
0x7e: {  	_ =	shalt  }
0x7f: {  	_ =	shalt  }
0x80: {  	_ =	shalt  }
0x81: {  	_ =	shalt  }
0x82: {  	_ =	shalt  }
0x83: {  	_ =	shalt  }
0x84: {  	_ =	shalt  }
0x85: {  	_ =	shalt  }
0x86: {  	_ =	shalt  }
0x87: {  	_ =	shalt  }
.Lfunc_end0:
.L_simem_size_0:
called_computation.2_lowered:
.L_overlay_start_0:
0x88: {  	s2 =	sld [smem:$0x3FD9]  }
0x89: {  	s3 =	sld [smem:$0x3FFE];
	_ =	sdelay $0x1  }
0x8a: {  	s1 =	srdreg.scid  }
0x8b: {  	s0 =	sand.u32 $0x1, s1  }
0x8c: {  	s17 =	sshll.u32 s0, $0xA;
	s2 =	sadd.s32 s3, s2  }
0x8d: {  	s2 =	sadd.s32 s2, s17  }
0x8e: {  	[smem:$0x3FC4] =	sst s2  }
0x8f: {  	_ = 	snop  }
0x90: {  	s2 =	sld [smem:$0x3FD0];
	(tm) =	ssettm $0x1  }
0x91: {  	s18 =	sld [smem:$0x3FFB];
	_ =	sdelay $0x3  }
0x92: {  	_ =	strace s18  }
0x93: {  	s3 =	sld [smem:$0x3FFC];
	_ =	sdelay $0x3  }
0x94: {  	_ =	strace s3  }
0x95: {  	s3 =	sld [smem:$0x3FFD];
	_ =	sdelay $0x3  }
0x96: {  	_ =	strace s3  }
0x97: {  	_ =	strace $0x8FFFFFFF  }
0x98: {  	s19 =	sld [smem:$0x3FDB];
	_ =	sdelay $0x1  }
0x99: {  	s4 =	simm.s32 $_scs_section_size  }
0x9a: {  	s5 =	simm.s32 $_size__tile_overlayer_lowered;
	s6 =	simm.s32 $_tile_overlayer_lowered  }
0x9b: {  	s22 =	simm.s32 $0x1BFF;
	s21 =	sshll.u32 s6, $0x1;
	s3 =	sadd.s32 s4, s19  }
0x9c: {  	s7 =	simm.s32 $0x0;
	s20 =	sshll.u32 s5, $0x1;
	s5 =	sadd.s32 s21, s3  }
0x9d: {  	[timem:s7], [sflag:s22] =	dma.local [hbm:s5], s20  }
0x9e: {  	_ =	swait.ge [sflag:s22], s20  }
0x9f: {  	s4 =	ssub.s32 $0x0, s20;
	[sflag:s22] =	ssyncset.done $0x0  }
0xa0: {  	[sflag:s22] =	ssyncadd.s32 s4;
	_ =	sdelay $0x1  }
0xa1: {  	s23 =	simm.s32 $0x1B8B  }
0xa2: {  	_ =	swait.ge [sflag:s23], $0x1  }
0xa3: {  	[sflag:s23] =	ssyncset.done $0x0  }
0xa4: {  	s25 =	simm.s32 $0x1B8E;
	s24 =	sld [smem:$0x3FFE];
	[sflag:s23] =	ssyncadd.s32 $0xFFFFFFFF  }
0xa5: {  	s26 =	simm.s32 $execute0_lowered;
	[smem:$0x3FD2] =	sst s25  }
0xa6: {  	s5 =	sshll.u32 s26, $0x1;
	_ =	strace $0x80000049;
	[dreg:$0x1] =	wrdreg $0xFFFFFFFF  }
0xa7: {  	s28 =	simm.s32 $_size_execute0_lowered;
	s3 =	sadd.s32 s3, s5;
	[dreg:$0x0] =	wrdreg $0x0  }
0xa8: {  	s5 =	sshll.u32 s28, $0x1;
	[dreg:$0x2] =	wrdreg s3  }
0xa9: {  	[dreg:$0x3] =	wrdreg s5  }
0xaa: {  	[dreg:$0x4] =	wrdreg $0xC0  }
0xab: {  	_ =	task [dreg:s7], $0x5FFFF  }
0xac: {  	[dreg:$0x1] =	wrdreg $0xFFFFFFFF  }
0xad: {  	[dreg:$0x0] =	wrdreg $0x60  }
0xae: {  	[dreg:$0x2] =	wrdreg s24  }
0xaf: {  	[dreg:$0x3] =	wrdreg s2  }
0xb0: {  	[dreg:$0x4] =	wrdreg $0x9  }
0xb1: {  	_ =	task.clear_ibuf [dreg:s7], $0x5FFFF;
	_ =	strace $0x90000049  }
0xb2: {  	s29 =	simm.s32 $0x9;
	_ =	strace $0x8000004B  }
0xb3: {  	_ =	swait.ge [sflag:s29], $0x1  }
0xb4: {  	[sflag:s29] =	ssyncadd.s32 $0xFFFFFFFF  }
0xb5: {  	_ =	strace $0x9000004B  }
0xb6: {  	_ =	sfence  }
0xb7: {  	s30 =	sld [smem:$0x0];
	_ =	sdelay $0x2  }
0xb8: {  	s31 =	sshll.u32 s1, $0xD;
	s1 =	sshrl.u32 s1, $0x2  }
0xb9: {  	s3 =	sand.u32 $0x4000, s31;
	s1 =	sadd.s32 s1, s30  }
0xba: {  	s0 =	sor.u32 s3, s0;
	s1 =	sshll.u32 s1, $0x11  }
0xbb: {  	s0 =	sor.u32 s1, s0  }
0xbc: {  	s0 =	sadd.s32 $0x8F2B, s0  }
0xbd: {  	[sflag:s0] =	ssyncadd.remote.s32 $0x1  }
0xbe: {  	_ =	sfence.sel $0xFFFF  }
0xbf: {  	[dreg:$0x0] =	wrdreg $0xFFFFFFFF;
	(pc) =	sbr.abs _section_cstart, $3  }
0xc0: {  	[dreg:$0x1] =	wrdreg $0xFFFFFFFF  }
0xc1: {  	_ =	task.clear_ibuf [dreg:s7], $0x2FFFF;
	_ =	strace $0x9FFFFFFF  }
0xc2: {  	(tm) =	ssettm $0x7FFFFFFF  }
0xc3: {  	_ =	shalt  }
tec
execute0_lowered:
.L_overlay_start_1:
0x0: {  	(tag) =	ssettag $0x1  }
0x1: {  	s0 =	rddreg [dreg:$0x0]  }
0x2: {  	s1 =	rddreg [dreg:$0x1];
	s2 =	srdreg.scid;
	s3 =	simm.s32 $0x0  }
0x3: {  	s12 =	stileid.u32;
	s14 =	simm.s32 $0x8;
	s15 =	simm.s32 $0x80  }
0x4: {  	s16 =	simm.s32 $0x400;
	s26 =	simm.s32 $0x300;
	s28 =	simm.s32 $0x6400  }
0x5: {  	s29 =	simm.s32 $0x380;
	s30 =	simm.s32 $0x16E00;
	s31 =	simm.s32 $0x8400  }
0x6: {  	s17 =	simm.s32 $0x0;
	s2 =	sand.u32 $0x1, s2;
	[smem:$0x7FF] =	sst s3  }
0x7: {  	s7 =	sadd.s32 $0x9FA00, s0;
	s5 =	sadd.s32 $0x1000, s0;
	s11 =	smul.u32 $0x6400, s12  }
0x8: {  	s19 =	smul.u32 $0x32000, s12;
	_ =	strace $0x8000004A;
	[dreg:$0x3] =	wrdreg s26  }
0x9: {  	s4 =	sshll.u32 s2, $0x4;
	s9 =	smul.u32 $0x64000, s2;
	[dreg:$0x4] =	wrdreg s28  }
0xa: {  	s18 =	ssub.s32 $0x2, s2;
	s2 =	smul.u32 $0x320000, s2;
	[dreg:$0x5] =	wrdreg s29  }
0xb: {  	s26 =	simm.s32 $0x2;
	s6 =	sor.u32 s12, s4;
	s4 =	sadd.s32 $0xF61E00, s0  }
0xc: {  	s10 =	sshrl.u32 s18, $0x1;
	s8 =	smul.u32 $0x6400, s6;
	s6 =	sadd.s32 $0x1FA00, s0  }
0xd: {  	s0 =	ssub.s32 s18, s10;
	s9 =	sadd.s32 s11, s9;
	s2 =	sadd.s32 s2, s1  }
0xe: {  	s0 =	smax.u32 s0, $0x1;
	s20 =	sor.u32 $0x200, s9;
	s21 =	sor.u32 $0x100, s9  }
0xf: {  	s8 =	sshrl.u32 s8, $0x3;
	[dreg:$0x7] =	wrdreg s0;
	s0 =	sadd.s32 s19, s2  }
0x10: {  	s22 =	sshrl.u32 s20, $0x3;
	s23 =	sshll.u32 s21, $0x3;
	s25 =	sshrl.u32 s21, $0x3  }
0x11: {  	s20 =	simm.s32 $0x3;
	s21 =	simm.s32 $0x100;
	s2 =	simm.s32 $0x16E80  }
.Ltmp0:
0x12: {  	s8 =	sadd.s32 s7, s8;
	[dreg:$0x8] =	wrdreg s0;
	(pc) =	sbr.rel .LBB2_1-.Ltmp0, $4  }
0x13: {  	s0 =	sadd.s32 s22, s7;
	s24 =	sadd.s32 s23, s1;
	[dreg:$0x6] =	wrdreg s8  }
0x14: {  	s22 =	simm.s32 $0x4400;
	s23 =	simm.s32 $0x180;
	[dreg:$0x9] =	wrdreg s0  }
0x15: {  	[dreg:$0xa] =	wrdreg s24;
	s0 =	sadd.s32 s25, s7;
	s24 =	simm.s32 $0x1  }
0x16: {  	v0 =	vlaneseq.u32;
	s25 =	simm.s32 $0x4;
	[dreg:$0xb] =	wrdreg s0;
	s0 =	simm.s32 $0x7  }
.LBB2_6:
0x17: {  	[sflag:s0] =	ssyncadd.s32 $0xFFFFE000  }
.LBB2_7:
0x18: {  	s17 =	sadd.s32 $0x1, s17;
	s7 =	rddreg [dreg:$0x7]  }
0x19: {  	p0 =	sne.s32 s17, s7  }
.Ltmp1:
0x1a: {  	_ = 	snop;
	(pc) =	sbr.rel @!p0 .LBB2_8-.Ltmp1, $1  }
0x1b: {  	_ =	sdelay $0x3  }
.LBB2_1:
0x1c: {  	s7 =	rddreg [dreg:$0x6]  }
0x1d: {  	[tilespmem:s3], [sflag:$0x8] =	stream.linear.gather [hbm4b:s7+s3], $0x100, $0x38;
	[tilespmem:$0x16F00] =	vst v63  }
0x1e: {  	_ =	swait.ge [sflag:s14], $0x100  }
0x1f: {  	[sflag:s14] =	ssyncset.done $0x0  }
0x20: {  	s13 =	rddreg [dreg:$0xb];
	[sflag:s14] =	ssyncadd.s32 $0xFFFFFF00  }
0x21: {  	[tilespmem:s16], [sflag:$0x1] =	stream.indirect.gather [hbm4b:s4+s15], $0x40, s3, s15, $0xb8;
	[tilespmem:$0x16F00] =	vst v63  }
0x22: {  	s19 =	simm.s32 $0x200;
	s12 =	rddreg [dreg:$0xa]  }
0x23: {  	[tilespmem:s19], [sflag:$0x3] =	stream.indirect.gather [hbm4b:s5+s15], $0x1, s3, s15, $0xb8;
	[tilespmem:$0x16F00] =	vst v63  }
0x24: {  	s28 =	simm.s32 $0x2400;
	s29 =	simm.s32 $0x280;
	s11 =	rddreg [dreg:$0x9]  }
0x25: {  	[tilespmem:s28], [sflag:$0x1] =	stream.indirect.gather [hbm4b:s4+s15], $0x40, s15, s15, $0xb8;
	[tilespmem:$0x16F00] =	vst v63  }
0x26: {  	s8 =	simm.s32 $0x0;
	s10 =	rddreg [dreg:$0x8];
	s19 =	simm.s32 $0x0  }
0x27: {  	[tilespmem:s29], [sflag:$0x3] =	stream.indirect.gather [hbm4b:s5+s15], $0x1, s15, s15, $0xb8;
	[tilespmem:$0x16F00] =	vst v63  }
.LBB2_2:
0x28: {  	_ =	swait.ge [sflag:s20], $0x80  }
0x29: {  	[sflag:s20] =	ssyncset.done $0x0  }
0x2a: {  	[sflag:s20] =	ssyncadd.s32 $0xFFFFFF80  }
0x2b: {  	_ =	swait.ge [sflag:s20], $0x80  }
0x2c: {  	[sflag:s20] =	ssyncset.done $0x0  }
0x2d: {  	[sflag:s20] =	ssyncadd.s32 $0xFFFFFF80  }
0x2e: {  	v1 =	vld [tilespmem:$0x200];
	_ =	sdelay $0x4  }
0x2f: {  	s7 =	sadd.s32 s8, s9;
	vm0 =	vgt.s32 v1, $0xFFFFFFFF  }
0x30: {  	[tilespmem:s19+$0xA400] =	vst.msk vm0, v1;
	v1 =	vor.u32 s7, v0;
	v2 =	vmpcnt.ones.xlane vm0  }
0x31: {  	[tilespmem:s19+$0x10900] =	vst.msk vm0, v1  }
0x32: {  	(v2sf) =	vpush v2, $0x0;
	v1 =	vld [tilespmem:$0x210];
	_ =	sdelay $0x4  }
0x33: {  	vm9 =	vgt.s32 v1, $0xFFFFFFFF  }
0x34: {  	v2 =	vmpcnt.ones.xlane vm9;
	_ =	sdelay $0x1  }
0x35: {  	(v2sf) =	vpush v2, $0x0;
	_ =	sdelay $0x6  }
0x36: {  	s18 =	spop (v2sf)  }
0x37: {  	s29 =	sadd.s32 $0x10, s7;
	s18 =	sadd.s32 s19, s18  }
0x38: {  	[tilespmem:s18+$0xA400] =	vst.msk vm9, v1;
	v1 =	vor.u32 s29, v0  }
0x39: {  	[tilespmem:s18+$0x10900] =	vst.msk vm9, v1  }
0x3a: {  	v1 =	vld [tilespmem:$0x220];
	_ =	sdelay $0x3  }
0x3b: {  	s28 =	spop (v2sf)  }
0x3c: {  	s29 =	sadd.s32 $0x20, s7;
	s18 =	sadd.s32 s18, s28;
	vm10 =	vgt.s32 v1, $0xFFFFFFFF  }
0x3d: {  	[tilespmem:s18+$0xA400] =	vst.msk vm10, v1;
	v1 =	vor.u32 s29, v0;
	v2 =	vmpcnt.ones.xlane vm10  }
0x3e: {  	[tilespmem:s18+$0x10900] =	vst.msk vm10, v1  }
0x3f: {  	(v2sf) =	vpush v2, $0x0;
	v1 =	vld [tilespmem:$0x230];
	_ =	sdelay $0x4  }
0x40: {  	vm11 =	vgt.s32 v1, $0xFFFFFFFF  }
0x41: {  	v2 =	vmpcnt.ones.xlane vm11;
	_ =	sdelay $0x1  }
0x42: {  	(v2sf) =	vpush v2, $0x0;
	_ =	sdelay $0x6  }
0x43: {  	s28 =	spop (v2sf)  }
0x44: {  	s29 =	sadd.s32 $0x30, s7;
	s18 =	sadd.s32 s18, s28  }
0x45: {  	[tilespmem:s18+$0xA400] =	vst.msk vm11, v1;
	v1 =	vor.u32 s29, v0  }
0x46: {  	[tilespmem:s18+$0x10900] =	vst.msk vm11, v1  }
0x47: {  	v1 =	vld [tilespmem:$0x240];
	_ =	sdelay $0x3  }
0x48: {  	s28 =	spop (v2sf)  }
0x49: {  	s29 =	sadd.s32 $0x40, s7;
	s18 =	sadd.s32 s18, s28;
	vm12 =	vgt.s32 v1, $0xFFFFFFFF  }
0x4a: {  	[tilespmem:s18+$0xA400] =	vst.msk vm12, v1;
	v1 =	vor.u32 s29, v0;
	v2 =	vmpcnt.ones.xlane vm12  }
0x4b: {  	[tilespmem:s18+$0x10900] =	vst.msk vm12, v1  }
0x4c: {  	(v2sf) =	vpush v2, $0x0;
	v1 =	vld [tilespmem:$0x250];
	_ =	sdelay $0x4  }
0x4d: {  	vm13 =	vgt.s32 v1, $0xFFFFFFFF  }
0x4e: {  	v2 =	vmpcnt.ones.xlane vm13;
	_ =	sdelay $0x1  }
0x4f: {  	(v2sf) =	vpush v2, $0x0;
	_ =	sdelay $0x6  }
0x50: {  	s28 =	spop (v2sf)  }
0x51: {  	s29 =	sadd.s32 $0x50, s7;
	s18 =	sadd.s32 s18, s28  }
0x52: {  	[tilespmem:s18+$0xA400] =	vst.msk vm13, v1;
	v1 =	vor.u32 s29, v0  }
0x53: {  	[tilespmem:s18+$0x10900] =	vst.msk vm13, v1  }
0x54: {  	v1 =	vld [tilespmem:$0x260];
	_ =	sdelay $0x3  }
0x55: {  	s28 =	spop (v2sf)  }
0x56: {  	s29 =	sadd.s32 $0x60, s7;
	s18 =	sadd.s32 s18, s28;
	vm14 =	vgt.s32 v1, $0xFFFFFFFF  }
0x57: {  	[tilespmem:s18+$0xA400] =	vst.msk vm14, v1;
	v1 =	vor.u32 s29, v0;
	v2 =	vmpcnt.ones.xlane vm14  }
0x58: {  	[tilespmem:s18+$0x10900] =	vst.msk vm14, v1  }
0x59: {  	(v2sf) =	vpush v2, $0x0;
	v1 =	vld [tilespmem:$0x270];
	_ =	sdelay $0x4  }
0x5a: {  	vm15 =	vgt.s32 v1, $0xFFFFFFFF  }
0x5b: {  	v2 =	vmpcnt.ones.xlane vm15;
	_ =	sdelay $0x1  }
0x5c: {  	(v2sf) =	vpush v2, $0x0;
	_ =	sdelay $0x6  }
0x5d: {  	s28 =	spop (v2sf)  }
0x5e: {  	s29 =	sadd.s32 $0x70, s7;
	s18 =	sadd.s32 s18, s28  }
0x5f: {  	[tilespmem:s18+$0xA400] =	vst.msk vm15, v1;
	v1 =	vor.u32 s29, v0  }
0x60: {  	[tilespmem:s18+$0x10900] =	vst.msk vm15, v1  }
0x61: {  	v1 =	vld [tilespmem:$0x280];
	_ =	sdelay $0x3  }
0x62: {  	s28 =	spop (v2sf)  }
0x63: {  	s29 =	sadd.s32 $0x80, s7;
	s18 =	sadd.s32 s18, s28;
	vm4 =	vgt.s32 v1, $0xFFFFFFFF  }
0x64: {  	[tilespmem:s18+$0xA400] =	vst.msk vm4, v1;
	v1 =	vor.u32 s29, v0;
	v2 =	vmpcnt.ones.xlane vm4  }
0x65: {  	[tilespmem:s18+$0x10900] =	vst.msk vm4, v1  }
0x66: {  	(v2sf) =	vpush v2, $0x0;
	v1 =	vld [tilespmem:$0x290];
	_ =	sdelay $0x4  }
0x67: {  	vm5 =	vgt.s32 v1, $0xFFFFFFFF  }
0x68: {  	v2 =	vmpcnt.ones.xlane vm5;
	_ =	sdelay $0x1  }
0x69: {  	(v2sf) =	vpush v2, $0x0;
	_ =	sdelay $0x6  }
0x6a: {  	s28 =	spop (v2sf)  }
0x6b: {  	s29 =	sadd.s32 $0x90, s7;
	s18 =	sadd.s32 s18, s28  }
0x6c: {  	[tilespmem:s18+$0xA400] =	vst.msk vm5, v1;
	v1 =	vor.u32 s29, v0  }
0x6d: {  	[tilespmem:s18+$0x10900] =	vst.msk vm5, v1  }
0x6e: {  	v1 =	vld [tilespmem:$0x2A0];
	_ =	sdelay $0x3  }
0x6f: {  	s28 =	spop (v2sf)  }
0x70: {  	s29 =	sadd.s32 $0xA0, s7;
	s18 =	sadd.s32 s18, s28;
	vm6 =	vgt.s32 v1, $0xFFFFFFFF  }
0x71: {  	[tilespmem:s18+$0xA400] =	vst.msk vm6, v1;
	v1 =	vor.u32 s29, v0;
	v2 =	vmpcnt.ones.xlane vm6  }
0x72: {  	[tilespmem:s18+$0x10900] =	vst.msk vm6, v1  }
0x73: {  	(v2sf) =	vpush v2, $0x0;
	v1 =	vld [tilespmem:$0x2B0];
	_ =	sdelay $0x4  }
0x74: {  	vm7 =	vgt.s32 v1, $0xFFFFFFFF  }
0x75: {  	v2 =	vmpcnt.ones.xlane vm7;
	_ =	sdelay $0x1  }
0x76: {  	(v2sf) =	vpush v2, $0x0;
	_ =	sdelay $0x6  }
0x77: {  	s28 =	spop (v2sf)  }
0x78: {  	s29 =	sadd.s32 $0xB0, s7;
	s18 =	sadd.s32 s18, s28  }
0x79: {  	[tilespmem:s18+$0xA400] =	vst.msk vm7, v1;
	v1 =	vor.u32 s29, v0  }
0x7a: {  	[tilespmem:s18+$0x10900] =	vst.msk vm7, v1  }
0x7b: {  	v1 =	vld [tilespmem:$0x2C0];
	_ =	sdelay $0x3  }
0x7c: {  	s28 =	spop (v2sf)  }
0x7d: {  	s29 =	sadd.s32 $0xC0, s7;
	s18 =	sadd.s32 s18, s28;
	vm8 =	vgt.s32 v1, $0xFFFFFFFF  }
0x7e: {  	[tilespmem:s18+$0xA400] =	vst.msk vm8, v1;
	v1 =	vor.u32 s29, v0;
	v2 =	vmpcnt.ones.xlane vm8  }
0x7f: {  	[tilespmem:s18+$0x10900] =	vst.msk vm8, v1  }
0x80: {  	(v2sf) =	vpush v2, $0x0;
	v1 =	vld [tilespmem:$0x2D0];
	_ =	sdelay $0x4  }
0x81: {  	vm9 =	vgt.s32 v1, $0xFFFFFFFF  }
0x82: {  	v2 =	vmpcnt.ones.xlane vm9;
	_ =	sdelay $0x1  }
0x83: {  	(v2sf) =	vpush v2, $0x0;
	_ =	sdelay $0x6  }
0x84: {  	s28 =	spop (v2sf)  }
0x85: {  	s29 =	sadd.s32 $0xD0, s7;
	s18 =	sadd.s32 s18, s28  }
0x86: {  	[tilespmem:s18+$0xA400] =	vst.msk vm9, v1;
	v1 =	vor.u32 s29, v0  }
0x87: {  	[tilespmem:s18+$0x10900] =	vst.msk vm9, v1  }
0x88: {  	v1 =	vld [tilespmem:$0x2E0];
	_ =	sdelay $0x3  }
0x89: {  	s28 =	spop (v2sf)  }
0x8a: {  	s29 =	sadd.s32 $0xE0, s7;
	s18 =	sadd.s32 s18, s28;
	vm10 =	vgt.s32 v1, $0xFFFFFFFF  }
0x8b: {  	[tilespmem:s18+$0xA400] =	vst.msk vm10, v1;
	v1 =	vor.u32 s29, v0  }
0x8c: {  	[tilespmem:s18+$0x10900] =	vst.msk vm10, v1  }
0x8d: {  	v1 =	vld [tilespmem:$0x2F0];
	_ =	sdelay $0x2  }
0x8e: {  	v2 =	vmpcnt.ones.xlane vm10;
	_ =	sdelay $0x1  }
0x8f: {  	(v2sf) =	vpush v2, $0x0;
	vm11 =	vgt.s32 v1, $0xFFFFFFFF  }
0x90: {  	v2 =	vmpcnt.ones.xlane vm11;
	_ =	sdelay $0x1  }
0x91: {  	(v2sf) =	vpush v2, $0x0;
	_ =	sdelay $0xb  }
0x92: {  	s28 =	spop (v2sf)  }
0x93: {  	s29 =	sadd.s32 $0xF0, s7;
	s18 =	sadd.s32 s18, s28  }
0x94: {  	p0 =	seq.s32 s8, $0x0;
	[tilespmem:s18+$0xA400] =	vst.msk vm11, v1;
	v1 =	vor.u32 s29, v0  }
0x95: {  	s28 =	simm.s32 @!p0 $0x6;
	[tilespmem:s18+$0x10900] =	vst.msk vm11, v1;
	s19 =	spop (v2sf)  }
0x96: {  	_ =	swait.ge @!p0 [sflag:s28], $0x4000  }
0x97: {  	[sflag:s28] =	ssyncset.done @!p0 $0x0  }
0x98: {  	[sflag:s28] =	ssyncadd.s32 @!p0 $0xFFFFC000  }
0x99: {  	[tilespmem:s21], [sflag:$0x8] =	stream.linear.gather [hbm4b:s13+s3], $0x100, $0x38;
	[tilespmem:$0x16F00] =	vst v63  }
0x9a: {  	_ =	swait.ge [sflag:s14], $0x100  }
0x9b: {  	[sflag:s14] =	ssyncset.done $0x0  }
0x9c: {  	[sflag:s14] =	ssyncadd.s32 $0xFFFFFF00  }
0x9d: {  	[tilespmem:s22], [sflag:$0x2] =	stream.indirect.gather [hbm4b:s4+s15], $0x40, s21, s15, $0xb8;
	[tilespmem:$0x16F00] =	vst v63  }
0x9e: {  	s28 =	rddreg [dreg:$0x3]  }
0x9f: {  	[tilespmem:s28], [sflag:$0x4] =	stream.indirect.gather [hbm4b:s5+s15], $0x1, s21, s15, $0xb8;
	[tilespmem:$0x16F00] =	vst v63  }
0xa0: {  	s29 =	rddreg [dreg:$0x4]  }
0xa1: {  	[tilespmem:s29], [sflag:$0x2] =	stream.indirect.gather [hbm4b:s4+s15], $0x40, s23, s15, $0xb8;
	[tilespmem:$0x16F00] =	vst v63  }
0xa2: {  	s28 =	rddreg [dreg:$0x5]  }
0xa3: {  	[tilespmem:s28], [sflag:$0x4] =	stream.indirect.gather [hbm4b:s5+s15], $0x1, s23, s15, $0xb8;
	[tilespmem:$0x16F00] =	vst v63  }
0xa4: {  	_ =	swait.ge [sflag:s24], $0x2000  }
0xa5: {  	[sflag:s24] =	ssyncset.done $0x0  }
0xa6: {  	[sflag:s24] =	ssyncadd.s32 $0xFFFFE000  }
0xa7: {  	_ =	swait.ge [sflag:s24], $0x2000  }
0xa8: {  	[sflag:s24] =	ssyncset.done $0x0  }
0xa9: {  	[sflag:s24] =	ssyncadd.s32 $0xFFFFE000  }
0xaa: {  	[hbm4b:s10+s3] =	stream.linear.scatter [tilespmem:s16], [sflag:$0x5], $0x4000, $0x38;
	[tilespmem:$0x16F00] =	vst v63  }
0xab: {  	_ =	swait.ge [sflag:s25], $0x80  }
0xac: {  	[sflag:s25] =	ssyncset.done $0x0  }
0xad: {  	[sflag:s25] =	ssyncadd.s32 $0xFFFFFF80  }
0xae: {  	_ =	swait.ge [sflag:s25], $0x80  }
0xaf: {  	[sflag:s25] =	ssyncset.done $0x0  }
0xb0: {  	[sflag:s25] =	ssyncadd.s32 $0xFFFFFF80  }
0xb1: {  	v1 =	vld [tilespmem:$0x300];
	_ =	sdelay $0x4  }
0xb2: {  	s18 =	sadd.s32 s18, s19;
	s28 =	sadd.s32 $0x100, s7;
	vm12 =	vgt.s32 v1, $0xFFFFFFFF  }
0xb3: {  	[tilespmem:s18+$0xA400] =	vst.msk vm12, v1;
	v1 =	vor.u32 s28, v0;
	v2 =	vmpcnt.ones.xlane vm12  }
0xb4: {  	[tilespmem:s18+$0x10900] =	vst.msk vm12, v1  }
0xb5: {  	(v2sf) =	vpush v2, $0x0;
	v1 =	vld [tilespmem:$0x310];
	_ =	sdelay $0x4  }
0xb6: {  	vm13 =	vgt.s32 v1, $0xFFFFFFFF  }
0xb7: {  	v2 =	vmpcnt.ones.xlane vm13;
	_ =	sdelay $0x1  }
0xb8: {  	(v2sf) =	vpush v2, $0x0;
	_ =	sdelay $0x6  }
0xb9: {  	s29 =	spop (v2sf)  }
0xba: {  	s28 =	sadd.s32 $0x110, s7;
	s18 =	sadd.s32 s18, s29  }
0xbb: {  	[tilespmem:s18+$0xA400] =	vst.msk vm13, v1;
	v1 =	vor.u32 s28, v0  }
0xbc: {  	[tilespmem:s18+$0x10900] =	vst.msk vm13, v1  }
0xbd: {  	v1 =	vld [tilespmem:$0x320];
	_ =	sdelay $0x3  }
0xbe: {  	s29 =	spop (v2sf)  }
0xbf: {  	s28 =	sadd.s32 $0x120, s7;
	s18 =	sadd.s32 s18, s29;
	vm14 =	vgt.s32 v1, $0xFFFFFFFF  }
0xc0: {  	[tilespmem:s18+$0xA400] =	vst.msk vm14, v1;
	v1 =	vor.u32 s28, v0;
	v2 =	vmpcnt.ones.xlane vm14  }
0xc1: {  	[tilespmem:s18+$0x10900] =	vst.msk vm14, v1  }
0xc2: {  	(v2sf) =	vpush v2, $0x0;
	v1 =	vld [tilespmem:$0x330];
	_ =	sdelay $0x4  }
0xc3: {  	vm15 =	vgt.s32 v1, $0xFFFFFFFF  }
0xc4: {  	v2 =	vmpcnt.ones.xlane vm15;
	_ =	sdelay $0x1  }
0xc5: {  	(v2sf) =	vpush v2, $0x0;
	_ =	sdelay $0x6  }
0xc6: {  	s29 =	spop (v2sf)  }
0xc7: {  	s28 =	sadd.s32 $0x130, s7;
	s18 =	sadd.s32 s18, s29  }
0xc8: {  	[tilespmem:s18+$0xA400] =	vst.msk vm15, v1;
	v1 =	vor.u32 s28, v0  }
0xc9: {  	[tilespmem:s18+$0x10900] =	vst.msk vm15, v1  }
0xca: {  	v1 =	vld [tilespmem:$0x340];
	_ =	sdelay $0x3  }
0xcb: {  	s29 =	spop (v2sf)  }
0xcc: {  	s28 =	sadd.s32 $0x140, s7;
	s18 =	sadd.s32 s18, s29;
	vm4 =	vgt.s32 v1, $0xFFFFFFFF  }
0xcd: {  	[tilespmem:s18+$0xA400] =	vst.msk vm4, v1;
	v1 =	vor.u32 s28, v0;
	v2 =	vmpcnt.ones.xlane vm4  }
0xce: {  	[tilespmem:s18+$0x10900] =	vst.msk vm4, v1  }
0xcf: {  	(v2sf) =	vpush v2, $0x0;
	v1 =	vld [tilespmem:$0x350];
	_ =	sdelay $0x4  }
0xd0: {  	vm5 =	vgt.s32 v1, $0xFFFFFFFF  }
0xd1: {  	v2 =	vmpcnt.ones.xlane vm5;
	_ =	sdelay $0x1  }
0xd2: {  	(v2sf) =	vpush v2, $0x0;
	_ =	sdelay $0x6  }
0xd3: {  	s29 =	spop (v2sf)  }
0xd4: {  	s28 =	sadd.s32 $0x150, s7;
	s18 =	sadd.s32 s18, s29  }
0xd5: {  	[tilespmem:s18+$0xA400] =	vst.msk vm5, v1;
	v1 =	vor.u32 s28, v0  }
0xd6: {  	[tilespmem:s18+$0x10900] =	vst.msk vm5, v1  }
0xd7: {  	v1 =	vld [tilespmem:$0x360];
	_ =	sdelay $0x3  }
0xd8: {  	s29 =	spop (v2sf)  }
0xd9: {  	s28 =	sadd.s32 $0x160, s7;
	s18 =	sadd.s32 s18, s29;
	vm6 =	vgt.s32 v1, $0xFFFFFFFF  }
0xda: {  	[tilespmem:s18+$0xA400] =	vst.msk vm6, v1;
	v1 =	vor.u32 s28, v0;
	v2 =	vmpcnt.ones.xlane vm6  }
0xdb: {  	[tilespmem:s18+$0x10900] =	vst.msk vm6, v1  }
0xdc: {  	(v2sf) =	vpush v2, $0x0;
	v1 =	vld [tilespmem:$0x370];
	_ =	sdelay $0x4  }
0xdd: {  	vm7 =	vgt.s32 v1, $0xFFFFFFFF  }
0xde: {  	v2 =	vmpcnt.ones.xlane vm7;
	_ =	sdelay $0x1  }
0xdf: {  	(v2sf) =	vpush v2, $0x0;
	_ =	sdelay $0x6  }
0xe0: {  	s29 =	spop (v2sf)  }
0xe1: {  	s28 =	sadd.s32 $0x170, s7;
	s18 =	sadd.s32 s18, s29  }
0xe2: {  	[tilespmem:s18+$0xA400] =	vst.msk vm7, v1;
	v1 =	vor.u32 s28, v0  }
0xe3: {  	[tilespmem:s18+$0x10900] =	vst.msk vm7, v1  }
0xe4: {  	v1 =	vld [tilespmem:$0x380];
	_ =	sdelay $0x3  }
0xe5: {  	s29 =	spop (v2sf)  }
0xe6: {  	s28 =	sadd.s32 $0x180, s7;
	s18 =	sadd.s32 s18, s29;
	vm8 =	vgt.s32 v1, $0xFFFFFFFF  }
0xe7: {  	[tilespmem:s18+$0xA400] =	vst.msk vm8, v1;
	v1 =	vor.u32 s28, v0;
	v2 =	vmpcnt.ones.xlane vm8  }
0xe8: {  	[tilespmem:s18+$0x10900] =	vst.msk vm8, v1  }
0xe9: {  	(v2sf) =	vpush v2, $0x0;
	v1 =	vld [tilespmem:$0x390];
	_ =	sdelay $0x4  }
0xea: {  	vm9 =	vgt.s32 v1, $0xFFFFFFFF  }
0xeb: {  	v2 =	vmpcnt.ones.xlane vm9;
	_ =	sdelay $0x1  }
0xec: {  	(v2sf) =	vpush v2, $0x0;
	_ =	sdelay $0x6  }
0xed: {  	s29 =	spop (v2sf)  }
0xee: {  	s28 =	sadd.s32 $0x190, s7;
	s18 =	sadd.s32 s18, s29  }
0xef: {  	[tilespmem:s18+$0xA400] =	vst.msk vm9, v1;
	v1 =	vor.u32 s28, v0  }
0xf0: {  	[tilespmem:s18+$0x10900] =	vst.msk vm9, v1  }
0xf1: {  	v1 =	vld [tilespmem:$0x3A0];
	_ =	sdelay $0x3  }
0xf2: {  	s29 =	spop (v2sf)  }
0xf3: {  	s28 =	sadd.s32 $0x1A0, s7;
	s18 =	sadd.s32 s18, s29;
	vm10 =	vgt.s32 v1, $0xFFFFFFFF  }
0xf4: {  	[tilespmem:s18+$0xA400] =	vst.msk vm10, v1;
	v1 =	vor.u32 s28, v0;
	v2 =	vmpcnt.ones.xlane vm10  }
0xf5: {  	[tilespmem:s18+$0x10900] =	vst.msk vm10, v1  }
0xf6: {  	(v2sf) =	vpush v2, $0x0;
	v1 =	vld [tilespmem:$0x3B0];
	_ =	sdelay $0x4  }
0xf7: {  	vm11 =	vgt.s32 v1, $0xFFFFFFFF  }
0xf8: {  	v2 =	vmpcnt.ones.xlane vm11;
	_ =	sdelay $0x1  }
0xf9: {  	(v2sf) =	vpush v2, $0x0;
	_ =	sdelay $0x6  }
0xfa: {  	s29 =	spop (v2sf)  }
0xfb: {  	s28 =	sadd.s32 $0x1B0, s7;
	s18 =	sadd.s32 s18, s29  }
0xfc: {  	[tilespmem:s18+$0xA400] =	vst.msk vm11, v1;
	v1 =	vor.u32 s28, v0  }
0xfd: {  	[tilespmem:s18+$0x10900] =	vst.msk vm11, v1  }
0xfe: {  	v1 =	vld [tilespmem:$0x3C0];
	_ =	sdelay $0x3  }
0xff: {  	s29 =	spop (v2sf)  }
0x100: {  	s28 =	sadd.s32 $0x1C0, s7;
	s18 =	sadd.s32 s18, s29;
	vm12 =	vgt.s32 v1, $0xFFFFFFFF  }
0x101: {  	[tilespmem:s18+$0xA400] =	vst.msk vm12, v1;
	v1 =	vor.u32 s28, v0;
	v2 =	vmpcnt.ones.xlane vm12  }
0x102: {  	[tilespmem:s18+$0x10900] =	vst.msk vm12, v1  }
0x103: {  	(v2sf) =	vpush v2, $0x0;
	v1 =	vld [tilespmem:$0x3D0];
	_ =	sdelay $0x4  }
0x104: {  	vm13 =	vgt.s32 v1, $0xFFFFFFFF  }
0x105: {  	v2 =	vmpcnt.ones.xlane vm13;
	_ =	sdelay $0x1  }
0x106: {  	(v2sf) =	vpush v2, $0x0;
	_ =	sdelay $0x6  }
0x107: {  	s29 =	spop (v2sf)  }
0x108: {  	s28 =	sadd.s32 $0x1D0, s7;
	s18 =	sadd.s32 s18, s29  }
0x109: {  	[tilespmem:s18+$0xA400] =	vst.msk vm13, v1;
	v1 =	vor.u32 s28, v0  }
0x10a: {  	[tilespmem:s18+$0x10900] =	vst.msk vm13, v1  }
0x10b: {  	v1 =	vld [tilespmem:$0x3E0];
	_ =	sdelay $0x3  }
0x10c: {  	s29 =	spop (v2sf)  }
0x10d: {  	s28 =	sadd.s32 $0x1E0, s7;
	s18 =	sadd.s32 s18, s29;
	vm14 =	vgt.s32 v1, $0xFFFFFFFF  }
0x10e: {  	[tilespmem:s18+$0xA400] =	vst.msk vm14, v1;
	v1 =	vor.u32 s28, v0  }
0x10f: {  	[tilespmem:s18+$0x10900] =	vst.msk vm14, v1  }
0x110: {  	v1 =	vld [tilespmem:$0x3F0];
	_ =	sdelay $0x2  }
0x111: {  	v2 =	vmpcnt.ones.xlane vm14;
	_ =	sdelay $0x1  }
0x112: {  	(v2sf) =	vpush v2, $0x0;
	vm15 =	vgt.s32 v1, $0xFFFFFFFF  }
0x113: {  	v2 =	vmpcnt.ones.xlane vm15;
	_ =	sdelay $0x1  }
0x114: {  	(v2sf) =	vpush v2, $0x0;
	_ =	sdelay $0xb  }
0x115: {  	s29 =	spop (v2sf)  }
0x116: {  	s7 =	sadd.s32 $0x1F0, s7;
	s18 =	sadd.s32 s18, s29  }
0x117: {  	p0 =	seq.s32 s8, $0x6200;
	[tilespmem:s18+$0xA400] =	vst.msk vm15, v1;
	v1 =	vor.u32 s7, v0  }
0x118: {  	s19 =	simm.s32 @!p0 $0x5;
	[tilespmem:s18+$0x10900] =	vst.msk vm15, v1;
	s7 =	spop (v2sf)  }
0x119: {  	_ =	swait.ge @!p0 [sflag:s19], $0x4000  }
0x11a: {  	[sflag:s19] =	ssyncset.done @!p0 $0x0  }
0x11b: {  	s28 =	simm.s32 @!p0 $0x8;
	[sflag:s19] =	ssyncadd.s32 @!p0 $0xFFFFC000;
	s19 =	simm.s32 @!p0 $0x0  }
0x11c: {  	[tilespmem:s19], [sflag:$0x8] =	stream.linear.gather @!p0 [hbm4b:s11+s19], $0x100, $0x38;
	[tilespmem:$0x16F00] =	vst v63  }
0x11d: {  	_ =	swait.ge @!p0 [sflag:s28], $0x100  }
0x11e: {  	[sflag:s28] =	ssyncset.done @!p0 $0x0  }
0x11f: {  	s29 =	simm.s32 @!p0 $0x400;
	[sflag:s28] =	ssyncadd.s32 @!p0 $0xFFFFFF00;
	s28 =	simm.s32 @!p0 $0x80  }
0x120: {  	[tilespmem:s29], [sflag:$0x1] =	stream.indirect.gather @!p0 [hbm4b:s4+s28], $0x40, s19, s28, $0xb8;
	[tilespmem:$0x16F00] =	vst v63  }
0x121: {  	s29 =	simm.s32 @!p0 $0x200  }
0x122: {  	[tilespmem:s29], [sflag:$0x3] =	stream.indirect.gather @!p0 [hbm4b:s5+s28], $0x1, s19, s28, $0xb8;
	[tilespmem:$0x16F00] =	vst v63  }
0x123: {  	s19 =	simm.s32 @!p0 $0x2400  }
0x124: {  	[tilespmem:s19], [sflag:$0x1] =	stream.indirect.gather @!p0 [hbm4b:s4+s28], $0x40, s28, s28, $0xb8;
	[tilespmem:$0x16F00] =	vst v63  }
0x125: {  	s19 =	simm.s32 @!p0 $0x280  }
0x126: {  	[tilespmem:s19], [sflag:$0x3] =	stream.indirect.gather @!p0 [hbm4b:s5+s28], $0x1, s28, s28, $0xb8;
	[tilespmem:$0x16F00] =	vst v63  }
0x127: {  	_ =	swait.ge [sflag:s26], $0x2000  }
0x128: {  	s8 =	sadd.s32 $0x200, s8;
	[sflag:s26] =	ssyncset.done $0x0  }
0x129: {  	p0 =	sne.s32 s8, $0x6400;
	[sflag:s26] =	ssyncadd.s32 $0xFFFFE000  }
.Ltmp2:
0x12a: {  	_ =	swait.ge [sflag:s26], $0x2000;
	(pc) =	sbr.rel @p0 .LBB2_2-.Ltmp2, $4  }
0x12b: {  	[sflag:s26] =	ssyncset.done $0x0  }
0x12c: {  	s13 =	sadd.s32 $0x40, s13;
	s10 =	sadd.s32 $0x1000, s10;
	[sflag:s26] =	ssyncadd.s32 $0xFFFFE000  }
0x12d: {  	[hbm4b:s12+s3] =	stream.linear.scatter [tilespmem:s22], [sflag:$0x6], $0x4000, $0x38;
	[tilespmem:$0x16F00] =	vst v63  }
0x12e: {  	s11 =	sadd.s32 $0x40, s11;
	s19 =	sadd.s32 s18, s7;
	s12 =	sadd.s32 $0x1000, s12  }
0x12f: {  	s7 =	simm.s32 $0x6  }
0x130: {  	_ =	swait.ge [sflag:s7], $0x4000  }
0x131: {  	[sflag:s7] =	ssyncset.done $0x0  }
0x132: {  	s29 =	simm.s32 $0x5;
	[sflag:s7] =	ssyncadd.s32 $0xFFFFC000  }
0x133: {  	_ =	swait.ge [sflag:s29], $0x4000  }
0x134: {  	[sflag:s29] =	ssyncset.done $0x0  }
0x135: {  	p0 =	slt.s32 s19, $0x1;
	[sflag:s29] =	ssyncadd.s32 $0xFFFFC000  }
0x136: {  	v1 =	vld.msk @!p0 [tilespmem:$0xA400 ss:$0x0], $0xffff  }
0x137: {  	v2 =	vld.msk @!p0 [tilespmem:$0x10900 ss:$0x0], $0xffff;
	_ =	sdelay $0x3  }
0x138: {  	[tilespmem:s19+$0xA400] =	vst @!p0 v1  }
0x139: {  	s8 =	sadd.s32 @!p0 $0x7F, s19;
	s7 =	sand.u32 @!p0 $0x7FFFFFFF, s19;
	[tilespmem:s19+$0x10900] =	vst @!p0 v2  }
0x13a: {  	s10 =	sand.u32 @!p0 $0x7F, s8;
	[tilespmem:s7+$0xA410] =	vst @!p0 v1  }
0x13b: {  	p1 =	slt.s32 @!p0 s8, $0x0;
	p2 =	sne.s32 @!p0 s10, $0x0;
	[tilespmem:s7+$0x10910] =	vst @!p0 v2  }
0x13c: {  	s10 =	sshra.s32 @!p0 s8, $0x1F;
	p1 =	por @!p0 !p1, !p2;
	[tilespmem:s7+$0xA420] =	vst @!p0 v1  }
0x13d: {  	s10 =	sshrl.u32 @!p0 s10, $0x19;
	p1 =	por @!p0 !p1, !p1;
	[tilespmem:s7+$0x10920] =	vst @!p0 v2  }
0x13e: {  	s8 =	sadd.s32 @!p0 s10, s8;
	s10 =	simm.s32 @!p0 $0x1;
	p1 =	por !p1, p0;
	[tilespmem:s7+$0xA430] =	vst @!p0 v1  }
0x13f: {  	s8 =	sshra.s32 @!p0 s8, $0x7;
	s10 =	simm.s32 @p1 $0x0;
	[tilespmem:s7+$0x10930] =	vst @!p0 v2  }
0x140: {  	s10 =	ssub.s32 @!p0 s8, s10;
	[tilespmem:s7+$0xA440] =	vst @!p0 v1  }
0x141: {  	p1 =	slt.s32 @!p0 s10, $0x1;
	[tilespmem:s7+$0x10940] =	vst @!p0 v2  }
0x142: {  	p1 =	por p0, p1;
	[tilespmem:s7+$0xA450] =	vst @!p0 v1  }
.Ltmp3:
0x143: {  	[tilespmem:s7+$0x10950] =	vst @!p0 v2;
	(pc) =	sbr.rel @p1 .LBB2_7-.Ltmp3, $4  }
0x144: {  	[tilespmem:s7+$0xA460] =	vst @!p0 v1  }
0x145: {  	[tilespmem:s7+$0x10960] =	vst @!p0 v2  }
0x146: {  	[tilespmem:s7+$0xA470] =	vst @!p0 v1  }
0x147: {  	[tilespmem:s7+$0x10970] =	vst @!p0 v2  }
0x148: {  	s7 =	simm.s32 @!p0 $0xA440  }
0x149: {  	v1 =	vld [tilespmem:s7+$0xFFFFFFC0];
	_ =	sdelay $0x4  }
0x14a: {  	s8 =	simm.s32 @!p0 $0x10940;
	[tilespmem:$0x16E00] =	vst v1  }
0x14b: {  	v1 =	vld [tilespmem:s8+$0xFFFFFFC0];
	_ =	sdelay $0x4  }
0x14c: {  	[tilespmem:$0x16E80] =	vst v1  }
0x14d: {  	v1 =	vld [tilespmem:s7+$0xFFFFFFD0];
	_ =	sdelay $0x4  }
0x14e: {  	[tilespmem:$0x16E10] =	vst v1  }
0x14f: {  	v1 =	vld [tilespmem:s8+$0xFFFFFFD0];
	_ =	sdelay $0x4  }
0x150: {  	[tilespmem:$0x16E90] =	vst v1  }
0x151: {  	v1 =	vld [tilespmem:s7+$0xFFFFFFE0];
	_ =	sdelay $0x4  }
0x152: {  	[tilespmem:$0x16E20] =	vst v1  }
0x153: {  	v1 =	vld [tilespmem:s8+$0xFFFFFFE0];
	_ =	sdelay $0x4  }
0x154: {  	[tilespmem:$0x16EA0] =	vst v1  }
0x155: {  	v1 =	vld [tilespmem:s7+$0xFFFFFFF0];
	_ =	sdelay $0x4  }
0x156: {  	[tilespmem:$0x16E30] =	vst v1  }
0x157: {  	v1 =	vld [tilespmem:s8+$0xFFFFFFF0];
	_ =	sdelay $0x4  }
0x158: {  	[tilespmem:$0x16EB0] =	vst v1  }
0x159: {  	v1 =	vld [tilespmem:s7+$0x0];
	_ =	sdelay $0x4  }
0x15a: {  	[tilespmem:$0x16E40] =	vst v1  }
0x15b: {  	v1 =	vld [tilespmem:s8+$0x0];
	_ =	sdelay $0x4  }
0x15c: {  	[tilespmem:$0x16EC0] =	vst v1  }
0x15d: {  	v1 =	vld [tilespmem:s7+$0x10];
	_ =	sdelay $0x4  }
0x15e: {  	[tilespmem:$0x16E50] =	vst v1  }
0x15f: {  	v1 =	vld [tilespmem:s8+$0x10];
	_ =	sdelay $0x4  }
0x160: {  	[tilespmem:$0x16ED0] =	vst v1  }
0x161: {  	v1 =	vld [tilespmem:s7+$0x20];
	_ =	sdelay $0x4  }
0x162: {  	[tilespmem:$0x16E60] =	vst v1  }
0x163: {  	v1 =	vld [tilespmem:s8+$0x20];
	_ =	sdelay $0x4  }
0x164: {  	[tilespmem:$0x16EE0] =	vst v1  }
0x165: {  	v1 =	vld [tilespmem:s7+$0x30];
	_ =	sdelay $0x4  }
0x166: {  	[tilespmem:$0x16E70] =	vst v1  }
0x167: {  	v1 =	vld [tilespmem:s8+$0x30];
	_ =	sdelay $0x4  }
0x168: {  	[tilespmem:$0x16EF0] =	vst v1  }
0x169: {  	[tilespmem:s31], [sflag:$0x7] =	stream.indirect.gather [hbm4b:s6+s15], $0x40, s30, s15, $0xb8;
	[tilespmem:$0x16F00] =	vst v63  }
0x16a: {  	p0 =	sne.s32 s10, $0x1;
	_ =	swait.ge [sflag:s0], $0x2000  }
.Ltmp4:
0x16b: {  	[sflag:s0] =	ssyncset.done $0x0;
	(pc) =	sbr.rel @!p0 .LBB2_6-.Ltmp4, $4  }
0x16c: {  	[sflag:s0] =	ssyncadd.s32 $0xFFFFE000  }
0x16d: {  	[hbm4b:s1+s15] =	stream.indirect.scatter [tilespmem:s31], [sflag:$0x7], $0x40, s2, s15, $0xb8;
	[tilespmem:$0x16F00] =	vst v63  }
0x16e: {  	_ =	swait.ge [sflag:s0], $0x2000  }
0x16f: {  	s10 =	sadd.s32 $0xFFFFFFFF, s10;
	[sflag:s0] =	ssyncset.done $0x0  }
.LBB2_5:
0x170: {  	[sflag:s0] =	ssyncadd.s32 $0xFFFFE000;
	s7 =	sadd.s32 $0x80, s7;
	s8 =	sadd.s32 $0x80, s8  }
0x171: {  	p0 =	sne.s32 s10, $0x1;
	s10 =	sadd.s32 $0xFFFFFFFF, s10;
	v1 =	vld [tilespmem:s7+$0xFFFFFFC0];
	_ =	sdelay $0x4  }
0x172: {  	[tilespmem:$0x16E00] =	vst v1  }
0x173: {  	v1 =	vld [tilespmem:s8+$0xFFFFFFC0];
	_ =	sdelay $0x4  }
0x174: {  	[tilespmem:$0x16E80] =	vst v1  }
0x175: {  	v1 =	vld [tilespmem:s7+$0xFFFFFFD0];
	_ =	sdelay $0x4  }
0x176: {  	[tilespmem:$0x16E10] =	vst v1  }
0x177: {  	v1 =	vld [tilespmem:s8+$0xFFFFFFD0];
	_ =	sdelay $0x4  }
0x178: {  	[tilespmem:$0x16E90] =	vst v1  }
0x179: {  	v1 =	vld [tilespmem:s7+$0xFFFFFFE0];
	_ =	sdelay $0x4  }
0x17a: {  	[tilespmem:$0x16E20] =	vst v1  }
0x17b: {  	v1 =	vld [tilespmem:s8+$0xFFFFFFE0];
	_ =	sdelay $0x4  }
0x17c: {  	[tilespmem:$0x16EA0] =	vst v1  }
0x17d: {  	v1 =	vld [tilespmem:s7+$0xFFFFFFF0];
	_ =	sdelay $0x4  }
0x17e: {  	[tilespmem:$0x16E30] =	vst v1  }
0x17f: {  	v1 =	vld [tilespmem:s8+$0xFFFFFFF0];
	_ =	sdelay $0x4  }
0x180: {  	[tilespmem:$0x16EB0] =	vst v1  }
0x181: {  	v1 =	vld [tilespmem:s7+$0x0];
	_ =	sdelay $0x4  }
0x182: {  	[tilespmem:$0x16E40] =	vst v1  }
0x183: {  	v1 =	vld [tilespmem:s8+$0x0];
	_ =	sdelay $0x4  }
0x184: {  	[tilespmem:$0x16EC0] =	vst v1  }
0x185: {  	v1 =	vld [tilespmem:s7+$0x10];
	_ =	sdelay $0x4  }
0x186: {  	[tilespmem:$0x16E50] =	vst v1  }
0x187: {  	v1 =	vld [tilespmem:s8+$0x10];
	_ =	sdelay $0x4  }
0x188: {  	[tilespmem:$0x16ED0] =	vst v1  }
0x189: {  	v1 =	vld [tilespmem:s7+$0x20];
	_ =	sdelay $0x4  }
0x18a: {  	[tilespmem:$0x16E60] =	vst v1  }
0x18b: {  	v1 =	vld [tilespmem:s8+$0x20];
	_ =	sdelay $0x4  }
0x18c: {  	[tilespmem:$0x16EE0] =	vst v1  }
0x18d: {  	v1 =	vld [tilespmem:s7+$0x30];
	_ =	sdelay $0x4  }
0x18e: {  	[tilespmem:$0x16E70] =	vst v1  }
0x18f: {  	v1 =	vld [tilespmem:s8+$0x30];
	_ =	sdelay $0x4  }
0x190: {  	[tilespmem:$0x16EF0] =	vst v1  }
0x191: {  	[tilespmem:s31], [sflag:$0x7] =	stream.indirect.gather [hbm4b:s6+s15], $0x40, s30, s15, $0xb8;
	[tilespmem:$0x16F00] =	vst v63  }
0x192: {  	_ =	swait.ge [sflag:s0], $0x2000  }
.Ltmp5:
0x193: {  	[sflag:s0] =	ssyncset.done $0x0;
	(pc) =	sbr.rel @p0 .LBB2_5-.Ltmp5, $4  }
0x194: {  	[sflag:s0] =	ssyncadd.s32 $0xFFFFE000  }
0x195: {  	[hbm4b:s1+s15] =	stream.indirect.scatter [tilespmem:s31], [sflag:$0x7], $0x40, s2, s15, $0xb8;
	[tilespmem:$0x16F00] =	vst v63  }
0x196: {  	_ =	swait.ge [sflag:s0], $0x2000  }
0x197: {  	[sflag:s0] =	ssyncset.done $0x0  }
.Ltmp6:
0x198: {  	_ = 	snop;
	(pc) =	sbr.rel .LBB2_6-.Ltmp6, $1  }
0x199: {  	_ =	sdelay $0x3  }
.LBB2_8:
0x19a: {  	_ =	sfence.sel $0x180000  }
0x19b: {  	[bflag:$0x0] =	sbarrier.arrive $0xFFFF  }
0x19c: {  	_ =	strace $0x9000004A  }
0x19d: {  	s0 =	stileid.u32;
	[bflag:$0x2] =	sbarrier.arrive $0xFFFF  }
0x19e: {  	p0 =	sne.s32 s0, $0x0;
	s0 =	rddreg [dreg:$0x2]  }
0x19f: {  	s0 =	sadd.s32 @!p0 $0x100000, s0  }
0x1a0: {  	[sflag:s0] =	ssyncadd.tile.s32 @!p0 $0x1;
	_ =	shalt  }
.Lfunc_end2:
_tile_overlayer_lowered:
.L_overlay_start_2:
0x1a1: {  	(tag) =	ssettag $0x2  }
0x1a2: {  	s0 =	rddreg [dreg:$0x0];
	s2 =	stileid.u32  }
0x1a3: {  	s1 =	rddreg [dreg:$0x1];
	p0 =	sne.s32 s2, $0x0  }
0x1a4: {  	s3 =	rddreg [dreg:$0x2];
	[bflag:$0x3] =	sbarrier.arrive $0xFFFF;
	s2 =	simm.s32 @!p0 $0x1C08  }
0x1a5: {  	[timem:s3], [sflag:s2] =	dma.local @!p0 [hbm:s0], s1  }
0x1a6: {  	s0 =	simm.s32 @!p0 $0x8  }
0x1a7: {  	_ =	swait.ge @!p0 [sflag:s0], s1  }
0x1a8: {  	s1 =	ssub.s32 @!p0 $0x0, s1;
	[sflag:s0] =	ssyncset.done @!p0 $0x0  }
0x1a9: {  	[sflag:s0] =	ssyncadd.s32 @!p0 s1  }
0x1aa: {  	[bflag:$0x3] =	sbarrier.arrive $0xFFFF  }
0x1ab: {  	_ =	shalt  }

// kernel: sparse-core-data-format-call.cloned.1.call-start
scs
called_computation_lowered:
.L_overlay_start_0:
0x0: {  	s2 =	sld [smem:$0x3FD9]  }
0x1: {  	s3 =	sld [smem:$0x3FFE];
	_ =	sdelay $0x1  }
0x2: {  	s1 =	srdreg.scid  }
0x3: {  	s0 =	sand.u32 $0x1, s1  }
0x4: {  	s18 =	sshll.u32 s0, $0xA;
	s2 =	sadd.s32 s3, s2  }
0x5: {  	s2 =	sadd.s32 s2, s18  }
0x6: {  	[smem:$0x3FC4] =	sst s2  }
0x7: {  	_ = 	snop  }
0x8: {  	s2 =	sld [smem:$0x3FD0];
	(tm) =	ssettm $0x1  }
0x9: {  	s19 =	sld [smem:$0x3FFB];
	_ =	sdelay $0x3  }
0xa: {  	_ =	strace s19  }
0xb: {  	s3 =	sld [smem:$0x3FFC];
	_ =	sdelay $0x3  }
0xc: {  	_ =	strace s3  }
0xd: {  	s3 =	sld [smem:$0x3FFD];
	_ =	sdelay $0x3  }
0xe: {  	_ =	strace s3  }
0xf: {  	_ =	strace $0x8FFFFFFF  }
0x10: {  	s20 =	sld [smem:$0x3FDB];
	_ =	sdelay $0x1  }
0x11: {  	s4 =	simm.s32 $_scs_section_size  }
0x12: {  	s5 =	simm.s32 $_size__tile_overlayer_lowered;
	s6 =	simm.s32 $_tile_overlayer_lowered  }
0x13: {  	s23 =	simm.s32 $0x1BFF;
	s22 =	sshll.u32 s6, $0x1;
	s3 =	sadd.s32 s4, s20  }
0x14: {  	s7 =	simm.s32 $0x0;
	s21 =	sshll.u32 s5, $0x1;
	s5 =	sadd.s32 s22, s3  }
0x15: {  	[timem:s7], [sflag:s23] =	dma.local [hbm:s5], s21  }
0x16: {  	_ =	swait.ge [sflag:s23], s21  }
0x17: {  	s4 =	ssub.s32 $0x0, s21;
	[sflag:s23] =	ssyncset.done $0x0  }
0x18: {  	[sflag:s23] =	ssyncadd.s32 s4;
	_ =	sdelay $0x1  }
0x19: {  	s24 =	simm.s32 $0x1B8B  }
0x1a: {  	_ =	swait.ge [sflag:s24], $0x1  }
0x1b: {  	[sflag:s24] =	ssyncset.done $0x0  }
0x1c: {  	s26 =	simm.s32 $0x1B8E;
	s25 =	sld [smem:$0x3FFE];
	[sflag:s24] =	ssyncadd.s32 $0xFFFFFFFF  }
0x1d: {  	s27 =	simm.s32 $execute0_lowered;
	[smem:$0x3FD2] =	sst s26  }
0x1e: {  	s5 =	sshll.u32 s27, $0x1;
	_ =	strace $0x8000004C;
	[dreg:$0x1] =	wrdreg $0xFFFFFFFF  }
0x1f: {  	s28 =	simm.s32 $_size_execute0_lowered;
	s3 =	sadd.s32 s3, s5;
	[dreg:$0x0] =	wrdreg $0x0  }
0x20: {  	s5 =	sshll.u32 s28, $0x1;
	[dreg:$0x2] =	wrdreg s3  }
0x21: {  	[dreg:$0x3] =	wrdreg s5  }
0x22: {  	[dreg:$0x4] =	wrdreg $0xC0  }
0x23: {  	_ =	task [dreg:s7], $0x5FFFF  }
0x24: {  	[dreg:$0x1] =	wrdreg $0xFFFFFFFF  }
0x25: {  	[dreg:$0x0] =	wrdreg $0x60  }
0x26: {  	[dreg:$0x2] =	wrdreg s25  }
0x27: {  	[dreg:$0x3] =	wrdreg s2  }
0x28: {  	[dreg:$0x4] =	wrdreg $0x9  }
0x29: {  	_ =	task.clear_ibuf [dreg:s7], $0x5FFFF;
	_ =	strace $0x9000004C  }
0x2a: {  	s29 =	simm.s32 $0x9;
	_ =	strace $0x8000004E  }
0x2b: {  	_ =	swait.ge [sflag:s29], $0x1  }
0x2c: {  	[sflag:s29] =	ssyncadd.s32 $0xFFFFFFFF  }
0x2d: {  	_ =	strace $0x9000004E  }
0x2e: {  	_ =	sfence  }
0x2f: {  	s30 =	sld [smem:$0x0];
	_ =	sdelay $0x2  }
0x30: {  	s31 =	sshll.u32 s1, $0xD;
	s1 =	sshrl.u32 s1, $0x2  }
0x31: {  	s3 =	sand.u32 $0x4000, s31;
	s1 =	sadd.s32 s1, s30  }
0x32: {  	s0 =	sor.u32 s3, s0;
	s1 =	sshll.u32 s1, $0x11  }
0x33: {  	s0 =	sor.u32 s1, s0  }
0x34: {  	s0 =	sadd.s32 $0x8F2B, s0  }
0x35: {  	[sflag:s0] =	ssyncadd.remote.s32 $0x1  }
0x36: {  	_ =	sfence.sel $0xFFFF  }
0x37: {  	[dreg:$0x0] =	wrdreg $0xFFFFFFFF;
	(pc) =	sbr.abs _section_cstart, $3  }
0x38: {  	[dreg:$0x1] =	wrdreg $0xFFFFFFFF  }
0x39: {  	_ =	task.clear_ibuf [dreg:s7], $0x2FFFF;
	_ =	strace $0x9FFFFFFF  }
0x3a: {  	(tm) =	ssettm $0x7FFFFFFF  }
0x3b: {  	_ =	shalt  }
tec
execute0_lowered:
.L_overlay_start_1:
0x0: {  	(tag) =	ssettag $0x1  }
0x1: {  	s0 =	srdreg.scid  }
0x2: {  	s1 =	sshll.u32 s0, $0x4  }
0x3: {  	s0 =	stileid.u32;
	s1 =	sand.u32 $0x10, s1  }
0x4: {  	s1 =	sor.u32 s0, s1  }
0x5: {  	s6 =	rddreg [dreg:$0x0];
	s4 =	simm.s32 $0x1;
	s2 =	sshll.u32 s1, $0x7  }
0x6: {  	s7 =	simm.s32 $0x2;
	s12 =	simm.s32 $0x0;
	s1 =	ssub.s32 $0x4000, s2  }
0x7: {  	s8 =	simm.s32 $0x20000;
	s13 =	simm.s32 $0x0;
	s3 =	sand.u32 $0xF80, s1  }
0x8: {  	s9 =	simm.s32 $0x0;
	s5 =	sshrl.u32 s1, $0xC;
	p0 =	sne.s32 s3, $0x0  }
.Ltmp0:
0x9: {  	s1 =	rddreg [dreg:$0x2];
	s4 =	simm.s32 @!p0 $0x0;
	(pc) =	sbr.rel .LBB1_1-.Ltmp0, $4  }
0xa: {  	s11 =	simm.s32 $0x0;
	s3 =	rddreg [dreg:$0x1];
	s5 =	sadd.s32 s4, s5  }
0xb: {  	_ =	strace $0x8000004D;
	s4 =	simm.s32 $0x1;
	s5 =	smul.u32 $0x32, s5  }
0xc: {  	s6 =	sadd.s32 $0x1000, s6;
	s10 =	smov.u32 s2;
	[sflag:s4] =	ssyncpa.u1 $0x0  }
0xd: {  	p0 =	por $0x0, $0x0;
	[sflag:s7] =	ssyncpa.u1 $0x0;
	s7 =	sor.u32 $0x1, s5  }
.LBB1_4:
0xe: {  	s16 =	sshll.u32 s13, $0x3;
	s17 =	sand.u32 $0x78, s13  }
0xf: {  	s30 =	sand.u32 $0x1F800, s13;
	s12 =	sshll.u32 s12, $0x11;
	s16 =	sand.u32 $0x3C00, s16  }
0x10: {  	[tilespmem:s15+$0x810 ss:$0x81] =	vst.msk $0xffff, v2;
	s31 =	sand.u32 $0x7, s13;
	s16 =	sor.u32 s17, s16;
	s17 =	sadd.s32 s3, s30  }
0x11: {  	[tilespmem:s15+$0x1020 ss:$0x81] =	vst.msk $0xffff, v0;
	s13 =	sshll.u32 s31, $0x12;
	s12 =	sadd.s32 s12, s17;
	s16 =	sshrl.u32 s16, $0x3  }
0x12: {  	[tilespmem:s15+$0x0 ss:$0x81] =	vst.msk $0xffff, v1;
	s13 =	sor.u32 $0x400, s13;
	s12 =	sadd.s32 s16, s12  }
0x13: {  	[hbm4b:s12+s13] =	stream.strided.scatter [tilespmem:s14], [sflag:$0x2], $0x2000, s8, s13, $0x20;
	[tilespmem:$0x8080] =	vst v63  }
.LBB1_5:
0x14: {  	s14 =	sadd.s32 $0x1, s9  }
0x15: {  	s12 =	sadd.s32 $0x1000, s10;
	s16 =	smov.u32 s10;
	p2 =	sgt.s32 s14, $0x31  }
0x16: {  	s16 =	smov.u32 @p2 s12  }
0x17: {  	s14 =	simm.s32 @p2 $0x0;
	p2 =	sgt.s32 s16, $0x3FFF  }
0x18: {  	s16 =	smov.u32 @p2 s2;
	p2 =	sne.s32 s11, s7  }
.Ltmp1:
0x19: {  	p1 =	slt.u32 s11, $0x2;
	(pc) =	sbr.rel @!p2 .LBB1_6-.Ltmp1, $4  }
0x1a: {  	s15 =	simm.s32 @!p1 $0x2  }
0x1b: {  	s13 =	smov.u32 s10;
	p0 =	por !p0, !p0;
	_ =	swait.ge @!p1 [sflag:s15], $0x2000  }
0x1c: {  	s12 =	smov.u32 s9;
	[sflag:s15] =	ssyncset.done @!p1 $0x0;
	s9 =	smov.u32 s14  }
0x1d: {  	s11 =	sadd.s32 $0x1, s11;
	[sflag:s15] =	ssyncadd.s32 @!p1 $0xFFFFE000;
	s10 =	smov.u32 s16  }
.LBB1_1:
0x1e: {  	p1 =	sge.u32 s11, s5  }
0x1f: {  	s14 =	sand.u32 @!p1 $0x1FFFFFF, s9  }
0x20: {  	s15 =	smulhi.u32 @!p1 $0x4924925, s14;
	_ =	sdelay $0x1  }
0x21: {  	s15 =	smul.u32 @!p1 $0x38, s15  }
0x22: {  	s16 =	sxor.u32 @!p1 $0xFFFFFFFF, s11;
	s17 =	smul.u32 @!p1 $0x380, s10  }
0x23: {  	s31 =	sadd.s32 $0xFFFFFFFF, s11;
	s16 =	sshll.u32 @!p1 s16, $0xD;
	s14 =	ssub.s32 @!p1 s14, s15  }
0x24: {  	s15 =	sand.u32 @!p1 $0x2000, s16;
	s16 =	sadd.s32 @!p1 s6, s17;
	s14 =	sshll.u32 @!p1 s14, $0x4  }
0x25: {  	s17 =	simm.s32 @!p1 $0x1C00;
	s14 =	sadd.s32 @!p1 s14, s16;
	s16 =	simm.s32 @!p1 $0x40  }
0x26: {  	[tilespmem:s15], [sflag:$0x1] =	stream.strided.gather @!p1 [hbm4b:s14+s16], $0x2000, s17, s16, $0x38;
	[tilespmem:$0x8080] =	vst v63  }
0x27: {  	p1 =	sge.u32 s31, s5  }
.Ltmp2:
0x28: {  	_ = 	snop;
	(pc) =	sbr.rel @p1 .LBB1_5-.Ltmp2, $1  }
0x29: {  	_ =	sdelay $0x3  }
0x2a: {  	s14 =	simm.s32 $0x1  }
0x2b: {  	_ =	swait.ge [sflag:s4], $0x2000;
	s14 =	simm.s32 @!p0 $0x0  }
0x2c: {  	[sflag:s4] =	ssyncset.done $0x0;
	s15 =	sshll.u32 s14, $0xD  }
0x2d: {  	[sflag:s4] =	ssyncadd.s32 $0xFFFFE000;
	s18 =	sor.u32 $0x20, s15  }
0x2e: {  	s14 =	smul.u32 $0x8100, s14;
	v3 =	vld [tilespmem:s18+$0x10]  }
0x2f: {  	s30 =	sand.u32 $0x1, s11;
	v2 =	vld [tilespmem:s18+$0xFFFFFFF0]  }
0x30: {  	s15 =	smul.u32 $0x8100, s30;
	s14 =	sshrl.u32 s14, $0x2;
	v0 =	vld [tilespmem:s18+$0x0]  }
0x31: {  	v1 =	vld [tilespmem:s18+$0xFFFFFFE0];
	s16 =	sor.u32 $0x4000, s14  }
0x32: {  	s31 =	sshrl.u32 s15, $0x2;
	s15 =	sadd.s32 $0x0, s16  }
0x33: {  	s17 =	simm.s32 $0x4;
	s18 =	sadd.s32 $0x40, s18;
	s14 =	sor.u32 $0x4000, s31;
	[tilespmem:s15+$0x1830 ss:$0x81] =	vst.msk $0xffff, v3  }
.LBB1_3:
0x34: {  	v3 =	vld [tilespmem:s18+$0x10];
	p1 =	sne.s32 s17, $0x1FC;
	[tilespmem:s15+$0x810 ss:$0x81] =	vst.msk $0xffff, v2;
	s19 =	smov.u32 s17;
	s17 =	sadd.s32 $0x4, s17  }
.Ltmp3:
0x35: {  	v2 =	vld [tilespmem:s18+$0xFFFFFFF0];
	[tilespmem:s15+$0x1020 ss:$0x81] =	vst.msk $0xffff, v0;
	(pc) =	sbr.rel @p1 .LBB1_3-.Ltmp3, $4  }
0x36: {  	v0 =	vld [tilespmem:s18+$0x0];
	[tilespmem:s15+$0x0 ss:$0x81] =	vst.msk $0xffff, v1  }
0x37: {  	s15 =	sshra.s32 s19, $0x2;
	v1 =	vld [tilespmem:s18+$0xFFFFFFE0]  }
0x38: {  	s15 =	sadd.s32 s15, s16  }
0x39: {  	s18 =	sadd.s32 $0x40, s18;
	[tilespmem:s15+$0x1830 ss:$0x81] =	vst.msk $0xffff, v3  }
.Ltmp4:
0x3a: {  	_ = 	snop;
	(pc) =	sbr.rel .LBB1_4-.Ltmp4, $1  }
0x3b: {  	_ =	sdelay $0x3  }
.LBB1_6:
0x3c: {  	_ =	sfence.sel $0x180000  }
0x3d: {  	s2 =	simm.s32 $0x1;
	[bflag:$0x0] =	sbarrier.arrive $0xFFFF  }
0x3e: {  	s31 =	simm.s32 $0x2;
	[sflag:s2] =	ssyncpa.u1 $0x1  }
0x3f: {  	[sflag:s31] =	ssyncpa.u1 $0x1  }
0x40: {  	p0 =	sne.s32 s0, $0x0;
	_ =	strace $0x9000004D  }
0x41: {  	s0 =	sadd.s32 @!p0 $0x100000, s1;
	[bflag:$0x2] =	sbarrier.arrive $0xFFFF  }
0x42: {  	[sflag:s0] =	ssyncadd.tile.s32 @!p0 $0x1;
	_ =	shalt  }
.Lfunc_end1:
_tile_overlayer_lowered:
.L_overlay_start_2:
0x43: {  	(tag) =	ssettag $0x2  }
0x44: {  	s0 =	rddreg [dreg:$0x0];
	s2 =	stileid.u32  }
0x45: {  	s1 =	rddreg [dreg:$0x1];
	p0 =	sne.s32 s2, $0x0  }
0x46: {  	s3 =	rddreg [dreg:$0x2];
	[bflag:$0x3] =	sbarrier.arrive $0xFFFF;
	s2 =	simm.s32 @!p0 $0x1C01  }
0x47: {  	[timem:s3], [sflag:s2] =	dma.local @!p0 [hbm:s0], s1  }
0x48: {  	s0 =	simm.s32 @!p0 $0x1  }
0x49: {  	_ =	swait.ge @!p0 [sflag:s0], s1  }
0x4a: {  	s1 =	ssub.s32 @!p0 $0x0, s1;
	[sflag:s0] =	ssyncset.done @!p0 $0x0  }
0x4b: {  	[sflag:s0] =	ssyncadd.s32 @!p0 s1  }
0x4c: {  	[bflag:$0x3] =	sbarrier.arrive $0xFFFF  }
0x4d: {  	_ =	shalt  }

</sc_bundles>
